<compile_context>
chip_gen: v7x
topology: tpu7x:2x2x1
jax: 0.10.2.dev20260603
libtpu: 0.0.44.dev20260713+nightly
codegen_flags: <defaults>
</compile_context>

<pallas_src>
import functools

import jax
import jax.numpy as jnp
from jax import lax
from jax.experimental import pallas as pl
from jax.experimental.pallas import tpu as pltpu
from jax.experimental.pallas import tpu_sc as plsc

_IOU_T = 0.5
_BW, _OW, _CW = 3.54, 64.3, 37.4


def _softplus(x):
    return jnp.maximum(x, 0.0) + jnp.log1p(jnp.exp(-jnp.abs(x)))


def _assign_body(na, ns, H_list, tgt_ref, anch_ref, strd_ref,
                 mf_ref, first_ref, tb_ref, tcl_ref):
    B, N = tgt_ref.shape[1], tgt_ref.shape[2]
    x = tgt_ref[0]
    y = tgt_ref[1]
    w = tgt_ref[2]
    h = tgt_ref[3]
    c = tgt_ref[4]
    valid = ~((c == -1.0) & (x == -1.0) & (y == -1.0) & (w == -1.0) & (h == -1.0))
    bidx = lax.broadcasted_iota(jnp.int32, (B, N), 0)
    tcl_ref[...] = c.astype(jnp.int32)
    for s in range(ns):
        inv = 1.0 / strd_ref[s]
        tx = x * inv
        ty = y * inv
        tw = w * inv
        th = h * inv
        cx = jnp.floor(tx)
        cy = jnp.floor(ty)
        fx = tx - cx
        fy = ty - cy
        ci = cx.astype(jnp.int32)
        cj = cy.astype(jnp.int32)
        tb_ref[s, 0] = fx
        tb_ref[s, 1] = fy
        tb_ref[s, 2] = tw
        tb_ref[s, 3] = th
        tx0 = fx - tw * 0.5
        ty0 = fy - th * 0.5
        tx1 = fx + tw * 0.5
        ty1 = fy + th * 0.5
        ta = tw * th
        Hs = H_list[s]
        for a in range(na):
            aw = anch_ref[s, a, 0] * inv
            ah = anch_ref[s, a, 1] * inv
            ax0 = 0.5 - aw * 0.5
            ay0 = 0.5 - ah * 0.5
            ax1 = 0.5 + aw * 0.5
            ay1 = 0.5 + ah * 0.5
            x0 = jnp.maximum(tx0, ax0)
            y0 = jnp.maximum(ty0, ay0)
            x1 = jnp.minimum(tx1, ax1)
            y1 = jnp.minimum(ty1, ay1)
            m = ((x0 < x1) & (y0 < y1)).astype(jnp.float32)
            inter = (x1 - x0) * (y1 - y0) * m
            iou = inter / (ta + aw * ah - inter)
            mf = (iou > _IOU_T) & valid
            row = ((bidx * na + a) * Hs + cj) * Hs + ci
            eq = row[:, :, None] == row[:, None, :]
            mfj = mf[:, None, :]
            ii = lax.broadcasted_iota(jnp.int32, (B, N, N), 1)
            jj = lax.broadcasted_iota(jnp.int32, (B, N, N), 2)
            dup = jnp.any(eq & mfj & (jj < ii), axis=2)
            sa = s * na + a
            mf_ref[sa] = mf.astype(jnp.float32)
            first_ref[sa] = (mf & ~dup).astype(jnp.float32)


def _run_assign(tgtT, anchors, strides, na, ns, H_list):
    B, N = tgtT.shape[1], tgtT.shape[2]
    body = functools.partial(_assign_body, na, ns, H_list)
    return pl.pallas_call(
        body,
        in_specs=[
            pl.BlockSpec(memory_space=pltpu.VMEM),
            pl.BlockSpec(memory_space=pltpu.SMEM),
            pl.BlockSpec(memory_space=pltpu.SMEM),
        ],
        out_specs=[pl.BlockSpec(memory_space=pltpu.VMEM)] * 4,
        out_shape=[
            jax.ShapeDtypeStruct((ns * na, B, N), jnp.float32),
            jax.ShapeDtypeStruct((ns * na, B, N), jnp.float32),
            jax.ShapeDtypeStruct((ns, 4, B, N), jnp.float32),
            jax.ShapeDtypeStruct((B, N), jnp.int32),
        ],
    )(tgtT, anchors, strides)


def _sc_gather3(tables, idxs, rows_per_worker, W):
    NROW = idxs[0].shape[0]
    mesh = plsc.VectorSubcoreMesh(core_axis_name="c", subcore_axis_name="s")
    info = plsc.get_sparse_core_info()
    ncore = info.num_cores
    half = rows_per_worker // 2

    @functools.partial(
        pl.kernel,
        out_type=[jax.ShapeDtypeStruct((NROW, W), jnp.float32)] * 3,
        mesh=mesh,
        compiler_params=pltpu.CompilerParams(use_tc_tiling_on_sc=False),
        scratch_types=[
            [pltpu.VMEM((rows_per_worker,), jnp.int32)] * 3,
            [pltpu.VMEM((rows_per_worker, W), jnp.float32)] * 3,
            pltpu.SemaphoreType.DMA,
        ],
    )
    def gather_k(t0, t1, t2, i0, i1, i2, o0, o1, o2, idx_v, rows_v, sem):
        wid = lax.axis_index("s") * ncore + lax.axis_index("c")
        base = wid * rows_per_worker
        tabs, idx_hbm, outs = (t0, t1, t2), (i0, i1, i2), (o0, o1, o2)
        for s in range(3):
            pltpu.sync_copy(idx_hbm[s].at[pl.ds(base, rows_per_worker)],
                            idx_v[s])
        copies = []
        for s in range(3):
            for h in range(2):
                copies.append(pltpu.async_copy(
                    tabs[s].at[idx_v[s].at[pl.ds(h * half, half)]],
                    rows_v[s].at[pl.ds(h * half, half)], sem))
        for cp in copies:
            cp.wait()
        for s in range(3):
            pltpu.sync_copy(rows_v[s], outs[s].at[pl.ds(base, rows_per_worker)])

    return gather_k(*tables, *idxs)


def _obj_body(C, x0_ref, x1_ref, x2_ref, o0_ref, o1_ref, o2_ref):
    i = pl.program_id(0)
    W = 16 * C
    col = lax.broadcasted_iota(jnp.int32, (W, 16), 0)
    jj = lax.broadcasted_iota(jnp.int32, (W, 16), 1)
    sel = (col == C * jj + 4).astype(jnp.float32)
    for x_ref, o_ref in ((x0_ref, o0_ref), (x1_ref, o1_ref), (x2_ref, o2_ref)):
        @pl.when(i == 0)
        def _():
            o_ref[...] = jnp.zeros_like(o_ref)

        x4 = jax.lax.dot_general(x_ref[...], sel, (((1,), (0,)), ((), ())),
                                 preferred_element_type=jnp.float32)
        o_ref[...] += jnp.sum(_softplus(x4)).reshape(1, 1)


def _run_objsum3(flats, C):
    STEPS = 16
    in_specs = [
        pl.BlockSpec((f.shape[0] // STEPS, f.shape[1]), lambda i: (i, 0))
        for f in flats
    ]
    return pl.pallas_call(
        functools.partial(_obj_body, C),
        grid=(STEPS,),
        in_specs=in_specs,
        out_specs=[pl.BlockSpec((1, 1), lambda i: (0, 0))] * 3,
        out_shape=[jax.ShapeDtypeStruct((1, 1), jnp.float32)] * 3,
    )(*flats)


def _combine_body(ns, nc, M_list, g_refs, mf_ref, first_ref, r_ref, tb_ref,
                  panc_ref, tcl_ref, ob_refs, o_ref):
    box_l = jnp.zeros((), jnp.float32)
    obj_l = jnp.zeros((), jnp.float32)
    cls_l = jnp.zeros((), jnp.float32)
    for s in range(ns):
        win = g_refs[s]
        r = r_ref[s]
        q = lax.shift_right_logical(r, 4)
        r16 = lax.bitwise_and(r, 15)
        mf = mf_ref[s]
        E = mf.shape[0]

        def realign(ch0, width):
            sub = jnp.zeros((width + 15, r.shape[0]), jnp.float32)
            for t in range(2):
                sub = jnp.where(q == t,
                                win[16 * t + ch0:16 * t + ch0 + width + 15, :],
                                sub)
            acc = jnp.zeros((width, r.shape[0]), jnp.float32)
            for t in range(16):
                acc = jnp.where(r16 == t, sub[t:t + width, :], acc)
            return acc[:, :E]

        cnt = jnp.sum(mf)
        g = realign(0, 5)
        px = 1.0 / (1.0 + jnp.exp(-g[0]))
        py = 1.0 / (1.0 + jnp.exp(-g[1]))
        pw = jnp.minimum(jnp.exp(g[2]), 1000.0) * panc_ref[s, 0]
        ph = jnp.minimum(jnp.exp(g[3]), 1000.0) * panc_ref[s, 1]
        tx = tb_ref[s, 0]
        ty = tb_ref[s, 1]
        tw = tb_ref[s, 2]
        th = tb_ref[s, 3]
        x0 = jnp.maximum(px - pw * 0.5, tx - tw * 0.5)
        y0 = jnp.maximum(py - ph * 0.5, ty - th * 0.5)
        x1 = jnp.minimum(px + pw * 0.5, tx + tw * 0.5)
        y1 = jnp.minimum(py + ph * 0.5, ty + th * 0.5)
        m = ((x0 < x1) & (y0 < y1)).astype(jnp.float32)
        inter = (x1 - x0) * (y1 - y0) * m
        iou = inter / (pw * ph + tw * th - inter)
        box_l += jnp.sum(jnp.where(mf > 0.0, 1.0 - iou, 0.0)) / cnt
        x4 = g[4]
        corr = jnp.sum(jnp.where(first_ref[s] > 0.0,
                                 _softplus(-x4) - _softplus(x4), 0.0))
        obj_l += (ob_refs[s][...][0, 0] + corr) * (1.0 / M_list[s])
        tcl = tcl_ref[s]
        E = mf.shape[0]
        acc = jnp.zeros((E,), jnp.float32)
        CH = 16
        for c0 in range(5, 5 + nc, CH):
            xc = realign(c0, CH)
            spx = _softplus(xc)
            spn = _softplus(-xc)
            hot = (lax.broadcasted_iota(jnp.int32, (CH, E), 0) + (c0 - 5)) == tcl
            acc += jnp.sum(jnp.where(hot, spn, spx), axis=0)
        cls_l += jnp.sum(jnp.where(mf > 0.0, acc, 0.0)) / (cnt * nc)
    total = box_l * _BW + obj_l * _OW + cls_l * _CW
    o_ref[...] = total.reshape(1, 1)


def _run_combine(gTs, mfS, firstS, rS, tbS, pancS, tclS, obs, ns, nc, M_list):
    def body(g0, g1, g2, mf, first, r, tb, panc, tcl, ob0, ob1, ob2, o_ref):
        _combine_body(ns, nc, M_list, (g0, g1, g2), mf, first, r, tb, panc,
                      tcl, (ob0, ob1, ob2), o_ref)

    return pl.pallas_call(
        body,
        out_shape=jax.ShapeDtypeStruct((1, 1), jnp.float32),
    )(*gTs, mfS, firstS, rS, tbS, pancS, tclS, *obs)


def kernel(inf0, inf1, inf2, targets, anchors, strides):
    infs = [inf0, inf1, inf2]
    ns, na, _ = anchors.shape
    B, N, _ = targets.shape
    C = inf0.shape[-1]
    nc = C - 5
    H_list = [f.shape[2] for f in infs]
    E = na * B * N
    NW = 32
    EP = ((E + 8 * NW - 1) // (8 * NW)) * (8 * NW)
    rows_per_worker = EP // NW

    pad = EP - E
    K4 = 4
    aidx = jnp.arange(na, dtype=jnp.int32)[:, None, None]
    bidx = jnp.arange(B, dtype=jnp.int32)[None, :, None]
    tables, idxs, r_list = [], [], []
    for s in range(ns):
        flat32 = infs[s].reshape(-1, 32)
        ngran = flat32.shape[0]
        Hs = H_list[s]
        inv = 1.0 / strides[s]
        ci = jnp.floor(targets[..., 0] * inv).astype(jnp.int32)[None]
        cj = jnp.floor(targets[..., 1] * inv).astype(jnp.int32)[None]
        elem = (((bidx * na + aidx) * Hs + cj) * Hs + ci) * C
        grow = lax.shift_right_logical(
            jnp.clip(elem, 0, (ngran - 1) * 32), 5).reshape(E)
        r_list.append(jnp.concatenate(
            [lax.bitwise_and(jnp.clip(elem, 0, None), 31).reshape(E),
             jnp.zeros((pad,), jnp.int32)]))
        grow = jnp.concatenate([grow, jnp.zeros((pad,), jnp.int32)])
        idx4 = jnp.minimum(
            grow[None, :] + jnp.arange(K4, dtype=jnp.int32)[:, None],
            ngran - 1).reshape(K4 * EP)
        tables.append(flat32)
        idxs.append(idx4)
    wins = _sc_gather3(tables, idxs, (K4 * EP) // NW, 32)

    tgtT = jnp.transpose(targets.reshape(B * N, 5)).reshape(5, B, N)
    mf9, first9, tb, tcl = _run_assign(tgtT, anchors, strides, na, ns, H_list)
    obs = _run_objsum3([infs[s].reshape(-1, 16 * C) for s in range(ns)], C)
    gTs = [w.reshape(K4, EP, 32).transpose(0, 2, 1).reshape(K4 * 32, EP)
           for w in wins]

    mfS = mf9.reshape(ns, E)
    firstS = first9.reshape(ns, E)
    rS = jnp.stack(r_list)
    tbS = jnp.broadcast_to(tb.reshape(ns, 4, 1, B * N),
                           (ns, 4, na, B * N)).reshape(ns, 4, E)
    panc = anchors / strides[:, None, None]
    pancS = jnp.broadcast_to(
        jnp.transpose(panc, (0, 2, 1))[:, :, :, None],
        (ns, 2, na, B * N)).reshape(ns, 2, E)
    tclS = jnp.broadcast_to(tcl.reshape(1, 1, B * N),
                            (ns, na, B * N)).reshape(ns, E)
    M_list = [B * na * h * h for h in H_list]

    out = _run_combine(gTs, mfS, firstS, rS, tbS, pancS, tclS, obs,
                       ns, nc, M_list)
    return out[0, 0]

# --- scband reference (transcript-rebuilt; emitter-appended) ---
"""Pipeline reference for scband-yololoss-24635932410041 (READ-ONLY COPY).

The authoritative reference and input builder live on the scoring server;
editing this copy changes nothing except your own understanding.
"""

import jax, jax.numpy as jnp
import numpy as np

IOU_T = 0.5
BW, OW, CW = 3.54, 64.3, 37.4


def xywh2rect(x):
    return jnp.stack([x[..., 0] - x[..., 2] / 2, x[..., 1] - x[..., 3] / 2,
                      x[..., 0] + x[..., 2] / 2, x[..., 1] + x[..., 3] / 2], axis=-1)


def area(a):
    return (a[..., 2] - a[..., 0]) * (a[..., 3] - a[..., 1])


def jaccard(a1, a2):
    x0 = jnp.maximum(a1[..., 0], a2[..., 0])
    y0 = jnp.maximum(a1[..., 1], a2[..., 1])
    x1 = jnp.minimum(a1[..., 2], a2[..., 2])
    y1 = jnp.minimum(a1[..., 3], a2[..., 3])
    m = ((x0 < x1) & (y0 < y1)).astype(jnp.float32)
    inter = (x1 - x0) * (y1 - y0) * m
    return inter / (area(a1) + area(a2) - inter)


def bce(x, t):
    # BCEWithLogitsLoss, pos_weight=1.0, mean reduction
    return jnp.mean(t * jax.nn.softplus(-x) + (1.0 - t) * jax.nn.softplus(x))


def setup_inputs(seed: int = 0):
    rng = np.random.RandomState(0)
    B, N, na, ns, nc = 16, 50, 3, 3, 80
    strides = np.array([8.0, 16.0, 32.0], dtype=np.float32)
    anchors = np.array([[[10, 13], [16, 30], [33, 23]],
                        [[30, 61], [62, 45], [59, 119]],
                        [[116, 90], [156, 198], [373, 326]]], dtype=np.float32)
    xy = rng.uniform(1.0, 511.0, size=(B, N, 2)).astype(np.float32)
    pick = rng.randint(0, 9, size=(B, N))
    wh = (anchors.reshape(9, 2)[pick] * rng.uniform(0.85, 1.15, size=(B, N, 2))).astype(np.float32)
    cls = rng.randint(0, nc, size=(B, N, 1)).astype(np.float32)
    t = np.concatenate([xy, wh, cls], axis=2)
    k = 0
    for s in range(ns):
        for a in range(na):
            t[0, k, 0:2] = strides[s] * 10.5
            t[0, k, 2:4] = anchors[s, a]
            k += 1
    t[:, 40:, :] = -1.0  # padded targets
    key = jax.random.key(seed)
    ks = jax.random.split(key, 3)
    H = [64, 32, 16]
    inf = [jax.random.normal(ks[i], (B, na, H[i], H[i], 5 + nc), dtype=jnp.float32) * 0.5 for i in range(ns)]
    return {"inf0": inf[0], "inf1": inf[1], "inf2": inf[2],
            "targets": jnp.asarray(t), "anchors": jnp.asarray(anchors), "strides": jnp.asarray(strides)}


def reference(inf0, inf1, inf2, targets, anchors, strides):
    inference = [inf0, inf1, inf2]
    ns, na, _ = anchors.shape
    B, Nn, _ = targets.shape
    # compress_targets
    bidx = jnp.repeat(jnp.arange(B, dtype=jnp.float32), Nn)
    t6 = jnp.concatenate([bidx[:, None], targets[..., 4].reshape(-1, 1), targets[..., 0:4].reshape(-1, 4)], axis=1)
    valid = ~jnp.all(t6[:, 1:6] == -1, axis=1)
    # make_anchors
    anc = jnp.concatenate([jnp.full((ns, na, 2), 0.5, dtype=jnp.float32), anchors / strides.reshape(ns, 1, 1)], axis=2)
    # make_target_boxes
    tb = jnp.repeat(t6[:, 2:6][:, None, :], ns, axis=1) / strides.reshape(1, ns, 1)
    c = jnp.floor(tb[..., 0:2])
    tb = jnp.concatenate([tb[..., 0:2] - c, tb[..., 2:4]], axis=-1)
    ci_all = c[..., 0].astype(jnp.int32)
    cj_all = c[..., 1].astype(jnp.int32)
    n = tb.shape[0]
    obj = jaccard(xywh2rect(tb).reshape(n, ns, 1, 4), xywh2rect(anc).reshape(1, ns, na, 4)) > IOU_T
    obj = obj & valid[:, None, None]
    b = t6[:, 0].astype(jnp.int32)
    tcl = t6[:, 1].astype(jnp.int32)
    box_l = 0.0
    obj_l = 0.0
    cls_l = 0.0
    for s in range(ns):
        mf = obj[:, s].reshape(-1)
        cnt = jnp.sum(mf.astype(jnp.float32))
        bb = jnp.repeat(b[:, None], na, axis=1).reshape(-1)
        aa = jnp.repeat(jnp.arange(na)[None, :], n, axis=0).reshape(-1)
        cii = jnp.where(mf, jnp.repeat(ci_all[:, s][:, None], na, axis=1).reshape(-1), 0)
        cjj = jnp.where(mf, jnp.repeat(cj_all[:, s][:, None], na, axis=1).reshape(-1), 0)
        tbox = jnp.repeat(tb[:, s][:, None, :], na, axis=1).reshape(-1, 4)
        pf = inference[s][bb, aa, cjj, cii]
        pxy = jax.nn.sigmoid(pf[:, 0:2])
        pwh = jnp.minimum(jnp.exp(pf[:, 2:4]), 1000.0) * anc[s, aa, 2:4]
        pbox = jnp.concatenate([pxy, pwh], axis=1)
        iou_term = 1.0 - jaccard(xywh2rect(pbox), xywh2rect(tbox))
        box_l = box_l + jnp.sum(jnp.where(mf, iou_term, 0.0)) / cnt
        tobj = jnp.zeros(inference[s].shape[:4], dtype=jnp.float32).at[bb, aa, cjj, cii].max(mf.astype(jnp.float32))
        obj_l = obj_l + bce(inference[s][..., 4], tobj)
        tc = jnp.where(mf, jnp.repeat(tcl[:, None], na, axis=1).reshape(-1), 0)
        ncl = inference[s].shape[-1] - 5
        tcls = (jnp.arange(ncl)[None, :] == tc[:, None]).astype(jnp.float32)
        cls_terms = tcls * jax.nn.softplus(-pf[:, 5:]) + (1.0 - tcls) * jax.nn.softplus(pf[:, 5:])
        cls_l = cls_l + jnp.sum(jnp.where(mf[:, None], cls_terms, 0.0)) / (cnt * ncl)
    return box_l * BW + obj_l * OW + cls_l * CW

if __name__ == "__main__":
    import jax
    _d = setup_inputs()
    print(jax.jit(kernel)(*tuple(_d.values())))

</pallas_src>

<mosaic_0001>
#map = affine_map<(d0, d1) -> (0, 0)>
#map1 = affine_map<(d0, d1) -> (0)>
module attributes {stable_mosaic.version = 14 : i64} {
  func.func @gather_k(%arg0: i32, %arg1: i32, %arg2: memref<522240x32xf32, #tpu.memory_space<hbm>>, %arg3: memref<130560x32xf32, #tpu.memory_space<hbm>>, %arg4: memref<32640x32xf32, #tpu.memory_space<hbm>>, %arg5: memref<10240xi32, #tpu.memory_space<hbm>>, %arg6: memref<10240xi32, #tpu.memory_space<hbm>>, %arg7: memref<10240xi32, #tpu.memory_space<hbm>>, %arg8: memref<10240x32xf32, #tpu.memory_space<hbm>>, %arg9: memref<10240x32xf32, #tpu.memory_space<hbm>>, %arg10: memref<10240x32xf32, #tpu.memory_space<hbm>>, %arg11: memref<320xi32, #tpu.memory_space<vmem>>, %arg12: memref<320xi32, #tpu.memory_space<vmem>>, %arg13: memref<320xi32, #tpu.memory_space<vmem>>, %arg14: memref<320x32xf32, #tpu.memory_space<vmem>>, %arg15: memref<320x32xf32, #tpu.memory_space<vmem>>, %arg16: memref<320x32xf32, #tpu.memory_space<vmem>>, %arg17: memref<!tpu.dma_semaphore, #tpu.memory_space<semaphore_mem>>) attributes {dimension_semantics = [#tpu.dimension_semantics<core_parallel>, #tpu.dimension_semantics<subcore_parallel>], iteration_bounds = array<i64: 2, 16>, scalar_prefetch = 0 : i64, scratch_operands = 7 : i64, tpu.core_type = #tpu.core_type<sc_vector_subcore>, window_params = [{transform_indices = #map}, {transform_indices = #map}, {transform_indices = #map}, {transform_indices = #map1}, {transform_indices = #map1}, {transform_indices = #map1}, {transform_indices = #map}, {transform_indices = #map}, {transform_indices = #map}]} {
    %mul3A = arith.constant 2 : i32
    %mul3A_0 = arith.muli %arg1, %mul3A : i32
    %add3A = arith.addi %mul3A_0, %arg0 : i32
    %mul3A_1 = arith.constant 320 : i32
    %mul3A_2 = arith.muli %add3A, %mul3A_1 : i32
    "tpu.region"() ({
      %run_scoped3A = tpu.sem_alloc : memref<!tpu.dma_semaphore, #tpu.memory_space<semaphore_mem>>
      %dma_start3A_97 = tpu.memref_slice %arg5[%mul3A_2] : memref<10240xi32, #tpu.memory_space<hbm>> -> memref<320xi32, #tpu.memory_space<hbm>>
      %dma_start3A_98 = tpu.memref_slice %arg5[%mul3A_2] : memref<10240xi32, #tpu.memory_space<hbm>> -> memref<320xi32, #tpu.memory_space<hbm>>
      tpu.enqueue_dma source(%dma_start3A_98 : memref<320xi32, #tpu.memory_space<hbm>>) target(%arg11 : memref<320xi32, #tpu.memory_space<vmem>>) target_semaphore(%run_scoped3A : memref<!tpu.dma_semaphore, #tpu.memory_space<semaphore_mem>>)
      %dma_wait3A_99 = tpu.memref_slice %arg5[%mul3A_2] : memref<10240xi32, #tpu.memory_space<hbm>> -> memref<320xi32, #tpu.memory_space<hbm>>
      %dma_wait3A_100 = tpu.memref_slice %arg5[%mul3A_2] : memref<10240xi32, #tpu.memory_space<hbm>> -> memref<320xi32, #tpu.memory_space<hbm>>
      tpu.wait_dma2 semaphore(%run_scoped3A : memref<!tpu.dma_semaphore, #tpu.memory_space<semaphore_mem>>) src(%dma_wait3A_100 : memref<320xi32, #tpu.memory_space<hbm>>) dst(%arg11 : memref<320xi32, #tpu.memory_space<vmem>>)
      tpu.yield
    }) : () -> ()
    "tpu.region"() ({
      %run_scoped3A = tpu.sem_alloc : memref<!tpu.dma_semaphore, #tpu.memory_space<semaphore_mem>>
      %dma_start3A_97 = tpu.memref_slice %arg6[%mul3A_2] : memref<10240xi32, #tpu.memory_space<hbm>> -> memref<320xi32, #tpu.memory_space<hbm>>
      %dma_start3A_98 = tpu.memref_slice %arg6[%mul3A_2] : memref<10240xi32, #tpu.memory_space<hbm>> -> memref<320xi32, #tpu.memory_space<hbm>>
      tpu.enqueue_dma source(%dma_start3A_98 : memref<320xi32, #tpu.memory_space<hbm>>) target(%arg12 : memref<320xi32, #tpu.memory_space<vmem>>) target_semaphore(%run_scoped3A : memref<!tpu.dma_semaphore, #tpu.memory_space<semaphore_mem>>)
      %dma_wait3A_99 = tpu.memref_slice %arg6[%mul3A_2] : memref<10240xi32, #tpu.memory_space<hbm>> -> memref<320xi32, #tpu.memory_space<hbm>>
      %dma_wait3A_100 = tpu.memref_slice %arg6[%mul3A_2] : memref<10240xi32, #tpu.memory_space<hbm>> -> memref<320xi32, #tpu.memory_space<hbm>>
      tpu.wait_dma2 semaphore(%run_scoped3A : memref<!tpu.dma_semaphore, #tpu.memory_space<semaphore_mem>>) src(%dma_wait3A_100 : memref<320xi32, #tpu.memory_space<hbm>>) dst(%arg12 : memref<320xi32, #tpu.memory_space<vmem>>)
      tpu.yield
    }) : () -> ()
    "tpu.region"() ({
      %run_scoped3A = tpu.sem_alloc : memref<!tpu.dma_semaphore, #tpu.memory_space<semaphore_mem>>
      %dma_start3A_97 = tpu.memref_slice %arg7[%mul3A_2] : memref<10240xi32, #tpu.memory_space<hbm>> -> memref<320xi32, #tpu.memory_space<hbm>>
      %dma_start3A_98 = tpu.memref_slice %arg7[%mul3A_2] : memref<10240xi32, #tpu.memory_space<hbm>> -> memref<320xi32, #tpu.memory_space<hbm>>
      tpu.enqueue_dma source(%dma_start3A_98 : memref<320xi32, #tpu.memory_space<hbm>>) target(%arg13 : memref<320xi32, #tpu.memory_space<vmem>>) target_semaphore(%run_scoped3A : memref<!tpu.dma_semaphore, #tpu.memory_space<semaphore_mem>>)
      %dma_wait3A_99 = tpu.memref_slice %arg7[%mul3A_2] : memref<10240xi32, #tpu.memory_space<hbm>> -> memref<320xi32, #tpu.memory_space<hbm>>
      %dma_wait3A_100 = tpu.memref_slice %arg7[%mul3A_2] : memref<10240xi32, #tpu.memory_space<hbm>> -> memref<320xi32, #tpu.memory_space<hbm>>
      tpu.wait_dma2 semaphore(%run_scoped3A : memref<!tpu.dma_semaphore, #tpu.memory_space<semaphore_mem>>) src(%dma_wait3A_100 : memref<320xi32, #tpu.memory_space<hbm>>) dst(%arg13 : memref<320xi32, #tpu.memory_space<vmem>>)
      tpu.yield
    }) : () -> ()
    %dma_start3A = arith.constant 0 : i32
    %dma_start3A_3 = arith.constant 0 : i32
    %dma_start3A_4 = tpu.memref_slice %arg14[%dma_start3A, %dma_start3A_3] : memref<320x32xf32, #tpu.memory_space<vmem>> -> memref<160x32xf32, #tpu.memory_space<vmem>>
    %dma_start3A_5 = arith.constant 0 : i32
    %dma_start3A_6 = tpu.memref_slice %arg11[%dma_start3A_5] : memref<320xi32, #tpu.memory_space<vmem>> -> memref<160xi32, #tpu.memory_space<vmem>>
    %dma_start3A_7 = arith.constant 0 : i32
    %dma_start3A_8 = arith.constant 0 : i32
    %dma_start3A_9 = tpu.memref_slice %arg2[%dma_start3A_7, %dma_start3A_8] : memref<522240x32xf32, #tpu.memory_space<hbm>> -> memref<522240x32xf32, #tpu.memory_space<hbm>>
    tpu.enqueue_indirect_dma source(%dma_start3A_9 : memref<522240x32xf32, #tpu.memory_space<hbm>>) target(%dma_start3A_4 : memref<160x32xf32, #tpu.memory_space<vmem>>) offsets(%dma_start3A_6 : memref<160xi32, #tpu.memory_space<vmem>>) semaphore(%arg17 : memref<!tpu.dma_semaphore, #tpu.memory_space<semaphore_mem>>)
    %dma_start3A_10 = arith.constant 160 : i32
    %dma_start3A_11 = arith.constant 0 : i32
    %dma_start3A_12 = tpu.memref_slice %arg14[%dma_start3A_10, %dma_start3A_11] : memref<320x32xf32, #tpu.memory_space<vmem>> -> memref<160x32xf32, #tpu.memory_space<vmem>>
    %dma_start3A_13 = arith.constant 160 : i32
    %dma_start3A_14 = tpu.memref_slice %arg11[%dma_start3A_13] : memref<320xi32, #tpu.memory_space<vmem>> -> memref<160xi32, #tpu.memory_space<vmem>>
    %dma_start3A_15 = arith.constant 0 : i32
    %dma_start3A_16 = arith.constant 0 : i32
    %dma_start3A_17 = tpu.memref_slice %arg2[%dma_start3A_15, %dma_start3A_16] : memref<522240x32xf32, #tpu.memory_space<hbm>> -> memref<522240x32xf32, #tpu.memory_space<hbm>>
    tpu.enqueue_indirect_dma source(%dma_start3A_17 : memref<522240x32xf32, #tpu.memory_space<hbm>>) target(%dma_start3A_12 : memref<160x32xf32, #tpu.memory_space<vmem>>) offsets(%dma_start3A_14 : memref<160xi32, #tpu.memory_space<vmem>>) semaphore(%arg17 : memref<!tpu.dma_semaphore, #tpu.memory_space<semaphore_mem>>)
    %dma_start3A_18 = arith.constant 0 : i32
    %dma_start3A_19 = arith.constant 0 : i32
    %dma_start3A_20 = tpu.memref_slice %arg15[%dma_start3A_18, %dma_start3A_19] : memref<320x32xf32, #tpu.memory_space<vmem>> -> memref<160x32xf32, #tpu.memory_space<vmem>>
    %dma_start3A_21 = arith.constant 0 : i32
    %dma_start3A_22 = tpu.memref_slice %arg12[%dma_start3A_21] : memref<320xi32, #tpu.memory_space<vmem>> -> memref<160xi32, #tpu.memory_space<vmem>>
    %dma_start3A_23 = arith.constant 0 : i32
    %dma_start3A_24 = arith.constant 0 : i32
    %dma_start3A_25 = tpu.memref_slice %arg3[%dma_start3A_23, %dma_start3A_24] : memref<130560x32xf32, #tpu.memory_space<hbm>> -> memref<130560x32xf32, #tpu.memory_space<hbm>>
    tpu.enqueue_indirect_dma source(%dma_start3A_25 : memref<130560x32xf32, #tpu.memory_space<hbm>>) target(%dma_start3A_20 : memref<160x32xf32, #tpu.memory_space<vmem>>) offsets(%dma_start3A_22 : memref<160xi32, #tpu.memory_space<vmem>>) semaphore(%arg17 : memref<!tpu.dma_semaphore, #tpu.memory_space<semaphore_mem>>)
    %dma_start3A_26 = arith.constant 160 : i32
    %dma_start3A_27 = arith.constant 0 : i32
    %dma_start3A_28 = tpu.memref_slice %arg15[%dma_start3A_26, %dma_start3A_27] : memref<320x32xf32, #tpu.memory_space<vmem>> -> memref<160x32xf32, #tpu.memory_space<vmem>>
    %dma_start3A_29 = arith.constant 160 : i32
    %dma_start3A_30 = tpu.memref_slice %arg12[%dma_start3A_29] : memref<320xi32, #tpu.memory_space<vmem>> -> memref<160xi32, #tpu.memory_space<vmem>>
    %dma_start3A_31 = arith.constant 0 : i32
    %dma_start3A_32 = arith.constant 0 : i32
    %dma_start3A_33 = tpu.memref_slice %arg3[%dma_start3A_31, %dma_start3A_32] : memref<130560x32xf32, #tpu.memory_space<hbm>> -> memref<130560x32xf32, #tpu.memory_space<hbm>>
    tpu.enqueue_indirect_dma source(%dma_start3A_33 : memref<130560x32xf32, #tpu.memory_space<hbm>>) target(%dma_start3A_28 : memref<160x32xf32, #tpu.memory_space<vmem>>) offsets(%dma_start3A_30 : memref<160xi32, #tpu.memory_space<vmem>>) semaphore(%arg17 : memref<!tpu.dma_semaphore, #tpu.memory_space<semaphore_mem>>)
    %dma_start3A_34 = arith.constant 0 : i32
    %dma_start3A_35 = arith.constant 0 : i32
    %dma_start3A_36 = tpu.memref_slice %arg16[%dma_start3A_34, %dma_start3A_35] : memref<320x32xf32, #tpu.memory_space<vmem>> -> memref<160x32xf32, #tpu.memory_space<vmem>>
    %dma_start3A_37 = arith.constant 0 : i32
    %dma_start3A_38 = tpu.memref_slice %arg13[%dma_start3A_37] : memref<320xi32, #tpu.memory_space<vmem>> -> memref<160xi32, #tpu.memory_space<vmem>>
    %dma_start3A_39 = arith.constant 0 : i32
    %dma_start3A_40 = arith.constant 0 : i32
    %dma_start3A_41 = tpu.memref_slice %arg4[%dma_start3A_39, %dma_start3A_40] : memref<32640x32xf32, #tpu.memory_space<hbm>> -> memref<32640x32xf32, #tpu.memory_space<hbm>>
    tpu.enqueue_indirect_dma source(%dma_start3A_41 : memref<32640x32xf32, #tpu.memory_space<hbm>>) target(%dma_start3A_36 : memref<160x32xf32, #tpu.memory_space<vmem>>) offsets(%dma_start3A_38 : memref<160xi32, #tpu.memory_space<vmem>>) semaphore(%arg17 : memref<!tpu.dma_semaphore, #tpu.memory_space<semaphore_mem>>)
    %dma_start3A_42 = arith.constant 160 : i32
    %dma_start3A_43 = arith.constant 0 : i32
    %dma_start3A_44 = tpu.memref_slice %arg16[%dma_start3A_42, %dma_start3A_43] : memref<320x32xf32, #tpu.memory_space<vmem>> -> memref<160x32xf32, #tpu.memory_space<vmem>>
    %dma_start3A_45 = arith.constant 160 : i32
    %dma_start3A_46 = tpu.memref_slice %arg13[%dma_start3A_45] : memref<320xi32, #tpu.memory_space<vmem>> -> memref<160xi32, #tpu.memory_space<vmem>>
    %dma_start3A_47 = arith.constant 0 : i32
    %dma_start3A_48 = arith.constant 0 : i32
    %dma_start3A_49 = tpu.memref_slice %arg4[%dma_start3A_47, %dma_start3A_48] : memref<32640x32xf32, #tpu.memory_space<hbm>> -> memref<32640x32xf32, #tpu.memory_space<hbm>>
    tpu.enqueue_indirect_dma source(%dma_start3A_49 : memref<32640x32xf32, #tpu.memory_space<hbm>>) target(%dma_start3A_44 : memref<160x32xf32, #tpu.memory_space<vmem>>) offsets(%dma_start3A_46 : memref<160xi32, #tpu.memory_space<vmem>>) semaphore(%arg17 : memref<!tpu.dma_semaphore, #tpu.memory_space<semaphore_mem>>)
    %dma_wait3A = arith.constant 0 : i32
    %dma_wait3A_50 = arith.constant 0 : i32
    %dma_wait3A_51 = tpu.memref_slice %arg14[%dma_wait3A, %dma_wait3A_50] : memref<320x32xf32, #tpu.memory_space<vmem>> -> memref<160x32xf32, #tpu.memory_space<vmem>>
    %dma_wait3A_52 = arith.constant 0 : i32
    %dma_wait3A_53 = tpu.memref_slice %arg11[%dma_wait3A_52] : memref<320xi32, #tpu.memory_space<vmem>> -> memref<160xi32, #tpu.memory_space<vmem>>
    %dma_wait3A_54 = arith.constant 0 : i32
    %dma_wait3A_55 = arith.constant 0 : i32
    %dma_wait3A_56 = tpu.memref_slice %arg2[%dma_wait3A_54, %dma_wait3A_55] : memref<522240x32xf32, #tpu.memory_space<hbm>> -> memref<522240x32xf32, #tpu.memory_space<hbm>>
    tpu.wait_indirect_dma semaphore(%arg17 : memref<!tpu.dma_semaphore, #tpu.memory_space<semaphore_mem>>) src(%dma_wait3A_56 : memref<522240x32xf32, #tpu.memory_space<hbm>>) dst(%dma_wait3A_51 : memref<160x32xf32, #tpu.memory_space<vmem>>)
    %dma_wait3A_57 = arith.constant 160 : i32
    %dma_wait3A_58 = arith.constant 0 : i32
    %dma_wait3A_59 = tpu.memref_slice %arg14[%dma_wait3A_57, %dma_wait3A_58] : memref<320x32xf32, #tpu.memory_space<vmem>> -> memref<160x32xf32, #tpu.memory_space<vmem>>
    %dma_wait3A_60 = arith.constant 160 : i32
    %dma_wait3A_61 = tpu.memref_slice %arg11[%dma_wait3A_60] : memref<320xi32, #tpu.memory_space<vmem>> -> memref<160xi32, #tpu.memory_space<vmem>>
    %dma_wait3A_62 = arith.constant 0 : i32
    %dma_wait3A_63 = arith.constant 0 : i32
    %dma_wait3A_64 = tpu.memref_slice %arg2[%dma_wait3A_62, %dma_wait3A_63] : memref<522240x32xf32, #tpu.memory_space<hbm>> -> memref<522240x32xf32, #tpu.memory_space<hbm>>
    tpu.wait_indirect_dma semaphore(%arg17 : memref<!tpu.dma_semaphore, #tpu.memory_space<semaphore_mem>>) src(%dma_wait3A_64 : memref<522240x32xf32, #tpu.memory_space<hbm>>) dst(%dma_wait3A_59 : memref<160x32xf32, #tpu.memory_space<vmem>>)
    %dma_wait3A_65 = arith.constant 0 : i32
    %dma_wait3A_66 = arith.constant 0 : i32
    %dma_wait3A_67 = tpu.memref_slice %arg15[%dma_wait3A_65, %dma_wait3A_66] : memref<320x32xf32, #tpu.memory_space<vmem>> -> memref<160x32xf32, #tpu.memory_space<vmem>>
    %dma_wait3A_68 = arith.constant 0 : i32
    %dma_wait3A_69 = tpu.memref_slice %arg12[%dma_wait3A_68] : memref<320xi32, #tpu.memory_space<vmem>> -> memref<160xi32, #tpu.memory_space<vmem>>
    %dma_wait3A_70 = arith.constant 0 : i32
    %dma_wait3A_71 = arith.constant 0 : i32
    %dma_wait3A_72 = tpu.memref_slice %arg3[%dma_wait3A_70, %dma_wait3A_71] : memref<130560x32xf32, #tpu.memory_space<hbm>> -> memref<130560x32xf32, #tpu.memory_space<hbm>>
    tpu.wait_indirect_dma semaphore(%arg17 : memref<!tpu.dma_semaphore, #tpu.memory_space<semaphore_mem>>) src(%dma_wait3A_72 : memref<130560x32xf32, #tpu.memory_space<hbm>>) dst(%dma_wait3A_67 : memref<160x32xf32, #tpu.memory_space<vmem>>)
    %dma_wait3A_73 = arith.constant 160 : i32
    %dma_wait3A_74 = arith.constant 0 : i32
    %dma_wait3A_75 = tpu.memref_slice %arg15[%dma_wait3A_73, %dma_wait3A_74] : memref<320x32xf32, #tpu.memory_space<vmem>> -> memref<160x32xf32, #tpu.memory_space<vmem>>
    %dma_wait3A_76 = arith.constant 160 : i32
    %dma_wait3A_77 = tpu.memref_slice %arg12[%dma_wait3A_76] : memref<320xi32, #tpu.memory_space<vmem>> -> memref<160xi32, #tpu.memory_space<vmem>>
    %dma_wait3A_78 = arith.constant 0 : i32
    %dma_wait3A_79 = arith.constant 0 : i32
    %dma_wait3A_80 = tpu.memref_slice %arg3[%dma_wait3A_78, %dma_wait3A_79] : memref<130560x32xf32, #tpu.memory_space<hbm>> -> memref<130560x32xf32, #tpu.memory_space<hbm>>
    tpu.wait_indirect_dma semaphore(%arg17 : memref<!tpu.dma_semaphore, #tpu.memory_space<semaphore_mem>>) src(%dma_wait3A_80 : memref<130560x32xf32, #tpu.memory_space<hbm>>) dst(%dma_wait3A_75 : memref<160x32xf32, #tpu.memory_space<vmem>>)
    %dma_wait3A_81 = arith.constant 0 : i32
    %dma_wait3A_82 = arith.constant 0 : i32
    %dma_wait3A_83 = tpu.memref_slice %arg16[%dma_wait3A_81, %dma_wait3A_82] : memref<320x32xf32, #tpu.memory_space<vmem>> -> memref<160x32xf32, #tpu.memory_space<vmem>>
    %dma_wait3A_84 = arith.constant 0 : i32
    %dma_wait3A_85 = tpu.memref_slice %arg13[%dma_wait3A_84] : memref<320xi32, #tpu.memory_space<vmem>> -> memref<160xi32, #tpu.memory_space<vmem>>
    %dma_wait3A_86 = arith.constant 0 : i32
    %dma_wait3A_87 = arith.constant 0 : i32
    %dma_wait3A_88 = tpu.memref_slice %arg4[%dma_wait3A_86, %dma_wait3A_87] : memref<32640x32xf32, #tpu.memory_space<hbm>> -> memref<32640x32xf32, #tpu.memory_space<hbm>>
    tpu.wait_indirect_dma semaphore(%arg17 : memref<!tpu.dma_semaphore, #tpu.memory_space<semaphore_mem>>) src(%dma_wait3A_88 : memref<32640x32xf32, #tpu.memory_space<hbm>>) dst(%dma_wait3A_83 : memref<160x32xf32, #tpu.memory_space<vmem>>)
    %dma_wait3A_89 = arith.constant 160 : i32
    %dma_wait3A_90 = arith.constant 0 : i32
    %dma_wait3A_91 = tpu.memref_slice %arg16[%dma_wait3A_89, %dma_wait3A_90] : memref<320x32xf32, #tpu.memory_space<vmem>> -> memref<160x32xf32, #tpu.memory_space<vmem>>
    %dma_wait3A_92 = arith.constant 160 : i32
    %dma_wait3A_93 = tpu.memref_slice %arg13[%dma_wait3A_92] : memref<320xi32, #tpu.memory_space<vmem>> -> memref<160xi32, #tpu.memory_space<vmem>>
    %dma_wait3A_94 = arith.constant 0 : i32
    %dma_wait3A_95 = arith.constant 0 : i32
    %dma_wait3A_96 = tpu.memref_slice %arg4[%dma_wait3A_94, %dma_wait3A_95] : memref<32640x32xf32, #tpu.memory_space<hbm>> -> memref<32640x32xf32, #tpu.memory_space<hbm>>
    tpu.wait_indirect_dma semaphore(%arg17 : memref<!tpu.dma_semaphore, #tpu.memory_space<semaphore_mem>>) src(%dma_wait3A_96 : memref<32640x32xf32, #tpu.memory_space<hbm>>) dst(%dma_wait3A_91 : memref<160x32xf32, #tpu.memory_space<vmem>>)
    "tpu.region"() ({
      %run_scoped3A = tpu.sem_alloc : memref<!tpu.dma_semaphore, #tpu.memory_space<semaphore_mem>>
      %dma_start3A_97 = arith.constant 0 : i32
      %dma_start3A_98 = tpu.memref_slice %arg8[%mul3A_2, %dma_start3A_97] : memref<10240x32xf32, #tpu.memory_space<hbm>> -> memref<320x32xf32, #tpu.memory_space<hbm>>
      %dma_start3A_99 = arith.constant 0 : i32
      %dma_start3A_100 = tpu.memref_slice %arg8[%mul3A_2, %dma_start3A_99] : memref<10240x32xf32, #tpu.memory_space<hbm>> -> memref<320x32xf32, #tpu.memory_space<hbm>>
      tpu.enqueue_dma source(%arg14 : memref<320x32xf32, #tpu.memory_space<vmem>>) target(%dma_start3A_100 : memref<320x32xf32, #tpu.memory_space<hbm>>) target_semaphore(%run_scoped3A : memref<!tpu.dma_semaphore, #tpu.memory_space<semaphore_mem>>)
      %dma_wait3A_101 = arith.constant 0 : i32
      %dma_wait3A_102 = tpu.memref_slice %arg8[%mul3A_2, %dma_wait3A_101] : memref<10240x32xf32, #tpu.memory_space<hbm>> -> memref<320x32xf32, #tpu.memory_space<hbm>>
      %dma_wait3A_103 = arith.constant 0 : i32
      %dma_wait3A_104 = tpu.memref_slice %arg8[%mul3A_2, %dma_wait3A_103] : memref<10240x32xf32, #tpu.memory_space<hbm>> -> memref<320x32xf32, #tpu.memory_space<hbm>>
      tpu.wait_dma2 semaphore(%run_scoped3A : memref<!tpu.dma_semaphore, #tpu.memory_space<semaphore_mem>>) src(%arg14 : memref<320x32xf32, #tpu.memory_space<vmem>>) dst(%dma_wait3A_104 : memref<320x32xf32, #tpu.memory_space<hbm>>)
      tpu.yield
    }) : () -> ()
    "tpu.region"() ({
      %run_scoped3A = tpu.sem_alloc : memref<!tpu.dma_semaphore, #tpu.memory_space<semaphore_mem>>
      %dma_start3A_97 = arith.constant 0 : i32
      %dma_start3A_98 = tpu.memref_slice %arg9[%mul3A_2, %dma_start3A_97] : memref<10240x32xf32, #tpu.memory_space<hbm>> -> memref<320x32xf32, #tpu.memory_space<hbm>>
      %dma_start3A_99 = arith.constant 0 : i32
      %dma_start3A_100 = tpu.memref_slice %arg9[%mul3A_2, %dma_start3A_99] : memref<10240x32xf32, #tpu.memory_space<hbm>> -> memref<320x32xf32, #tpu.memory_space<hbm>>
      tpu.enqueue_dma source(%arg15 : memref<320x32xf32, #tpu.memory_space<vmem>>) target(%dma_start3A_100 : memref<320x32xf32, #tpu.memory_space<hbm>>) target_semaphore(%run_scoped3A : memref<!tpu.dma_semaphore, #tpu.memory_space<semaphore_mem>>)
      %dma_wait3A_101 = arith.constant 0 : i32
      %dma_wait3A_102 = tpu.memref_slice %arg9[%mul3A_2, %dma_wait3A_101] : memref<10240x32xf32, #tpu.memory_space<hbm>> -> memref<320x32xf32, #tpu.memory_space<hbm>>
      %dma_wait3A_103 = arith.constant 0 : i32
      %dma_wait3A_104 = tpu.memref_slice %arg9[%mul3A_2, %dma_wait3A_103] : memref<10240x32xf32, #tpu.memory_space<hbm>> -> memref<320x32xf32, #tpu.memory_space<hbm>>
      tpu.wait_dma2 semaphore(%run_scoped3A : memref<!tpu.dma_semaphore, #tpu.memory_space<semaphore_mem>>) src(%arg15 : memref<320x32xf32, #tpu.memory_space<vmem>>) dst(%dma_wait3A_104 : memref<320x32xf32, #tpu.memory_space<hbm>>)
      tpu.yield
    }) : () -> ()
    "tpu.region"() ({
      %run_scoped3A = tpu.sem_alloc : memref<!tpu.dma_semaphore, #tpu.memory_space<semaphore_mem>>
      %dma_start3A_97 = arith.constant 0 : i32
      %dma_start3A_98 = tpu.memref_slice %arg10[%mul3A_2, %dma_start3A_97] : memref<10240x32xf32, #tpu.memory_space<hbm>> -> memref<320x32xf32, #tpu.memory_space<hbm>>
      %dma_start3A_99 = arith.constant 0 : i32
      %dma_start3A_100 = tpu.memref_slice %arg10[%mul3A_2, %dma_start3A_99] : memref<10240x32xf32, #tpu.memory_space<hbm>> -> memref<320x32xf32, #tpu.memory_space<hbm>>
      tpu.enqueue_dma source(%arg16 : memref<320x32xf32, #tpu.memory_space<vmem>>) target(%dma_start3A_100 : memref<320x32xf32, #tpu.memory_space<hbm>>) target_semaphore(%run_scoped3A : memref<!tpu.dma_semaphore, #tpu.memory_space<semaphore_mem>>)
      %dma_wait3A_101 = arith.constant 0 : i32
      %dma_wait3A_102 = tpu.memref_slice %arg10[%mul3A_2, %dma_wait3A_101] : memref<10240x32xf32, #tpu.memory_space<hbm>> -> memref<320x32xf32, #tpu.memory_space<hbm>>
      %dma_wait3A_103 = arith.constant 0 : i32
      %dma_wait3A_104 = tpu.memref_slice %arg10[%mul3A_2, %dma_wait3A_103] : memref<10240x32xf32, #tpu.memory_space<hbm>> -> memref<320x32xf32, #tpu.memory_space<hbm>>
      tpu.wait_dma2 semaphore(%run_scoped3A : memref<!tpu.dma_semaphore, #tpu.memory_space<semaphore_mem>>) src(%arg16 : memref<320x32xf32, #tpu.memory_space<vmem>>) dst(%dma_wait3A_104 : memref<320x32xf32, #tpu.memory_space<hbm>>)
      tpu.yield
    }) : () -> ()
    return
  }
}

module attributes {stable_mosaic.version = 14 : i64} {
  func.func @_assign_body(%arg0: memref<5x16x50xf32, #tpu.memory_space<vmem>>, %arg1: memref<3x3x2xf32, #tpu.memory_space<smem>>, %arg2: memref<3xf32, #tpu.memory_space<smem>>, %arg3: memref<9x16x50xf32, #tpu.memory_space<vmem>>, %arg4: memref<9x16x50xf32, #tpu.memory_space<vmem>>, %arg5: memref<3x4x16x50xf32, #tpu.memory_space<vmem>>, %arg6: memref<16x50xi32, #tpu.memory_space<vmem>>) attributes {dimension_semantics = [], scalar_prefetch = 0 : i64, scratch_operands = 0 : i64, tpu.core_type = #tpu.core_type<tc>} {
    %get3A = arith.constant 0 : index
    %get3A_0 = arith.constant 0 : index
    %get3A_1 = arith.constant 0 : index
    %get3A_2 = vector.load %arg0[%get3A, %get3A_0, %get3A_1] : memref<5x16x50xf32, #tpu.memory_space<vmem>>, vector<1x16x50xf32>
    %get3A_3 = vector.shape_cast %get3A_2 : vector<1x16x50xf32> to vector<16x50xf32>
    %get3A_4 = arith.constant 1 : index
    %get3A_5 = arith.constant 0 : index
    %get3A_6 = arith.constant 0 : index
    %get3A_7 = vector.load %arg0[%get3A_4, %get3A_5, %get3A_6] : memref<5x16x50xf32, #tpu.memory_space<vmem>>, vector<1x16x50xf32>
    %get3A_8 = vector.shape_cast %get3A_7 : vector<1x16x50xf32> to vector<16x50xf32>
    %get3A_9 = arith.constant 2 : index
    %get3A_10 = arith.constant 0 : index
    %get3A_11 = arith.constant 0 : index
    %get3A_12 = vector.load %arg0[%get3A_9, %get3A_10, %get3A_11] : memref<5x16x50xf32, #tpu.memory_space<vmem>>, vector<1x16x50xf32>
    %get3A_13 = vector.shape_cast %get3A_12 : vector<1x16x50xf32> to vector<16x50xf32>
    %get3A_14 = arith.constant 3 : index
    %get3A_15 = arith.constant 0 : index
    %get3A_16 = arith.constant 0 : index
    %get3A_17 = vector.load %arg0[%get3A_14, %get3A_15, %get3A_16] : memref<5x16x50xf32, #tpu.memory_space<vmem>>, vector<1x16x50xf32>
    %get3A_18 = vector.shape_cast %get3A_17 : vector<1x16x50xf32> to vector<16x50xf32>
    %get3A_19 = arith.constant 4 : index
    %get3A_20 = arith.constant 0 : index
    %get3A_21 = arith.constant 0 : index
    %get3A_22 = vector.load %arg0[%get3A_19, %get3A_20, %get3A_21] : memref<5x16x50xf32, #tpu.memory_space<vmem>>, vector<1x16x50xf32>
    %get3A_23 = vector.shape_cast %get3A_22 : vector<1x16x50xf32> to vector<16x50xf32>
    %eq3A = arith.constant -1.000000e+00 : f32
    %eq3A_24 = vector.broadcast %eq3A : f32 to vector<16x50xf32>
    %eq3A_25 = arith.cmpf oeq, %get3A_23, %eq3A_24 : vector<16x50xf32>
    %eq3A_26 = arith.constant -1.000000e+00 : f32
    %eq3A_27 = vector.broadcast %eq3A_26 : f32 to vector<16x50xf32>
    %eq3A_28 = arith.cmpf oeq, %get3A_3, %eq3A_27 : vector<16x50xf32>
    %and3A = arith.andi %eq3A_25, %eq3A_28 : vector<16x50xi1>
    %eq3A_29 = arith.constant -1.000000e+00 : f32
    %eq3A_30 = vector.broadcast %eq3A_29 : f32 to vector<16x50xf32>
    %eq3A_31 = arith.cmpf oeq, %get3A_8, %eq3A_30 : vector<16x50xf32>
    %and3A_32 = arith.andi %and3A, %eq3A_31 : vector<16x50xi1>
    %eq3A_33 = arith.constant -1.000000e+00 : f32
    %eq3A_34 = vector.broadcast %eq3A_33 : f32 to vector<16x50xf32>
    %eq3A_35 = arith.cmpf oeq, %get3A_13, %eq3A_34 : vector<16x50xf32>
    %and3A_36 = arith.andi %and3A_32, %eq3A_35 : vector<16x50xi1>
    %eq3A_37 = arith.constant -1.000000e+00 : f32
    %eq3A_38 = vector.broadcast %eq3A_37 : f32 to vector<16x50xf32>
    %eq3A_39 = arith.cmpf oeq, %get3A_18, %eq3A_38 : vector<16x50xf32>
    %and3A_40 = arith.andi %and3A_36, %eq3A_39 : vector<16x50xi1>
    %not3A = arith.constant dense<true> : vector<16x50xi1>
    %not3A_41 = arith.xori %and3A_40, %not3A : vector<16x50xi1>
    %iota3A = tpu.iota {dimensions = array<i32: 0>} : vector<16x50xi32>
    %convert_element_type3A = arith.fptosi %get3A_23 : vector<16x50xf32> to vector<16x50xi32>
    %swap3A = arith.constant 0 : index
    %swap3A_42 = arith.constant 0 : index
    %swap3A_43 = vector.load %arg6[%swap3A, %swap3A_42] : memref<16x50xi32, #tpu.memory_space<vmem>>, vector<16x50xi32>
    tpu.vector_store %arg6[%swap3A, %swap3A_42], %convert_element_type3A {strides = array<i32>} : memref<16x50xi32, #tpu.memory_space<vmem>>, vector<16x50xi32>,
    %get3A_44 = arith.constant 0 : index
    %get3A_45 = memref.load %arg2[%get3A_44] : memref<3xf32, #tpu.memory_space<smem>>
    %div3A = arith.constant 1.000000e+00 : f32
    %div3A_46 = arith.divf %div3A, %get3A_45 : f32
    %mul3A = vector.broadcast %div3A_46 : f32 to vector<16x50xf32>
    %mul3A_47 = arith.mulf %get3A_3, %mul3A : vector<16x50xf32>
    %mul3A_48 = vector.broadcast %div3A_46 : f32 to vector<16x50xf32>
    %mul3A_49 = arith.mulf %get3A_8, %mul3A_48 : vector<16x50xf32>
    %mul3A_50 = vector.broadcast %div3A_46 : f32 to vector<16x50xf32>
    %mul3A_51 = arith.mulf %get3A_13, %mul3A_50 : vector<16x50xf32>
    %mul3A_52 = vector.broadcast %div3A_46 : f32 to vector<16x50xf32>
    %mul3A_53 = arith.mulf %get3A_18, %mul3A_52 : vector<16x50xf32>
    %floor3A = math.floor %mul3A_47 : vector<16x50xf32>
    %floor3A_54 = math.floor %mul3A_49 : vector<16x50xf32>
    %sub3A = arith.subf %mul3A_47, %floor3A : vector<16x50xf32>
    %sub3A_55 = arith.subf %mul3A_49, %floor3A_54 : vector<16x50xf32>
    %convert_element_type3A_56 = arith.fptosi %floor3A : vector<16x50xf32> to vector<16x50xi32>
    %convert_element_type3A_57 = arith.fptosi %floor3A_54 : vector<16x50xf32> to vector<16x50xi32>
    %swap3A_58 = arith.constant 0 : index
    %swap3A_59 = arith.constant 0 : index
    %swap3A_60 = arith.constant 0 : index
    %swap3A_61 = arith.constant 0 : index
    %swap3A_62 = vector.load %arg5[%swap3A_58, %swap3A_59, %swap3A_60, %swap3A_61] : memref<3x4x16x50xf32, #tpu.memory_space<vmem>>, vector<1x1x16x50xf32>
    %swap3A_63 = vector.shape_cast %swap3A_62 : vector<1x1x16x50xf32> to vector<16x50xf32>
    %swap3A_64 = vector.shape_cast %sub3A : vector<16x50xf32> to vector<1x1x16x50xf32>
    tpu.vector_store %arg5[%swap3A_58, %swap3A_59, %swap3A_60, %swap3A_61], %swap3A_64 {strides = array<i32>} : memref<3x4x16x50xf32, #tpu.memory_space<vmem>>, vector<1x1x16x50xf32>,
    %swap3A_65 = arith.constant 0 : index
    %swap3A_66 = arith.constant 1 : index
    %swap3A_67 = arith.constant 0 : index
    %swap3A_68 = arith.constant 0 : index
    %swap3A_69 = vector.load %arg5[%swap3A_65, %swap3A_66, %swap3A_67, %swap3A_68] : memref<3x4x16x50xf32, #tpu.memory_space<vmem>>, vector<1x1x16x50xf32>
    %swap3A_70 = vector.shape_cast %swap3A_69 : vector<1x1x16x50xf32> to vector<16x50xf32>
    %swap3A_71 = vector.shape_cast %sub3A_55 : vector<16x50xf32> to vector<1x1x16x50xf32>
    tpu.vector_store %arg5[%swap3A_65, %swap3A_66, %swap3A_67, %swap3A_68], %swap3A_71 {strides = array<i32>} : memref<3x4x16x50xf32, #tpu.memory_space<vmem>>, vector<1x1x16x50xf32>,
    %swap3A_72 = arith.constant 0 : index
    %swap3A_73 = arith.constant 2 : index
    %swap3A_74 = arith.constant 0 : index
    %swap3A_75 = arith.constant 0 : index
    %swap3A_76 = vector.load %arg5[%swap3A_72, %swap3A_73, %swap3A_74, %swap3A_75] : memref<3x4x16x50xf32, #tpu.memory_space<vmem>>, vector<1x1x16x50xf32>
    %swap3A_77 = vector.shape_cast %swap3A_76 : vector<1x1x16x50xf32> to vector<16x50xf32>
    %swap3A_78 = vector.shape_cast %mul3A_51 : vector<16x50xf32> to vector<1x1x16x50xf32>
    tpu.vector_store %arg5[%swap3A_72, %swap3A_73, %swap3A_74, %swap3A_75], %swap3A_78 {strides = array<i32>} : memref<3x4x16x50xf32, #tpu.memory_space<vmem>>, vector<1x1x16x50xf32>,
    %swap3A_79 = arith.constant 0 : index
    %swap3A_80 = arith.constant 3 : index
    %swap3A_81 = arith.constant 0 : index
    %swap3A_82 = arith.constant 0 : index
    %swap3A_83 = vector.load %arg5[%swap3A_79, %swap3A_80, %swap3A_81, %swap3A_82] : memref<3x4x16x50xf32, #tpu.memory_space<vmem>>, vector<1x1x16x50xf32>
    %swap3A_84 = vector.shape_cast %swap3A_83 : vector<1x1x16x50xf32> to vector<16x50xf32>
    %swap3A_85 = vector.shape_cast %mul3A_53 : vector<16x50xf32> to vector<1x1x16x50xf32>
    tpu.vector_store %arg5[%swap3A_79, %swap3A_80, %swap3A_81, %swap3A_82], %swap3A_85 {strides = array<i32>} : memref<3x4x16x50xf32, #tpu.memory_space<vmem>>, vector<1x1x16x50xf32>,
    %mul3A_86 = arith.constant 5.000000e-01 : f32
    %mul3A_87 = vector.broadcast %mul3A_86 : f32 to vector<16x50xf32>
    %mul3A_88 = arith.mulf %mul3A_51, %mul3A_87 : vector<16x50xf32>
    %sub3A_89 = arith.subf %sub3A, %mul3A_88 : vector<16x50xf32>
    %mul3A_90 = arith.constant 5.000000e-01 : f32
    %mul3A_91 = vector.broadcast %mul3A_90 : f32 to vector<16x50xf32>
    %mul3A_92 = arith.mulf %mul3A_53, %mul3A_91 : vector<16x50xf32>
    %sub3A_93 = arith.subf %sub3A_55, %mul3A_92 : vector<16x50xf32>
    %mul3A_94 = arith.constant 5.000000e-01 : f32
    %mul3A_95 = vector.broadcast %mul3A_94 : f32 to vector<16x50xf32>
    %mul3A_96 = arith.mulf %mul3A_51, %mul3A_95 : vector<16x50xf32>
    %add3A = arith.addf %sub3A, %mul3A_96 : vector<16x50xf32>
    %mul3A_97 = arith.constant 5.000000e-01 : f32
    %mul3A_98 = vector.broadcast %mul3A_97 : f32 to vector<16x50xf32>
    %mul3A_99 = arith.mulf %mul3A_53, %mul3A_98 : vector<16x50xf32>
    %add3A_100 = arith.addf %sub3A_55, %mul3A_99 : vector<16x50xf32>
    %mul3A_101 = arith.mulf %mul3A_51, %mul3A_53 : vector<16x50xf32>
    %get3A_102 = arith.constant 0 : index
    %get3A_103 = arith.constant 0 : index
    %get3A_104 = arith.constant 0 : index
    %get3A_105 = memref.load %arg1[%get3A_102, %get3A_103, %get3A_104] : memref<3x3x2xf32, #tpu.memory_space<smem>>
    %mul3A_106 = arith.mulf %get3A_105, %div3A_46 : f32
    %get3A_107 = arith.constant 0 : index
    %get3A_108 = arith.constant 0 : index
    %get3A_109 = arith.constant 1 : index
    %get3A_110 = memref.load %arg1[%get3A_107, %get3A_108, %get3A_109] : memref<3x3x2xf32, #tpu.memory_space<smem>>
    %mul3A_111 = arith.mulf %get3A_110, %div3A_46 : f32
    %mul3A_112 = arith.constant 5.000000e-01 : f32
    %mul3A_113 = arith.mulf %mul3A_106, %mul3A_112 : f32
    %sub3A_114 = arith.constant 5.000000e-01 : f32
    %sub3A_115 = arith.subf %sub3A_114, %mul3A_113 : f32
    %mul3A_116 = arith.constant 5.000000e-01 : f32
    %mul3A_117 = arith.mulf %mul3A_111, %mul3A_116 : f32
    %sub3A_118 = arith.constant 5.000000e-01 : f32
    %sub3A_119 = arith.subf %sub3A_118, %mul3A_117 : f32
    %mul3A_120 = arith.constant 5.000000e-01 : f32
    %mul3A_121 = arith.mulf %mul3A_106, %mul3A_120 : f32
    %add3A_122 = arith.constant 5.000000e-01 : f32
    %add3A_123 = arith.addf %add3A_122, %mul3A_121 : f32
    %mul3A_124 = arith.constant 5.000000e-01 : f32
    %mul3A_125 = arith.mulf %mul3A_111, %mul3A_124 : f32
    %add3A_126 = arith.constant 5.000000e-01 : f32
    %add3A_127 = arith.addf %add3A_126, %mul3A_125 : f32
    %max3A = vector.broadcast %sub3A_115 : f32 to vector<16x50xf32>
    %max3A_128 = arith.maximumf %sub3A_89, %max3A : vector<16x50xf32>
    %max3A_129 = vector.broadcast %sub3A_119 : f32 to vector<16x50xf32>
    %max3A_130 = arith.maximumf %sub3A_93, %max3A_129 : vector<16x50xf32>
    %min3A = vector.broadcast %add3A_123 : f32 to vector<16x50xf32>
    %min3A_131 = arith.minimumf %add3A, %min3A : vector<16x50xf32>
    %min3A_132 = vector.broadcast %add3A_127 : f32 to vector<16x50xf32>
    %min3A_133 = arith.minimumf %add3A_100, %min3A_132 : vector<16x50xf32>
    %lt3A = arith.cmpf olt, %max3A_128, %min3A_131 : vector<16x50xf32>
    %lt3A_134 = arith.cmpf olt, %max3A_130, %min3A_133 : vector<16x50xf32>
    %and3A_135 = arith.andi %lt3A, %lt3A_134 : vector<16x50xi1>
    %convert_element_type3A_136 = arith.extui %and3A_135 : vector<16x50xi1> to vector<16x50xi32>
    %convert_element_type3A_137 = arith.sitofp %convert_element_type3A_136 : vector<16x50xi32> to vector<16x50xf32>
    %sub3A_138 = arith.subf %min3A_131, %max3A_128 : vector<16x50xf32>
    %sub3A_139 = arith.subf %min3A_133, %max3A_130 : vector<16x50xf32>
    %mul3A_140 = arith.mulf %sub3A_138, %sub3A_139 : vector<16x50xf32>
    %mul3A_141 = arith.mulf %mul3A_140, %convert_element_type3A_137 : vector<16x50xf32>
    %mul3A_142 = arith.mulf %mul3A_106, %mul3A_111 : f32
    %add3A_143 = vector.broadcast %mul3A_142 : f32 to vector<16x50xf32>
    %add3A_144 = arith.addf %mul3A_101, %add3A_143 : vector<16x50xf32>
    %sub3A_145 = arith.subf %add3A_144, %mul3A_141 : vector<16x50xf32>
    %div3A_146 = arith.divf %mul3A_141, %sub3A_145 : vector<16x50xf32>
    %gt3A = arith.constant 5.000000e-01 : f32
    %gt3A_147 = vector.broadcast %gt3A : f32 to vector<16x50xf32>
    %gt3A_148 = arith.cmpf ogt, %div3A_146, %gt3A_147 : vector<16x50xf32>
    %and3A_149 = arith.andi %gt3A_148, %not3A_41 : vector<16x50xi1>
    %mul3A_150 = arith.constant 3 : i32
    %mul3A_151 = vector.broadcast %mul3A_150 : i32 to vector<16x50xi32>
    %mul3A_152 = arith.muli %iota3A, %mul3A_151 : vector<16x50xi32>
    %add3A_153 = arith.constant 0 : i32
    %add3A_154 = vector.broadcast %add3A_153 : i32 to vector<16x50xi32>
    %add3A_155 = arith.addi %mul3A_152, %add3A_154 : vector<16x50xi32>
    %mul3A_156 = arith.constant 64 : i32
    %mul3A_157 = vector.broadcast %mul3A_156 : i32 to vector<16x50xi32>
    %mul3A_158 = arith.muli %add3A_155, %mul3A_157 : vector<16x50xi32>
    %add3A_159 = arith.addi %mul3A_158, %convert_element_type3A_57 : vector<16x50xi32>
    %mul3A_160 = arith.constant 64 : i32
    %mul3A_161 = vector.broadcast %mul3A_160 : i32 to vector<16x50xi32>
    %mul3A_162 = arith.muli %add3A_159, %mul3A_161 : vector<16x50xi32>
    %add3A_163 = arith.addi %mul3A_162, %convert_element_type3A_56 : vector<16x50xi32>
    %broadcast_in_dim3A = vector.shape_cast %add3A_163 : vector<16x50xi32> to vector<16x50x1xi32>
    %broadcast_in_dim3A_164 = vector.shape_cast %add3A_163 : vector<16x50xi32> to vector<16x1x50xi32>
    %eq3A_165 = vector.broadcast %broadcast_in_dim3A : vector<16x50x1xi32> to vector<16x50x50xi32>
    %eq3A_166 = vector.broadcast %broadcast_in_dim3A_164 : vector<16x1x50xi32> to vector<16x50x50xi32>
    %eq3A_167 = arith.cmpi eq, %eq3A_165, %eq3A_166 : vector<16x50x50xi32>
    %broadcast_in_dim3A_168 = vector.shape_cast %and3A_149 : vector<16x50xi1> to vector<16x1x50xi1>
    %iota3A_169 = tpu.iota {dimensions = array<i32: 1>} : vector<16x50x50xi32>
    %iota3A_170 = tpu.iota {dimensions = array<i32: 2>} : vector<16x50x50xi32>
    %and3A_171 = vector.broadcast %broadcast_in_dim3A_168 : vector<16x1x50xi1> to vector<16x50x50xi1>
    %and3A_172 = arith.andi %eq3A_167, %and3A_171 : vector<16x50x50xi1>
    %lt3A_173 = arith.cmpi slt, %iota3A_170, %iota3A_169 : vector<16x50x50xi32>
    %and3A_174 = arith.andi %and3A_172, %lt3A_173 : vector<16x50x50xi1>
    %reduce_or3A = arith.constant 1.000000e+00 : f32
    %reduce_or3A_175 = arith.constant 0.000000e+00 : f32
    %reduce_or3A_176 = vector.broadcast %reduce_or3A : f32 to vector<16x50x50xf32>
    %reduce_or3A_177 = vector.broadcast %reduce_or3A_175 : f32 to vector<16x50x50xf32>
    %reduce_or3A_178 = arith.select %and3A_174, %reduce_or3A_176, %reduce_or3A_177 : vector<16x50x50xi1>, vector<16x50x50xf32>
    %reduce_or3A_179 = arith.constant dense<0xFF800000> : vector<16x50xf32>
    %reduce_or3A_180 = vector.multi_reduction <maximumf>, %reduce_or3A_178, %reduce_or3A_179 [2] : vector<16x50x50xf32> to vector<16x50xf32>
    %reduce_or3A_181 = arith.constant 0.000000e+00 : f32
    %reduce_or3A_182 = vector.broadcast %reduce_or3A_181 : f32 to vector<16x50xf32>
    %reduce_or3A_183 = arith.cmpf ogt, %reduce_or3A_180, %reduce_or3A_182 : vector<16x50xf32>
    %convert_element_type3A_184 = arith.extui %and3A_149 : vector<16x50xi1> to vector<16x50xi32>
    %convert_element_type3A_185 = arith.sitofp %convert_element_type3A_184 : vector<16x50xi32> to vector<16x50xf32>
    %swap3A_186 = arith.constant 0 : index
    %swap3A_187 = arith.constant 0 : index
    %swap3A_188 = arith.constant 0 : index
    %swap3A_189 = vector.load %arg3[%swap3A_186, %swap3A_187, %swap3A_188] : memref<9x16x50xf32, #tpu.memory_space<vmem>>, vector<1x16x50xf32>
    %swap3A_190 = vector.shape_cast %swap3A_189 : vector<1x16x50xf32> to vector<16x50xf32>
    %swap3A_191 = vector.shape_cast %convert_element_type3A_185 : vector<16x50xf32> to vector<1x16x50xf32>
    tpu.vector_store %arg3[%swap3A_186, %swap3A_187, %swap3A_188], %swap3A_191 {strides = array<i32>} : memref<9x16x50xf32, #tpu.memory_space<vmem>>, vector<1x16x50xf32>,
    %not3A_192 = arith.constant dense<true> : vector<16x50xi1>
    %not3A_193 = arith.xori %reduce_or3A_183, %not3A_192 : vector<16x50xi1>
    %and3A_194 = arith.andi %and3A_149, %not3A_193 : vector<16x50xi1>
    %convert_element_type3A_195 = arith.extui %and3A_194 : vector<16x50xi1> to vector<16x50xi32>
    %convert_element_type3A_196 = arith.sitofp %convert_element_type3A_195 : vector<16x50xi32> to vector<16x50xf32>
    %swap3A_197 = arith.constant 0 : index
    %swap3A_198 = arith.constant 0 : index
    %swap3A_199 = arith.constant 0 : index
    %swap3A_200 = vector.load %arg4[%swap3A_197, %swap3A_198, %swap3A_199] : memref<9x16x50xf32, #tpu.memory_space<vmem>>, vector<1x16x50xf32>
    %swap3A_201 = vector.shape_cast %swap3A_200 : vector<1x16x50xf32> to vector<16x50xf32>
    %swap3A_202 = vector.shape_cast %convert_element_type3A_196 : vector<16x50xf32> to vector<1x16x50xf32>
    tpu.vector_store %arg4[%swap3A_197, %swap3A_198, %swap3A_199], %swap3A_202 {strides = array<i32>} : memref<9x16x50xf32, #tpu.memory_space<vmem>>, vector<1x16x50xf32>,
    %get3A_203 = arith.constant 0 : index
    %get3A_204 = arith.constant 1 : index
    %get3A_205 = arith.constant 0 : index
    %get3A_206 = memref.load %arg1[%get3A_203, %get3A_204, %get3A_205] : memref<3x3x2xf32, #tpu.memory_space<smem>>
    %mul3A_207 = arith.mulf %get3A_206, %div3A_46 : f32
    %get3A_208 = arith.constant 0 : index
    %get3A_209 = arith.constant 1 : index
    %get3A_210 = arith.constant 1 : index
    %get3A_211 = memref.load %arg1[%get3A_208, %get3A_209, %get3A_210] : memref<3x3x2xf32, #tpu.memory_space<smem>>
    %mul3A_212 = arith.mulf %get3A_211, %div3A_46 : f32
    %mul3A_213 = arith.constant 5.000000e-01 : f32
    %mul3A_214 = arith.mulf %mul3A_207, %mul3A_213 : f32
    %sub3A_215 = arith.constant 5.000000e-01 : f32
    %sub3A_216 = arith.subf %sub3A_215, %mul3A_214 : f32
    %mul3A_217 = arith.constant 5.000000e-01 : f32
    %mul3A_218 = arith.mulf %mul3A_212, %mul3A_217 : f32
    %sub3A_219 = arith.constant 5.000000e-01 : f32
    %sub3A_220 = arith.subf %sub3A_219, %mul3A_218 : f32
    %mul3A_221 = arith.constant 5.000000e-01 : f32
    %mul3A_222 = arith.mulf %mul3A_207, %mul3A_221 : f32
    %add3A_223 = arith.constant 5.000000e-01 : f32
    %add3A_224 = arith.addf %add3A_223, %mul3A_222 : f32
    %mul3A_225 = arith.constant 5.000000e-01 : f32
    %mul3A_226 = arith.mulf %mul3A_212, %mul3A_225 : f32
    %add3A_227 = arith.constant 5.000000e-01 : f32
    %add3A_228 = arith.addf %add3A_227, %mul3A_226 : f32
    %max3A_229 = vector.broadcast %sub3A_216 : f32 to vector<16x50xf32>
    %max3A_230 = arith.maximumf %sub3A_89, %max3A_229 : vector<16x50xf32>
    %max3A_231 = vector.broadcast %sub3A_220 : f32 to vector<16x50xf32>
    %max3A_232 = arith.maximumf %sub3A_93, %max3A_231 : vector<16x50xf32>
    %min3A_233 = vector.broadcast %add3A_224 : f32 to vector<16x50xf32>
    %min3A_234 = arith.minimumf %add3A, %min3A_233 : vector<16x50xf32>
    %min3A_235 = vector.broadcast %add3A_228 : f32 to vector<16x50xf32>
    %min3A_236 = arith.minimumf %add3A_100, %min3A_235 : vector<16x50xf32>
    %lt3A_237 = arith.cmpf olt, %max3A_230, %min3A_234 : vector<16x50xf32>
    %lt3A_238 = arith.cmpf olt, %max3A_232, %min3A_236 : vector<16x50xf32>
    %and3A_239 = arith.andi %lt3A_237, %lt3A_238 : vector<16x50xi1>
    %convert_element_type3A_240 = arith.extui %and3A_239 : vector<16x50xi1> to vector<16x50xi32>
    %convert_element_type3A_241 = arith.sitofp %convert_element_type3A_240 : vector<16x50xi32> to vector<16x50xf32>
    %sub3A_242 = arith.subf %min3A_234, %max3A_230 : vector<16x50xf32>
    %sub3A_243 = arith.subf %min3A_236, %max3A_232 : vector<16x50xf32>
    %mul3A_244 = arith.mulf %sub3A_242, %sub3A_243 : vector<16x50xf32>
    %mul3A_245 = arith.mulf %mul3A_244, %convert_element_type3A_241 : vector<16x50xf32>
    %mul3A_246 = arith.mulf %mul3A_207, %mul3A_212 : f32
    %add3A_247 = vector.broadcast %mul3A_246 : f32 to vector<16x50xf32>
    %add3A_248 = arith.addf %mul3A_101, %add3A_247 : vector<16x50xf32>
    %sub3A_249 = arith.subf %add3A_248, %mul3A_245 : vector<16x50xf32>
    %div3A_250 = arith.divf %mul3A_245, %sub3A_249 : vector<16x50xf32>
    %gt3A_251 = arith.constant 5.000000e-01 : f32
    %gt3A_252 = vector.broadcast %gt3A_251 : f32 to vector<16x50xf32>
    %gt3A_253 = arith.cmpf ogt, %div3A_250, %gt3A_252 : vector<16x50xf32>
    %and3A_254 = arith.andi %gt3A_253, %not3A_41 : vector<16x50xi1>
    %mul3A_255 = arith.constant 3 : i32
    %mul3A_256 = vector.broadcast %mul3A_255 : i32 to vector<16x50xi32>
    %mul3A_257 = arith.muli %iota3A, %mul3A_256 : vector<16x50xi32>
    %add3A_258 = arith.constant 1 : i32
    %add3A_259 = vector.broadcast %add3A_258 : i32 to vector<16x50xi32>
    %add3A_260 = arith.addi %mul3A_257, %add3A_259 : vector<16x50xi32>
    %mul3A_261 = arith.constant 64 : i32
    %mul3A_262 = vector.broadcast %mul3A_261 : i32 to vector<16x50xi32>
    %mul3A_263 = arith.muli %add3A_260, %mul3A_262 : vector<16x50xi32>
    %add3A_264 = arith.addi %mul3A_263, %convert_element_type3A_57 : vector<16x50xi32>
    %mul3A_265 = arith.constant 64 : i32
    %mul3A_266 = vector.broadcast %mul3A_265 : i32 to vector<16x50xi32>
    %mul3A_267 = arith.muli %add3A_264, %mul3A_266 : vector<16x50xi32>
    %add3A_268 = arith.addi %mul3A_267, %convert_element_type3A_56 : vector<16x50xi32>
    %broadcast_in_dim3A_269 = vector.shape_cast %add3A_268 : vector<16x50xi32> to vector<16x50x1xi32>
    %broadcast_in_dim3A_270 = vector.shape_cast %add3A_268 : vector<16x50xi32> to vector<16x1x50xi32>
    %eq3A_271 = vector.broadcast %broadcast_in_dim3A_269 : vector<16x50x1xi32> to vector<16x50x50xi32>
    %eq3A_272 = vector.broadcast %broadcast_in_dim3A_270 : vector<16x1x50xi32> to vector<16x50x50xi32>
    %eq3A_273 = arith.cmpi eq, %eq3A_271, %eq3A_272 : vector<16x50x50xi32>
    %broadcast_in_dim3A_274 = vector.shape_cast %and3A_254 : vector<16x50xi1> to vector<16x1x50xi1>
    %iota3A_275 = tpu.iota {dimensions = array<i32: 1>} : vector<16x50x50xi32>
    %iota3A_276 = tpu.iota {dimensions = array<i32: 2>} : vector<16x50x50xi32>
    %and3A_277 = vector.broadcast %broadcast_in_dim3A_274 : vector<16x1x50xi1> to vector<16x50x50xi1>
    %and3A_278 = arith.andi %eq3A_273, %and3A_277 : vector<16x50x50xi1>
    %lt3A_279 = arith.cmpi slt, %iota3A_276, %iota3A_275 : vector<16x50x50xi32>
    %and3A_280 = arith.andi %and3A_278, %lt3A_279 : vector<16x50x50xi1>
    %reduce_or3A_281 = arith.constant 1.000000e+00 : f32
    %reduce_or3A_282 = arith.constant 0.000000e+00 : f32
    %reduce_or3A_283 = vector.broadcast %reduce_or3A_281 : f32 to vector<16x50x50xf32>
    %reduce_or3A_284 = vector.broadcast %reduce_or3A_282 : f32 to vector<16x50x50xf32>
    %reduce_or3A_285 = arith.select %and3A_280, %reduce_or3A_283, %reduce_or3A_284 : vector<16x50x50xi1>, vector<16x50x50xf32>
    %reduce_or3A_286 = arith.constant dense<0xFF800000> : vector<16x50xf32>
    %reduce_or3A_287 = vector.multi_reduction <maximumf>, %reduce_or3A_285, %reduce_or3A_286 [2] : vector<16x50x50xf32> to vector<16x50xf32>
    %reduce_or3A_288 = arith.constant 0.000000e+00 : f32
    %reduce_or3A_289 = vector.broadcast %reduce_or3A_288 : f32 to vector<16x50xf32>
    %reduce_or3A_290 = arith.cmpf ogt, %reduce_or3A_287, %reduce_or3A_289 : vector<16x50xf32>
    %convert_element_type3A_291 = arith.extui %and3A_254 : vector<16x50xi1> to vector<16x50xi32>
    %convert_element_type3A_292 = arith.sitofp %convert_element_type3A_291 : vector<16x50xi32> to vector<16x50xf32>
    %swap3A_293 = arith.constant 1 : index
    %swap3A_294 = arith.constant 0 : index
    %swap3A_295 = arith.constant 0 : index
    %swap3A_296 = vector.load %arg3[%swap3A_293, %swap3A_294, %swap3A_295] : memref<9x16x50xf32, #tpu.memory_space<vmem>>, vector<1x16x50xf32>
    %swap3A_297 = vector.shape_cast %swap3A_296 : vector<1x16x50xf32> to vector<16x50xf32>
    %swap3A_298 = vector.shape_cast %convert_element_type3A_292 : vector<16x50xf32> to vector<1x16x50xf32>
    tpu.vector_store %arg3[%swap3A_293, %swap3A_294, %swap3A_295], %swap3A_298 {strides = array<i32>} : memref<9x16x50xf32, #tpu.memory_space<vmem>>, vector<1x16x50xf32>,
    %not3A_299 = arith.constant dense<true> : vector<16x50xi1>
    %not3A_300 = arith.xori %reduce_or3A_290, %not3A_299 : vector<16x50xi1>
    %and3A_301 = arith.andi %and3A_254, %not3A_300 : vector<16x50xi1>
    %convert_element_type3A_302 = arith.extui %and3A_301 : vector<16x50xi1> to vector<16x50xi32>
    %convert_element_type3A_303 = arith.sitofp %convert_element_type3A_302 : vector<16x50xi32> to vector<16x50xf32>
    %swap3A_304 = arith.constant 1 : index
    %swap3A_305 = arith.constant 0 : index
    %swap3A_306 = arith.constant 0 : index
    %swap3A_307 = vector.load %arg4[%swap3A_304, %swap3A_305, %swap3A_306] : memref<9x16x50xf32, #tpu.memory_space<vmem>>, vector<1x16x50xf32>
    %swap3A_308 = vector.shape_cast %swap3A_307 : vector<1x16x50xf32> to vector<16x50xf32>
    %swap3A_309 = vector.shape_cast %convert_element_type3A_303 : vector<16x50xf32> to vector<1x16x50xf32>
    tpu.vector_store %arg4[%swap3A_304, %swap3A_305, %swap3A_306], %swap3A_309 {strides = array<i32>} : memref<9x16x50xf32, #tpu.memory_space<vmem>>, vector<1x16x50xf32>,
    %get3A_310 = arith.constant 0 : index
    %get3A_311 = arith.constant 2 : index
    %get3A_312 = arith.constant 0 : index
    %get3A_313 = memref.load %arg1[%get3A_310, %get3A_311, %get3A_312] : memref<3x3x2xf32, #tpu.memory_space<smem>>
    %mul3A_314 = arith.mulf %get3A_313, %div3A_46 : f32
    %get3A_315 = arith.constant 0 : index
    %get3A_316 = arith.constant 2 : index
    %get3A_317 = arith.constant 1 : index
    %get3A_318 = memref.load %arg1[%get3A_315, %get3A_316, %get3A_317] : memref<3x3x2xf32, #tpu.memory_space<smem>>
    %mul3A_319 = arith.mulf %get3A_318, %div3A_46 : f32
    %mul3A_320 = arith.constant 5.000000e-01 : f32
    %mul3A_321 = arith.mulf %mul3A_314, %mul3A_320 : f32
    %sub3A_322 = arith.constant 5.000000e-01 : f32
    %sub3A_323 = arith.subf %sub3A_322, %mul3A_321 : f32
    %mul3A_324 = arith.constant 5.000000e-01 : f32
    %mul3A_325 = arith.mulf %mul3A_319, %mul3A_324 : f32
    %sub3A_326 = arith.constant 5.000000e-01 : f32
    %sub3A_327 = arith.subf %sub3A_326, %mul3A_325 : f32
    %mul3A_328 = arith.constant 5.000000e-01 : f32
    %mul3A_329 = arith.mulf %mul3A_314, %mul3A_328 : f32
    %add3A_330 = arith.constant 5.000000e-01 : f32
    %add3A_331 = arith.addf %add3A_330, %mul3A_329 : f32
    %mul3A_332 = arith.constant 5.000000e-01 : f32
    %mul3A_333 = arith.mulf %mul3A_319, %mul3A_332 : f32
    %add3A_334 = arith.constant 5.000000e-01 : f32
    %add3A_335 = arith.addf %add3A_334, %mul3A_333 : f32
    %max3A_336 = vector.broadcast %sub3A_323 : f32 to vector<16x50xf32>
    %max3A_337 = arith.maximumf %sub3A_89, %max3A_336 : vector<16x50xf32>
    %max3A_338 = vector.broadcast %sub3A_327 : f32 to vector<16x50xf32>
    %max3A_339 = arith.maximumf %sub3A_93, %max3A_338 : vector<16x50xf32>
    %min3A_340 = vector.broadcast %add3A_331 : f32 to vector<16x50xf32>
    %min3A_341 = arith.minimumf %add3A, %min3A_340 : vector<16x50xf32>
    %min3A_342 = vector.broadcast %add3A_335 : f32 to vector<16x50xf32>
    %min3A_343 = arith.minimumf %add3A_100, %min3A_342 : vector<16x50xf32>
    %lt3A_344 = arith.cmpf olt, %max3A_337, %min3A_341 : vector<16x50xf32>
    %lt3A_345 = arith.cmpf olt, %max3A_339, %min3A_343 : vector<16x50xf32>
    %and3A_346 = arith.andi %lt3A_344, %lt3A_345 : vector<16x50xi1>
    %convert_element_type3A_347 = arith.extui %and3A_346 : vector<16x50xi1> to vector<16x50xi32>
    %convert_element_type3A_348 = arith.sitofp %convert_element_type3A_347 : vector<16x50xi32> to vector<16x50xf32>
    %sub3A_349 = arith.subf %min3A_341, %max3A_337 : vector<16x50xf32>
    %sub3A_350 = arith.subf %min3A_343, %max3A_339 : vector<16x50xf32>
    %mul3A_351 = arith.mulf %sub3A_349, %sub3A_350 : vector<16x50xf32>
    %mul3A_352 = arith.mulf %mul3A_351, %convert_element_type3A_348 : vector<16x50xf32>
    %mul3A_353 = arith.mulf %mul3A_314, %mul3A_319 : f32
    %add3A_354 = vector.broadcast %mul3A_353 : f32 to vector<16x50xf32>
    %add3A_355 = arith.addf %mul3A_101, %add3A_354 : vector<16x50xf32>
    %sub3A_356 = arith.subf %add3A_355, %mul3A_352 : vector<16x50xf32>
    %div3A_357 = arith.divf %mul3A_352, %sub3A_356 : vector<16x50xf32>
    %gt3A_358 = arith.constant 5.000000e-01 : f32
    %gt3A_359 = vector.broadcast %gt3A_358 : f32 to vector<16x50xf32>
    %gt3A_360 = arith.cmpf ogt, %div3A_357, %gt3A_359 : vector<16x50xf32>
    %and3A_361 = arith.andi %gt3A_360, %not3A_41 : vector<16x50xi1>
    %mul3A_362 = arith.constant 3 : i32
    %mul3A_363 = vector.broadcast %mul3A_362 : i32 to vector<16x50xi32>
    %mul3A_364 = arith.muli %iota3A, %mul3A_363 : vector<16x50xi32>
    %add3A_365 = arith.constant 2 : i32
    %add3A_366 = vector.broadcast %add3A_365 : i32 to vector<16x50xi32>
    %add3A_367 = arith.addi %mul3A_364, %add3A_366 : vector<16x50xi32>
    %mul3A_368 = arith.constant 64 : i32
    %mul3A_369 = vector.broadcast %mul3A_368 : i32 to vector<16x50xi32>
    %mul3A_370 = arith.muli %add3A_367, %mul3A_369 : vector<16x50xi32>
    %add3A_371 = arith.addi %mul3A_370, %convert_element_type3A_57 : vector<16x50xi32>
    %mul3A_372 = arith.constant 64 : i32
    %mul3A_373 = vector.broadcast %mul3A_372 : i32 to vector<16x50xi32>
    %mul3A_374 = arith.muli %add3A_371, %mul3A_373 : vector<16x50xi32>
    %add3A_375 = arith.addi %mul3A_374, %convert_element_type3A_56 : vector<16x50xi32>
    %broadcast_in_dim3A_376 = vector.shape_cast %add3A_375 : vector<16x50xi32> to vector<16x50x1xi32>
    %broadcast_in_dim3A_377 = vector.shape_cast %add3A_375 : vector<16x50xi32> to vector<16x1x50xi32>
    %eq3A_378 = vector.broadcast %broadcast_in_dim3A_376 : vector<16x50x1xi32> to vector<16x50x50xi32>
    %eq3A_379 = vector.broadcast %broadcast_in_dim3A_377 : vector<16x1x50xi32> to vector<16x50x50xi32>
    %eq3A_380 = arith.cmpi eq, %eq3A_378, %eq3A_379 : vector<16x50x50xi32>
    %broadcast_in_dim3A_381 = vector.shape_cast %and3A_361 : vector<16x50xi1> to vector<16x1x50xi1>
    %iota3A_382 = tpu.iota {dimensions = array<i32: 1>} : vector<16x50x50xi32>
    %iota3A_383 = tpu.iota {dimensions = array<i32: 2>} : vector<16x50x50xi32>
    %and3A_384 = vector.broadcast %broadcast_in_dim3A_381 : vector<16x1x50xi1> to vector<16x50x50xi1>
    %and3A_385 = arith.andi %eq3A_380, %and3A_384 : vector<16x50x50xi1>
    %lt3A_386 = arith.cmpi slt, %iota3A_383, %iota3A_382 : vector<16x50x50xi32>
    %and3A_387 = arith.andi %and3A_385, %lt3A_386 : vector<16x50x50xi1>
    %reduce_or3A_388 = arith.constant 1.000000e+00 : f32
    %reduce_or3A_389 = arith.constant 0.000000e+00 : f32
    %reduce_or3A_390 = vector.broadcast %reduce_or3A_388 : f32 to vector<16x50x50xf32>
    %reduce_or3A_391 = vector.broadcast %reduce_or3A_389 : f32 to vector<16x50x50xf32>
    %reduce_or3A_392 = arith.select %and3A_387, %reduce_or3A_390, %reduce_or3A_391 : vector<16x50x50xi1>, vector<16x50x50xf32>
    %reduce_or3A_393 = arith.constant dense<0xFF800000> : vector<16x50xf32>
    %reduce_or3A_394 = vector.multi_reduction <maximumf>, %reduce_or3A_392, %reduce_or3A_393 [2] : vector<16x50x50xf32> to vector<16x50xf32>
    %reduce_or3A_395 = arith.constant 0.000000e+00 : f32
    %reduce_or3A_396 = vector.broadcast %reduce_or3A_395 : f32 to vector<16x50xf32>
    %reduce_or3A_397 = arith.cmpf ogt, %reduce_or3A_394, %reduce_or3A_396 : vector<16x50xf32>
    %convert_element_type3A_398 = arith.extui %and3A_361 : vector<16x50xi1> to vector<16x50xi32>
    %convert_element_type3A_399 = arith.sitofp %convert_element_type3A_398 : vector<16x50xi32> to vector<16x50xf32>
    %swap3A_400 = arith.constant 2 : index
    %swap3A_401 = arith.constant 0 : index
    %swap3A_402 = arith.constant 0 : index
    %swap3A_403 = vector.load %arg3[%swap3A_400, %swap3A_401, %swap3A_402] : memref<9x16x50xf32, #tpu.memory_space<vmem>>, vector<1x16x50xf32>
    %swap3A_404 = vector.shape_cast %swap3A_403 : vector<1x16x50xf32> to vector<16x50xf32>
    %swap3A_405 = vector.shape_cast %convert_element_type3A_399 : vector<16x50xf32> to vector<1x16x50xf32>
    tpu.vector_store %arg3[%swap3A_400, %swap3A_401, %swap3A_402], %swap3A_405 {strides = array<i32>} : memref<9x16x50xf32, #tpu.memory_space<vmem>>, vector<1x16x50xf32>,
    %not3A_406 = arith.constant dense<true> : vector<16x50xi1>
    %not3A_407 = arith.xori %reduce_or3A_397, %not3A_406 : vector<16x50xi1>
    %and3A_408 = arith.andi %and3A_361, %not3A_407 : vector<16x50xi1>
    %convert_element_type3A_409 = arith.extui %and3A_408 : vector<16x50xi1> to vector<16x50xi32>
    %convert_element_type3A_410 = arith.sitofp %convert_element_type3A_409 : vector<16x50xi32> to vector<16x50xf32>
    %swap3A_411 = arith.constant 2 : index
    %swap3A_412 = arith.constant 0 : index
    %swap3A_413 = arith.constant 0 : index
    %swap3A_414 = vector.load %arg4[%swap3A_411, %swap3A_412, %swap3A_413] : memref<9x16x50xf32, #tpu.memory_space<vmem>>, vector<1x16x50xf32>
    %swap3A_415 = vector.shape_cast %swap3A_414 : vector<1x16x50xf32> to vector<16x50xf32>
    %swap3A_416 = vector.shape_cast %convert_element_type3A_410 : vector<16x50xf32> to vector<1x16x50xf32>
    tpu.vector_store %arg4[%swap3A_411, %swap3A_412, %swap3A_413], %swap3A_416 {strides = array<i32>} : memref<9x16x50xf32, #tpu.memory_space<vmem>>, vector<1x16x50xf32>,
    %get3A_417 = arith.constant 1 : index
    %get3A_418 = memref.load %arg2[%get3A_417] : memref<3xf32, #tpu.memory_space<smem>>
    %div3A_419 = arith.constant 1.000000e+00 : f32
    %div3A_420 = arith.divf %div3A_419, %get3A_418 : f32
    %mul3A_421 = vector.broadcast %div3A_420 : f32 to vector<16x50xf32>
    %mul3A_422 = arith.mulf %get3A_3, %mul3A_421 : vector<16x50xf32>
    %mul3A_423 = vector.broadcast %div3A_420 : f32 to vector<16x50xf32>
    %mul3A_424 = arith.mulf %get3A_8, %mul3A_423 : vector<16x50xf32>
    %mul3A_425 = vector.broadcast %div3A_420 : f32 to vector<16x50xf32>
    %mul3A_426 = arith.mulf %get3A_13, %mul3A_425 : vector<16x50xf32>
    %mul3A_427 = vector.broadcast %div3A_420 : f32 to vector<16x50xf32>
    %mul3A_428 = arith.mulf %get3A_18, %mul3A_427 : vector<16x50xf32>
    %floor3A_429 = math.floor %mul3A_422 : vector<16x50xf32>
    %floor3A_430 = math.floor %mul3A_424 : vector<16x50xf32>
    %sub3A_431 = arith.subf %mul3A_422, %floor3A_429 : vector<16x50xf32>
    %sub3A_432 = arith.subf %mul3A_424, %floor3A_430 : vector<16x50xf32>
    %convert_element_type3A_433 = arith.fptosi %floor3A_429 : vector<16x50xf32> to vector<16x50xi32>
    %convert_element_type3A_434 = arith.fptosi %floor3A_430 : vector<16x50xf32> to vector<16x50xi32>
    %swap3A_435 = arith.constant 1 : index
    %swap3A_436 = arith.constant 0 : index
    %swap3A_437 = arith.constant 0 : index
    %swap3A_438 = arith.constant 0 : index
    %swap3A_439 = vector.load %arg5[%swap3A_435, %swap3A_436, %swap3A_437, %swap3A_438] : memref<3x4x16x50xf32, #tpu.memory_space<vmem>>, vector<1x1x16x50xf32>
    %swap3A_440 = vector.shape_cast %swap3A_439 : vector<1x1x16x50xf32> to vector<16x50xf32>
    %swap3A_441 = vector.shape_cast %sub3A_431 : vector<16x50xf32> to vector<1x1x16x50xf32>
    tpu.vector_store %arg5[%swap3A_435, %swap3A_436, %swap3A_437, %swap3A_438], %swap3A_441 {strides = array<i32>} : memref<3x4x16x50xf32, #tpu.memory_space<vmem>>, vector<1x1x16x50xf32>,
    %swap3A_442 = arith.constant 1 : index
    %swap3A_443 = arith.constant 1 : index
    %swap3A_444 = arith.constant 0 : index
    %swap3A_445 = arith.constant 0 : index
    %swap3A_446 = vector.load %arg5[%swap3A_442, %swap3A_443, %swap3A_444, %swap3A_445] : memref<3x4x16x50xf32, #tpu.memory_space<vmem>>, vector<1x1x16x50xf32>
    %swap3A_447 = vector.shape_cast %swap3A_446 : vector<1x1x16x50xf32> to vector<16x50xf32>
    %swap3A_448 = vector.shape_cast %sub3A_432 : vector<16x50xf32> to vector<1x1x16x50xf32>
    tpu.vector_store %arg5[%swap3A_442, %swap3A_443, %swap3A_444, %swap3A_445], %swap3A_448 {strides = array<i32>} : memref<3x4x16x50xf32, #tpu.memory_space<vmem>>, vector<1x1x16x50xf32>,
    %swap3A_449 = arith.constant 1 : index
    %swap3A_450 = arith.constant 2 : index
    %swap3A_451 = arith.constant 0 : index
    %swap3A_452 = arith.constant 0 : index
    %swap3A_453 = vector.load %arg5[%swap3A_449, %swap3A_450, %swap3A_451, %swap3A_452] : memref<3x4x16x50xf32, #tpu.memory_space<vmem>>, vector<1x1x16x50xf32>
    %swap3A_454 = vector.shape_cast %swap3A_453 : vector<1x1x16x50xf32> to vector<16x50xf32>
    %swap3A_455 = vector.shape_cast %mul3A_426 : vector<16x50xf32> to vector<1x1x16x50xf32>
    tpu.vector_store %arg5[%swap3A_449, %swap3A_450, %swap3A_451, %swap3A_452], %swap3A_455 {strides = array<i32>} : memref<3x4x16x50xf32, #tpu.memory_space<vmem>>, vector<1x1x16x50xf32>,
    %swap3A_456 = arith.constant 1 : index
    %swap3A_457 = arith.constant 3 : index
    %swap3A_458 = arith.constant 0 : index
    %swap3A_459 = arith.constant 0 : index
    %swap3A_460 = vector.load %arg5[%swap3A_456, %swap3A_457, %swap3A_458, %swap3A_459] : memref<3x4x16x50xf32, #tpu.memory_space<vmem>>, vector<1x1x16x50xf32>
    %swap3A_461 = vector.shape_cast %swap3A_460 : vector<1x1x16x50xf32> to vector<16x50xf32>
    %swap3A_462 = vector.shape_cast %mul3A_428 : vector<16x50xf32> to vector<1x1x16x50xf32>
    tpu.vector_store %arg5[%swap3A_456, %swap3A_457, %swap3A_458, %swap3A_459], %swap3A_462 {strides = array<i32>} : memref<3x4x16x50xf32, #tpu.memory_space<vmem>>, vector<1x1x16x50xf32>,
    %mul3A_463 = arith.constant 5.000000e-01 : f32
    %mul3A_464 = vector.broadcast %mul3A_463 : f32 to vector<16x50xf32>
    %mul3A_465 = arith.mulf %mul3A_426, %mul3A_464 : vector<16x50xf32>
    %sub3A_466 = arith.subf %sub3A_431, %mul3A_465 : vector<16x50xf32>
    %mul3A_467 = arith.constant 5.000000e-01 : f32
    %mul3A_468 = vector.broadcast %mul3A_467 : f32 to vector<16x50xf32>
    %mul3A_469 = arith.mulf %mul3A_428, %mul3A_468 : vector<16x50xf32>
    %sub3A_470 = arith.subf %sub3A_432, %mul3A_469 : vector<16x50xf32>
    %mul3A_471 = arith.constant 5.000000e-01 : f32
    %mul3A_472 = vector.broadcast %mul3A_471 : f32 to vector<16x50xf32>
    %mul3A_473 = arith.mulf %mul3A_426, %mul3A_472 : vector<16x50xf32>
    %add3A_474 = arith.addf %sub3A_431, %mul3A_473 : vector<16x50xf32>
    %mul3A_475 = arith.constant 5.000000e-01 : f32
    %mul3A_476 = vector.broadcast %mul3A_475 : f32 to vector<16x50xf32>
    %mul3A_477 = arith.mulf %mul3A_428, %mul3A_476 : vector<16x50xf32>
    %add3A_478 = arith.addf %sub3A_432, %mul3A_477 : vector<16x50xf32>
    %mul3A_479 = arith.mulf %mul3A_426, %mul3A_428 : vector<16x50xf32>
    %get3A_480 = arith.constant 1 : index
    %get3A_481 = arith.constant 0 : index
    %get3A_482 = arith.constant 0 : index
    %get3A_483 = memref.load %arg1[%get3A_480, %get3A_481, %get3A_482] : memref<3x3x2xf32, #tpu.memory_space<smem>>
    %mul3A_484 = arith.mulf %get3A_483, %div3A_420 : f32
    %get3A_485 = arith.constant 1 : index
    %get3A_486 = arith.constant 0 : index
    %get3A_487 = arith.constant 1 : index
    %get3A_488 = memref.load %arg1[%get3A_485, %get3A_486, %get3A_487] : memref<3x3x2xf32, #tpu.memory_space<smem>>
    %mul3A_489 = arith.mulf %get3A_488, %div3A_420 : f32
    %mul3A_490 = arith.constant 5.000000e-01 : f32
    %mul3A_491 = arith.mulf %mul3A_484, %mul3A_490 : f32
    %sub3A_492 = arith.constant 5.000000e-01 : f32
    %sub3A_493 = arith.subf %sub3A_492, %mul3A_491 : f32
    %mul3A_494 = arith.constant 5.000000e-01 : f32
    %mul3A_495 = arith.mulf %mul3A_489, %mul3A_494 : f32
    %sub3A_496 = arith.constant 5.000000e-01 : f32
    %sub3A_497 = arith.subf %sub3A_496, %mul3A_495 : f32
    %mul3A_498 = arith.constant 5.000000e-01 : f32
    %mul3A_499 = arith.mulf %mul3A_484, %mul3A_498 : f32
    %add3A_500 = arith.constant 5.000000e-01 : f32
    %add3A_501 = arith.addf %add3A_500, %mul3A_499 : f32
    %mul3A_502 = arith.constant 5.000000e-01 : f32
    %mul3A_503 = arith.mulf %mul3A_489, %mul3A_502 : f32
    %add3A_504 = arith.constant 5.000000e-01 : f32
    %add3A_505 = arith.addf %add3A_504, %mul3A_503 : f32
    %max3A_506 = vector.broadcast %sub3A_493 : f32 to vector<16x50xf32>
    %max3A_507 = arith.maximumf %sub3A_466, %max3A_506 : vector<16x50xf32>
    %max3A_508 = vector.broadcast %sub3A_497 : f32 to vector<16x50xf32>
    %max3A_509 = arith.maximumf %sub3A_470, %max3A_508 : vector<16x50xf32>
    %min3A_510 = vector.broadcast %add3A_501 : f32 to vector<16x50xf32>
    %min3A_511 = arith.minimumf %add3A_474, %min3A_510 : vector<16x50xf32>
    %min3A_512 = vector.broadcast %add3A_505 : f32 to vector<16x50xf32>
    %min3A_513 = arith.minimumf %add3A_478, %min3A_512 : vector<16x50xf32>
    %lt3A_514 = arith.cmpf olt, %max3A_507, %min3A_511 : vector<16x50xf32>
    %lt3A_515 = arith.cmpf olt, %max3A_509, %min3A_513 : vector<16x50xf32>
    %and3A_516 = arith.andi %lt3A_514, %lt3A_515 : vector<16x50xi1>
    %convert_element_type3A_517 = arith.extui %and3A_516 : vector<16x50xi1> to vector<16x50xi32>
    %convert_element_type3A_518 = arith.sitofp %convert_element_type3A_517 : vector<16x50xi32> to vector<16x50xf32>
    %sub3A_519 = arith.subf %min3A_511, %max3A_507 : vector<16x50xf32>
    %sub3A_520 = arith.subf %min3A_513, %max3A_509 : vector<16x50xf32>
    %mul3A_521 = arith.mulf %sub3A_519, %sub3A_520 : vector<16x50xf32>
    %mul3A_522 = arith.mulf %mul3A_521, %convert_element_type3A_518 : vector<16x50xf32>
    %mul3A_523 = arith.mulf %mul3A_484, %mul3A_489 : f32
    %add3A_524 = vector.broadcast %mul3A_523 : f32 to vector<16x50xf32>
    %add3A_525 = arith.addf %mul3A_479, %add3A_524 : vector<16x50xf32>
    %sub3A_526 = arith.subf %add3A_525, %mul3A_522 : vector<16x50xf32>
    %div3A_527 = arith.divf %mul3A_522, %sub3A_526 : vector<16x50xf32>
    %gt3A_528 = arith.constant 5.000000e-01 : f32
    %gt3A_529 = vector.broadcast %gt3A_528 : f32 to vector<16x50xf32>
    %gt3A_530 = arith.cmpf ogt, %div3A_527, %gt3A_529 : vector<16x50xf32>
    %and3A_531 = arith.andi %gt3A_530, %not3A_41 : vector<16x50xi1>
    %mul3A_532 = arith.constant 3 : i32
    %mul3A_533 = vector.broadcast %mul3A_532 : i32 to vector<16x50xi32>
    %mul3A_534 = arith.muli %iota3A, %mul3A_533 : vector<16x50xi32>
    %add3A_535 = arith.constant 0 : i32
    %add3A_536 = vector.broadcast %add3A_535 : i32 to vector<16x50xi32>
    %add3A_537 = arith.addi %mul3A_534, %add3A_536 : vector<16x50xi32>
    %mul3A_538 = arith.constant 32 : i32
    %mul3A_539 = vector.broadcast %mul3A_538 : i32 to vector<16x50xi32>
    %mul3A_540 = arith.muli %add3A_537, %mul3A_539 : vector<16x50xi32>
    %add3A_541 = arith.addi %mul3A_540, %convert_element_type3A_434 : vector<16x50xi32>
    %mul3A_542 = arith.constant 32 : i32
    %mul3A_543 = vector.broadcast %mul3A_542 : i32 to vector<16x50xi32>
    %mul3A_544 = arith.muli %add3A_541, %mul3A_543 : vector<16x50xi32>
    %add3A_545 = arith.addi %mul3A_544, %convert_element_type3A_433 : vector<16x50xi32>
    %broadcast_in_dim3A_546 = vector.shape_cast %add3A_545 : vector<16x50xi32> to vector<16x50x1xi32>
    %broadcast_in_dim3A_547 = vector.shape_cast %add3A_545 : vector<16x50xi32> to vector<16x1x50xi32>
    %eq3A_548 = vector.broadcast %broadcast_in_dim3A_546 : vector<16x50x1xi32> to vector<16x50x50xi32>
    %eq3A_549 = vector.broadcast %broadcast_in_dim3A_547 : vector<16x1x50xi32> to vector<16x50x50xi32>
    %eq3A_550 = arith.cmpi eq, %eq3A_548, %eq3A_549 : vector<16x50x50xi32>
    %broadcast_in_dim3A_551 = vector.shape_cast %and3A_531 : vector<16x50xi1> to vector<16x1x50xi1>
    %iota3A_552 = tpu.iota {dimensions = array<i32: 1>} : vector<16x50x50xi32>
    %iota3A_553 = tpu.iota {dimensions = array<i32: 2>} : vector<16x50x50xi32>
    %and3A_554 = vector.broadcast %broadcast_in_dim3A_551 : vector<16x1x50xi1> to vector<16x50x50xi1>
    %and3A_555 = arith.andi %eq3A_550, %and3A_554 : vector<16x50x50xi1>
    %lt3A_556 = arith.cmpi slt, %iota3A_553, %iota3A_552 : vector<16x50x50xi32>
    %and3A_557 = arith.andi %and3A_555, %lt3A_556 : vector<16x50x50xi1>
    %reduce_or3A_558 = arith.constant 1.000000e+00 : f32
    %reduce_or3A_559 = arith.constant 0.000000e+00 : f32
    %reduce_or3A_560 = vector.broadcast %reduce_or3A_558 : f32 to vector<16x50x50xf32>
    %reduce_or3A_561 = vector.broadcast %reduce_or3A_559 : f32 to vector<16x50x50xf32>
    %reduce_or3A_562 = arith.select %and3A_557, %reduce_or3A_560, %reduce_or3A_561 : vector<16x50x50xi1>, vector<16x50x50xf32>
    %reduce_or3A_563 = arith.constant dense<0xFF800000> : vector<16x50xf32>
    %reduce_or3A_564 = vector.multi_reduction <maximumf>, %reduce_or3A_562, %reduce_or3A_563 [2] : vector<16x50x50xf32> to vector<16x50xf32>
    %reduce_or3A_565 = arith.constant 0.000000e+00 : f32
    %reduce_or3A_566 = vector.broadcast %reduce_or3A_565 : f32 to vector<16x50xf32>
    %reduce_or3A_567 = arith.cmpf ogt, %reduce_or3A_564, %reduce_or3A_566 : vector<16x50xf32>
    %convert_element_type3A_568 = arith.extui %and3A_531 : vector<16x50xi1> to vector<16x50xi32>
    %convert_element_type3A_569 = arith.sitofp %convert_element_type3A_568 : vector<16x50xi32> to vector<16x50xf32>
    %swap3A_570 = arith.constant 3 : index
    %swap3A_571 = arith.constant 0 : index
    %swap3A_572 = arith.constant 0 : index
    %swap3A_573 = vector.load %arg3[%swap3A_570, %swap3A_571, %swap3A_572] : memref<9x16x50xf32, #tpu.memory_space<vmem>>, vector<1x16x50xf32>
    %swap3A_574 = vector.shape_cast %swap3A_573 : vector<1x16x50xf32> to vector<16x50xf32>
    %swap3A_575 = vector.shape_cast %convert_element_type3A_569 : vector<16x50xf32> to vector<1x16x50xf32>
    tpu.vector_store %arg3[%swap3A_570, %swap3A_571, %swap3A_572], %swap3A_575 {strides = array<i32>} : memref<9x16x50xf32, #tpu.memory_space<vmem>>, vector<1x16x50xf32>,
    %not3A_576 = arith.constant dense<true> : vector<16x50xi1>
    %not3A_577 = arith.xori %reduce_or3A_567, %not3A_576 : vector<16x50xi1>
    %and3A_578 = arith.andi %and3A_531, %not3A_577 : vector<16x50xi1>
    %convert_element_type3A_579 = arith.extui %and3A_578 : vector<16x50xi1> to vector<16x50xi32>
    %convert_element_type3A_580 = arith.sitofp %convert_element_type3A_579 : vector<16x50xi32> to vector<16x50xf32>
    %swap3A_581 = arith.constant 3 : index
    %swap3A_582 = arith.constant 0 : index
    %swap3A_583 = arith.constant 0 : index
    %swap3A_584 = vector.load %arg4[%swap3A_581, %swap3A_582, %swap3A_583] : memref<9x16x50xf32, #tpu.memory_space<vmem>>, vector<1x16x50xf32>
    %swap3A_585 = vector.shape_cast %swap3A_584 : vector<1x16x50xf32> to vector<16x50xf32>
    %swap3A_586 = vector.shape_cast %convert_element_type3A_580 : vector<16x50xf32> to vector<1x16x50xf32>
    tpu.vector_store %arg4[%swap3A_581, %swap3A_582, %swap3A_583], %swap3A_586 {strides = array<i32>} : memref<9x16x50xf32, #tpu.memory_space<vmem>>, vector<1x16x50xf32>,
    %get3A_587 = arith.constant 1 : index
    %get3A_588 = arith.constant 1 : index
    %get3A_589 = arith.constant 0 : index
    %get3A_590 = memref.load %arg1[%get3A_587, %get3A_588, %get3A_589] : memref<3x3x2xf32, #tpu.memory_space<smem>>
    %mul3A_591 = arith.mulf %get3A_590, %div3A_420 : f32
    %get3A_592 = arith.constant 1 : index
    %get3A_593 = arith.constant 1 : index
    %get3A_594 = arith.constant 1 : index
    %get3A_595 = memref.load %arg1[%get3A_592, %get3A_593, %get3A_594] : memref<3x3x2xf32, #tpu.memory_space<smem>>
    %mul3A_596 = arith.mulf %get3A_595, %div3A_420 : f32
    %mul3A_597 = arith.constant 5.000000e-01 : f32
    %mul3A_598 = arith.mulf %mul3A_591, %mul3A_597 : f32
    %sub3A_599 = arith.constant 5.000000e-01 : f32
    %sub3A_600 = arith.subf %sub3A_599, %mul3A_598 : f32
    %mul3A_601 = arith.constant 5.000000e-01 : f32
    %mul3A_602 = arith.mulf %mul3A_596, %mul3A_601 : f32
    %sub3A_603 = arith.constant 5.000000e-01 : f32
    %sub3A_604 = arith.subf %sub3A_603, %mul3A_602 : f32
    %mul3A_605 = arith.constant 5.000000e-01 : f32
    %mul3A_606 = arith.mulf %mul3A_591, %mul3A_605 : f32
    %add3A_607 = arith.constant 5.000000e-01 : f32
    %add3A_608 = arith.addf %add3A_607, %mul3A_606 : f32
    %mul3A_609 = arith.constant 5.000000e-01 : f32
    %mul3A_610 = arith.mulf %mul3A_596, %mul3A_609 : f32
    %add3A_611 = arith.constant 5.000000e-01 : f32
    %add3A_612 = arith.addf %add3A_611, %mul3A_610 : f32
    %max3A_613 = vector.broadcast %sub3A_600 : f32 to vector<16x50xf32>
    %max3A_614 = arith.maximumf %sub3A_466, %max3A_613 : vector<16x50xf32>
    %max3A_615 = vector.broadcast %sub3A_604 : f32 to vector<16x50xf32>
    %max3A_616 = arith.maximumf %sub3A_470, %max3A_615 : vector<16x50xf32>
    %min3A_617 = vector.broadcast %add3A_608 : f32 to vector<16x50xf32>
    %min3A_618 = arith.minimumf %add3A_474, %min3A_617 : vector<16x50xf32>
    %min3A_619 = vector.broadcast %add3A_612 : f32 to vector<16x50xf32>
    %min3A_620 = arith.minimumf %add3A_478, %min3A_619 : vector<16x50xf32>
    %lt3A_621 = arith.cmpf olt, %max3A_614, %min3A_618 : vector<16x50xf32>
    %lt3A_622 = arith.cmpf olt, %max3A_616, %min3A_620 : vector<16x50xf32>
    %and3A_623 = arith.andi %lt3A_621, %lt3A_622 : vector<16x50xi1>
    %convert_element_type3A_624 = arith.extui %and3A_623 : vector<16x50xi1> to vector<16x50xi32>
    %convert_element_type3A_625 = arith.sitofp %convert_element_type3A_624 : vector<16x50xi32> to vector<16x50xf32>
    %sub3A_626 = arith.subf %min3A_618, %max3A_614 : vector<16x50xf32>
    %sub3A_627 = arith.subf %min3A_620, %max3A_616 : vector<16x50xf32>
    %mul3A_628 = arith.mulf %sub3A_626, %sub3A_627 : vector<16x50xf32>
    %mul3A_629 = arith.mulf %mul3A_628, %convert_element_type3A_625 : vector<16x50xf32>
    %mul3A_630 = arith.mulf %mul3A_591, %mul3A_596 : f32
    %add3A_631 = vector.broadcast %mul3A_630 : f32 to vector<16x50xf32>
    %add3A_632 = arith.addf %mul3A_479, %add3A_631 : vector<16x50xf32>
    %sub3A_633 = arith.subf %add3A_632, %mul3A_629 : vector<16x50xf32>
    %div3A_634 = arith.divf %mul3A_629, %sub3A_633 : vector<16x50xf32>
    %gt3A_635 = arith.constant 5.000000e-01 : f32
    %gt3A_636 = vector.broadcast %gt3A_635 : f32 to vector<16x50xf32>
    %gt3A_637 = arith.cmpf ogt, %div3A_634, %gt3A_636 : vector<16x50xf32>
    %and3A_638 = arith.andi %gt3A_637, %not3A_41 : vector<16x50xi1>
    %mul3A_639 = arith.constant 3 : i32
    %mul3A_640 = vector.broadcast %mul3A_639 : i32 to vector<16x50xi32>
    %mul3A_641 = arith.muli %iota3A, %mul3A_640 : vector<16x50xi32>
    %add3A_642 = arith.constant 1 : i32
    %add3A_643 = vector.broadcast %add3A_642 : i32 to vector<16x50xi32>
    %add3A_644 = arith.addi %mul3A_641, %add3A_643 : vector<16x50xi32>
    %mul3A_645 = arith.constant 32 : i32
    %mul3A_646 = vector.broadcast %mul3A_645 : i32 to vector<16x50xi32>
    %mul3A_647 = arith.muli %add3A_644, %mul3A_646 : vector<16x50xi32>
    %add3A_648 = arith.addi %mul3A_647, %convert_element_type3A_434 : vector<16x50xi32>
    %mul3A_649 = arith.constant 32 : i32
    %mul3A_650 = vector.broadcast %mul3A_649 : i32 to vector<16x50xi32>
    %mul3A_651 = arith.muli %add3A_648, %mul3A_650 : vector<16x50xi32>
    %add3A_652 = arith.addi %mul3A_651, %convert_element_type3A_433 : vector<16x50xi32>
    %broadcast_in_dim3A_653 = vector.shape_cast %add3A_652 : vector<16x50xi32> to vector<16x50x1xi32>
    %broadcast_in_dim3A_654 = vector.shape_cast %add3A_652 : vector<16x50xi32> to vector<16x1x50xi32>
    %eq3A_655 = vector.broadcast %broadcast_in_dim3A_653 : vector<16x50x1xi32> to vector<16x50x50xi32>
    %eq3A_656 = vector.broadcast %broadcast_in_dim3A_654 : vector<16x1x50xi32> to vector<16x50x50xi32>
    %eq3A_657 = arith.cmpi eq, %eq3A_655, %eq3A_656 : vector<16x50x50xi32>
    %broadcast_in_dim3A_658 = vector.shape_cast %and3A_638 : vector<16x50xi1> to vector<16x1x50xi1>
    %iota3A_659 = tpu.iota {dimensions = array<i32: 1>} : vector<16x50x50xi32>
    %iota3A_660 = tpu.iota {dimensions = array<i32: 2>} : vector<16x50x50xi32>
    %and3A_661 = vector.broadcast %broadcast_in_dim3A_658 : vector<16x1x50xi1> to vector<16x50x50xi1>
    %and3A_662 = arith.andi %eq3A_657, %and3A_661 : vector<16x50x50xi1>
    %lt3A_663 = arith.cmpi slt, %iota3A_660, %iota3A_659 : vector<16x50x50xi32>
    %and3A_664 = arith.andi %and3A_662, %lt3A_663 : vector<16x50x50xi1>
    %reduce_or3A_665 = arith.constant 1.000000e+00 : f32
    %reduce_or3A_666 = arith.constant 0.000000e+00 : f32
    %reduce_or3A_667 = vector.broadcast %reduce_or3A_665 : f32 to vector<16x50x50xf32>
    %reduce_or3A_668 = vector.broadcast %reduce_or3A_666 : f32 to vector<16x50x50xf32>
    %reduce_or3A_669 = arith.select %and3A_664, %reduce_or3A_667, %reduce_or3A_668 : vector<16x50x50xi1>, vector<16x50x50xf32>
    %reduce_or3A_670 = arith.constant dense<0xFF800000> : vector<16x50xf32>
    %reduce_or3A_671 = vector.multi_reduction <maximumf>, %reduce_or3A_669, %reduce_or3A_670 [2] : vector<16x50x50xf32> to vector<16x50xf32>
    %reduce_or3A_672 = arith.constant 0.000000e+00 : f32
    %reduce_or3A_673 = vector.broadcast %reduce_or3A_672 : f32 to vector<16x50xf32>
    %reduce_or3A_674 = arith.cmpf ogt, %reduce_or3A_671, %reduce_or3A_673 : vector<16x50xf32>
    %convert_element_type3A_675 = arith.extui %and3A_638 : vector<16x50xi1> to vector<16x50xi32>
    %convert_element_type3A_676 = arith.sitofp %convert_element_type3A_675 : vector<16x50xi32> to vector<16x50xf32>
    %swap3A_677 = arith.constant 4 : index
    %swap3A_678 = arith.constant 0 : index
    %swap3A_679 = arith.constant 0 : index
    %swap3A_680 = vector.load %arg3[%swap3A_677, %swap3A_678, %swap3A_679] : memref<9x16x50xf32, #tpu.memory_space<vmem>>, vector<1x16x50xf32>
    %swap3A_681 = vector.shape_cast %swap3A_680 : vector<1x16x50xf32> to vector<16x50xf32>
    %swap3A_682 = vector.shape_cast %convert_element_type3A_676 : vector<16x50xf32> to vector<1x16x50xf32>
    tpu.vector_store %arg3[%swap3A_677, %swap3A_678, %swap3A_679], %swap3A_682 {strides = array<i32>} : memref<9x16x50xf32, #tpu.memory_space<vmem>>, vector<1x16x50xf32>,
    %not3A_683 = arith.constant dense<true> : vector<16x50xi1>
    %not3A_684 = arith.xori %reduce_or3A_674, %not3A_683 : vector<16x50xi1>
    %and3A_685 = arith.andi %and3A_638, %not3A_684 : vector<16x50xi1>
    %convert_element_type3A_686 = arith.extui %and3A_685 : vector<16x50xi1> to vector<16x50xi32>
    %convert_element_type3A_687 = arith.sitofp %convert_element_type3A_686 : vector<16x50xi32> to vector<16x50xf32>
    %swap3A_688 = arith.constant 4 : index
    %swap3A_689 = arith.constant 0 : index
    %swap3A_690 = arith.constant 0 : index
    %swap3A_691 = vector.load %arg4[%swap3A_688, %swap3A_689, %swap3A_690] : memref<9x16x50xf32, #tpu.memory_space<vmem>>, vector<1x16x50xf32>
    %swap3A_692 = vector.shape_cast %swap3A_691 : vector<1x16x50xf32> to vector<16x50xf32>
    %swap3A_693 = vector.shape_cast %convert_element_type3A_687 : vector<16x50xf32> to vector<1x16x50xf32>
    tpu.vector_store %arg4[%swap3A_688, %swap3A_689, %swap3A_690], %swap3A_693 {strides = array<i32>} : memref<9x16x50xf32, #tpu.memory_space<vmem>>, vector<1x16x50xf32>,
    %get3A_694 = arith.constant 1 : index
    %get3A_695 = arith.constant 2 : index
    %get3A_696 = arith.constant 0 : index
    %get3A_697 = memref.load %arg1[%get3A_694, %get3A_695, %get3A_696] : memref<3x3x2xf32, #tpu.memory_space<smem>>
    %mul3A_698 = arith.mulf %get3A_697, %div3A_420 : f32
    %get3A_699 = arith.constant 1 : index
    %get3A_700 = arith.constant 2 : index
    %get3A_701 = arith.constant 1 : index
    %get3A_702 = memref.load %arg1[%get3A_699, %get3A_700, %get3A_701] : memref<3x3x2xf32, #tpu.memory_space<smem>>
    %mul3A_703 = arith.mulf %get3A_702, %div3A_420 : f32
    %mul3A_704 = arith.constant 5.000000e-01 : f32
    %mul3A_705 = arith.mulf %mul3A_698, %mul3A_704 : f32
    %sub3A_706 = arith.constant 5.000000e-01 : f32
    %sub3A_707 = arith.subf %sub3A_706, %mul3A_705 : f32
    %mul3A_708 = arith.constant 5.000000e-01 : f32
    %mul3A_709 = arith.mulf %mul3A_703, %mul3A_708 : f32
    %sub3A_710 = arith.constant 5.000000e-01 : f32
    %sub3A_711 = arith.subf %sub3A_710, %mul3A_709 : f32
    %mul3A_712 = arith.constant 5.000000e-01 : f32
    %mul3A_713 = arith.mulf %mul3A_698, %mul3A_712 : f32
    %add3A_714 = arith.constant 5.000000e-01 : f32
    %add3A_715 = arith.addf %add3A_714, %mul3A_713 : f32
    %mul3A_716 = arith.constant 5.000000e-01 : f32
    %mul3A_717 = arith.mulf %mul3A_703, %mul3A_716 : f32
    %add3A_718 = arith.constant 5.000000e-01 : f32
    %add3A_719 = arith.addf %add3A_718, %mul3A_717 : f32
    %max3A_720 = vector.broadcast %sub3A_707 : f32 to vector<16x50xf32>
    %max3A_721 = arith.maximumf %sub3A_466, %max3A_720 : vector<16x50xf32>
    %max3A_722 = vector.broadcast %sub3A_711 : f32 to vector<16x50xf32>
    %max3A_723 = arith.maximumf %sub3A_470, %max3A_722 : vector<16x50xf32>
    %min3A_724 = vector.broadcast %add3A_715 : f32 to vector<16x50xf32>
    %min3A_725 = arith.minimumf %add3A_474, %min3A_724 : vector<16x50xf32>
    %min3A_726 = vector.broadcast %add3A_719 : f32 to vector<16x50xf32>
    %min3A_727 = arith.minimumf %add3A_478, %min3A_726 : vector<16x50xf32>
    %lt3A_728 = arith.cmpf olt, %max3A_721, %min3A_725 : vector<16x50xf32>
    %lt3A_729 = arith.cmpf olt, %max3A_723, %min3A_727 : vector<16x50xf32>
    %and3A_730 = arith.andi %lt3A_728, %lt3A_729 : vector<16x50xi1>
    %convert_element_type3A_731 = arith.extui %and3A_730 : vector<16x50xi1> to vector<16x50xi32>
    %convert_element_type3A_732 = arith.sitofp %convert_element_type3A_731 : vector<16x50xi32> to vector<16x50xf32>
    %sub3A_733 = arith.subf %min3A_725, %max3A_721 : vector<16x50xf32>
    %sub3A_734 = arith.subf %min3A_727, %max3A_723 : vector<16x50xf32>
    %mul3A_735 = arith.mulf %sub3A_733, %sub3A_734 : vector<16x50xf32>
    %mul3A_736 = arith.mulf %mul3A_735, %convert_element_type3A_732 : vector<16x50xf32>
    %mul3A_737 = arith.mulf %mul3A_698, %mul3A_703 : f32
    %add3A_738 = vector.broadcast %mul3A_737 : f32 to vector<16x50xf32>
    %add3A_739 = arith.addf %mul3A_479, %add3A_738 : vector<16x50xf32>
    %sub3A_740 = arith.subf %add3A_739, %mul3A_736 : vector<16x50xf32>
    %div3A_741 = arith.divf %mul3A_736, %sub3A_740 : vector<16x50xf32>
    %gt3A_742 = arith.constant 5.000000e-01 : f32
    %gt3A_743 = vector.broadcast %gt3A_742 : f32 to vector<16x50xf32>
    %gt3A_744 = arith.cmpf ogt, %div3A_741, %gt3A_743 : vector<16x50xf32>
    %and3A_745 = arith.andi %gt3A_744, %not3A_41 : vector<16x50xi1>
    %mul3A_746 = arith.constant 3 : i32
    %mul3A_747 = vector.broadcast %mul3A_746 : i32 to vector<16x50xi32>
    %mul3A_748 = arith.muli %iota3A, %mul3A_747 : vector<16x50xi32>
    %add3A_749 = arith.constant 2 : i32
    %add3A_750 = vector.broadcast %add3A_749 : i32 to vector<16x50xi32>
    %add3A_751 = arith.addi %mul3A_748, %add3A_750 : vector<16x50xi32>
    %mul3A_752 = arith.constant 32 : i32
    %mul3A_753 = vector.broadcast %mul3A_752 : i32 to vector<16x50xi32>
    %mul3A_754 = arith.muli %add3A_751, %mul3A_753 : vector<16x50xi32>
    %add3A_755 = arith.addi %mul3A_754, %convert_element_type3A_434 : vector<16x50xi32>
    %mul3A_756 = arith.constant 32 : i32
    %mul3A_757 = vector.broadcast %mul3A_756 : i32 to vector<16x50xi32>
    %mul3A_758 = arith.muli %add3A_755, %mul3A_757 : vector<16x50xi32>
    %add3A_759 = arith.addi %mul3A_758, %convert_element_type3A_433 : vector<16x50xi32>
    %broadcast_in_dim3A_760 = vector.shape_cast %add3A_759 : vector<16x50xi32> to vector<16x50x1xi32>
    %broadcast_in_dim3A_761 = vector.shape_cast %add3A_759 : vector<16x50xi32> to vector<16x1x50xi32>
    %eq3A_762 = vector.broadcast %broadcast_in_dim3A_760 : vector<16x50x1xi32> to vector<16x50x50xi32>
    %eq3A_763 = vector.broadcast %broadcast_in_dim3A_761 : vector<16x1x50xi32> to vector<16x50x50xi32>
    %eq3A_764 = arith.cmpi eq, %eq3A_762, %eq3A_763 : vector<16x50x50xi32>
    %broadcast_in_dim3A_765 = vector.shape_cast %and3A_745 : vector<16x50xi1> to vector<16x1x50xi1>
    %iota3A_766 = tpu.iota {dimensions = array<i32: 1>} : vector<16x50x50xi32>
    %iota3A_767 = tpu.iota {dimensions = array<i32: 2>} : vector<16x50x50xi32>
    %and3A_768 = vector.broadcast %broadcast_in_dim3A_765 : vector<16x1x50xi1> to vector<16x50x50xi1>
    %and3A_769 = arith.andi %eq3A_764, %and3A_768 : vector<16x50x50xi1>
    %lt3A_770 = arith.cmpi slt, %iota3A_767, %iota3A_766 : vector<16x50x50xi32>
    %and3A_771 = arith.andi %and3A_769, %lt3A_770 : vector<16x50x50xi1>
    %reduce_or3A_772 = arith.constant 1.000000e+00 : f32
    %reduce_or3A_773 = arith.constant 0.000000e+00 : f32
    %reduce_or3A_774 = vector.broadcast %reduce_or3A_772 : f32 to vector<16x50x50xf32>
    %reduce_or3A_775 = vector.broadcast %reduce_or3A_773 : f32 to vector<16x50x50xf32>
    %reduce_or3A_776 = arith.select %and3A_771, %reduce_or3A_774, %reduce_or3A_775 : vector<16x50x50xi1>, vector<16x50x50xf32>
    %reduce_or3A_777 = arith.constant dense<0xFF800000> : vector<16x50xf32>
    %reduce_or3A_778 = vector.multi_reduction <maximumf>, %reduce_or3A_776, %reduce_or3A_777 [2] : vector<16x50x50xf32> to vector<16x50xf32>
    %reduce_or3A_779 = arith.constant 0.000000e+00 : f32
    %reduce_or3A_780 = vector.broadcast %reduce_or3A_779 : f32 to vector<16x50xf32>
    %reduce_or3A_781 = arith.cmpf ogt, %reduce_or3A_778, %reduce_or3A_780 : vector<16x50xf32>
    %convert_element_type3A_782 = arith.extui %and3A_745 : vector<16x50xi1> to vector<16x50xi32>
    %convert_element_type3A_783 = arith.sitofp %convert_element_type3A_782 : vector<16x50xi32> to vector<16x50xf32>
    %swap3A_784 = arith.constant 5 : index
    %swap3A_785 = arith.constant 0 : index
    %swap3A_786 = arith.constant 0 : index
    %swap3A_787 = vector.load %arg3[%swap3A_784, %swap3A_785, %swap3A_786] : memref<9x16x50xf32, #tpu.memory_space<vmem>>, vector<1x16x50xf32>
    %swap3A_788 = vector.shape_cast %swap3A_787 : vector<1x16x50xf32> to vector<16x50xf32>
    %swap3A_789 = vector.shape_cast %convert_element_type3A_783 : vector<16x50xf32> to vector<1x16x50xf32>
    tpu.vector_store %arg3[%swap3A_784, %swap3A_785, %swap3A_786], %swap3A_789 {strides = array<i32>} : memref<9x16x50xf32, #tpu.memory_space<vmem>>, vector<1x16x50xf32>,
    %not3A_790 = arith.constant dense<true> : vector<16x50xi1>
    %not3A_791 = arith.xori %reduce_or3A_781, %not3A_790 : vector<16x50xi1>
    %and3A_792 = arith.andi %and3A_745, %not3A_791 : vector<16x50xi1>
    %convert_element_type3A_793 = arith.extui %and3A_792 : vector<16x50xi1> to vector<16x50xi32>
    %convert_element_type3A_794 = arith.sitofp %convert_element_type3A_793 : vector<16x50xi32> to vector<16x50xf32>
    %swap3A_795 = arith.constant 5 : index
    %swap3A_796 = arith.constant 0 : index
    %swap3A_797 = arith.constant 0 : index
    %swap3A_798 = vector.load %arg4[%swap3A_795, %swap3A_796, %swap3A_797] : memref<9x16x50xf32, #tpu.memory_space<vmem>>, vector<1x16x50xf32>
    %swap3A_799 = vector.shape_cast %swap3A_798 : vector<1x16x50xf32> to vector<16x50xf32>
    %swap3A_800 = vector.shape_cast %convert_element_type3A_794 : vector<16x50xf32> to vector<1x16x50xf32>
    tpu.vector_store %arg4[%swap3A_795, %swap3A_796, %swap3A_797], %swap3A_800 {strides = array<i32>} : memref<9x16x50xf32, #tpu.memory_space<vmem>>, vector<1x16x50xf32>,
    %get3A_801 = arith.constant 2 : index
    %get3A_802 = memref.load %arg2[%get3A_801] : memref<3xf32, #tpu.memory_space<smem>>
    %div3A_803 = arith.constant 1.000000e+00 : f32
    %div3A_804 = arith.divf %div3A_803, %get3A_802 : f32
    %mul3A_805 = vector.broadcast %div3A_804 : f32 to vector<16x50xf32>
    %mul3A_806 = arith.mulf %get3A_3, %mul3A_805 : vector<16x50xf32>
    %mul3A_807 = vector.broadcast %div3A_804 : f32 to vector<16x50xf32>
    %mul3A_808 = arith.mulf %get3A_8, %mul3A_807 : vector<16x50xf32>
    %mul3A_809 = vector.broadcast %div3A_804 : f32 to vector<16x50xf32>
    %mul3A_810 = arith.mulf %get3A_13, %mul3A_809 : vector<16x50xf32>
    %mul3A_811 = vector.broadcast %div3A_804 : f32 to vector<16x50xf32>
    %mul3A_812 = arith.mulf %get3A_18, %mul3A_811 : vector<16x50xf32>
    %floor3A_813 = math.floor %mul3A_806 : vector<16x50xf32>
    %floor3A_814 = math.floor %mul3A_808 : vector<16x50xf32>
    %sub3A_815 = arith.subf %mul3A_806, %floor3A_813 : vector<16x50xf32>
    %sub3A_816 = arith.subf %mul3A_808, %floor3A_814 : vector<16x50xf32>
    %convert_element_type3A_817 = arith.fptosi %floor3A_813 : vector<16x50xf32> to vector<16x50xi32>
    %convert_element_type3A_818 = arith.fptosi %floor3A_814 : vector<16x50xf32> to vector<16x50xi32>
    %swap3A_819 = arith.constant 2 : index
    %swap3A_820 = arith.constant 0 : index
    %swap3A_821 = arith.constant 0 : index
    %swap3A_822 = arith.constant 0 : index
    %swap3A_823 = vector.load %arg5[%swap3A_819, %swap3A_820, %swap3A_821, %swap3A_822] : memref<3x4x16x50xf32, #tpu.memory_space<vmem>>, vector<1x1x16x50xf32>
    %swap3A_824 = vector.shape_cast %swap3A_823 : vector<1x1x16x50xf32> to vector<16x50xf32>
    %swap3A_825 = vector.shape_cast %sub3A_815 : vector<16x50xf32> to vector<1x1x16x50xf32>
    tpu.vector_store %arg5[%swap3A_819, %swap3A_820, %swap3A_821, %swap3A_822], %swap3A_825 {strides = array<i32>} : memref<3x4x16x50xf32, #tpu.memory_space<vmem>>, vector<1x1x16x50xf32>,
    %swap3A_826 = arith.constant 2 : index
    %swap3A_827 = arith.constant 1 : index
    %swap3A_828 = arith.constant 0 : index
    %swap3A_829 = arith.constant 0 : index
    %swap3A_830 = vector.load %arg5[%swap3A_826, %swap3A_827, %swap3A_828, %swap3A_829] : memref<3x4x16x50xf32, #tpu.memory_space<vmem>>, vector<1x1x16x50xf32>
    %swap3A_831 = vector.shape_cast %swap3A_830 : vector<1x1x16x50xf32> to vector<16x50xf32>
    %swap3A_832 = vector.shape_cast %sub3A_816 : vector<16x50xf32> to vector<1x1x16x50xf32>
    tpu.vector_store %arg5[%swap3A_826, %swap3A_827, %swap3A_828, %swap3A_829], %swap3A_832 {strides = array<i32>} : memref<3x4x16x50xf32, #tpu.memory_space<vmem>>, vector<1x1x16x50xf32>,
    %swap3A_833 = arith.constant 2 : index
    %swap3A_834 = arith.constant 2 : index
    %swap3A_835 = arith.constant 0 : index
    %swap3A_836 = arith.constant 0 : index
    %swap3A_837 = vector.load %arg5[%swap3A_833, %swap3A_834, %swap3A_835, %swap3A_836] : memref<3x4x16x50xf32, #tpu.memory_space<vmem>>, vector<1x1x16x50xf32>
    %swap3A_838 = vector.shape_cast %swap3A_837 : vector<1x1x16x50xf32> to vector<16x50xf32>
    %swap3A_839 = vector.shape_cast %mul3A_810 : vector<16x50xf32> to vector<1x1x16x50xf32>
    tpu.vector_store %arg5[%swap3A_833, %swap3A_834, %swap3A_835, %swap3A_836], %swap3A_839 {strides = array<i32>} : memref<3x4x16x50xf32, #tpu.memory_space<vmem>>, vector<1x1x16x50xf32>,
    %swap3A_840 = arith.constant 2 : index
    %swap3A_841 = arith.constant 3 : index
    %swap3A_842 = arith.constant 0 : index
    %swap3A_843 = arith.constant 0 : index
    %swap3A_844 = vector.load %arg5[%swap3A_840, %swap3A_841, %swap3A_842, %swap3A_843] : memref<3x4x16x50xf32, #tpu.memory_space<vmem>>, vector<1x1x16x50xf32>
    %swap3A_845 = vector.shape_cast %swap3A_844 : vector<1x1x16x50xf32> to vector<16x50xf32>
    %swap3A_846 = vector.shape_cast %mul3A_812 : vector<16x50xf32> to vector<1x1x16x50xf32>
    tpu.vector_store %arg5[%swap3A_840, %swap3A_841, %swap3A_842, %swap3A_843], %swap3A_846 {strides = array<i32>} : memref<3x4x16x50xf32, #tpu.memory_space<vmem>>, vector<1x1x16x50xf32>,
    %mul3A_847 = arith.constant 5.000000e-01 : f32
    %mul3A_848 = vector.broadcast %mul3A_847 : f32 to vector<16x50xf32>
    %mul3A_849 = arith.mulf %mul3A_810, %mul3A_848 : vector<16x50xf32>
    %sub3A_850 = arith.subf %sub3A_815, %mul3A_849 : vector<16x50xf32>
    %mul3A_851 = arith.constant 5.000000e-01 : f32
    %mul3A_852 = vector.broadcast %mul3A_851 : f32 to vector<16x50xf32>
    %mul3A_853 = arith.mulf %mul3A_812, %mul3A_852 : vector<16x50xf32>
    %sub3A_854 = arith.subf %sub3A_816, %mul3A_853 : vector<16x50xf32>
    %mul3A_855 = arith.constant 5.000000e-01 : f32
    %mul3A_856 = vector.broadcast %mul3A_855 : f32 to vector<16x50xf32>
    %mul3A_857 = arith.mulf %mul3A_810, %mul3A_856 : vector<16x50xf32>
    %add3A_858 = arith.addf %sub3A_815, %mul3A_857 : vector<16x50xf32>
    %mul3A_859 = arith.constant 5.000000e-01 : f32
    %mul3A_860 = vector.broadcast %mul3A_859 : f32 to vector<16x50xf32>
    %mul3A_861 = arith.mulf %mul3A_812, %mul3A_860 : vector<16x50xf32>
    %add3A_862 = arith.addf %sub3A_816, %mul3A_861 : vector<16x50xf32>
    %mul3A_863 = arith.mulf %mul3A_810, %mul3A_812 : vector<16x50xf32>
    %get3A_864 = arith.constant 2 : index
    %get3A_865 = arith.constant 0 : index
    %get3A_866 = arith.constant 0 : index
    %get3A_867 = memref.load %arg1[%get3A_864, %get3A_865, %get3A_866] : memref<3x3x2xf32, #tpu.memory_space<smem>>
    %mul3A_868 = arith.mulf %get3A_867, %div3A_804 : f32
    %get3A_869 = arith.constant 2 : index
    %get3A_870 = arith.constant 0 : index
    %get3A_871 = arith.constant 1 : index
    %get3A_872 = memref.load %arg1[%get3A_869, %get3A_870, %get3A_871] : memref<3x3x2xf32, #tpu.memory_space<smem>>
    %mul3A_873 = arith.mulf %get3A_872, %div3A_804 : f32
    %mul3A_874 = arith.constant 5.000000e-01 : f32
    %mul3A_875 = arith.mulf %mul3A_868, %mul3A_874 : f32
    %sub3A_876 = arith.constant 5.000000e-01 : f32
    %sub3A_877 = arith.subf %sub3A_876, %mul3A_875 : f32
    %mul3A_878 = arith.constant 5.000000e-01 : f32
    %mul3A_879 = arith.mulf %mul3A_873, %mul3A_878 : f32
    %sub3A_880 = arith.constant 5.000000e-01 : f32
    %sub3A_881 = arith.subf %sub3A_880, %mul3A_879 : f32
    %mul3A_882 = arith.constant 5.000000e-01 : f32
    %mul3A_883 = arith.mulf %mul3A_868, %mul3A_882 : f32
    %add3A_884 = arith.constant 5.000000e-01 : f32
    %add3A_885 = arith.addf %add3A_884, %mul3A_883 : f32
    %mul3A_886 = arith.constant 5.000000e-01 : f32
    %mul3A_887 = arith.mulf %mul3A_873, %mul3A_886 : f32
    %add3A_888 = arith.constant 5.000000e-01 : f32
    %add3A_889 = arith.addf %add3A_888, %mul3A_887 : f32
    %max3A_890 = vector.broadcast %sub3A_877 : f32 to vector<16x50xf32>
    %max3A_891 = arith.maximumf %sub3A_850, %max3A_890 : vector<16x50xf32>
    %max3A_892 = vector.broadcast %sub3A_881 : f32 to vector<16x50xf32>
    %max3A_893 = arith.maximumf %sub3A_854, %max3A_892 : vector<16x50xf32>
    %min3A_894 = vector.broadcast %add3A_885 : f32 to vector<16x50xf32>
    %min3A_895 = arith.minimumf %add3A_858, %min3A_894 : vector<16x50xf32>
    %min3A_896 = vector.broadcast %add3A_889 : f32 to vector<16x50xf32>
    %min3A_897 = arith.minimumf %add3A_862, %min3A_896 : vector<16x50xf32>
    %lt3A_898 = arith.cmpf olt, %max3A_891, %min3A_895 : vector<16x50xf32>
    %lt3A_899 = arith.cmpf olt, %max3A_893, %min3A_897 : vector<16x50xf32>
    %and3A_900 = arith.andi %lt3A_898, %lt3A_899 : vector<16x50xi1>
    %convert_element_type3A_901 = arith.extui %and3A_900 : vector<16x50xi1> to vector<16x50xi32>
    %convert_element_type3A_902 = arith.sitofp %convert_element_type3A_901 : vector<16x50xi32> to vector<16x50xf32>
    %sub3A_903 = arith.subf %min3A_895, %max3A_891 : vector<16x50xf32>
    %sub3A_904 = arith.subf %min3A_897, %max3A_893 : vector<16x50xf32>
    %mul3A_905 = arith.mulf %sub3A_903, %sub3A_904 : vector<16x50xf32>
    %mul3A_906 = arith.mulf %mul3A_905, %convert_element_type3A_902 : vector<16x50xf32>
    %mul3A_907 = arith.mulf %mul3A_868, %mul3A_873 : f32
    %add3A_908 = vector.broadcast %mul3A_907 : f32 to vector<16x50xf32>
    %add3A_909 = arith.addf %mul3A_863, %add3A_908 : vector<16x50xf32>
    %sub3A_910 = arith.subf %add3A_909, %mul3A_906 : vector<16x50xf32>
    %div3A_911 = arith.divf %mul3A_906, %sub3A_910 : vector<16x50xf32>
    %gt3A_912 = arith.constant 5.000000e-01 : f32
    %gt3A_913 = vector.broadcast %gt3A_912 : f32 to vector<16x50xf32>
    %gt3A_914 = arith.cmpf ogt, %div3A_911, %gt3A_913 : vector<16x50xf32>
    %and3A_915 = arith.andi %gt3A_914, %not3A_41 : vector<16x50xi1>
    %mul3A_916 = arith.constant 3 : i32
    %mul3A_917 = vector.broadcast %mul3A_916 : i32 to vector<16x50xi32>
    %mul3A_918 = arith.muli %iota3A, %mul3A_917 : vector<16x50xi32>
    %add3A_919 = arith.constant 0 : i32
    %add3A_920 = vector.broadcast %add3A_919 : i32 to vector<16x50xi32>
    %add3A_921 = arith.addi %mul3A_918, %add3A_920 : vector<16x50xi32>
    %mul3A_922 = arith.constant 16 : i32
    %mul3A_923 = vector.broadcast %mul3A_922 : i32 to vector<16x50xi32>
    %mul3A_924 = arith.muli %add3A_921, %mul3A_923 : vector<16x50xi32>
    %add3A_925 = arith.addi %mul3A_924, %convert_element_type3A_818 : vector<16x50xi32>
    %mul3A_926 = arith.constant 16 : i32
    %mul3A_927 = vector.broadcast %mul3A_926 : i32 to vector<16x50xi32>
    %mul3A_928 = arith.muli %add3A_925, %mul3A_927 : vector<16x50xi32>
    %add3A_929 = arith.addi %mul3A_928, %convert_element_type3A_817 : vector<16x50xi32>
    %broadcast_in_dim3A_930 = vector.shape_cast %add3A_929 : vector<16x50xi32> to vector<16x50x1xi32>
    %broadcast_in_dim3A_931 = vector.shape_cast %add3A_929 : vector<16x50xi32> to vector<16x1x50xi32>
    %eq3A_932 = vector.broadcast %broadcast_in_dim3A_930 : vector<16x50x1xi32> to vector<16x50x50xi32>
    %eq3A_933 = vector.broadcast %broadcast_in_dim3A_931 : vector<16x1x50xi32> to vector<16x50x50xi32>
    %eq3A_934 = arith.cmpi eq, %eq3A_932, %eq3A_933 : vector<16x50x50xi32>
    %broadcast_in_dim3A_935 = vector.shape_cast %and3A_915 : vector<16x50xi1> to vector<16x1x50xi1>
    %iota3A_936 = tpu.iota {dimensions = array<i32: 1>} : vector<16x50x50xi32>
    %iota3A_937 = tpu.iota {dimensions = array<i32: 2>} : vector<16x50x50xi32>
    %and3A_938 = vector.broadcast %broadcast_in_dim3A_935 : vector<16x1x50xi1> to vector<16x50x50xi1>
    %and3A_939 = arith.andi %eq3A_934, %and3A_938 : vector<16x50x50xi1>
    %lt3A_940 = arith.cmpi slt, %iota3A_937, %iota3A_936 : vector<16x50x50xi32>
    %and3A_941 = arith.andi %and3A_939, %lt3A_940 : vector<16x50x50xi1>
    %reduce_or3A_942 = arith.constant 1.000000e+00 : f32
    %reduce_or3A_943 = arith.constant 0.000000e+00 : f32
    %reduce_or3A_944 = vector.broadcast %reduce_or3A_942 : f32 to vector<16x50x50xf32>
    %reduce_or3A_945 = vector.broadcast %reduce_or3A_943 : f32 to vector<16x50x50xf32>
    %reduce_or3A_946 = arith.select %and3A_941, %reduce_or3A_944, %reduce_or3A_945 : vector<16x50x50xi1>, vector<16x50x50xf32>
    %reduce_or3A_947 = arith.constant dense<0xFF800000> : vector<16x50xf32>
    %reduce_or3A_948 = vector.multi_reduction <maximumf>, %reduce_or3A_946, %reduce_or3A_947 [2] : vector<16x50x50xf32> to vector<16x50xf32>
    %reduce_or3A_949 = arith.constant 0.000000e+00 : f32
    %reduce_or3A_950 = vector.broadcast %reduce_or3A_949 : f32 to vector<16x50xf32>
    %reduce_or3A_951 = arith.cmpf ogt, %reduce_or3A_948, %reduce_or3A_950 : vector<16x50xf32>
    %convert_element_type3A_952 = arith.extui %and3A_915 : vector<16x50xi1> to vector<16x50xi32>
    %convert_element_type3A_953 = arith.sitofp %convert_element_type3A_952 : vector<16x50xi32> to vector<16x50xf32>
    %swap3A_954 = arith.constant 6 : index
    %swap3A_955 = arith.constant 0 : index
    %swap3A_956 = arith.constant 0 : index
    %swap3A_957 = vector.load %arg3[%swap3A_954, %swap3A_955, %swap3A_956] : memref<9x16x50xf32, #tpu.memory_space<vmem>>, vector<1x16x50xf32>
    %swap3A_958 = vector.shape_cast %swap3A_957 : vector<1x16x50xf32> to vector<16x50xf32>
    %swap3A_959 = vector.shape_cast %convert_element_type3A_953 : vector<16x50xf32> to vector<1x16x50xf32>
    tpu.vector_store %arg3[%swap3A_954, %swap3A_955, %swap3A_956], %swap3A_959 {strides = array<i32>} : memref<9x16x50xf32, #tpu.memory_space<vmem>>, vector<1x16x50xf32>,
    %not3A_960 = arith.constant dense<true> : vector<16x50xi1>
    %not3A_961 = arith.xori %reduce_or3A_951, %not3A_960 : vector<16x50xi1>
    %and3A_962 = arith.andi %and3A_915, %not3A_961 : vector<16x50xi1>
    %convert_element_type3A_963 = arith.extui %and3A_962 : vector<16x50xi1> to vector<16x50xi32>
    %convert_element_type3A_964 = arith.sitofp %convert_element_type3A_963 : vector<16x50xi32> to vector<16x50xf32>
    %swap3A_965 = arith.constant 6 : index
    %swap3A_966 = arith.constant 0 : index
    %swap3A_967 = arith.constant 0 : index
    %swap3A_968 = vector.load %arg4[%swap3A_965, %swap3A_966, %swap3A_967] : memref<9x16x50xf32, #tpu.memory_space<vmem>>, vector<1x16x50xf32>
    %swap3A_969 = vector.shape_cast %swap3A_968 : vector<1x16x50xf32> to vector<16x50xf32>
    %swap3A_970 = vector.shape_cast %convert_element_type3A_964 : vector<16x50xf32> to vector<1x16x50xf32>
    tpu.vector_store %arg4[%swap3A_965, %swap3A_966, %swap3A_967], %swap3A_970 {strides = array<i32>} : memref<9x16x50xf32, #tpu.memory_space<vmem>>, vector<1x16x50xf32>,
    %get3A_971 = arith.constant 2 : index
    %get3A_972 = arith.constant 1 : index
    %get3A_973 = arith.constant 0 : index
    %get3A_974 = memref.load %arg1[%get3A_971, %get3A_972, %get3A_973] : memref<3x3x2xf32, #tpu.memory_space<smem>>
    %mul3A_975 = arith.mulf %get3A_974, %div3A_804 : f32
    %get3A_976 = arith.constant 2 : index
    %get3A_977 = arith.constant 1 : index
    %get3A_978 = arith.constant 1 : index
    %get3A_979 = memref.load %arg1[%get3A_976, %get3A_977, %get3A_978] : memref<3x3x2xf32, #tpu.memory_space<smem>>
    %mul3A_980 = arith.mulf %get3A_979, %div3A_804 : f32
    %mul3A_981 = arith.constant 5.000000e-01 : f32
    %mul3A_982 = arith.mulf %mul3A_975, %mul3A_981 : f32
    %sub3A_983 = arith.constant 5.000000e-01 : f32
    %sub3A_984 = arith.subf %sub3A_983, %mul3A_982 : f32
    %mul3A_985 = arith.constant 5.000000e-01 : f32
    %mul3A_986 = arith.mulf %mul3A_980, %mul3A_985 : f32
    %sub3A_987 = arith.constant 5.000000e-01 : f32
    %sub3A_988 = arith.subf %sub3A_987, %mul3A_986 : f32
    %mul3A_989 = arith.constant 5.000000e-01 : f32
    %mul3A_990 = arith.mulf %mul3A_975, %mul3A_989 : f32
    %add3A_991 = arith.constant 5.000000e-01 : f32
    %add3A_992 = arith.addf %add3A_991, %mul3A_990 : f32
    %mul3A_993 = arith.constant 5.000000e-01 : f32
    %mul3A_994 = arith.mulf %mul3A_980, %mul3A_993 : f32
    %add3A_995 = arith.constant 5.000000e-01 : f32
    %add3A_996 = arith.addf %add3A_995, %mul3A_994 : f32
    %max3A_997 = vector.broadcast %sub3A_984 : f32 to vector<16x50xf32>
    %max3A_998 = arith.maximumf %sub3A_850, %max3A_997 : vector<16x50xf32>
    %max3A_999 = vector.broadcast %sub3A_988 : f32 to vector<16x50xf32>
    %max3A_1000 = arith.maximumf %sub3A_854, %max3A_999 : vector<16x50xf32>
    %min3A_1001 = vector.broadcast %add3A_992 : f32 to vector<16x50xf32>
    %min3A_1002 = arith.minimumf %add3A_858, %min3A_1001 : vector<16x50xf32>
    %min3A_1003 = vector.broadcast %add3A_996 : f32 to vector<16x50xf32>
    %min3A_1004 = arith.minimumf %add3A_862, %min3A_1003 : vector<16x50xf32>
    %lt3A_1005 = arith.cmpf olt, %max3A_998, %min3A_1002 : vector<16x50xf32>
    %lt3A_1006 = arith.cmpf olt, %max3A_1000, %min3A_1004 : vector<16x50xf32>
    %and3A_1007 = arith.andi %lt3A_1005, %lt3A_1006 : vector<16x50xi1>
    %convert_element_type3A_1008 = arith.extui %and3A_1007 : vector<16x50xi1> to vector<16x50xi32>
    %convert_element_type3A_1009 = arith.sitofp %convert_element_type3A_1008 : vector<16x50xi32> to vector<16x50xf32>
    %sub3A_1010 = arith.subf %min3A_1002, %max3A_998 : vector<16x50xf32>
    %sub3A_1011 = arith.subf %min3A_1004, %max3A_1000 : vector<16x50xf32>
    %mul3A_1012 = arith.mulf %sub3A_1010, %sub3A_1011 : vector<16x50xf32>
    %mul3A_1013 = arith.mulf %mul3A_1012, %convert_element_type3A_1009 : vector<16x50xf32>
    %mul3A_1014 = arith.mulf %mul3A_975, %mul3A_980 : f32
    %add3A_1015 = vector.broadcast %mul3A_1014 : f32 to vector<16x50xf32>
    %add3A_1016 = arith.addf %mul3A_863, %add3A_1015 : vector<16x50xf32>
    %sub3A_1017 = arith.subf %add3A_1016, %mul3A_1013 : vector<16x50xf32>
    %div3A_1018 = arith.divf %mul3A_1013, %sub3A_1017 : vector<16x50xf32>
    %gt3A_1019 = arith.constant 5.000000e-01 : f32
    %gt3A_1020 = vector.broadcast %gt3A_1019 : f32 to vector<16x50xf32>
    %gt3A_1021 = arith.cmpf ogt, %div3A_1018, %gt3A_1020 : vector<16x50xf32>
    %and3A_1022 = arith.andi %gt3A_1021, %not3A_41 : vector<16x50xi1>
    %mul3A_1023 = arith.constant 3 : i32
    %mul3A_1024 = vector.broadcast %mul3A_1023 : i32 to vector<16x50xi32>
    %mul3A_1025 = arith.muli %iota3A, %mul3A_1024 : vector<16x50xi32>
    %add3A_1026 = arith.constant 1 : i32
    %add3A_1027 = vector.broadcast %add3A_1026 : i32 to vector<16x50xi32>
    %add3A_1028 = arith.addi %mul3A_1025, %add3A_1027 : vector<16x50xi32>
    %mul3A_1029 = arith.constant 16 : i32
    %mul3A_1030 = vector.broadcast %mul3A_1029 : i32 to vector<16x50xi32>
    %mul3A_1031 = arith.muli %add3A_1028, %mul3A_1030 : vector<16x50xi32>
    %add3A_1032 = arith.addi %mul3A_1031, %convert_element_type3A_818 : vector<16x50xi32>
    %mul3A_1033 = arith.constant 16 : i32
    %mul3A_1034 = vector.broadcast %mul3A_1033 : i32 to vector<16x50xi32>
    %mul3A_1035 = arith.muli %add3A_1032, %mul3A_1034 : vector<16x50xi32>
    %add3A_1036 = arith.addi %mul3A_1035, %convert_element_type3A_817 : vector<16x50xi32>
    %broadcast_in_dim3A_1037 = vector.shape_cast %add3A_1036 : vector<16x50xi32> to vector<16x50x1xi32>
    %broadcast_in_dim3A_1038 = vector.shape_cast %add3A_1036 : vector<16x50xi32> to vector<16x1x50xi32>
    %eq3A_1039 = vector.broadcast %broadcast_in_dim3A_1037 : vector<16x50x1xi32> to vector<16x50x50xi32>
    %eq3A_1040 = vector.broadcast %broadcast_in_dim3A_1038 : vector<16x1x50xi32> to vector<16x50x50xi32>
    %eq3A_1041 = arith.cmpi eq, %eq3A_1039, %eq3A_1040 : vector<16x50x50xi32>
    %broadcast_in_dim3A_1042 = vector.shape_cast %and3A_1022 : vector<16x50xi1> to vector<16x1x50xi1>
    %iota3A_1043 = tpu.iota {dimensions = array<i32: 1>} : vector<16x50x50xi32>
    %iota3A_1044 = tpu.iota {dimensions = array<i32: 2>} : vector<16x50x50xi32>
    %and3A_1045 = vector.broadcast %broadcast_in_dim3A_1042 : vector<16x1x50xi1> to vector<16x50x50xi1>
    %and3A_1046 = arith.andi %eq3A_1041, %and3A_1045 : vector<16x50x50xi1>
    %lt3A_1047 = arith.cmpi slt, %iota3A_1044, %iota3A_1043 : vector<16x50x50xi32>
    %and3A_1048 = arith.andi %and3A_1046, %lt3A_1047 : vector<16x50x50xi1>
    %reduce_or3A_1049 = arith.constant 1.000000e+00 : f32
    %reduce_or3A_1050 = arith.constant 0.000000e+00 : f32
    %reduce_or3A_1051 = vector.broadcast %reduce_or3A_1049 : f32 to vector<16x50x50xf32>
    %reduce_or3A_1052 = vector.broadcast %reduce_or3A_1050 : f32 to vector<16x50x50xf32>
    %reduce_or3A_1053 = arith.select %and3A_1048, %reduce_or3A_1051, %reduce_or3A_1052 : vector<16x50x50xi1>, vector<16x50x50xf32>
    %reduce_or3A_1054 = arith.constant dense<0xFF800000> : vector<16x50xf32>
    %reduce_or3A_1055 = vector.multi_reduction <maximumf>, %reduce_or3A_1053, %reduce_or3A_1054 [2] : vector<16x50x50xf32> to vector<16x50xf32>
    %reduce_or3A_1056 = arith.constant 0.000000e+00 : f32
    %reduce_or3A_1057 = vector.broadcast %reduce_or3A_1056 : f32 to vector<16x50xf32>
    %reduce_or3A_1058 = arith.cmpf ogt, %reduce_or3A_1055, %reduce_or3A_1057 : vector<16x50xf32>
    %convert_element_type3A_1059 = arith.extui %and3A_1022 : vector<16x50xi1> to vector<16x50xi32>
    %convert_element_type3A_1060 = arith.sitofp %convert_element_type3A_1059 : vector<16x50xi32> to vector<16x50xf32>
    %swap3A_1061 = arith.constant 7 : index
    %swap3A_1062 = arith.constant 0 : index
    %swap3A_1063 = arith.constant 0 : index
    %swap3A_1064 = vector.load %arg3[%swap3A_1061, %swap3A_1062, %swap3A_1063] : memref<9x16x50xf32, #tpu.memory_space<vmem>>, vector<1x16x50xf32>
    %swap3A_1065 = vector.shape_cast %swap3A_1064 : vector<1x16x50xf32> to vector<16x50xf32>
    %swap3A_1066 = vector.shape_cast %convert_element_type3A_1060 : vector<16x50xf32> to vector<1x16x50xf32>
    tpu.vector_store %arg3[%swap3A_1061, %swap3A_1062, %swap3A_1063], %swap3A_1066 {strides = array<i32>} : memref<9x16x50xf32, #tpu.memory_space<vmem>>, vector<1x16x50xf32>,
    %not3A_1067 = arith.constant dense<true> : vector<16x50xi1>
    %not3A_1068 = arith.xori %reduce_or3A_1058, %not3A_1067 : vector<16x50xi1>
    %and3A_1069 = arith.andi %and3A_1022, %not3A_1068 : vector<16x50xi1>
    %convert_element_type3A_1070 = arith.extui %and3A_1069 : vector<16x50xi1> to vector<16x50xi32>
    %convert_element_type3A_1071 = arith.sitofp %convert_element_type3A_1070 : vector<16x50xi32> to vector<16x50xf32>
    %swap3A_1072 = arith.constant 7 : index
    %swap3A_1073 = arith.constant 0 : index
    %swap3A_1074 = arith.constant 0 : index
    %swap3A_1075 = vector.load %arg4[%swap3A_1072, %swap3A_1073, %swap3A_1074] : memref<9x16x50xf32, #tpu.memory_space<vmem>>, vector<1x16x50xf32>
    %swap3A_1076 = vector.shape_cast %swap3A_1075 : vector<1x16x50xf32> to vector<16x50xf32>
    %swap3A_1077 = vector.shape_cast %convert_element_type3A_1071 : vector<16x50xf32> to vector<1x16x50xf32>
    tpu.vector_store %arg4[%swap3A_1072, %swap3A_1073, %swap3A_1074], %swap3A_1077 {strides = array<i32>} : memref<9x16x50xf32, #tpu.memory_space<vmem>>, vector<1x16x50xf32>,
    %get3A_1078 = arith.constant 2 : index
    %get3A_1079 = arith.constant 2 : index
    %get3A_1080 = arith.constant 0 : index
    %get3A_1081 = memref.load %arg1[%get3A_1078, %get3A_1079, %get3A_1080] : memref<3x3x2xf32, #tpu.memory_space<smem>>
    %mul3A_1082 = arith.mulf %get3A_1081, %div3A_804 : f32
    %get3A_1083 = arith.constant 2 : index
    %get3A_1084 = arith.constant 2 : index
    %get3A_1085 = arith.constant 1 : index
    %get3A_1086 = memref.load %arg1[%get3A_1083, %get3A_1084, %get3A_1085] : memref<3x3x2xf32, #tpu.memory_space<smem>>
    %mul3A_1087 = arith.mulf %get3A_1086, %div3A_804 : f32
    %mul3A_1088 = arith.constant 5.000000e-01 : f32
    %mul3A_1089 = arith.mulf %mul3A_1082, %mul3A_1088 : f32
    %sub3A_1090 = arith.constant 5.000000e-01 : f32
    %sub3A_1091 = arith.subf %sub3A_1090, %mul3A_1089 : f32
    %mul3A_1092 = arith.constant 5.000000e-01 : f32
    %mul3A_1093 = arith.mulf %mul3A_1087, %mul3A_1092 : f32
    %sub3A_1094 = arith.constant 5.000000e-01 : f32
    %sub3A_1095 = arith.subf %sub3A_1094, %mul3A_1093 : f32
    %mul3A_1096 = arith.constant 5.000000e-01 : f32
    %mul3A_1097 = arith.mulf %mul3A_1082, %mul3A_1096 : f32
    %add3A_1098 = arith.constant 5.000000e-01 : f32
    %add3A_1099 = arith.addf %add3A_1098, %mul3A_1097 : f32
    %mul3A_1100 = arith.constant 5.000000e-01 : f32
    %mul3A_1101 = arith.mulf %mul3A_1087, %mul3A_1100 : f32
    %add3A_1102 = arith.constant 5.000000e-01 : f32
    %add3A_1103 = arith.addf %add3A_1102, %mul3A_1101 : f32
    %max3A_1104 = vector.broadcast %sub3A_1091 : f32 to vector<16x50xf32>
    %max3A_1105 = arith.maximumf %sub3A_850, %max3A_1104 : vector<16x50xf32>
    %max3A_1106 = vector.broadcast %sub3A_1095 : f32 to vector<16x50xf32>
    %max3A_1107 = arith.maximumf %sub3A_854, %max3A_1106 : vector<16x50xf32>
    %min3A_1108 = vector.broadcast %add3A_1099 : f32 to vector<16x50xf32>
    %min3A_1109 = arith.minimumf %add3A_858, %min3A_1108 : vector<16x50xf32>
    %min3A_1110 = vector.broadcast %add3A_1103 : f32 to vector<16x50xf32>
    %min3A_1111 = arith.minimumf %add3A_862, %min3A_1110 : vector<16x50xf32>
    %lt3A_1112 = arith.cmpf olt, %max3A_1105, %min3A_1109 : vector<16x50xf32>
    %lt3A_1113 = arith.cmpf olt, %max3A_1107, %min3A_1111 : vector<16x50xf32>
    %and3A_1114 = arith.andi %lt3A_1112, %lt3A_1113 : vector<16x50xi1>
    %convert_element_type3A_1115 = arith.extui %and3A_1114 : vector<16x50xi1> to vector<16x50xi32>
    %convert_element_type3A_1116 = arith.sitofp %convert_element_type3A_1115 : vector<16x50xi32> to vector<16x50xf32>
    %sub3A_1117 = arith.subf %min3A_1109, %max3A_1105 : vector<16x50xf32>
    %sub3A_1118 = arith.subf %min3A_1111, %max3A_1107 : vector<16x50xf32>
    %mul3A_1119 = arith.mulf %sub3A_1117, %sub3A_1118 : vector<16x50xf32>
    %mul3A_1120 = arith.mulf %mul3A_1119, %convert_element_type3A_1116 : vector<16x50xf32>
    %mul3A_1121 = arith.mulf %mul3A_1082, %mul3A_1087 : f32
    %add3A_1122 = vector.broadcast %mul3A_1121 : f32 to vector<16x50xf32>
    %add3A_1123 = arith.addf %mul3A_863, %add3A_1122 : vector<16x50xf32>
    %sub3A_1124 = arith.subf %add3A_1123, %mul3A_1120 : vector<16x50xf32>
    %div3A_1125 = arith.divf %mul3A_1120, %sub3A_1124 : vector<16x50xf32>
    %gt3A_1126 = arith.constant 5.000000e-01 : f32
    %gt3A_1127 = vector.broadcast %gt3A_1126 : f32 to vector<16x50xf32>
    %gt3A_1128 = arith.cmpf ogt, %div3A_1125, %gt3A_1127 : vector<16x50xf32>
    %and3A_1129 = arith.andi %gt3A_1128, %not3A_41 : vector<16x50xi1>
    %mul3A_1130 = arith.constant 3 : i32
    %mul3A_1131 = vector.broadcast %mul3A_1130 : i32 to vector<16x50xi32>
    %mul3A_1132 = arith.muli %iota3A, %mul3A_1131 : vector<16x50xi32>
    %add3A_1133 = arith.constant 2 : i32
    %add3A_1134 = vector.broadcast %add3A_1133 : i32 to vector<16x50xi32>
    %add3A_1135 = arith.addi %mul3A_1132, %add3A_1134 : vector<16x50xi32>
    %mul3A_1136 = arith.constant 16 : i32
    %mul3A_1137 = vector.broadcast %mul3A_1136 : i32 to vector<16x50xi32>
    %mul3A_1138 = arith.muli %add3A_1135, %mul3A_1137 : vector<16x50xi32>
    %add3A_1139 = arith.addi %mul3A_1138, %convert_element_type3A_818 : vector<16x50xi32>
    %mul3A_1140 = arith.constant 16 : i32
    %mul3A_1141 = vector.broadcast %mul3A_1140 : i32 to vector<16x50xi32>
    %mul3A_1142 = arith.muli %add3A_1139, %mul3A_1141 : vector<16x50xi32>
    %add3A_1143 = arith.addi %mul3A_1142, %convert_element_type3A_817 : vector<16x50xi32>
    %broadcast_in_dim3A_1144 = vector.shape_cast %add3A_1143 : vector<16x50xi32> to vector<16x50x1xi32>
    %broadcast_in_dim3A_1145 = vector.shape_cast %add3A_1143 : vector<16x50xi32> to vector<16x1x50xi32>
    %eq3A_1146 = vector.broadcast %broadcast_in_dim3A_1144 : vector<16x50x1xi32> to vector<16x50x50xi32>
    %eq3A_1147 = vector.broadcast %broadcast_in_dim3A_1145 : vector<16x1x50xi32> to vector<16x50x50xi32>
    %eq3A_1148 = arith.cmpi eq, %eq3A_1146, %eq3A_1147 : vector<16x50x50xi32>
    %broadcast_in_dim3A_1149 = vector.shape_cast %and3A_1129 : vector<16x50xi1> to vector<16x1x50xi1>
    %iota3A_1150 = tpu.iota {dimensions = array<i32: 1>} : vector<16x50x50xi32>
    %iota3A_1151 = tpu.iota {dimensions = array<i32: 2>} : vector<16x50x50xi32>
    %and3A_1152 = vector.broadcast %broadcast_in_dim3A_1149 : vector<16x1x50xi1> to vector<16x50x50xi1>
    %and3A_1153 = arith.andi %eq3A_1148, %and3A_1152 : vector<16x50x50xi1>
    %lt3A_1154 = arith.cmpi slt, %iota3A_1151, %iota3A_1150 : vector<16x50x50xi32>
    %and3A_1155 = arith.andi %and3A_1153, %lt3A_1154 : vector<16x50x50xi1>
    %reduce_or3A_1156 = arith.constant 1.000000e+00 : f32
    %reduce_or3A_1157 = arith.constant 0.000000e+00 : f32
    %reduce_or3A_1158 = vector.broadcast %reduce_or3A_1156 : f32 to vector<16x50x50xf32>
    %reduce_or3A_1159 = vector.broadcast %reduce_or3A_1157 : f32 to vector<16x50x50xf32>
    %reduce_or3A_1160 = arith.select %and3A_1155, %reduce_or3A_1158, %reduce_or3A_1159 : vector<16x50x50xi1>, vector<16x50x50xf32>
    %reduce_or3A_1161 = arith.constant dense<0xFF800000> : vector<16x50xf32>
    %reduce_or3A_1162 = vector.multi_reduction <maximumf>, %reduce_or3A_1160, %reduce_or3A_1161 [2] : vector<16x50x50xf32> to vector<16x50xf32>
    %reduce_or3A_1163 = arith.constant 0.000000e+00 : f32
    %reduce_or3A_1164 = vector.broadcast %reduce_or3A_1163 : f32 to vector<16x50xf32>
    %reduce_or3A_1165 = arith.cmpf ogt, %reduce_or3A_1162, %reduce_or3A_1164 : vector<16x50xf32>
    %convert_element_type3A_1166 = arith.extui %and3A_1129 : vector<16x50xi1> to vector<16x50xi32>
    %convert_element_type3A_1167 = arith.sitofp %convert_element_type3A_1166 : vector<16x50xi32> to vector<16x50xf32>
    %swap3A_1168 = arith.constant 8 : index
    %swap3A_1169 = arith.constant 0 : index
    %swap3A_1170 = arith.constant 0 : index
    %swap3A_1171 = vector.load %arg3[%swap3A_1168, %swap3A_1169, %swap3A_1170] : memref<9x16x50xf32, #tpu.memory_space<vmem>>, vector<1x16x50xf32>
    %swap3A_1172 = vector.shape_cast %swap3A_1171 : vector<1x16x50xf32> to vector<16x50xf32>
    %swap3A_1173 = vector.shape_cast %convert_element_type3A_1167 : vector<16x50xf32> to vector<1x16x50xf32>
    tpu.vector_store %arg3[%swap3A_1168, %swap3A_1169, %swap3A_1170], %swap3A_1173 {strides = array<i32>} : memref<9x16x50xf32, #tpu.memory_space<vmem>>, vector<1x16x50xf32>,
    %not3A_1174 = arith.constant dense<true> : vector<16x50xi1>
    %not3A_1175 = arith.xori %reduce_or3A_1165, %not3A_1174 : vector<16x50xi1>
    %and3A_1176 = arith.andi %and3A_1129, %not3A_1175 : vector<16x50xi1>
    %convert_element_type3A_1177 = arith.extui %and3A_1176 : vector<16x50xi1> to vector<16x50xi32>
    %convert_element_type3A_1178 = arith.sitofp %convert_element_type3A_1177 : vector<16x50xi32> to vector<16x50xf32>
    %swap3A_1179 = arith.constant 8 : index
    %swap3A_1180 = arith.constant 0 : index
    %swap3A_1181 = arith.constant 0 : index
    %swap3A_1182 = vector.load %arg4[%swap3A_1179, %swap3A_1180, %swap3A_1181] : memref<9x16x50xf32, #tpu.memory_space<vmem>>, vector<1x16x50xf32>
    %swap3A_1183 = vector.shape_cast %swap3A_1182 : vector<1x16x50xf32> to vector<16x50xf32>
    %swap3A_1184 = vector.shape_cast %convert_element_type3A_1178 : vector<16x50xf32> to vector<1x16x50xf32>
    tpu.vector_store %arg4[%swap3A_1179, %swap3A_1180, %swap3A_1181], %swap3A_1184 {strides = array<i32>} : memref<9x16x50xf32, #tpu.memory_space<vmem>>, vector<1x16x50xf32>,
    return
  }
}

module attributes {stable_mosaic.version = 14 : i64} {
  func.func @_obj_body(%arg0: i32, %arg1: memref<768x1360xf32, #tpu.memory_space<vmem>>, %arg2: memref<192x1360xf32, #tpu.memory_space<vmem>>, %arg3: memref<48x1360xf32, #tpu.memory_space<vmem>>, %arg4: memref<1x1xf32, #tpu.memory_space<vmem>>, %arg5: memref<1x1xf32, #tpu.memory_space<vmem>>, %arg6: memref<1x1xf32, #tpu.memory_space<vmem>>) attributes {dimension_semantics = [#tpu.dimension_semantics<arbitrary>], iteration_bounds = array<i64: 16>, scalar_prefetch = 0 : i64, scratch_operands = 0 : i64, tpu.core_type = #tpu.core_type<tc>, window_params = [{transform_indices = @transform_0, window_bounds = array<i64: 768, 1360>}, {transform_indices = @transform_1, window_bounds = array<i64: 192, 1360>}, {transform_indices = @transform_2, window_bounds = array<i64: 48, 1360>}, {pipeline_mode = #tpu.pipeline_mode<synchronous>, transform_indices = @transform_3, window_bounds = array<i64: 1, 1>}, {pipeline_mode = #tpu.pipeline_mode<synchronous>, transform_indices = @transform_4, window_bounds = array<i64: 1, 1>}, {pipeline_mode = #tpu.pipeline_mode<synchronous>, transform_indices = @transform_5, window_bounds = array<i64: 1, 1>}]} {
    %iota3A = tpu.iota {dimensions = array<i32: 0>} : vector<1360x16xi32>
    %iota3A_0 = tpu.iota {dimensions = array<i32: 1>} : vector<1360x16xi32>
    %mul3A = arith.constant 85 : i32
    %mul3A_1 = vector.broadcast %mul3A : i32 to vector<1360x16xi32>
    %mul3A_2 = arith.muli %mul3A_1, %iota3A_0 : vector<1360x16xi32>
    %add3A = arith.constant 4 : i32
    %add3A_3 = vector.broadcast %add3A : i32 to vector<1360x16xi32>
    %add3A_4 = arith.addi %mul3A_2, %add3A_3 : vector<1360x16xi32>
    %eq3A = arith.cmpi eq, %iota3A, %add3A_4 : vector<1360x16xi32>
    %convert_element_type3A = arith.extui %eq3A : vector<1360x16xi1> to vector<1360x16xi32>
    %convert_element_type3A_5 = arith.sitofp %convert_element_type3A : vector<1360x16xi32> to vector<1360x16xf32>
    %eq3A_6 = arith.constant 0 : i32
    %eq3A_7 = arith.cmpi eq, %arg0, %eq3A_6 : i32
    %convert_element_type3A_8 = arith.extui %eq3A_7 : i1 to i32
    %cond3A = arith.constant 0 : i32
    %cond3A_9 = arith.cmpi ne, %convert_element_type3A_8, %cond3A : i32
    scf.if %cond3A_9 {
      %broadcast_in_dim3A = arith.constant 0.000000e+00 : f32
      %broadcast_in_dim3A_94 = vector.broadcast %broadcast_in_dim3A : f32 to vector<1x1xf32>
      %swap3A_95 = arith.constant 0 : index
      %swap3A_96 = arith.constant 0 : index
      %swap3A_97 = vector.load %arg4[%swap3A_95, %swap3A_96] : memref<1x1xf32, #tpu.memory_space<vmem>>, vector<1x1xf32>
      tpu.vector_store %arg4[%swap3A_95, %swap3A_96], %broadcast_in_dim3A_94 {strides = array<i32>} : memref<1x1xf32, #tpu.memory_space<vmem>>, vector<1x1xf32>,
    } else {
    }
    %get3A = arith.constant 0 : index
    %get3A_10 = arith.constant 0 : index
    %get3A_11 = vector.load %arg1[%get3A, %get3A_10] : memref<768x1360xf32, #tpu.memory_space<vmem>>, vector<768x1360xf32>
    %dot_general3A = arith.constant dense<0.000000e+00> : vector<768x16xf32>
    %dot_general3A_12 = tpu.matmul %get3A_11, %convert_element_type3A_5, %dot_general3A {dimension_numbers = #tpu.dot_dimension_numbers<[1], [0], [0], [1], [0, 0, 1, 1], [], []>, transpose_lhs_hint = false} : vector<768x1360xf32>, vector<1360x16xf32>, vector<768x16xf32> -> vector<768x16xf32>
    %get3A_13 = arith.constant 0 : index
    %get3A_14 = arith.constant 0 : index
    %get3A_15 = vector.load %arg4[%get3A_13, %get3A_14] : memref<1x1xf32, #tpu.memory_space<vmem>>, vector<1x1xf32>
    %max3A = arith.constant 0.000000e+00 : f32
    %max3A_16 = vector.broadcast %max3A : f32 to vector<768x16xf32>
    %max3A_17 = arith.maximumf %dot_general3A_12, %max3A_16 : vector<768x16xf32>
    %abs3A = math.absf %dot_general3A_12 : vector<768x16xf32>
    %neg3A = arith.constant 0.000000e+00 : f32
    %neg3A_18 = vector.broadcast %neg3A : f32 to vector<768x16xf32>
    %neg3A_19 = arith.subf %neg3A_18, %abs3A : vector<768x16xf32>
    %exp3A = math.exp %neg3A_19 : vector<768x16xf32>
    %log1p3A = math.log1p %exp3A : vector<768x16xf32>
    %add3A_20 = arith.addf %max3A_17, %log1p3A : vector<768x16xf32>
    %reduce_sum3A = vector.shape_cast %add3A_20 : vector<768x16xf32> to vector<1x768x16xf32>
    %reduce_sum3A_21 = arith.constant dense<0.000000e+00> : vector<1xf32>
    %reduce_sum3A_22 = vector.multi_reduction <add>, %reduce_sum3A, %reduce_sum3A_21 [1, 2] : vector<1x768x16xf32> to vector<1xf32>
    %reduce_sum3A_23 = vector.shape_cast %reduce_sum3A_22 : vector<1xf32> to vector<1x1x1xf32>
    %reduce_sum3A_24 = vector.extract %reduce_sum3A_23[0, 0, 0] : f32 from vector<1x1x1xf32>
    %reshape3A = vector.broadcast %reduce_sum3A_24 : f32 to vector<1x1xf32>
    %add3A_25 = arith.addf %get3A_15, %reshape3A : vector<1x1xf32>
    %swap3A = arith.constant 0 : index
    %swap3A_26 = arith.constant 0 : index
    %swap3A_27 = vector.load %arg4[%swap3A, %swap3A_26] : memref<1x1xf32, #tpu.memory_space<vmem>>, vector<1x1xf32>
    tpu.vector_store %arg4[%swap3A, %swap3A_26], %add3A_25 {strides = array<i32>} : memref<1x1xf32, #tpu.memory_space<vmem>>, vector<1x1xf32>,
    %eq3A_28 = arith.constant 0 : i32
    %eq3A_29 = arith.cmpi eq, %arg0, %eq3A_28 : i32
    %convert_element_type3A_30 = arith.extui %eq3A_29 : i1 to i32
    %cond3A_31 = arith.constant 0 : i32
    %cond3A_32 = arith.cmpi ne, %convert_element_type3A_30, %cond3A_31 : i32
    scf.if %cond3A_32 {
      %broadcast_in_dim3A = arith.constant 0.000000e+00 : f32
      %broadcast_in_dim3A_94 = vector.broadcast %broadcast_in_dim3A : f32 to vector<1x1xf32>
      %swap3A_95 = arith.constant 0 : index
      %swap3A_96 = arith.constant 0 : index
      %swap3A_97 = vector.load %arg5[%swap3A_95, %swap3A_96] : memref<1x1xf32, #tpu.memory_space<vmem>>, vector<1x1xf32>
      tpu.vector_store %arg5[%swap3A_95, %swap3A_96], %broadcast_in_dim3A_94 {strides = array<i32>} : memref<1x1xf32, #tpu.memory_space<vmem>>, vector<1x1xf32>,
    } else {
    }
    %get3A_33 = arith.constant 0 : index
    %get3A_34 = arith.constant 0 : index
    %get3A_35 = vector.load %arg2[%get3A_33, %get3A_34] : memref<192x1360xf32, #tpu.memory_space<vmem>>, vector<192x1360xf32>
    %dot_general3A_36 = arith.constant dense<0.000000e+00> : vector<192x16xf32>
    %dot_general3A_37 = tpu.matmul %get3A_35, %convert_element_type3A_5, %dot_general3A_36 {dimension_numbers = #tpu.dot_dimension_numbers<[1], [0], [0], [1], [0, 0, 1, 1], [], []>, transpose_lhs_hint = false} : vector<192x1360xf32>, vector<1360x16xf32>, vector<192x16xf32> -> vector<192x16xf32>
    %get3A_38 = arith.constant 0 : index
    %get3A_39 = arith.constant 0 : index
    %get3A_40 = vector.load %arg5[%get3A_38, %get3A_39] : memref<1x1xf32, #tpu.memory_space<vmem>>, vector<1x1xf32>
    %max3A_41 = arith.constant 0.000000e+00 : f32
    %max3A_42 = vector.broadcast %max3A_41 : f32 to vector<192x16xf32>
    %max3A_43 = arith.maximumf %dot_general3A_37, %max3A_42 : vector<192x16xf32>
    %abs3A_44 = math.absf %dot_general3A_37 : vector<192x16xf32>
    %neg3A_45 = arith.constant 0.000000e+00 : f32
    %neg3A_46 = vector.broadcast %neg3A_45 : f32 to vector<192x16xf32>
    %neg3A_47 = arith.subf %neg3A_46, %abs3A_44 : vector<192x16xf32>
    %exp3A_48 = math.exp %neg3A_47 : vector<192x16xf32>
    %log1p3A_49 = math.log1p %exp3A_48 : vector<192x16xf32>
    %add3A_50 = arith.addf %max3A_43, %log1p3A_49 : vector<192x16xf32>
    %reduce_sum3A_51 = vector.shape_cast %add3A_50 : vector<192x16xf32> to vector<1x192x16xf32>
    %reduce_sum3A_52 = arith.constant dense<0.000000e+00> : vector<1xf32>
    %reduce_sum3A_53 = vector.multi_reduction <add>, %reduce_sum3A_51, %reduce_sum3A_52 [1, 2] : vector<1x192x16xf32> to vector<1xf32>
    %reduce_sum3A_54 = vector.shape_cast %reduce_sum3A_53 : vector<1xf32> to vector<1x1x1xf32>
    %reduce_sum3A_55 = vector.extract %reduce_sum3A_54[0, 0, 0] : f32 from vector<1x1x1xf32>
    %reshape3A_56 = vector.broadcast %reduce_sum3A_55 : f32 to vector<1x1xf32>
    %add3A_57 = arith.addf %get3A_40, %reshape3A_56 : vector<1x1xf32>
    %swap3A_58 = arith.constant 0 : index
    %swap3A_59 = arith.constant 0 : index
    %swap3A_60 = vector.load %arg5[%swap3A_58, %swap3A_59] : memref<1x1xf32, #tpu.memory_space<vmem>>, vector<1x1xf32>
    tpu.vector_store %arg5[%swap3A_58, %swap3A_59], %add3A_57 {strides = array<i32>} : memref<1x1xf32, #tpu.memory_space<vmem>>, vector<1x1xf32>,
    %eq3A_61 = arith.constant 0 : i32
    %eq3A_62 = arith.cmpi eq, %arg0, %eq3A_61 : i32
    %convert_element_type3A_63 = arith.extui %eq3A_62 : i1 to i32
    %cond3A_64 = arith.constant 0 : i32
    %cond3A_65 = arith.cmpi ne, %convert_element_type3A_63, %cond3A_64 : i32
    scf.if %cond3A_65 {
      %broadcast_in_dim3A = arith.constant 0.000000e+00 : f32
      %broadcast_in_dim3A_94 = vector.broadcast %broadcast_in_dim3A : f32 to vector<1x1xf32>
      %swap3A_95 = arith.constant 0 : index
      %swap3A_96 = arith.constant 0 : index
      %swap3A_97 = vector.load %arg6[%swap3A_95, %swap3A_96] : memref<1x1xf32, #tpu.memory_space<vmem>>, vector<1x1xf32>
      tpu.vector_store %arg6[%swap3A_95, %swap3A_96], %broadcast_in_dim3A_94 {strides = array<i32>} : memref<1x1xf32, #tpu.memory_space<vmem>>, vector<1x1xf32>,
    } else {
    }
    %get3A_66 = arith.constant 0 : index
    %get3A_67 = arith.constant 0 : index
    %get3A_68 = vector.load %arg3[%get3A_66, %get3A_67] : memref<48x1360xf32, #tpu.memory_space<vmem>>, vector<48x1360xf32>
    %dot_general3A_69 = arith.constant dense<0.000000e+00> : vector<48x16xf32>
    %dot_general3A_70 = tpu.matmul %get3A_68, %convert_element_type3A_5, %dot_general3A_69 {dimension_numbers = #tpu.dot_dimension_numbers<[1], [0], [0], [1], [0, 0, 1, 1], [], []>, transpose_lhs_hint = false} : vector<48x1360xf32>, vector<1360x16xf32>, vector<48x16xf32> -> vector<48x16xf32>
    %get3A_71 = arith.constant 0 : index
    %get3A_72 = arith.constant 0 : index
    %get3A_73 = vector.load %arg6[%get3A_71, %get3A_72] : memref<1x1xf32, #tpu.memory_space<vmem>>, vector<1x1xf32>
    %max3A_74 = arith.constant 0.000000e+00 : f32
    %max3A_75 = vector.broadcast %max3A_74 : f32 to vector<48x16xf32>
    %max3A_76 = arith.maximumf %dot_general3A_70, %max3A_75 : vector<48x16xf32>
    %abs3A_77 = math.absf %dot_general3A_70 : vector<48x16xf32>
    %neg3A_78 = arith.constant 0.000000e+00 : f32
    %neg3A_79 = vector.broadcast %neg3A_78 : f32 to vector<48x16xf32>
    %neg3A_80 = arith.subf %neg3A_79, %abs3A_77 : vector<48x16xf32>
    %exp3A_81 = math.exp %neg3A_80 : vector<48x16xf32>
    %log1p3A_82 = math.log1p %exp3A_81 : vector<48x16xf32>
    %add3A_83 = arith.addf %max3A_76, %log1p3A_82 : vector<48x16xf32>
    %reduce_sum3A_84 = vector.shape_cast %add3A_83 : vector<48x16xf32> to vector<1x48x16xf32>
    %reduce_sum3A_85 = arith.constant dense<0.000000e+00> : vector<1xf32>
    %reduce_sum3A_86 = vector.multi_reduction <add>, %reduce_sum3A_84, %reduce_sum3A_85 [1, 2] : vector<1x48x16xf32> to vector<1xf32>
    %reduce_sum3A_87 = vector.shape_cast %reduce_sum3A_86 : vector<1xf32> to vector<1x1x1xf32>
    %reduce_sum3A_88 = vector.extract %reduce_sum3A_87[0, 0, 0] : f32 from vector<1x1x1xf32>
    %reshape3A_89 = vector.broadcast %reduce_sum3A_88 : f32 to vector<1x1xf32>
    %add3A_90 = arith.addf %get3A_73, %reshape3A_89 : vector<1x1xf32>
    %swap3A_91 = arith.constant 0 : index
    %swap3A_92 = arith.constant 0 : index
    %swap3A_93 = vector.load %arg6[%swap3A_91, %swap3A_92] : memref<1x1xf32, #tpu.memory_space<vmem>>, vector<1x1xf32>
    tpu.vector_store %arg6[%swap3A_91, %swap3A_92], %add3A_90 {strides = array<i32>} : memref<1x1xf32, #tpu.memory_space<vmem>>, vector<1x1xf32>,
    return
  }
  func.func @transform_0(%arg0: i32) -> (i32, i32) {
    %c0_i32 = arith.constant 0 : i32
    %c0_i32_0 = arith.constant 0 : i32
    return %arg0, %c0_i32 : i32, i32
  }
  func.func @transform_1(%arg0: i32) -> (i32, i32) {
    %c0_i32 = arith.constant 0 : i32
    %c0_i32_0 = arith.constant 0 : i32
    return %arg0, %c0_i32 : i32, i32
  }
  func.func @transform_2(%arg0: i32) -> (i32, i32) {
    %c0_i32 = arith.constant 0 : i32
    %c0_i32_0 = arith.constant 0 : i32
    return %arg0, %c0_i32 : i32, i32
  }
  func.func @transform_3(%arg0: i32) -> (i32, i32) {
    %c0_i32 = arith.constant 0 : i32
    %c0_i32_0 = arith.constant 0 : i32
    %c0_i32_1 = arith.constant 0 : i32
    return %c0_i32, %c0_i32_0 : i32, i32
  }
  func.func @transform_4(%arg0: i32) -> (i32, i32) {
    %c0_i32 = arith.constant 0 : i32
    %c0_i32_0 = arith.constant 0 : i32
    %c0_i32_1 = arith.constant 0 : i32
    return %c0_i32, %c0_i32_0 : i32, i32
  }
  func.func @transform_5(%arg0: i32) -> (i32, i32) {
    %c0_i32 = arith.constant 0 : i32
    %c0_i32_0 = arith.constant 0 : i32
    %c0_i32_1 = arith.constant 0 : i32
    return %c0_i32, %c0_i32_0 : i32, i32
  }
}

module attributes {stable_mosaic.version = 14 : i64} {
  func.func @body(%arg0: memref<128x2560xf32, #tpu.memory_space<vmem>>, %arg1: memref<128x2560xf32, #tpu.memory_space<vmem>>, %arg2: memref<128x2560xf32, #tpu.memory_space<vmem>>, %arg3: memref<3x2400xf32, #tpu.memory_space<vmem>>, %arg4: memref<3x2400xf32, #tpu.memory_space<vmem>>, %arg5: memref<3x2560xi32, #tpu.memory_space<vmem>>, %arg6: memref<3x4x2400xf32, #tpu.memory_space<vmem>>, %arg7: memref<3x2x2400xf32, #tpu.memory_space<vmem>>, %arg8: memref<3x2400xi32, #tpu.memory_space<vmem>>, %arg9: memref<1x1xf32, #tpu.memory_space<vmem>>, %arg10: memref<1x1xf32, #tpu.memory_space<vmem>>, %arg11: memref<1x1xf32, #tpu.memory_space<vmem>>, %arg12: memref<1x1xf32, #tpu.memory_space<vmem>>) attributes {dimension_semantics = [], scalar_prefetch = 0 : i64, scratch_operands = 0 : i64, tpu.core_type = #tpu.core_type<tc>} {
    %get3A = arith.constant 0 : index
    %get3A_0 = arith.constant 0 : index
    %get3A_1 = vector.load %arg5[%get3A, %get3A_0] : memref<3x2560xi32, #tpu.memory_space<vmem>>, vector<1x2560xi32>
    %get3A_2 = vector.shape_cast %get3A_1 : vector<1x2560xi32> to vector<2560xi32>
    %shift_right_logical3A = arith.constant 4 : i32
    %shift_right_logical3A_3 = vector.broadcast %shift_right_logical3A : i32 to vector<2560xi32>
    %shift_right_logical3A_4 = arith.shrui %get3A_2, %shift_right_logical3A_3 : vector<2560xi32>
    %and3A = arith.constant 15 : i32
    %and3A_5 = vector.broadcast %and3A : i32 to vector<2560xi32>
    %and3A_6 = arith.andi %get3A_2, %and3A_5 : vector<2560xi32>
    %get3A_7 = arith.constant 0 : index
    %get3A_8 = arith.constant 0 : index
    %get3A_9 = vector.load %arg3[%get3A_7, %get3A_8] : memref<3x2400xf32, #tpu.memory_space<vmem>>, vector<1x2400xf32>
    %get3A_10 = vector.shape_cast %get3A_9 : vector<1x2400xf32> to vector<2400xf32>
    %reduce_sum3A = vector.shape_cast %get3A_10 : vector<2400xf32> to vector<1x2400xf32>
    %reduce_sum3A_11 = arith.constant dense<0.000000e+00> : vector<1xf32>
    %reduce_sum3A_12 = vector.multi_reduction <add>, %reduce_sum3A, %reduce_sum3A_11 [1] : vector<1x2400xf32> to vector<1xf32>
    %reduce_sum3A_13 = vector.shape_cast %reduce_sum3A_12 : vector<1xf32> to vector<1x1xf32>
    %reduce_sum3A_14 = vector.extract %reduce_sum3A_13[0, 0] : f32 from vector<1x1xf32>
    %broadcast_in_dim3A = arith.constant 0.000000e+00 : f32
    %broadcast_in_dim3A_15 = vector.broadcast %broadcast_in_dim3A : f32 to vector<20x2560xf32>
    %eq3A = arith.constant 0 : i32
    %eq3A_16 = vector.broadcast %eq3A : i32 to vector<2560xi32>
    %eq3A_17 = arith.cmpi eq, %shift_right_logical3A_4, %eq3A_16 : vector<2560xi32>
    %get3A_18 = arith.constant 0 : index
    %get3A_19 = arith.constant 0 : index
    %get3A_20 = vector.load %arg0[%get3A_18, %get3A_19] : memref<128x2560xf32, #tpu.memory_space<vmem>>, vector<20x2560xf32>
    %broadcast_in_dim3A_21 = vector.shape_cast %eq3A_17 : vector<2560xi1> to vector<1x2560xi1>
    %broadcast_in_dim3A_22 = vector.broadcast %broadcast_in_dim3A_21 : vector<1x2560xi1> to vector<20x2560xi1>
    %select_n3A = arith.select %broadcast_in_dim3A_22, %get3A_20, %broadcast_in_dim3A_15 : vector<20x2560xi1>, vector<20x2560xf32>
    %eq3A_23 = arith.constant 1 : i32
    %eq3A_24 = vector.broadcast %eq3A_23 : i32 to vector<2560xi32>
    %eq3A_25 = arith.cmpi eq, %shift_right_logical3A_4, %eq3A_24 : vector<2560xi32>
    %get3A_26 = arith.constant 16 : index
    %get3A_27 = arith.constant 0 : index
    %get3A_28 = vector.load %arg0[%get3A_26, %get3A_27] : memref<128x2560xf32, #tpu.memory_space<vmem>>, vector<20x2560xf32>
    %broadcast_in_dim3A_29 = vector.shape_cast %eq3A_25 : vector<2560xi1> to vector<1x2560xi1>
    %broadcast_in_dim3A_30 = vector.broadcast %broadcast_in_dim3A_29 : vector<1x2560xi1> to vector<20x2560xi1>
    %select_n3A_31 = arith.select %broadcast_in_dim3A_30, %get3A_28, %select_n3A : vector<20x2560xi1>, vector<20x2560xf32>
    %broadcast_in_dim3A_32 = arith.constant 0.000000e+00 : f32
    %broadcast_in_dim3A_33 = vector.broadcast %broadcast_in_dim3A_32 : f32 to vector<5x2560xf32>
    %eq3A_34 = arith.constant 0 : i32
    %eq3A_35 = vector.broadcast %eq3A_34 : i32 to vector<2560xi32>
    %eq3A_36 = arith.cmpi eq, %and3A_6, %eq3A_35 : vector<2560xi32>
    %slice3A = vector.extract_strided_slice %select_n3A_31 {offsets = [0, 0], sizes = [5, 2560], strides = [1, 1]} : vector<20x2560xf32> to vector<5x2560xf32>
    %broadcast_in_dim3A_37 = vector.shape_cast %eq3A_36 : vector<2560xi1> to vector<1x2560xi1>
    %broadcast_in_dim3A_38 = vector.broadcast %broadcast_in_dim3A_37 : vector<1x2560xi1> to vector<5x2560xi1>
    %select_n3A_39 = arith.select %broadcast_in_dim3A_38, %slice3A, %broadcast_in_dim3A_33 : vector<5x2560xi1>, vector<5x2560xf32>
    %eq3A_40 = arith.constant 1 : i32
    %eq3A_41 = vector.broadcast %eq3A_40 : i32 to vector<2560xi32>
    %eq3A_42 = arith.cmpi eq, %and3A_6, %eq3A_41 : vector<2560xi32>
    %slice3A_43 = vector.extract_strided_slice %select_n3A_31 {offsets = [1, 0], sizes = [5, 2560], strides = [1, 1]} : vector<20x2560xf32> to vector<5x2560xf32>
    %broadcast_in_dim3A_44 = vector.shape_cast %eq3A_42 : vector<2560xi1> to vector<1x2560xi1>
    %broadcast_in_dim3A_45 = vector.broadcast %broadcast_in_dim3A_44 : vector<1x2560xi1> to vector<5x2560xi1>
    %select_n3A_46 = arith.select %broadcast_in_dim3A_45, %slice3A_43, %select_n3A_39 : vector<5x2560xi1>, vector<5x2560xf32>
    %eq3A_47 = arith.constant 2 : i32
    %eq3A_48 = vector.broadcast %eq3A_47 : i32 to vector<2560xi32>
    %eq3A_49 = arith.cmpi eq, %and3A_6, %eq3A_48 : vector<2560xi32>
    %slice3A_50 = vector.extract_strided_slice %select_n3A_31 {offsets = [2, 0], sizes = [5, 2560], strides = [1, 1]} : vector<20x2560xf32> to vector<5x2560xf32>
    %broadcast_in_dim3A_51 = vector.shape_cast %eq3A_49 : vector<2560xi1> to vector<1x2560xi1>
    %broadcast_in_dim3A_52 = vector.broadcast %broadcast_in_dim3A_51 : vector<1x2560xi1> to vector<5x2560xi1>
    %select_n3A_53 = arith.select %broadcast_in_dim3A_52, %slice3A_50, %select_n3A_46 : vector<5x2560xi1>, vector<5x2560xf32>
    %eq3A_54 = arith.constant 3 : i32
    %eq3A_55 = vector.broadcast %eq3A_54 : i32 to vector<2560xi32>
    %eq3A_56 = arith.cmpi eq, %and3A_6, %eq3A_55 : vector<2560xi32>
    %slice3A_57 = vector.extract_strided_slice %select_n3A_31 {offsets = [3, 0], sizes = [5, 2560], strides = [1, 1]} : vector<20x2560xf32> to vector<5x2560xf32>
    %broadcast_in_dim3A_58 = vector.shape_cast %eq3A_56 : vector<2560xi1> to vector<1x2560xi1>
    %broadcast_in_dim3A_59 = vector.broadcast %broadcast_in_dim3A_58 : vector<1x2560xi1> to vector<5x2560xi1>
    %select_n3A_60 = arith.select %broadcast_in_dim3A_59, %slice3A_57, %select_n3A_53 : vector<5x2560xi1>, vector<5x2560xf32>
    %eq3A_61 = arith.constant 4 : i32
    %eq3A_62 = vector.broadcast %eq3A_61 : i32 to vector<2560xi32>
    %eq3A_63 = arith.cmpi eq, %and3A_6, %eq3A_62 : vector<2560xi32>
    %slice3A_64 = vector.extract_strided_slice %select_n3A_31 {offsets = [4, 0], sizes = [5, 2560], strides = [1, 1]} : vector<20x2560xf32> to vector<5x2560xf32>
    %broadcast_in_dim3A_65 = vector.shape_cast %eq3A_63 : vector<2560xi1> to vector<1x2560xi1>
    %broadcast_in_dim3A_66 = vector.broadcast %broadcast_in_dim3A_65 : vector<1x2560xi1> to vector<5x2560xi1>
    %select_n3A_67 = arith.select %broadcast_in_dim3A_66, %slice3A_64, %select_n3A_60 : vector<5x2560xi1>, vector<5x2560xf32>
    %eq3A_68 = arith.constant 5 : i32
    %eq3A_69 = vector.broadcast %eq3A_68 : i32 to vector<2560xi32>
    %eq3A_70 = arith.cmpi eq, %and3A_6, %eq3A_69 : vector<2560xi32>
    %slice3A_71 = vector.extract_strided_slice %select_n3A_31 {offsets = [5, 0], sizes = [5, 2560], strides = [1, 1]} : vector<20x2560xf32> to vector<5x2560xf32>
    %broadcast_in_dim3A_72 = vector.shape_cast %eq3A_70 : vector<2560xi1> to vector<1x2560xi1>
    %broadcast_in_dim3A_73 = vector.broadcast %broadcast_in_dim3A_72 : vector<1x2560xi1> to vector<5x2560xi1>
    %select_n3A_74 = arith.select %broadcast_in_dim3A_73, %slice3A_71, %select_n3A_67 : vector<5x2560xi1>, vector<5x2560xf32>
    %eq3A_75 = arith.constant 6 : i32
    %eq3A_76 = vector.broadcast %eq3A_75 : i32 to vector<2560xi32>
    %eq3A_77 = arith.cmpi eq, %and3A_6, %eq3A_76 : vector<2560xi32>
    %slice3A_78 = vector.extract_strided_slice %select_n3A_31 {offsets = [6, 0], sizes = [5, 2560], strides = [1, 1]} : vector<20x2560xf32> to vector<5x2560xf32>
    %broadcast_in_dim3A_79 = vector.shape_cast %eq3A_77 : vector<2560xi1> to vector<1x2560xi1>
    %broadcast_in_dim3A_80 = vector.broadcast %broadcast_in_dim3A_79 : vector<1x2560xi1> to vector<5x2560xi1>
    %select_n3A_81 = arith.select %broadcast_in_dim3A_80, %slice3A_78, %select_n3A_74 : vector<5x2560xi1>, vector<5x2560xf32>
    %eq3A_82 = arith.constant 7 : i32
    %eq3A_83 = vector.broadcast %eq3A_82 : i32 to vector<2560xi32>
    %eq3A_84 = arith.cmpi eq, %and3A_6, %eq3A_83 : vector<2560xi32>
    %slice3A_85 = vector.extract_strided_slice %select_n3A_31 {offsets = [7, 0], sizes = [5, 2560], strides = [1, 1]} : vector<20x2560xf32> to vector<5x2560xf32>
    %broadcast_in_dim3A_86 = vector.shape_cast %eq3A_84 : vector<2560xi1> to vector<1x2560xi1>
    %broadcast_in_dim3A_87 = vector.broadcast %broadcast_in_dim3A_86 : vector<1x2560xi1> to vector<5x2560xi1>
    %select_n3A_88 = arith.select %broadcast_in_dim3A_87, %slice3A_85, %select_n3A_81 : vector<5x2560xi1>, vector<5x2560xf32>
    %eq3A_89 = arith.constant 8 : i32
    %eq3A_90 = vector.broadcast %eq3A_89 : i32 to vector<2560xi32>
    %eq3A_91 = arith.cmpi eq, %and3A_6, %eq3A_90 : vector<2560xi32>
    %slice3A_92 = vector.extract_strided_slice %select_n3A_31 {offsets = [8, 0], sizes = [5, 2560], strides = [1, 1]} : vector<20x2560xf32> to vector<5x2560xf32>
    %broadcast_in_dim3A_93 = vector.shape_cast %eq3A_91 : vector<2560xi1> to vector<1x2560xi1>
    %broadcast_in_dim3A_94 = vector.broadcast %broadcast_in_dim3A_93 : vector<1x2560xi1> to vector<5x2560xi1>
    %select_n3A_95 = arith.select %broadcast_in_dim3A_94, %slice3A_92, %select_n3A_88 : vector<5x2560xi1>, vector<5x2560xf32>
    %eq3A_96 = arith.constant 9 : i32
    %eq3A_97 = vector.broadcast %eq3A_96 : i32 to vector<2560xi32>
    %eq3A_98 = arith.cmpi eq, %and3A_6, %eq3A_97 : vector<2560xi32>
    %slice3A_99 = vector.extract_strided_slice %select_n3A_31 {offsets = [9, 0], sizes = [5, 2560], strides = [1, 1]} : vector<20x2560xf32> to vector<5x2560xf32>
    %broadcast_in_dim3A_100 = vector.shape_cast %eq3A_98 : vector<2560xi1> to vector<1x2560xi1>
    %broadcast_in_dim3A_101 = vector.broadcast %broadcast_in_dim3A_100 : vector<1x2560xi1> to vector<5x2560xi1>
    %select_n3A_102 = arith.select %broadcast_in_dim3A_101, %slice3A_99, %select_n3A_95 : vector<5x2560xi1>, vector<5x2560xf32>
    %eq3A_103 = arith.constant 10 : i32
    %eq3A_104 = vector.broadcast %eq3A_103 : i32 to vector<2560xi32>
    %eq3A_105 = arith.cmpi eq, %and3A_6, %eq3A_104 : vector<2560xi32>
    %slice3A_106 = vector.extract_strided_slice %select_n3A_31 {offsets = [10, 0], sizes = [5, 2560], strides = [1, 1]} : vector<20x2560xf32> to vector<5x2560xf32>
    %broadcast_in_dim3A_107 = vector.shape_cast %eq3A_105 : vector<2560xi1> to vector<1x2560xi1>
    %broadcast_in_dim3A_108 = vector.broadcast %broadcast_in_dim3A_107 : vector<1x2560xi1> to vector<5x2560xi1>
    %select_n3A_109 = arith.select %broadcast_in_dim3A_108, %slice3A_106, %select_n3A_102 : vector<5x2560xi1>, vector<5x2560xf32>
    %eq3A_110 = arith.constant 11 : i32
    %eq3A_111 = vector.broadcast %eq3A_110 : i32 to vector<2560xi32>
    %eq3A_112 = arith.cmpi eq, %and3A_6, %eq3A_111 : vector<2560xi32>
    %slice3A_113 = vector.extract_strided_slice %select_n3A_31 {offsets = [11, 0], sizes = [5, 2560], strides = [1, 1]} : vector<20x2560xf32> to vector<5x2560xf32>
    %broadcast_in_dim3A_114 = vector.shape_cast %eq3A_112 : vector<2560xi1> to vector<1x2560xi1>
    %broadcast_in_dim3A_115 = vector.broadcast %broadcast_in_dim3A_114 : vector<1x2560xi1> to vector<5x2560xi1>
    %select_n3A_116 = arith.select %broadcast_in_dim3A_115, %slice3A_113, %select_n3A_109 : vector<5x2560xi1>, vector<5x2560xf32>
    %eq3A_117 = arith.constant 12 : i32
    %eq3A_118 = vector.broadcast %eq3A_117 : i32 to vector<2560xi32>
    %eq3A_119 = arith.cmpi eq, %and3A_6, %eq3A_118 : vector<2560xi32>
    %slice3A_120 = vector.extract_strided_slice %select_n3A_31 {offsets = [12, 0], sizes = [5, 2560], strides = [1, 1]} : vector<20x2560xf32> to vector<5x2560xf32>
    %broadcast_in_dim3A_121 = vector.shape_cast %eq3A_119 : vector<2560xi1> to vector<1x2560xi1>
    %broadcast_in_dim3A_122 = vector.broadcast %broadcast_in_dim3A_121 : vector<1x2560xi1> to vector<5x2560xi1>
    %select_n3A_123 = arith.select %broadcast_in_dim3A_122, %slice3A_120, %select_n3A_116 : vector<5x2560xi1>, vector<5x2560xf32>
    %eq3A_124 = arith.constant 13 : i32
    %eq3A_125 = vector.broadcast %eq3A_124 : i32 to vector<2560xi32>
    %eq3A_126 = arith.cmpi eq, %and3A_6, %eq3A_125 : vector<2560xi32>
    %slice3A_127 = vector.extract_strided_slice %select_n3A_31 {offsets = [13, 0], sizes = [5, 2560], strides = [1, 1]} : vector<20x2560xf32> to vector<5x2560xf32>
    %broadcast_in_dim3A_128 = vector.shape_cast %eq3A_126 : vector<2560xi1> to vector<1x2560xi1>
    %broadcast_in_dim3A_129 = vector.broadcast %broadcast_in_dim3A_128 : vector<1x2560xi1> to vector<5x2560xi1>
    %select_n3A_130 = arith.select %broadcast_in_dim3A_129, %slice3A_127, %select_n3A_123 : vector<5x2560xi1>, vector<5x2560xf32>
    %eq3A_131 = arith.constant 14 : i32
    %eq3A_132 = vector.broadcast %eq3A_131 : i32 to vector<2560xi32>
    %eq3A_133 = arith.cmpi eq, %and3A_6, %eq3A_132 : vector<2560xi32>
    %slice3A_134 = vector.extract_strided_slice %select_n3A_31 {offsets = [14, 0], sizes = [5, 2560], strides = [1, 1]} : vector<20x2560xf32> to vector<5x2560xf32>
    %broadcast_in_dim3A_135 = vector.shape_cast %eq3A_133 : vector<2560xi1> to vector<1x2560xi1>
    %broadcast_in_dim3A_136 = vector.broadcast %broadcast_in_dim3A_135 : vector<1x2560xi1> to vector<5x2560xi1>
    %select_n3A_137 = arith.select %broadcast_in_dim3A_136, %slice3A_134, %select_n3A_130 : vector<5x2560xi1>, vector<5x2560xf32>
    %eq3A_138 = arith.constant 15 : i32
    %eq3A_139 = vector.broadcast %eq3A_138 : i32 to vector<2560xi32>
    %eq3A_140 = arith.cmpi eq, %and3A_6, %eq3A_139 : vector<2560xi32>
    %slice3A_141 = vector.extract_strided_slice %select_n3A_31 {offsets = [15, 0], sizes = [5, 2560], strides = [1, 1]} : vector<20x2560xf32> to vector<5x2560xf32>
    %broadcast_in_dim3A_142 = vector.shape_cast %eq3A_140 : vector<2560xi1> to vector<1x2560xi1>
    %broadcast_in_dim3A_143 = vector.broadcast %broadcast_in_dim3A_142 : vector<1x2560xi1> to vector<5x2560xi1>
    %select_n3A_144 = arith.select %broadcast_in_dim3A_143, %slice3A_141, %select_n3A_137 : vector<5x2560xi1>, vector<5x2560xf32>
    %slice3A_145 = vector.extract_strided_slice %select_n3A_144 {offsets = [0, 0], sizes = [5, 2400], strides = [1, 1]} : vector<5x2560xf32> to vector<5x2400xf32>
    %slice3A_146 = vector.extract_strided_slice %slice3A_145 {offsets = [0, 0], sizes = [1, 2400], strides = [1, 1]} : vector<5x2400xf32> to vector<1x2400xf32>
    %squeeze3A = vector.shape_cast %slice3A_146 : vector<1x2400xf32> to vector<2400xf32>
    %neg3A = arith.constant 0.000000e+00 : f32
    %neg3A_147 = vector.broadcast %neg3A : f32 to vector<2400xf32>
    %neg3A_148 = arith.subf %neg3A_147, %squeeze3A : vector<2400xf32>
    %exp3A = math.exp %neg3A_148 : vector<2400xf32>
    %add3A = arith.constant 1.000000e+00 : f32
    %add3A_149 = vector.broadcast %add3A : f32 to vector<2400xf32>
    %add3A_150 = arith.addf %add3A_149, %exp3A : vector<2400xf32>
    %div3A = arith.constant 1.000000e+00 : f32
    %div3A_151 = vector.broadcast %div3A : f32 to vector<2400xf32>
    %div3A_152 = arith.divf %div3A_151, %add3A_150 : vector<2400xf32>
    %slice3A_153 = vector.extract_strided_slice %slice3A_145 {offsets = [1, 0], sizes = [1, 2400], strides = [1, 1]} : vector<5x2400xf32> to vector<1x2400xf32>
    %squeeze3A_154 = vector.shape_cast %slice3A_153 : vector<1x2400xf32> to vector<2400xf32>
    %neg3A_155 = arith.constant 0.000000e+00 : f32
    %neg3A_156 = vector.broadcast %neg3A_155 : f32 to vector<2400xf32>
    %neg3A_157 = arith.subf %neg3A_156, %squeeze3A_154 : vector<2400xf32>
    %exp3A_158 = math.exp %neg3A_157 : vector<2400xf32>
    %add3A_159 = arith.constant 1.000000e+00 : f32
    %add3A_160 = vector.broadcast %add3A_159 : f32 to vector<2400xf32>
    %add3A_161 = arith.addf %add3A_160, %exp3A_158 : vector<2400xf32>
    %div3A_162 = arith.constant 1.000000e+00 : f32
    %div3A_163 = vector.broadcast %div3A_162 : f32 to vector<2400xf32>
    %div3A_164 = arith.divf %div3A_163, %add3A_161 : vector<2400xf32>
    %slice3A_165 = vector.extract_strided_slice %slice3A_145 {offsets = [2, 0], sizes = [1, 2400], strides = [1, 1]} : vector<5x2400xf32> to vector<1x2400xf32>
    %squeeze3A_166 = vector.shape_cast %slice3A_165 : vector<1x2400xf32> to vector<2400xf32>
    %exp3A_167 = math.exp %squeeze3A_166 : vector<2400xf32>
    %min3A = arith.constant 1.000000e+03 : f32
    %min3A_168 = vector.broadcast %min3A : f32 to vector<2400xf32>
    %min3A_169 = arith.minimumf %exp3A_167, %min3A_168 : vector<2400xf32>
    %get3A_170 = arith.constant 0 : index
    %get3A_171 = arith.constant 0 : index
    %get3A_172 = arith.constant 0 : index
    %get3A_173 = vector.load %arg7[%get3A_170, %get3A_171, %get3A_172] : memref<3x2x2400xf32, #tpu.memory_space<vmem>>, vector<1x1x2400xf32>
    %get3A_174 = vector.shape_cast %get3A_173 : vector<1x1x2400xf32> to vector<2400xf32>
    %mul3A = arith.mulf %min3A_169, %get3A_174 : vector<2400xf32>
    %slice3A_175 = vector.extract_strided_slice %slice3A_145 {offsets = [3, 0], sizes = [1, 2400], strides = [1, 1]} : vector<5x2400xf32> to vector<1x2400xf32>
    %squeeze3A_176 = vector.shape_cast %slice3A_175 : vector<1x2400xf32> to vector<2400xf32>
    %exp3A_177 = math.exp %squeeze3A_176 : vector<2400xf32>
    %min3A_178 = arith.constant 1.000000e+03 : f32
    %min3A_179 = vector.broadcast %min3A_178 : f32 to vector<2400xf32>
    %min3A_180 = arith.minimumf %exp3A_177, %min3A_179 : vector<2400xf32>
    %get3A_181 = arith.constant 0 : index
    %get3A_182 = arith.constant 1 : index
    %get3A_183 = arith.constant 0 : index
    %get3A_184 = vector.load %arg7[%get3A_181, %get3A_182, %get3A_183] : memref<3x2x2400xf32, #tpu.memory_space<vmem>>, vector<1x1x2400xf32>
    %get3A_185 = vector.shape_cast %get3A_184 : vector<1x1x2400xf32> to vector<2400xf32>
    %mul3A_186 = arith.mulf %min3A_180, %get3A_185 : vector<2400xf32>
    %get3A_187 = arith.constant 0 : index
    %get3A_188 = arith.constant 0 : index
    %get3A_189 = arith.constant 0 : index
    %get3A_190 = vector.load %arg6[%get3A_187, %get3A_188, %get3A_189] : memref<3x4x2400xf32, #tpu.memory_space<vmem>>, vector<1x1x2400xf32>
    %get3A_191 = vector.shape_cast %get3A_190 : vector<1x1x2400xf32> to vector<2400xf32>
    %get3A_192 = arith.constant 0 : index
    %get3A_193 = arith.constant 1 : index
    %get3A_194 = arith.constant 0 : index
    %get3A_195 = vector.load %arg6[%get3A_192, %get3A_193, %get3A_194] : memref<3x4x2400xf32, #tpu.memory_space<vmem>>, vector<1x1x2400xf32>
    %get3A_196 = vector.shape_cast %get3A_195 : vector<1x1x2400xf32> to vector<2400xf32>
    %get3A_197 = arith.constant 0 : index
    %get3A_198 = arith.constant 2 : index
    %get3A_199 = arith.constant 0 : index
    %get3A_200 = vector.load %arg6[%get3A_197, %get3A_198, %get3A_199] : memref<3x4x2400xf32, #tpu.memory_space<vmem>>, vector<1x1x2400xf32>
    %get3A_201 = vector.shape_cast %get3A_200 : vector<1x1x2400xf32> to vector<2400xf32>
    %get3A_202 = arith.constant 0 : index
    %get3A_203 = arith.constant 3 : index
    %get3A_204 = arith.constant 0 : index
    %get3A_205 = vector.load %arg6[%get3A_202, %get3A_203, %get3A_204] : memref<3x4x2400xf32, #tpu.memory_space<vmem>>, vector<1x1x2400xf32>
    %get3A_206 = vector.shape_cast %get3A_205 : vector<1x1x2400xf32> to vector<2400xf32>
    %mul3A_207 = arith.constant 5.000000e-01 : f32
    %mul3A_208 = vector.broadcast %mul3A_207 : f32 to vector<2400xf32>
    %mul3A_209 = arith.mulf %mul3A, %mul3A_208 : vector<2400xf32>
    %sub3A = arith.subf %div3A_152, %mul3A_209 : vector<2400xf32>
    %mul3A_210 = arith.constant 5.000000e-01 : f32
    %mul3A_211 = vector.broadcast %mul3A_210 : f32 to vector<2400xf32>
    %mul3A_212 = arith.mulf %get3A_201, %mul3A_211 : vector<2400xf32>
    %sub3A_213 = arith.subf %get3A_191, %mul3A_212 : vector<2400xf32>
    %max3A = arith.maximumf %sub3A, %sub3A_213 : vector<2400xf32>
    %mul3A_214 = arith.constant 5.000000e-01 : f32
    %mul3A_215 = vector.broadcast %mul3A_214 : f32 to vector<2400xf32>
    %mul3A_216 = arith.mulf %mul3A_186, %mul3A_215 : vector<2400xf32>
    %sub3A_217 = arith.subf %div3A_164, %mul3A_216 : vector<2400xf32>
    %mul3A_218 = arith.constant 5.000000e-01 : f32
    %mul3A_219 = vector.broadcast %mul3A_218 : f32 to vector<2400xf32>
    %mul3A_220 = arith.mulf %get3A_206, %mul3A_219 : vector<2400xf32>
    %sub3A_221 = arith.subf %get3A_196, %mul3A_220 : vector<2400xf32>
    %max3A_222 = arith.maximumf %sub3A_217, %sub3A_221 : vector<2400xf32>
    %mul3A_223 = arith.constant 5.000000e-01 : f32
    %mul3A_224 = vector.broadcast %mul3A_223 : f32 to vector<2400xf32>
    %mul3A_225 = arith.mulf %mul3A, %mul3A_224 : vector<2400xf32>
    %add3A_226 = arith.addf %div3A_152, %mul3A_225 : vector<2400xf32>
    %mul3A_227 = arith.constant 5.000000e-01 : f32
    %mul3A_228 = vector.broadcast %mul3A_227 : f32 to vector<2400xf32>
    %mul3A_229 = arith.mulf %get3A_201, %mul3A_228 : vector<2400xf32>
    %add3A_230 = arith.addf %get3A_191, %mul3A_229 : vector<2400xf32>
    %min3A_231 = arith.minimumf %add3A_226, %add3A_230 : vector<2400xf32>
    %mul3A_232 = arith.constant 5.000000e-01 : f32
    %mul3A_233 = vector.broadcast %mul3A_232 : f32 to vector<2400xf32>
    %mul3A_234 = arith.mulf %mul3A_186, %mul3A_233 : vector<2400xf32>
    %add3A_235 = arith.addf %div3A_164, %mul3A_234 : vector<2400xf32>
    %mul3A_236 = arith.constant 5.000000e-01 : f32
    %mul3A_237 = vector.broadcast %mul3A_236 : f32 to vector<2400xf32>
    %mul3A_238 = arith.mulf %get3A_206, %mul3A_237 : vector<2400xf32>
    %add3A_239 = arith.addf %get3A_196, %mul3A_238 : vector<2400xf32>
    %min3A_240 = arith.minimumf %add3A_235, %add3A_239 : vector<2400xf32>
    %lt3A = arith.cmpf olt, %max3A, %min3A_231 : vector<2400xf32>
    %lt3A_241 = arith.cmpf olt, %max3A_222, %min3A_240 : vector<2400xf32>
    %and3A_242 = arith.andi %lt3A, %lt3A_241 : vector<2400xi1>
    %convert_element_type3A = arith.extui %and3A_242 : vector<2400xi1> to vector<2400xi32>
    %convert_element_type3A_243 = arith.sitofp %convert_element_type3A : vector<2400xi32> to vector<2400xf32>
    %sub3A_244 = arith.subf %min3A_231, %max3A : vector<2400xf32>
    %sub3A_245 = arith.subf %min3A_240, %max3A_222 : vector<2400xf32>
    %mul3A_246 = arith.mulf %sub3A_244, %sub3A_245 : vector<2400xf32>
    %mul3A_247 = arith.mulf %mul3A_246, %convert_element_type3A_243 : vector<2400xf32>
    %mul3A_248 = arith.mulf %mul3A, %mul3A_186 : vector<2400xf32>
    %mul3A_249 = arith.mulf %get3A_201, %get3A_206 : vector<2400xf32>
    %add3A_250 = arith.addf %mul3A_248, %mul3A_249 : vector<2400xf32>
    %sub3A_251 = arith.subf %add3A_250, %mul3A_247 : vector<2400xf32>
    %div3A_252 = arith.divf %mul3A_247, %sub3A_251 : vector<2400xf32>
    %gt3A = arith.constant 0.000000e+00 : f32
    %gt3A_253 = vector.broadcast %gt3A : f32 to vector<2400xf32>
    %gt3A_254 = arith.cmpf ogt, %get3A_10, %gt3A_253 : vector<2400xf32>
    %sub3A_255 = arith.constant 1.000000e+00 : f32
    %sub3A_256 = vector.broadcast %sub3A_255 : f32 to vector<2400xf32>
    %sub3A_257 = arith.subf %sub3A_256, %div3A_252 : vector<2400xf32>
    %jit3A = arith.constant 0.000000e+00 : f32
    %broadcast_in_dim3A_258 = vector.broadcast %jit3A : f32 to vector<2400xf32>
    %select_n3A_259 = arith.select %gt3A_254, %sub3A_257, %broadcast_in_dim3A_258 : vector<2400xi1>, vector<2400xf32>
    %reduce_sum3A_260 = vector.shape_cast %select_n3A_259 : vector<2400xf32> to vector<1x2400xf32>
    %reduce_sum3A_261 = arith.constant dense<0.000000e+00> : vector<1xf32>
    %reduce_sum3A_262 = vector.multi_reduction <add>, %reduce_sum3A_260, %reduce_sum3A_261 [1] : vector<1x2400xf32> to vector<1xf32>
    %reduce_sum3A_263 = vector.shape_cast %reduce_sum3A_262 : vector<1xf32> to vector<1x1xf32>
    %reduce_sum3A_264 = vector.extract %reduce_sum3A_263[0, 0] : f32 from vector<1x1xf32>
    %div3A_265 = arith.divf %reduce_sum3A_264, %reduce_sum3A_14 : f32
    %add3A_266 = arith.constant 0.000000e+00 : f32
    %add3A_267 = arith.addf %add3A_266, %div3A_265 : f32
    %slice3A_268 = vector.extract_strided_slice %slice3A_145 {offsets = [4, 0], sizes = [1, 2400], strides = [1, 1]} : vector<5x2400xf32> to vector<1x2400xf32>
    %squeeze3A_269 = vector.shape_cast %slice3A_268 : vector<1x2400xf32> to vector<2400xf32>
    %get3A_270 = arith.constant 0 : index
    %get3A_271 = arith.constant 0 : index
    %get3A_272 = vector.load %arg4[%get3A_270, %get3A_271] : memref<3x2400xf32, #tpu.memory_space<vmem>>, vector<1x2400xf32>
    %get3A_273 = vector.shape_cast %get3A_272 : vector<1x2400xf32> to vector<2400xf32>
    %gt3A_274 = arith.constant 0.000000e+00 : f32
    %gt3A_275 = vector.broadcast %gt3A_274 : f32 to vector<2400xf32>
    %gt3A_276 = arith.cmpf ogt, %get3A_273, %gt3A_275 : vector<2400xf32>
    %neg3A_277 = arith.constant 0.000000e+00 : f32
    %neg3A_278 = vector.broadcast %neg3A_277 : f32 to vector<2400xf32>
    %neg3A_279 = arith.subf %neg3A_278, %squeeze3A_269 : vector<2400xf32>
    %max3A_280 = arith.constant 0.000000e+00 : f32
    %max3A_281 = vector.broadcast %max3A_280 : f32 to vector<2400xf32>
    %max3A_282 = arith.maximumf %neg3A_279, %max3A_281 : vector<2400xf32>
    %abs3A = math.absf %neg3A_279 : vector<2400xf32>
    %neg3A_283 = arith.constant 0.000000e+00 : f32
    %neg3A_284 = vector.broadcast %neg3A_283 : f32 to vector<2400xf32>
    %neg3A_285 = arith.subf %neg3A_284, %abs3A : vector<2400xf32>
    %exp3A_286 = math.exp %neg3A_285 : vector<2400xf32>
    %log1p3A = math.log1p %exp3A_286 : vector<2400xf32>
    %add3A_287 = arith.addf %max3A_282, %log1p3A : vector<2400xf32>
    %max3A_288 = arith.constant 0.000000e+00 : f32
    %max3A_289 = vector.broadcast %max3A_288 : f32 to vector<2400xf32>
    %max3A_290 = arith.maximumf %squeeze3A_269, %max3A_289 : vector<2400xf32>
    %abs3A_291 = math.absf %squeeze3A_269 : vector<2400xf32>
    %neg3A_292 = arith.constant 0.000000e+00 : f32
    %neg3A_293 = vector.broadcast %neg3A_292 : f32 to vector<2400xf32>
    %neg3A_294 = arith.subf %neg3A_293, %abs3A_291 : vector<2400xf32>
    %exp3A_295 = math.exp %neg3A_294 : vector<2400xf32>
    %log1p3A_296 = math.log1p %exp3A_295 : vector<2400xf32>
    %add3A_297 = arith.addf %max3A_290, %log1p3A_296 : vector<2400xf32>
    %sub3A_298 = arith.subf %add3A_287, %add3A_297 : vector<2400xf32>
    %jit3A_299 = arith.constant 0.000000e+00 : f32
    %broadcast_in_dim3A_300 = vector.broadcast %jit3A_299 : f32 to vector<2400xf32>
    %select_n3A_301 = arith.select %gt3A_276, %sub3A_298, %broadcast_in_dim3A_300 : vector<2400xi1>, vector<2400xf32>
    %reduce_sum3A_302 = vector.shape_cast %select_n3A_301 : vector<2400xf32> to vector<1x2400xf32>
    %reduce_sum3A_303 = arith.constant dense<0.000000e+00> : vector<1xf32>
    %reduce_sum3A_304 = vector.multi_reduction <add>, %reduce_sum3A_302, %reduce_sum3A_303 [1] : vector<1x2400xf32> to vector<1xf32>
    %reduce_sum3A_305 = vector.shape_cast %reduce_sum3A_304 : vector<1xf32> to vector<1x1xf32>
    %reduce_sum3A_306 = vector.extract %reduce_sum3A_305[0, 0] : f32 from vector<1x1xf32>
    %get3A_307 = arith.constant 0 : index
    %get3A_308 = arith.constant 0 : index
    %get3A_309 = vector.load %arg9[%get3A_307, %get3A_308] : memref<1x1xf32, #tpu.memory_space<vmem>>, vector<1x1xf32>
    %squeeze3A_310 = vector.extract %get3A_309[0, 0] : f32 from vector<1x1xf32>
    %add3A_311 = arith.addf %squeeze3A_310, %reduce_sum3A_306 : f32
    %mul3A_312 = arith.constant 5.08626317E-6 : f32
    %mul3A_313 = arith.mulf %add3A_311, %mul3A_312 : f32
    %add3A_314 = arith.constant 0.000000e+00 : f32
    %add3A_315 = arith.addf %add3A_314, %mul3A_313 : f32
    %get3A_316 = arith.constant 0 : index
    %get3A_317 = arith.constant 0 : index
    %get3A_318 = vector.load %arg8[%get3A_316, %get3A_317] : memref<3x2400xi32, #tpu.memory_space<vmem>>, vector<1x2400xi32>
    %get3A_319 = vector.shape_cast %get3A_318 : vector<1x2400xi32> to vector<2400xi32>
    %broadcast_in_dim3A_320 = arith.constant 0.000000e+00 : f32
    %broadcast_in_dim3A_321 = vector.broadcast %broadcast_in_dim3A_320 : f32 to vector<2400xf32>
    %broadcast_in_dim3A_322 = arith.constant 0.000000e+00 : f32
    %broadcast_in_dim3A_323 = vector.broadcast %broadcast_in_dim3A_322 : f32 to vector<31x2560xf32>
    %eq3A_324 = arith.constant 0 : i32
    %eq3A_325 = vector.broadcast %eq3A_324 : i32 to vector<2560xi32>
    %eq3A_326 = arith.cmpi eq, %shift_right_logical3A_4, %eq3A_325 : vector<2560xi32>
    %get3A_327 = arith.constant 5 : index
    %get3A_328 = arith.constant 0 : index
    %get3A_329 = vector.load %arg0[%get3A_327, %get3A_328] : memref<128x2560xf32, #tpu.memory_space<vmem>>, vector<31x2560xf32>
    %broadcast_in_dim3A_330 = vector.shape_cast %eq3A_326 : vector<2560xi1> to vector<1x2560xi1>
    %broadcast_in_dim3A_331 = vector.broadcast %broadcast_in_dim3A_330 : vector<1x2560xi1> to vector<31x2560xi1>
    %select_n3A_332 = arith.select %broadcast_in_dim3A_331, %get3A_329, %broadcast_in_dim3A_323 : vector<31x2560xi1>, vector<31x2560xf32>
    %eq3A_333 = arith.constant 1 : i32
    %eq3A_334 = vector.broadcast %eq3A_333 : i32 to vector<2560xi32>
    %eq3A_335 = arith.cmpi eq, %shift_right_logical3A_4, %eq3A_334 : vector<2560xi32>
    %get3A_336 = arith.constant 21 : index
    %get3A_337 = arith.constant 0 : index
    %get3A_338 = vector.load %arg0[%get3A_336, %get3A_337] : memref<128x2560xf32, #tpu.memory_space<vmem>>, vector<31x2560xf32>
    %broadcast_in_dim3A_339 = vector.shape_cast %eq3A_335 : vector<2560xi1> to vector<1x2560xi1>
    %broadcast_in_dim3A_340 = vector.broadcast %broadcast_in_dim3A_339 : vector<1x2560xi1> to vector<31x2560xi1>
    %select_n3A_341 = arith.select %broadcast_in_dim3A_340, %get3A_338, %select_n3A_332 : vector<31x2560xi1>, vector<31x2560xf32>
    %broadcast_in_dim3A_342 = arith.constant 0.000000e+00 : f32
    %broadcast_in_dim3A_343 = vector.broadcast %broadcast_in_dim3A_342 : f32 to vector<16x2560xf32>
    %eq3A_344 = arith.constant 0 : i32
    %eq3A_345 = vector.broadcast %eq3A_344 : i32 to vector<2560xi32>
    %eq3A_346 = arith.cmpi eq, %and3A_6, %eq3A_345 : vector<2560xi32>
    %slice3A_347 = vector.extract_strided_slice %select_n3A_341 {offsets = [0, 0], sizes = [16, 2560], strides = [1, 1]} : vector<31x2560xf32> to vector<16x2560xf32>
    %broadcast_in_dim3A_348 = vector.shape_cast %eq3A_346 : vector<2560xi1> to vector<1x2560xi1>
    %broadcast_in_dim3A_349 = vector.broadcast %broadcast_in_dim3A_348 : vector<1x2560xi1> to vector<16x2560xi1>
    %select_n3A_350 = arith.select %broadcast_in_dim3A_349, %slice3A_347, %broadcast_in_dim3A_343 : vector<16x2560xi1>, vector<16x2560xf32>
    %eq3A_351 = arith.constant 1 : i32
    %eq3A_352 = vector.broadcast %eq3A_351 : i32 to vector<2560xi32>
    %eq3A_353 = arith.cmpi eq, %and3A_6, %eq3A_352 : vector<2560xi32>
    %slice3A_354 = vector.extract_strided_slice %select_n3A_341 {offsets = [1, 0], sizes = [16, 2560], strides = [1, 1]} : vector<31x2560xf32> to vector<16x2560xf32>
    %broadcast_in_dim3A_355 = vector.shape_cast %eq3A_353 : vector<2560xi1> to vector<1x2560xi1>
    %broadcast_in_dim3A_356 = vector.broadcast %broadcast_in_dim3A_355 : vector<1x2560xi1> to vector<16x2560xi1>
    %select_n3A_357 = arith.select %broadcast_in_dim3A_356, %slice3A_354, %select_n3A_350 : vector<16x2560xi1>, vector<16x2560xf32>
    %eq3A_358 = arith.constant 2 : i32
    %eq3A_359 = vector.broadcast %eq3A_358 : i32 to vector<2560xi32>
    %eq3A_360 = arith.cmpi eq, %and3A_6, %eq3A_359 : vector<2560xi32>
    %slice3A_361 = vector.extract_strided_slice %select_n3A_341 {offsets = [2, 0], sizes = [16, 2560], strides = [1, 1]} : vector<31x2560xf32> to vector<16x2560xf32>
    %broadcast_in_dim3A_362 = vector.shape_cast %eq3A_360 : vector<2560xi1> to vector<1x2560xi1>
    %broadcast_in_dim3A_363 = vector.broadcast %broadcast_in_dim3A_362 : vector<1x2560xi1> to vector<16x2560xi1>
    %select_n3A_364 = arith.select %broadcast_in_dim3A_363, %slice3A_361, %select_n3A_357 : vector<16x2560xi1>, vector<16x2560xf32>
    %eq3A_365 = arith.constant 3 : i32
    %eq3A_366 = vector.broadcast %eq3A_365 : i32 to vector<2560xi32>
    %eq3A_367 = arith.cmpi eq, %and3A_6, %eq3A_366 : vector<2560xi32>
    %slice3A_368 = vector.extract_strided_slice %select_n3A_341 {offsets = [3, 0], sizes = [16, 2560], strides = [1, 1]} : vector<31x2560xf32> to vector<16x2560xf32>
    %broadcast_in_dim3A_369 = vector.shape_cast %eq3A_367 : vector<2560xi1> to vector<1x2560xi1>
    %broadcast_in_dim3A_370 = vector.broadcast %broadcast_in_dim3A_369 : vector<1x2560xi1> to vector<16x2560xi1>
    %select_n3A_371 = arith.select %broadcast_in_dim3A_370, %slice3A_368, %select_n3A_364 : vector<16x2560xi1>, vector<16x2560xf32>
    %eq3A_372 = arith.constant 4 : i32
    %eq3A_373 = vector.broadcast %eq3A_372 : i32 to vector<2560xi32>
    %eq3A_374 = arith.cmpi eq, %and3A_6, %eq3A_373 : vector<2560xi32>
    %slice3A_375 = vector.extract_strided_slice %select_n3A_341 {offsets = [4, 0], sizes = [16, 2560], strides = [1, 1]} : vector<31x2560xf32> to vector<16x2560xf32>
    %broadcast_in_dim3A_376 = vector.shape_cast %eq3A_374 : vector<2560xi1> to vector<1x2560xi1>
    %broadcast_in_dim3A_377 = vector.broadcast %broadcast_in_dim3A_376 : vector<1x2560xi1> to vector<16x2560xi1>
    %select_n3A_378 = arith.select %broadcast_in_dim3A_377, %slice3A_375, %select_n3A_371 : vector<16x2560xi1>, vector<16x2560xf32>
    %eq3A_379 = arith.constant 5 : i32
    %eq3A_380 = vector.broadcast %eq3A_379 : i32 to vector<2560xi32>
    %eq3A_381 = arith.cmpi eq, %and3A_6, %eq3A_380 : vector<2560xi32>
    %slice3A_382 = vector.extract_strided_slice %select_n3A_341 {offsets = [5, 0], sizes = [16, 2560], strides = [1, 1]} : vector<31x2560xf32> to vector<16x2560xf32>
    %broadcast_in_dim3A_383 = vector.shape_cast %eq3A_381 : vector<2560xi1> to vector<1x2560xi1>
    %broadcast_in_dim3A_384 = vector.broadcast %broadcast_in_dim3A_383 : vector<1x2560xi1> to vector<16x2560xi1>
    %select_n3A_385 = arith.select %broadcast_in_dim3A_384, %slice3A_382, %select_n3A_378 : vector<16x2560xi1>, vector<16x2560xf32>
    %eq3A_386 = arith.constant 6 : i32
    %eq3A_387 = vector.broadcast %eq3A_386 : i32 to vector<2560xi32>
    %eq3A_388 = arith.cmpi eq, %and3A_6, %eq3A_387 : vector<2560xi32>
    %slice3A_389 = vector.extract_strided_slice %select_n3A_341 {offsets = [6, 0], sizes = [16, 2560], strides = [1, 1]} : vector<31x2560xf32> to vector<16x2560xf32>
    %broadcast_in_dim3A_390 = vector.shape_cast %eq3A_388 : vector<2560xi1> to vector<1x2560xi1>
    %broadcast_in_dim3A_391 = vector.broadcast %broadcast_in_dim3A_390 : vector<1x2560xi1> to vector<16x2560xi1>
    %select_n3A_392 = arith.select %broadcast_in_dim3A_391, %slice3A_389, %select_n3A_385 : vector<16x2560xi1>, vector<16x2560xf32>
    %eq3A_393 = arith.constant 7 : i32
    %eq3A_394 = vector.broadcast %eq3A_393 : i32 to vector<2560xi32>
    %eq3A_395 = arith.cmpi eq, %and3A_6, %eq3A_394 : vector<2560xi32>
    %slice3A_396 = vector.extract_strided_slice %select_n3A_341 {offsets = [7, 0], sizes = [16, 2560], strides = [1, 1]} : vector<31x2560xf32> to vector<16x2560xf32>
    %broadcast_in_dim3A_397 = vector.shape_cast %eq3A_395 : vector<2560xi1> to vector<1x2560xi1>
    %broadcast_in_dim3A_398 = vector.broadcast %broadcast_in_dim3A_397 : vector<1x2560xi1> to vector<16x2560xi1>
    %select_n3A_399 = arith.select %broadcast_in_dim3A_398, %slice3A_396, %select_n3A_392 : vector<16x2560xi1>, vector<16x2560xf32>
    %eq3A_400 = arith.constant 8 : i32
    %eq3A_401 = vector.broadcast %eq3A_400 : i32 to vector<2560xi32>
    %eq3A_402 = arith.cmpi eq, %and3A_6, %eq3A_401 : vector<2560xi32>
    %slice3A_403 = vector.extract_strided_slice %select_n3A_341 {offsets = [8, 0], sizes = [16, 2560], strides = [1, 1]} : vector<31x2560xf32> to vector<16x2560xf32>
    %broadcast_in_dim3A_404 = vector.shape_cast %eq3A_402 : vector<2560xi1> to vector<1x2560xi1>
    %broadcast_in_dim3A_405 = vector.broadcast %broadcast_in_dim3A_404 : vector<1x2560xi1> to vector<16x2560xi1>
    %select_n3A_406 = arith.select %broadcast_in_dim3A_405, %slice3A_403, %select_n3A_399 : vector<16x2560xi1>, vector<16x2560xf32>
    %eq3A_407 = arith.constant 9 : i32
    %eq3A_408 = vector.broadcast %eq3A_407 : i32 to vector<2560xi32>
    %eq3A_409 = arith.cmpi eq, %and3A_6, %eq3A_408 : vector<2560xi32>
    %slice3A_410 = vector.extract_strided_slice %select_n3A_341 {offsets = [9, 0], sizes = [16, 2560], strides = [1, 1]} : vector<31x2560xf32> to vector<16x2560xf32>
    %broadcast_in_dim3A_411 = vector.shape_cast %eq3A_409 : vector<2560xi1> to vector<1x2560xi1>
    %broadcast_in_dim3A_412 = vector.broadcast %broadcast_in_dim3A_411 : vector<1x2560xi1> to vector<16x2560xi1>
    %select_n3A_413 = arith.select %broadcast_in_dim3A_412, %slice3A_410, %select_n3A_406 : vector<16x2560xi1>, vector<16x2560xf32>
    %eq3A_414 = arith.constant 10 : i32
    %eq3A_415 = vector.broadcast %eq3A_414 : i32 to vector<2560xi32>
    %eq3A_416 = arith.cmpi eq, %and3A_6, %eq3A_415 : vector<2560xi32>
    %slice3A_417 = vector.extract_strided_slice %select_n3A_341 {offsets = [10, 0], sizes = [16, 2560], strides = [1, 1]} : vector<31x2560xf32> to vector<16x2560xf32>
    %broadcast_in_dim3A_418 = vector.shape_cast %eq3A_416 : vector<2560xi1> to vector<1x2560xi1>
    %broadcast_in_dim3A_419 = vector.broadcast %broadcast_in_dim3A_418 : vector<1x2560xi1> to vector<16x2560xi1>
    %select_n3A_420 = arith.select %broadcast_in_dim3A_419, %slice3A_417, %select_n3A_413 : vector<16x2560xi1>, vector<16x2560xf32>
    %eq3A_421 = arith.constant 11 : i32
    %eq3A_422 = vector.broadcast %eq3A_421 : i32 to vector<2560xi32>
    %eq3A_423 = arith.cmpi eq, %and3A_6, %eq3A_422 : vector<2560xi32>
    %slice3A_424 = vector.extract_strided_slice %select_n3A_341 {offsets = [11, 0], sizes = [16, 2560], strides = [1, 1]} : vector<31x2560xf32> to vector<16x2560xf32>
    %broadcast_in_dim3A_425 = vector.shape_cast %eq3A_423 : vector<2560xi1> to vector<1x2560xi1>
    %broadcast_in_dim3A_426 = vector.broadcast %broadcast_in_dim3A_425 : vector<1x2560xi1> to vector<16x2560xi1>
    %select_n3A_427 = arith.select %broadcast_in_dim3A_426, %slice3A_424, %select_n3A_420 : vector<16x2560xi1>, vector<16x2560xf32>
    %eq3A_428 = arith.constant 12 : i32
    %eq3A_429 = vector.broadcast %eq3A_428 : i32 to vector<2560xi32>
    %eq3A_430 = arith.cmpi eq, %and3A_6, %eq3A_429 : vector<2560xi32>
    %slice3A_431 = vector.extract_strided_slice %select_n3A_341 {offsets = [12, 0], sizes = [16, 2560], strides = [1, 1]} : vector<31x2560xf32> to vector<16x2560xf32>
    %broadcast_in_dim3A_432 = vector.shape_cast %eq3A_430 : vector<2560xi1> to vector<1x2560xi1>
    %broadcast_in_dim3A_433 = vector.broadcast %broadcast_in_dim3A_432 : vector<1x2560xi1> to vector<16x2560xi1>
    %select_n3A_434 = arith.select %broadcast_in_dim3A_433, %slice3A_431, %select_n3A_427 : vector<16x2560xi1>, vector<16x2560xf32>
    %eq3A_435 = arith.constant 13 : i32
    %eq3A_436 = vector.broadcast %eq3A_435 : i32 to vector<2560xi32>
    %eq3A_437 = arith.cmpi eq, %and3A_6, %eq3A_436 : vector<2560xi32>
    %slice3A_438 = vector.extract_strided_slice %select_n3A_341 {offsets = [13, 0], sizes = [16, 2560], strides = [1, 1]} : vector<31x2560xf32> to vector<16x2560xf32>
    %broadcast_in_dim3A_439 = vector.shape_cast %eq3A_437 : vector<2560xi1> to vector<1x2560xi1>
    %broadcast_in_dim3A_440 = vector.broadcast %broadcast_in_dim3A_439 : vector<1x2560xi1> to vector<16x2560xi1>
    %select_n3A_441 = arith.select %broadcast_in_dim3A_440, %slice3A_438, %select_n3A_434 : vector<16x2560xi1>, vector<16x2560xf32>
    %eq3A_442 = arith.constant 14 : i32
    %eq3A_443 = vector.broadcast %eq3A_442 : i32 to vector<2560xi32>
    %eq3A_444 = arith.cmpi eq, %and3A_6, %eq3A_443 : vector<2560xi32>
    %slice3A_445 = vector.extract_strided_slice %select_n3A_341 {offsets = [14, 0], sizes = [16, 2560], strides = [1, 1]} : vector<31x2560xf32> to vector<16x2560xf32>
    %broadcast_in_dim3A_446 = vector.shape_cast %eq3A_444 : vector<2560xi1> to vector<1x2560xi1>
    %broadcast_in_dim3A_447 = vector.broadcast %broadcast_in_dim3A_446 : vector<1x2560xi1> to vector<16x2560xi1>
    %select_n3A_448 = arith.select %broadcast_in_dim3A_447, %slice3A_445, %select_n3A_441 : vector<16x2560xi1>, vector<16x2560xf32>
    %eq3A_449 = arith.constant 15 : i32
    %eq3A_450 = vector.broadcast %eq3A_449 : i32 to vector<2560xi32>
    %eq3A_451 = arith.cmpi eq, %and3A_6, %eq3A_450 : vector<2560xi32>
    %slice3A_452 = vector.extract_strided_slice %select_n3A_341 {offsets = [15, 0], sizes = [16, 2560], strides = [1, 1]} : vector<31x2560xf32> to vector<16x2560xf32>
    %broadcast_in_dim3A_453 = vector.shape_cast %eq3A_451 : vector<2560xi1> to vector<1x2560xi1>
    %broadcast_in_dim3A_454 = vector.broadcast %broadcast_in_dim3A_453 : vector<1x2560xi1> to vector<16x2560xi1>
    %select_n3A_455 = arith.select %broadcast_in_dim3A_454, %slice3A_452, %select_n3A_448 : vector<16x2560xi1>, vector<16x2560xf32>
    %slice3A_456 = vector.extract_strided_slice %select_n3A_455 {offsets = [0, 0], sizes = [16, 2400], strides = [1, 1]} : vector<16x2560xf32> to vector<16x2400xf32>
    %max3A_457 = arith.constant 0.000000e+00 : f32
    %max3A_458 = vector.broadcast %max3A_457 : f32 to vector<16x2400xf32>
    %max3A_459 = arith.maximumf %slice3A_456, %max3A_458 : vector<16x2400xf32>
    %abs3A_460 = math.absf %slice3A_456 : vector<16x2400xf32>
    %neg3A_461 = arith.constant 0.000000e+00 : f32
    %neg3A_462 = vector.broadcast %neg3A_461 : f32 to vector<16x2400xf32>
    %neg3A_463 = arith.subf %neg3A_462, %abs3A_460 : vector<16x2400xf32>
    %exp3A_464 = math.exp %neg3A_463 : vector<16x2400xf32>
    %log1p3A_465 = math.log1p %exp3A_464 : vector<16x2400xf32>
    %add3A_466 = arith.addf %max3A_459, %log1p3A_465 : vector<16x2400xf32>
    %neg3A_467 = arith.constant 0.000000e+00 : f32
    %neg3A_468 = vector.broadcast %neg3A_467 : f32 to vector<16x2400xf32>
    %neg3A_469 = arith.subf %neg3A_468, %slice3A_456 : vector<16x2400xf32>
    %max3A_470 = arith.constant 0.000000e+00 : f32
    %max3A_471 = vector.broadcast %max3A_470 : f32 to vector<16x2400xf32>
    %max3A_472 = arith.maximumf %neg3A_469, %max3A_471 : vector<16x2400xf32>
    %abs3A_473 = math.absf %neg3A_469 : vector<16x2400xf32>
    %neg3A_474 = arith.constant 0.000000e+00 : f32
    %neg3A_475 = vector.broadcast %neg3A_474 : f32 to vector<16x2400xf32>
    %neg3A_476 = arith.subf %neg3A_475, %abs3A_473 : vector<16x2400xf32>
    %exp3A_477 = math.exp %neg3A_476 : vector<16x2400xf32>
    %log1p3A_478 = math.log1p %exp3A_477 : vector<16x2400xf32>
    %add3A_479 = arith.addf %max3A_472, %log1p3A_478 : vector<16x2400xf32>
    %iota3A = tpu.iota {dimensions = array<i32: 0>} : vector<16x2400xi32>
    %add3A_480 = arith.constant 0 : i32
    %add3A_481 = vector.broadcast %add3A_480 : i32 to vector<16x2400xi32>
    %add3A_482 = arith.addi %iota3A, %add3A_481 : vector<16x2400xi32>
    %broadcast_in_dim3A_483 = vector.shape_cast %get3A_319 : vector<2400xi32> to vector<1x2400xi32>
    %eq3A_484 = vector.broadcast %broadcast_in_dim3A_483 : vector<1x2400xi32> to vector<16x2400xi32>
    %eq3A_485 = arith.cmpi eq, %add3A_482, %eq3A_484 : vector<16x2400xi32>
    %select_n3A_486 = arith.select %eq3A_485, %add3A_479, %add3A_466 : vector<16x2400xi1>, vector<16x2400xf32>
    %reduce_sum3A_487 = arith.constant dense<0.000000e+00> : vector<2400xf32>
    %reduce_sum3A_488 = vector.multi_reduction <add>, %select_n3A_486, %reduce_sum3A_487 [0] : vector<16x2400xf32> to vector<2400xf32>
    %add3A_489 = arith.addf %broadcast_in_dim3A_321, %reduce_sum3A_488 : vector<2400xf32>
    %broadcast_in_dim3A_490 = arith.constant 0.000000e+00 : f32
    %broadcast_in_dim3A_491 = vector.broadcast %broadcast_in_dim3A_490 : f32 to vector<31x2560xf32>
    %eq3A_492 = arith.constant 0 : i32
    %eq3A_493 = vector.broadcast %eq3A_492 : i32 to vector<2560xi32>
    %eq3A_494 = arith.cmpi eq, %shift_right_logical3A_4, %eq3A_493 : vector<2560xi32>
    %get3A_495 = arith.constant 21 : index
    %get3A_496 = arith.constant 0 : index
    %get3A_497 = vector.load %arg0[%get3A_495, %get3A_496] : memref<128x2560xf32, #tpu.memory_space<vmem>>, vector<31x2560xf32>
    %broadcast_in_dim3A_498 = vector.shape_cast %eq3A_494 : vector<2560xi1> to vector<1x2560xi1>
    %broadcast_in_dim3A_499 = vector.broadcast %broadcast_in_dim3A_498 : vector<1x2560xi1> to vector<31x2560xi1>
    %select_n3A_500 = arith.select %broadcast_in_dim3A_499, %get3A_497, %broadcast_in_dim3A_491 : vector<31x2560xi1>, vector<31x2560xf32>
    %eq3A_501 = arith.constant 1 : i32
    %eq3A_502 = vector.broadcast %eq3A_501 : i32 to vector<2560xi32>
    %eq3A_503 = arith.cmpi eq, %shift_right_logical3A_4, %eq3A_502 : vector<2560xi32>
    %get3A_504 = arith.constant 37 : index
    %get3A_505 = arith.constant 0 : index
    %get3A_506 = vector.load %arg0[%get3A_504, %get3A_505] : memref<128x2560xf32, #tpu.memory_space<vmem>>, vector<31x2560xf32>
    %broadcast_in_dim3A_507 = vector.shape_cast %eq3A_503 : vector<2560xi1> to vector<1x2560xi1>
    %broadcast_in_dim3A_508 = vector.broadcast %broadcast_in_dim3A_507 : vector<1x2560xi1> to vector<31x2560xi1>
    %select_n3A_509 = arith.select %broadcast_in_dim3A_508, %get3A_506, %select_n3A_500 : vector<31x2560xi1>, vector<31x2560xf32>
    %broadcast_in_dim3A_510 = arith.constant 0.000000e+00 : f32
    %broadcast_in_dim3A_511 = vector.broadcast %broadcast_in_dim3A_510 : f32 to vector<16x2560xf32>
    %eq3A_512 = arith.constant 0 : i32
    %eq3A_513 = vector.broadcast %eq3A_512 : i32 to vector<2560xi32>
    %eq3A_514 = arith.cmpi eq, %and3A_6, %eq3A_513 : vector<2560xi32>
    %slice3A_515 = vector.extract_strided_slice %select_n3A_509 {offsets = [0, 0], sizes = [16, 2560], strides = [1, 1]} : vector<31x2560xf32> to vector<16x2560xf32>
    %broadcast_in_dim3A_516 = vector.shape_cast %eq3A_514 : vector<2560xi1> to vector<1x2560xi1>
    %broadcast_in_dim3A_517 = vector.broadcast %broadcast_in_dim3A_516 : vector<1x2560xi1> to vector<16x2560xi1>
    %select_n3A_518 = arith.select %broadcast_in_dim3A_517, %slice3A_515, %broadcast_in_dim3A_511 : vector<16x2560xi1>, vector<16x2560xf32>
    %eq3A_519 = arith.constant 1 : i32
    %eq3A_520 = vector.broadcast %eq3A_519 : i32 to vector<2560xi32>
    %eq3A_521 = arith.cmpi eq, %and3A_6, %eq3A_520 : vector<2560xi32>
    %slice3A_522 = vector.extract_strided_slice %select_n3A_509 {offsets = [1, 0], sizes = [16, 2560], strides = [1, 1]} : vector<31x2560xf32> to vector<16x2560xf32>
    %broadcast_in_dim3A_523 = vector.shape_cast %eq3A_521 : vector<2560xi1> to vector<1x2560xi1>
    %broadcast_in_dim3A_524 = vector.broadcast %broadcast_in_dim3A_523 : vector<1x2560xi1> to vector<16x2560xi1>
    %select_n3A_525 = arith.select %broadcast_in_dim3A_524, %slice3A_522, %select_n3A_518 : vector<16x2560xi1>, vector<16x2560xf32>
    %eq3A_526 = arith.constant 2 : i32
    %eq3A_527 = vector.broadcast %eq3A_526 : i32 to vector<2560xi32>
    %eq3A_528 = arith.cmpi eq, %and3A_6, %eq3A_527 : vector<2560xi32>
    %slice3A_529 = vector.extract_strided_slice %select_n3A_509 {offsets = [2, 0], sizes = [16, 2560], strides = [1, 1]} : vector<31x2560xf32> to vector<16x2560xf32>
    %broadcast_in_dim3A_530 = vector.shape_cast %eq3A_528 : vector<2560xi1> to vector<1x2560xi1>
    %broadcast_in_dim3A_531 = vector.broadcast %broadcast_in_dim3A_530 : vector<1x2560xi1> to vector<16x2560xi1>
    %select_n3A_532 = arith.select %broadcast_in_dim3A_531, %slice3A_529, %select_n3A_525 : vector<16x2560xi1>, vector<16x2560xf32>
    %eq3A_533 = arith.constant 3 : i32
    %eq3A_534 = vector.broadcast %eq3A_533 : i32 to vector<2560xi32>
    %eq3A_535 = arith.cmpi eq, %and3A_6, %eq3A_534 : vector<2560xi32>
    %slice3A_536 = vector.extract_strided_slice %select_n3A_509 {offsets = [3, 0], sizes = [16, 2560], strides = [1, 1]} : vector<31x2560xf32> to vector<16x2560xf32>
    %broadcast_in_dim3A_537 = vector.shape_cast %eq3A_535 : vector<2560xi1> to vector<1x2560xi1>
    %broadcast_in_dim3A_538 = vector.broadcast %broadcast_in_dim3A_537 : vector<1x2560xi1> to vector<16x2560xi1>
    %select_n3A_539 = arith.select %broadcast_in_dim3A_538, %slice3A_536, %select_n3A_532 : vector<16x2560xi1>, vector<16x2560xf32>
    %eq3A_540 = arith.constant 4 : i32
    %eq3A_541 = vector.broadcast %eq3A_540 : i32 to vector<2560xi32>
    %eq3A_542 = arith.cmpi eq, %and3A_6, %eq3A_541 : vector<2560xi32>
    %slice3A_543 = vector.extract_strided_slice %select_n3A_509 {offsets = [4, 0], sizes = [16, 2560], strides = [1, 1]} : vector<31x2560xf32> to vector<16x2560xf32>
    %broadcast_in_dim3A_544 = vector.shape_cast %eq3A_542 : vector<2560xi1> to vector<1x2560xi1>
    %broadcast_in_dim3A_545 = vector.broadcast %broadcast_in_dim3A_544 : vector<1x2560xi1> to vector<16x2560xi1>
    %select_n3A_546 = arith.select %broadcast_in_dim3A_545, %slice3A_543, %select_n3A_539 : vector<16x2560xi1>, vector<16x2560xf32>
    %eq3A_547 = arith.constant 5 : i32
    %eq3A_548 = vector.broadcast %eq3A_547 : i32 to vector<2560xi32>
    %eq3A_549 = arith.cmpi eq, %and3A_6, %eq3A_548 : vector<2560xi32>
    %slice3A_550 = vector.extract_strided_slice %select_n3A_509 {offsets = [5, 0], sizes = [16, 2560], strides = [1, 1]} : vector<31x2560xf32> to vector<16x2560xf32>
    %broadcast_in_dim3A_551 = vector.shape_cast %eq3A_549 : vector<2560xi1> to vector<1x2560xi1>
    %broadcast_in_dim3A_552 = vector.broadcast %broadcast_in_dim3A_551 : vector<1x2560xi1> to vector<16x2560xi1>
    %select_n3A_553 = arith.select %broadcast_in_dim3A_552, %slice3A_550, %select_n3A_546 : vector<16x2560xi1>, vector<16x2560xf32>
    %eq3A_554 = arith.constant 6 : i32
    %eq3A_555 = vector.broadcast %eq3A_554 : i32 to vector<2560xi32>
    %eq3A_556 = arith.cmpi eq, %and3A_6, %eq3A_555 : vector<2560xi32>
    %slice3A_557 = vector.extract_strided_slice %select_n3A_509 {offsets = [6, 0], sizes = [16, 2560], strides = [1, 1]} : vector<31x2560xf32> to vector<16x2560xf32>
    %broadcast_in_dim3A_558 = vector.shape_cast %eq3A_556 : vector<2560xi1> to vector<1x2560xi1>
    %broadcast_in_dim3A_559 = vector.broadcast %broadcast_in_dim3A_558 : vector<1x2560xi1> to vector<16x2560xi1>
    %select_n3A_560 = arith.select %broadcast_in_dim3A_559, %slice3A_557, %select_n3A_553 : vector<16x2560xi1>, vector<16x2560xf32>
    %eq3A_561 = arith.constant 7 : i32
    %eq3A_562 = vector.broadcast %eq3A_561 : i32 to vector<2560xi32>
    %eq3A_563 = arith.cmpi eq, %and3A_6, %eq3A_562 : vector<2560xi32>
    %slice3A_564 = vector.extract_strided_slice %select_n3A_509 {offsets = [7, 0], sizes = [16, 2560], strides = [1, 1]} : vector<31x2560xf32> to vector<16x2560xf32>
    %broadcast_in_dim3A_565 = vector.shape_cast %eq3A_563 : vector<2560xi1> to vector<1x2560xi1>
    %broadcast_in_dim3A_566 = vector.broadcast %broadcast_in_dim3A_565 : vector<1x2560xi1> to vector<16x2560xi1>
    %select_n3A_567 = arith.select %broadcast_in_dim3A_566, %slice3A_564, %select_n3A_560 : vector<16x2560xi1>, vector<16x2560xf32>
    %eq3A_568 = arith.constant 8 : i32
    %eq3A_569 = vector.broadcast %eq3A_568 : i32 to vector<2560xi32>
    %eq3A_570 = arith.cmpi eq, %and3A_6, %eq3A_569 : vector<2560xi32>
    %slice3A_571 = vector.extract_strided_slice %select_n3A_509 {offsets = [8, 0], sizes = [16, 2560], strides = [1, 1]} : vector<31x2560xf32> to vector<16x2560xf32>
    %broadcast_in_dim3A_572 = vector.shape_cast %eq3A_570 : vector<2560xi1> to vector<1x2560xi1>
    %broadcast_in_dim3A_573 = vector.broadcast %broadcast_in_dim3A_572 : vector<1x2560xi1> to vector<16x2560xi1>
    %select_n3A_574 = arith.select %broadcast_in_dim3A_573, %slice3A_571, %select_n3A_567 : vector<16x2560xi1>, vector<16x2560xf32>
    %eq3A_575 = arith.constant 9 : i32
    %eq3A_576 = vector.broadcast %eq3A_575 : i32 to vector<2560xi32>
    %eq3A_577 = arith.cmpi eq, %and3A_6, %eq3A_576 : vector<2560xi32>
    %slice3A_578 = vector.extract_strided_slice %select_n3A_509 {offsets = [9, 0], sizes = [16, 2560], strides = [1, 1]} : vector<31x2560xf32> to vector<16x2560xf32>
    %broadcast_in_dim3A_579 = vector.shape_cast %eq3A_577 : vector<2560xi1> to vector<1x2560xi1>
    %broadcast_in_dim3A_580 = vector.broadcast %broadcast_in_dim3A_579 : vector<1x2560xi1> to vector<16x2560xi1>
    %select_n3A_581 = arith.select %broadcast_in_dim3A_580, %slice3A_578, %select_n3A_574 : vector<16x2560xi1>, vector<16x2560xf32>
    %eq3A_582 = arith.constant 10 : i32
    %eq3A_583 = vector.broadcast %eq3A_582 : i32 to vector<2560xi32>
    %eq3A_584 = arith.cmpi eq, %and3A_6, %eq3A_583 : vector<2560xi32>
    %slice3A_585 = vector.extract_strided_slice %select_n3A_509 {offsets = [10, 0], sizes = [16, 2560], strides = [1, 1]} : vector<31x2560xf32> to vector<16x2560xf32>
    %broadcast_in_dim3A_586 = vector.shape_cast %eq3A_584 : vector<2560xi1> to vector<1x2560xi1>
    %broadcast_in_dim3A_587 = vector.broadcast %broadcast_in_dim3A_586 : vector<1x2560xi1> to vector<16x2560xi1>
    %select_n3A_588 = arith.select %broadcast_in_dim3A_587, %slice3A_585, %select_n3A_581 : vector<16x2560xi1>, vector<16x2560xf32>
    %eq3A_589 = arith.constant 11 : i32
    %eq3A_590 = vector.broadcast %eq3A_589 : i32 to vector<2560xi32>
    %eq3A_591 = arith.cmpi eq, %and3A_6, %eq3A_590 : vector<2560xi32>
    %slice3A_592 = vector.extract_strided_slice %select_n3A_509 {offsets = [11, 0], sizes = [16, 2560], strides = [1, 1]} : vector<31x2560xf32> to vector<16x2560xf32>
    %broadcast_in_dim3A_593 = vector.shape_cast %eq3A_591 : vector<2560xi1> to vector<1x2560xi1>
    %broadcast_in_dim3A_594 = vector.broadcast %broadcast_in_dim3A_593 : vector<1x2560xi1> to vector<16x2560xi1>
    %select_n3A_595 = arith.select %broadcast_in_dim3A_594, %slice3A_592, %select_n3A_588 : vector<16x2560xi1>, vector<16x2560xf32>
    %eq3A_596 = arith.constant 12 : i32
    %eq3A_597 = vector.broadcast %eq3A_596 : i32 to vector<2560xi32>
    %eq3A_598 = arith.cmpi eq, %and3A_6, %eq3A_597 : vector<2560xi32>
    %slice3A_599 = vector.extract_strided_slice %select_n3A_509 {offsets = [12, 0], sizes = [16, 2560], strides = [1, 1]} : vector<31x2560xf32> to vector<16x2560xf32>
    %broadcast_in_dim3A_600 = vector.shape_cast %eq3A_598 : vector<2560xi1> to vector<1x2560xi1>
    %broadcast_in_dim3A_601 = vector.broadcast %broadcast_in_dim3A_600 : vector<1x2560xi1> to vector<16x2560xi1>
    %select_n3A_602 = arith.select %broadcast_in_dim3A_601, %slice3A_599, %select_n3A_595 : vector<16x2560xi1>, vector<16x2560xf32>
    %eq3A_603 = arith.constant 13 : i32
    %eq3A_604 = vector.broadcast %eq3A_603 : i32 to vector<2560xi32>
    %eq3A_605 = arith.cmpi eq, %and3A_6, %eq3A_604 : vector<2560xi32>
    %slice3A_606 = vector.extract_strided_slice %select_n3A_509 {offsets = [13, 0], sizes = [16, 2560], strides = [1, 1]} : vector<31x2560xf32> to vector<16x2560xf32>
    %broadcast_in_dim3A_607 = vector.shape_cast %eq3A_605 : vector<2560xi1> to vector<1x2560xi1>
    %broadcast_in_dim3A_608 = vector.broadcast %broadcast_in_dim3A_607 : vector<1x2560xi1> to vector<16x2560xi1>
    %select_n3A_609 = arith.select %broadcast_in_dim3A_608, %slice3A_606, %select_n3A_602 : vector<16x2560xi1>, vector<16x2560xf32>
    %eq3A_610 = arith.constant 14 : i32
    %eq3A_611 = vector.broadcast %eq3A_610 : i32 to vector<2560xi32>
    %eq3A_612 = arith.cmpi eq, %and3A_6, %eq3A_611 : vector<2560xi32>
    %slice3A_613 = vector.extract_strided_slice %select_n3A_509 {offsets = [14, 0], sizes = [16, 2560], strides = [1, 1]} : vector<31x2560xf32> to vector<16x2560xf32>
    %broadcast_in_dim3A_614 = vector.shape_cast %eq3A_612 : vector<2560xi1> to vector<1x2560xi1>
    %broadcast_in_dim3A_615 = vector.broadcast %broadcast_in_dim3A_614 : vector<1x2560xi1> to vector<16x2560xi1>
    %select_n3A_616 = arith.select %broadcast_in_dim3A_615, %slice3A_613, %select_n3A_609 : vector<16x2560xi1>, vector<16x2560xf32>
    %eq3A_617 = arith.constant 15 : i32
    %eq3A_618 = vector.broadcast %eq3A_617 : i32 to vector<2560xi32>
    %eq3A_619 = arith.cmpi eq, %and3A_6, %eq3A_618 : vector<2560xi32>
    %slice3A_620 = vector.extract_strided_slice %select_n3A_509 {offsets = [15, 0], sizes = [16, 2560], strides = [1, 1]} : vector<31x2560xf32> to vector<16x2560xf32>
    %broadcast_in_dim3A_621 = vector.shape_cast %eq3A_619 : vector<2560xi1> to vector<1x2560xi1>
    %broadcast_in_dim3A_622 = vector.broadcast %broadcast_in_dim3A_621 : vector<1x2560xi1> to vector<16x2560xi1>
    %select_n3A_623 = arith.select %broadcast_in_dim3A_622, %slice3A_620, %select_n3A_616 : vector<16x2560xi1>, vector<16x2560xf32>
    %slice3A_624 = vector.extract_strided_slice %select_n3A_623 {offsets = [0, 0], sizes = [16, 2400], strides = [1, 1]} : vector<16x2560xf32> to vector<16x2400xf32>
    %max3A_625 = arith.constant 0.000000e+00 : f32
    %max3A_626 = vector.broadcast %max3A_625 : f32 to vector<16x2400xf32>
    %max3A_627 = arith.maximumf %slice3A_624, %max3A_626 : vector<16x2400xf32>
    %abs3A_628 = math.absf %slice3A_624 : vector<16x2400xf32>
    %neg3A_629 = arith.constant 0.000000e+00 : f32
    %neg3A_630 = vector.broadcast %neg3A_629 : f32 to vector<16x2400xf32>
    %neg3A_631 = arith.subf %neg3A_630, %abs3A_628 : vector<16x2400xf32>
    %exp3A_632 = math.exp %neg3A_631 : vector<16x2400xf32>
    %log1p3A_633 = math.log1p %exp3A_632 : vector<16x2400xf32>
    %add3A_634 = arith.addf %max3A_627, %log1p3A_633 : vector<16x2400xf32>
    %neg3A_635 = arith.constant 0.000000e+00 : f32
    %neg3A_636 = vector.broadcast %neg3A_635 : f32 to vector<16x2400xf32>
    %neg3A_637 = arith.subf %neg3A_636, %slice3A_624 : vector<16x2400xf32>
    %max3A_638 = arith.constant 0.000000e+00 : f32
    %max3A_639 = vector.broadcast %max3A_638 : f32 to vector<16x2400xf32>
    %max3A_640 = arith.maximumf %neg3A_637, %max3A_639 : vector<16x2400xf32>
    %abs3A_641 = math.absf %neg3A_637 : vector<16x2400xf32>
    %neg3A_642 = arith.constant 0.000000e+00 : f32
    %neg3A_643 = vector.broadcast %neg3A_642 : f32 to vector<16x2400xf32>
    %neg3A_644 = arith.subf %neg3A_643, %abs3A_641 : vector<16x2400xf32>
    %exp3A_645 = math.exp %neg3A_644 : vector<16x2400xf32>
    %log1p3A_646 = math.log1p %exp3A_645 : vector<16x2400xf32>
    %add3A_647 = arith.addf %max3A_640, %log1p3A_646 : vector<16x2400xf32>
    %iota3A_648 = tpu.iota {dimensions = array<i32: 0>} : vector<16x2400xi32>
    %add3A_649 = arith.constant 16 : i32
    %add3A_650 = vector.broadcast %add3A_649 : i32 to vector<16x2400xi32>
    %add3A_651 = arith.addi %iota3A_648, %add3A_650 : vector<16x2400xi32>
    %broadcast_in_dim3A_652 = vector.shape_cast %get3A_319 : vector<2400xi32> to vector<1x2400xi32>
    %eq3A_653 = vector.broadcast %broadcast_in_dim3A_652 : vector<1x2400xi32> to vector<16x2400xi32>
    %eq3A_654 = arith.cmpi eq, %add3A_651, %eq3A_653 : vector<16x2400xi32>
    %select_n3A_655 = arith.select %eq3A_654, %add3A_647, %add3A_634 : vector<16x2400xi1>, vector<16x2400xf32>
    %reduce_sum3A_656 = arith.constant dense<0.000000e+00> : vector<2400xf32>
    %reduce_sum3A_657 = vector.multi_reduction <add>, %select_n3A_655, %reduce_sum3A_656 [0] : vector<16x2400xf32> to vector<2400xf32>
    %add3A_658 = arith.addf %add3A_489, %reduce_sum3A_657 : vector<2400xf32>
    %broadcast_in_dim3A_659 = arith.constant 0.000000e+00 : f32
    %broadcast_in_dim3A_660 = vector.broadcast %broadcast_in_dim3A_659 : f32 to vector<31x2560xf32>
    %eq3A_661 = arith.constant 0 : i32
    %eq3A_662 = vector.broadcast %eq3A_661 : i32 to vector<2560xi32>
    %eq3A_663 = arith.cmpi eq, %shift_right_logical3A_4, %eq3A_662 : vector<2560xi32>
    %get3A_664 = arith.constant 37 : index
    %get3A_665 = arith.constant 0 : index
    %get3A_666 = vector.load %arg0[%get3A_664, %get3A_665] : memref<128x2560xf32, #tpu.memory_space<vmem>>, vector<31x2560xf32>
    %broadcast_in_dim3A_667 = vector.shape_cast %eq3A_663 : vector<2560xi1> to vector<1x2560xi1>
    %broadcast_in_dim3A_668 = vector.broadcast %broadcast_in_dim3A_667 : vector<1x2560xi1> to vector<31x2560xi1>
    %select_n3A_669 = arith.select %broadcast_in_dim3A_668, %get3A_666, %broadcast_in_dim3A_660 : vector<31x2560xi1>, vector<31x2560xf32>
    %eq3A_670 = arith.constant 1 : i32
    %eq3A_671 = vector.broadcast %eq3A_670 : i32 to vector<2560xi32>
    %eq3A_672 = arith.cmpi eq, %shift_right_logical3A_4, %eq3A_671 : vector<2560xi32>
    %get3A_673 = arith.constant 53 : index
    %get3A_674 = arith.constant 0 : index
    %get3A_675 = vector.load %arg0[%get3A_673, %get3A_674] : memref<128x2560xf32, #tpu.memory_space<vmem>>, vector<31x2560xf32>
    %broadcast_in_dim3A_676 = vector.shape_cast %eq3A_672 : vector<2560xi1> to vector<1x2560xi1>
    %broadcast_in_dim3A_677 = vector.broadcast %broadcast_in_dim3A_676 : vector<1x2560xi1> to vector<31x2560xi1>
    %select_n3A_678 = arith.select %broadcast_in_dim3A_677, %get3A_675, %select_n3A_669 : vector<31x2560xi1>, vector<31x2560xf32>
    %broadcast_in_dim3A_679 = arith.constant 0.000000e+00 : f32
    %broadcast_in_dim3A_680 = vector.broadcast %broadcast_in_dim3A_679 : f32 to vector<16x2560xf32>
    %eq3A_681 = arith.constant 0 : i32
    %eq3A_682 = vector.broadcast %eq3A_681 : i32 to vector<2560xi32>
    %eq3A_683 = arith.cmpi eq, %and3A_6, %eq3A_682 : vector<2560xi32>
    %slice3A_684 = vector.extract_strided_slice %select_n3A_678 {offsets = [0, 0], sizes = [16, 2560], strides = [1, 1]} : vector<31x2560xf32> to vector<16x2560xf32>
    %broadcast_in_dim3A_685 = vector.shape_cast %eq3A_683 : vector<2560xi1> to vector<1x2560xi1>
    %broadcast_in_dim3A_686 = vector.broadcast %broadcast_in_dim3A_685 : vector<1x2560xi1> to vector<16x2560xi1>
    %select_n3A_687 = arith.select %broadcast_in_dim3A_686, %slice3A_684, %broadcast_in_dim3A_680 : vector<16x2560xi1>, vector<16x2560xf32>
    %eq3A_688 = arith.constant 1 : i32
    %eq3A_689 = vector.broadcast %eq3A_688 : i32 to vector<2560xi32>
    %eq3A_690 = arith.cmpi eq, %and3A_6, %eq3A_689 : vector<2560xi32>
    %slice3A_691 = vector.extract_strided_slice %select_n3A_678 {offsets = [1, 0], sizes = [16, 2560], strides = [1, 1]} : vector<31x2560xf32> to vector<16x2560xf32>
    %broadcast_in_dim3A_692 = vector.shape_cast %eq3A_690 : vector<2560xi1> to vector<1x2560xi1>
    %broadcast_in_dim3A_693 = vector.broadcast %broadcast_in_dim3A_692 : vector<1x2560xi1> to vector<16x2560xi1>
    %select_n3A_694 = arith.select %broadcast_in_dim3A_693, %slice3A_691, %select_n3A_687 : vector<16x2560xi1>, vector<16x2560xf32>
    %eq3A_695 = arith.constant 2 : i32
    %eq3A_696 = vector.broadcast %eq3A_695 : i32 to vector<2560xi32>
    %eq3A_697 = arith.cmpi eq, %and3A_6, %eq3A_696 : vector<2560xi32>
    %slice3A_698 = vector.extract_strided_slice %select_n3A_678 {offsets = [2, 0], sizes = [16, 2560], strides = [1, 1]} : vector<31x2560xf32> to vector<16x2560xf32>
    %broadcast_in_dim3A_699 = vector.shape_cast %eq3A_697 : vector<2560xi1> to vector<1x2560xi1>
    %broadcast_in_dim3A_700 = vector.broadcast %broadcast_in_dim3A_699 : vector<1x2560xi1> to vector<16x2560xi1>
    %select_n3A_701 = arith.select %broadcast_in_dim3A_700, %slice3A_698, %select_n3A_694 : vector<16x2560xi1>, vector<16x2560xf32>
    %eq3A_702 = arith.constant 3 : i32
    %eq3A_703 = vector.broadcast %eq3A_702 : i32 to vector<2560xi32>
    %eq3A_704 = arith.cmpi eq, %and3A_6, %eq3A_703 : vector<2560xi32>
    %slice3A_705 = vector.extract_strided_slice %select_n3A_678 {offsets = [3, 0], sizes = [16, 2560], strides = [1, 1]} : vector<31x2560xf32> to vector<16x2560xf32>
    %broadcast_in_dim3A_706 = vector.shape_cast %eq3A_704 : vector<2560xi1> to vector<1x2560xi1>
    %broadcast_in_dim3A_707 = vector.broadcast %broadcast_in_dim3A_706 : vector<1x2560xi1> to vector<16x2560xi1>
    %select_n3A_708 = arith.select %broadcast_in_dim3A_707, %slice3A_705, %select_n3A_701 : vector<16x2560xi1>, vector<16x2560xf32>
    %eq3A_709 = arith.constant 4 : i32
    %eq3A_710 = vector.broadcast %eq3A_709 : i32 to vector<2560xi32>
    %eq3A_711 = arith.cmpi eq, %and3A_6, %eq3A_710 : vector<2560xi32>
    %slice3A_712 = vector.extract_strided_slice %select_n3A_678 {offsets = [4, 0], sizes = [16, 2560], strides = [1, 1]} : vector<31x2560xf32> to vector<16x2560xf32>
    %broadcast_in_dim3A_713 = vector.shape_cast %eq3A_711 : vector<2560xi1> to vector<1x2560xi1>
    %broadcast_in_dim3A_714 = vector.broadcast %broadcast_in_dim3A_713 : vector<1x2560xi1> to vector<16x2560xi1>
    %select_n3A_715 = arith.select %broadcast_in_dim3A_714, %slice3A_712, %select_n3A_708 : vector<16x2560xi1>, vector<16x2560xf32>
    %eq3A_716 = arith.constant 5 : i32
    %eq3A_717 = vector.broadcast %eq3A_716 : i32 to vector<2560xi32>
    %eq3A_718 = arith.cmpi eq, %and3A_6, %eq3A_717 : vector<2560xi32>
    %slice3A_719 = vector.extract_strided_slice %select_n3A_678 {offsets = [5, 0], sizes = [16, 2560], strides = [1, 1]} : vector<31x2560xf32> to vector<16x2560xf32>
    %broadcast_in_dim3A_720 = vector.shape_cast %eq3A_718 : vector<2560xi1> to vector<1x2560xi1>
    %broadcast_in_dim3A_721 = vector.broadcast %broadcast_in_dim3A_720 : vector<1x2560xi1> to vector<16x2560xi1>
    %select_n3A_722 = arith.select %broadcast_in_dim3A_721, %slice3A_719, %select_n3A_715 : vector<16x2560xi1>, vector<16x2560xf32>
    %eq3A_723 = arith.constant 6 : i32
    %eq3A_724 = vector.broadcast %eq3A_723 : i32 to vector<2560xi32>
    %eq3A_725 = arith.cmpi eq, %and3A_6, %eq3A_724 : vector<2560xi32>
    %slice3A_726 = vector.extract_strided_slice %select_n3A_678 {offsets = [6, 0], sizes = [16, 2560], strides = [1, 1]} : vector<31x2560xf32> to vector<16x2560xf32>
    %broadcast_in_dim3A_727 = vector.shape_cast %eq3A_725 : vector<2560xi1> to vector<1x2560xi1>
    %broadcast_in_dim3A_728 = vector.broadcast %broadcast_in_dim3A_727 : vector<1x2560xi1> to vector<16x2560xi1>
    %select_n3A_729 = arith.select %broadcast_in_dim3A_728, %slice3A_726, %select_n3A_722 : vector<16x2560xi1>, vector<16x2560xf32>
    %eq3A_730 = arith.constant 7 : i32
    %eq3A_731 = vector.broadcast %eq3A_730 : i32 to vector<2560xi32>
    %eq3A_732 = arith.cmpi eq, %and3A_6, %eq3A_731 : vector<2560xi32>
    %slice3A_733 = vector.extract_strided_slice %select_n3A_678 {offsets = [7, 0], sizes = [16, 2560], strides = [1, 1]} : vector<31x2560xf32> to vector<16x2560xf32>
    %broadcast_in_dim3A_734 = vector.shape_cast %eq3A_732 : vector<2560xi1> to vector<1x2560xi1>
    %broadcast_in_dim3A_735 = vector.broadcast %broadcast_in_dim3A_734 : vector<1x2560xi1> to vector<16x2560xi1>
    %select_n3A_736 = arith.select %broadcast_in_dim3A_735, %slice3A_733, %select_n3A_729 : vector<16x2560xi1>, vector<16x2560xf32>
    %eq3A_737 = arith.constant 8 : i32
    %eq3A_738 = vector.broadcast %eq3A_737 : i32 to vector<2560xi32>
    %eq3A_739 = arith.cmpi eq, %and3A_6, %eq3A_738 : vector<2560xi32>
    %slice3A_740 = vector.extract_strided_slice %select_n3A_678 {offsets = [8, 0], sizes = [16, 2560], strides = [1, 1]} : vector<31x2560xf32> to vector<16x2560xf32>
    %broadcast_in_dim3A_741 = vector.shape_cast %eq3A_739 : vector<2560xi1> to vector<1x2560xi1>
    %broadcast_in_dim3A_742 = vector.broadcast %broadcast_in_dim3A_741 : vector<1x2560xi1> to vector<16x2560xi1>
    %select_n3A_743 = arith.select %broadcast_in_dim3A_742, %slice3A_740, %select_n3A_736 : vector<16x2560xi1>, vector<16x2560xf32>
    %eq3A_744 = arith.constant 9 : i32
    %eq3A_745 = vector.broadcast %eq3A_744 : i32 to vector<2560xi32>
    %eq3A_746 = arith.cmpi eq, %and3A_6, %eq3A_745 : vector<2560xi32>
    %slice3A_747 = vector.extract_strided_slice %select_n3A_678 {offsets = [9, 0], sizes = [16, 2560], strides = [1, 1]} : vector<31x2560xf32> to vector<16x2560xf32>
    %broadcast_in_dim3A_748 = vector.shape_cast %eq3A_746 : vector<2560xi1> to vector<1x2560xi1>
    %broadcast_in_dim3A_749 = vector.broadcast %broadcast_in_dim3A_748 : vector<1x2560xi1> to vector<16x2560xi1>
    %select_n3A_750 = arith.select %broadcast_in_dim3A_749, %slice3A_747, %select_n3A_743 : vector<16x2560xi1>, vector<16x2560xf32>
    %eq3A_751 = arith.constant 10 : i32
    %eq3A_752 = vector.broadcast %eq3A_751 : i32 to vector<2560xi32>
    %eq3A_753 = arith.cmpi eq, %and3A_6, %eq3A_752 : vector<2560xi32>
    %slice3A_754 = vector.extract_strided_slice %select_n3A_678 {offsets = [10, 0], sizes = [16, 2560], strides = [1, 1]} : vector<31x2560xf32> to vector<16x2560xf32>
    %broadcast_in_dim3A_755 = vector.shape_cast %eq3A_753 : vector<2560xi1> to vector<1x2560xi1>
    %broadcast_in_dim3A_756 = vector.broadcast %broadcast_in_dim3A_755 : vector<1x2560xi1> to vector<16x2560xi1>
    %select_n3A_757 = arith.select %broadcast_in_dim3A_756, %slice3A_754, %select_n3A_750 : vector<16x2560xi1>, vector<16x2560xf32>
    %eq3A_758 = arith.constant 11 : i32
    %eq3A_759 = vector.broadcast %eq3A_758 : i32 to vector<2560xi32>
    %eq3A_760 = arith.cmpi eq, %and3A_6, %eq3A_759 : vector<2560xi32>
    %slice3A_761 = vector.extract_strided_slice %select_n3A_678 {offsets = [11, 0], sizes = [16, 2560], strides = [1, 1]} : vector<31x2560xf32> to vector<16x2560xf32>
    %broadcast_in_dim3A_762 = vector.shape_cast %eq3A_760 : vector<2560xi1> to vector<1x2560xi1>
    %broadcast_in_dim3A_763 = vector.broadcast %broadcast_in_dim3A_762 : vector<1x2560xi1> to vector<16x2560xi1>
    %select_n3A_764 = arith.select %broadcast_in_dim3A_763, %slice3A_761, %select_n3A_757 : vector<16x2560xi1>, vector<16x2560xf32>
    %eq3A_765 = arith.constant 12 : i32
    %eq3A_766 = vector.broadcast %eq3A_765 : i32 to vector<2560xi32>
    %eq3A_767 = arith.cmpi eq, %and3A_6, %eq3A_766 : vector<2560xi32>
    %slice3A_768 = vector.extract_strided_slice %select_n3A_678 {offsets = [12, 0], sizes = [16, 2560], strides = [1, 1]} : vector<31x2560xf32> to vector<16x2560xf32>
    %broadcast_in_dim3A_769 = vector.shape_cast %eq3A_767 : vector<2560xi1> to vector<1x2560xi1>
    %broadcast_in_dim3A_770 = vector.broadcast %broadcast_in_dim3A_769 : vector<1x2560xi1> to vector<16x2560xi1>
    %select_n3A_771 = arith.select %broadcast_in_dim3A_770, %slice3A_768, %select_n3A_764 : vector<16x2560xi1>, vector<16x2560xf32>
    %eq3A_772 = arith.constant 13 : i32
    %eq3A_773 = vector.broadcast %eq3A_772 : i32 to vector<2560xi32>
    %eq3A_774 = arith.cmpi eq, %and3A_6, %eq3A_773 : vector<2560xi32>
    %slice3A_775 = vector.extract_strided_slice %select_n3A_678 {offsets = [13, 0], sizes = [16, 2560], strides = [1, 1]} : vector<31x2560xf32> to vector<16x2560xf32>
    %broadcast_in_dim3A_776 = vector.shape_cast %eq3A_774 : vector<2560xi1> to vector<1x2560xi1>
    %broadcast_in_dim3A_777 = vector.broadcast %broadcast_in_dim3A_776 : vector<1x2560xi1> to vector<16x2560xi1>
    %select_n3A_778 = arith.select %broadcast_in_dim3A_777, %slice3A_775, %select_n3A_771 : vector<16x2560xi1>, vector<16x2560xf32>
    %eq3A_779 = arith.constant 14 : i32
    %eq3A_780 = vector.broadcast %eq3A_779 : i32 to vector<2560xi32>
    %eq3A_781 = arith.cmpi eq, %and3A_6, %eq3A_780 : vector<2560xi32>
    %slice3A_782 = vector.extract_strided_slice %select_n3A_678 {offsets = [14, 0], sizes = [16, 2560], strides = [1, 1]} : vector<31x2560xf32> to vector<16x2560xf32>
    %broadcast_in_dim3A_783 = vector.shape_cast %eq3A_781 : vector<2560xi1> to vector<1x2560xi1>
    %broadcast_in_dim3A_784 = vector.broadcast %broadcast_in_dim3A_783 : vector<1x2560xi1> to vector<16x2560xi1>
    %select_n3A_785 = arith.select %broadcast_in_dim3A_784, %slice3A_782, %select_n3A_778 : vector<16x2560xi1>, vector<16x2560xf32>
    %eq3A_786 = arith.constant 15 : i32
    %eq3A_787 = vector.broadcast %eq3A_786 : i32 to vector<2560xi32>
    %eq3A_788 = arith.cmpi eq, %and3A_6, %eq3A_787 : vector<2560xi32>
    %slice3A_789 = vector.extract_strided_slice %select_n3A_678 {offsets = [15, 0], sizes = [16, 2560], strides = [1, 1]} : vector<31x2560xf32> to vector<16x2560xf32>
    %broadcast_in_dim3A_790 = vector.shape_cast %eq3A_788 : vector<2560xi1> to vector<1x2560xi1>
    %broadcast_in_dim3A_791 = vector.broadcast %broadcast_in_dim3A_790 : vector<1x2560xi1> to vector<16x2560xi1>
    %select_n3A_792 = arith.select %broadcast_in_dim3A_791, %slice3A_789, %select_n3A_785 : vector<16x2560xi1>, vector<16x2560xf32>
    %slice3A_793 = vector.extract_strided_slice %select_n3A_792 {offsets = [0, 0], sizes = [16, 2400], strides = [1, 1]} : vector<16x2560xf32> to vector<16x2400xf32>
    %max3A_794 = arith.constant 0.000000e+00 : f32
    %max3A_795 = vector.broadcast %max3A_794 : f32 to vector<16x2400xf32>
    %max3A_796 = arith.maximumf %slice3A_793, %max3A_795 : vector<16x2400xf32>
    %abs3A_797 = math.absf %slice3A_793 : vector<16x2400xf32>
    %neg3A_798 = arith.constant 0.000000e+00 : f32
    %neg3A_799 = vector.broadcast %neg3A_798 : f32 to vector<16x2400xf32>
    %neg3A_800 = arith.subf %neg3A_799, %abs3A_797 : vector<16x2400xf32>
    %exp3A_801 = math.exp %neg3A_800 : vector<16x2400xf32>
    %log1p3A_802 = math.log1p %exp3A_801 : vector<16x2400xf32>
    %add3A_803 = arith.addf %max3A_796, %log1p3A_802 : vector<16x2400xf32>
    %neg3A_804 = arith.constant 0.000000e+00 : f32
    %neg3A_805 = vector.broadcast %neg3A_804 : f32 to vector<16x2400xf32>
    %neg3A_806 = arith.subf %neg3A_805, %slice3A_793 : vector<16x2400xf32>
    %max3A_807 = arith.constant 0.000000e+00 : f32
    %max3A_808 = vector.broadcast %max3A_807 : f32 to vector<16x2400xf32>
    %max3A_809 = arith.maximumf %neg3A_806, %max3A_808 : vector<16x2400xf32>
    %abs3A_810 = math.absf %neg3A_806 : vector<16x2400xf32>
    %neg3A_811 = arith.constant 0.000000e+00 : f32
    %neg3A_812 = vector.broadcast %neg3A_811 : f32 to vector<16x2400xf32>
    %neg3A_813 = arith.subf %neg3A_812, %abs3A_810 : vector<16x2400xf32>
    %exp3A_814 = math.exp %neg3A_813 : vector<16x2400xf32>
    %log1p3A_815 = math.log1p %exp3A_814 : vector<16x2400xf32>
    %add3A_816 = arith.addf %max3A_809, %log1p3A_815 : vector<16x2400xf32>
    %iota3A_817 = tpu.iota {dimensions = array<i32: 0>} : vector<16x2400xi32>
    %add3A_818 = arith.constant 32 : i32
    %add3A_819 = vector.broadcast %add3A_818 : i32 to vector<16x2400xi32>
    %add3A_820 = arith.addi %iota3A_817, %add3A_819 : vector<16x2400xi32>
    %broadcast_in_dim3A_821 = vector.shape_cast %get3A_319 : vector<2400xi32> to vector<1x2400xi32>
    %eq3A_822 = vector.broadcast %broadcast_in_dim3A_821 : vector<1x2400xi32> to vector<16x2400xi32>
    %eq3A_823 = arith.cmpi eq, %add3A_820, %eq3A_822 : vector<16x2400xi32>
    %select_n3A_824 = arith.select %eq3A_823, %add3A_816, %add3A_803 : vector<16x2400xi1>, vector<16x2400xf32>
    %reduce_sum3A_825 = arith.constant dense<0.000000e+00> : vector<2400xf32>
    %reduce_sum3A_826 = vector.multi_reduction <add>, %select_n3A_824, %reduce_sum3A_825 [0] : vector<16x2400xf32> to vector<2400xf32>
    %add3A_827 = arith.addf %add3A_658, %reduce_sum3A_826 : vector<2400xf32>
    %broadcast_in_dim3A_828 = arith.constant 0.000000e+00 : f32
    %broadcast_in_dim3A_829 = vector.broadcast %broadcast_in_dim3A_828 : f32 to vector<31x2560xf32>
    %eq3A_830 = arith.constant 0 : i32
    %eq3A_831 = vector.broadcast %eq3A_830 : i32 to vector<2560xi32>
    %eq3A_832 = arith.cmpi eq, %shift_right_logical3A_4, %eq3A_831 : vector<2560xi32>
    %get3A_833 = arith.constant 53 : index
    %get3A_834 = arith.constant 0 : index
    %get3A_835 = vector.load %arg0[%get3A_833, %get3A_834] : memref<128x2560xf32, #tpu.memory_space<vmem>>, vector<31x2560xf32>
    %broadcast_in_dim3A_836 = vector.shape_cast %eq3A_832 : vector<2560xi1> to vector<1x2560xi1>
    %broadcast_in_dim3A_837 = vector.broadcast %broadcast_in_dim3A_836 : vector<1x2560xi1> to vector<31x2560xi1>
    %select_n3A_838 = arith.select %broadcast_in_dim3A_837, %get3A_835, %broadcast_in_dim3A_829 : vector<31x2560xi1>, vector<31x2560xf32>
    %eq3A_839 = arith.constant 1 : i32
    %eq3A_840 = vector.broadcast %eq3A_839 : i32 to vector<2560xi32>
    %eq3A_841 = arith.cmpi eq, %shift_right_logical3A_4, %eq3A_840 : vector<2560xi32>
    %get3A_842 = arith.constant 69 : index
    %get3A_843 = arith.constant 0 : index
    %get3A_844 = vector.load %arg0[%get3A_842, %get3A_843] : memref<128x2560xf32, #tpu.memory_space<vmem>>, vector<31x2560xf32>
    %broadcast_in_dim3A_845 = vector.shape_cast %eq3A_841 : vector<2560xi1> to vector<1x2560xi1>
    %broadcast_in_dim3A_846 = vector.broadcast %broadcast_in_dim3A_845 : vector<1x2560xi1> to vector<31x2560xi1>
    %select_n3A_847 = arith.select %broadcast_in_dim3A_846, %get3A_844, %select_n3A_838 : vector<31x2560xi1>, vector<31x2560xf32>
    %broadcast_in_dim3A_848 = arith.constant 0.000000e+00 : f32
    %broadcast_in_dim3A_849 = vector.broadcast %broadcast_in_dim3A_848 : f32 to vector<16x2560xf32>
    %eq3A_850 = arith.constant 0 : i32
    %eq3A_851 = vector.broadcast %eq3A_850 : i32 to vector<2560xi32>
    %eq3A_852 = arith.cmpi eq, %and3A_6, %eq3A_851 : vector<2560xi32>
    %slice3A_853 = vector.extract_strided_slice %select_n3A_847 {offsets = [0, 0], sizes = [16, 2560], strides = [1, 1]} : vector<31x2560xf32> to vector<16x2560xf32>
    %broadcast_in_dim3A_854 = vector.shape_cast %eq3A_852 : vector<2560xi1> to vector<1x2560xi1>
    %broadcast_in_dim3A_855 = vector.broadcast %broadcast_in_dim3A_854 : vector<1x2560xi1> to vector<16x2560xi1>
    %select_n3A_856 = arith.select %broadcast_in_dim3A_855, %slice3A_853, %broadcast_in_dim3A_849 : vector<16x2560xi1>, vector<16x2560xf32>
    %eq3A_857 = arith.constant 1 : i32
    %eq3A_858 = vector.broadcast %eq3A_857 : i32 to vector<2560xi32>
    %eq3A_859 = arith.cmpi eq, %and3A_6, %eq3A_858 : vector<2560xi32>
    %slice3A_860 = vector.extract_strided_slice %select_n3A_847 {offsets = [1, 0], sizes = [16, 2560], strides = [1, 1]} : vector<31x2560xf32> to vector<16x2560xf32>
    %broadcast_in_dim3A_861 = vector.shape_cast %eq3A_859 : vector<2560xi1> to vector<1x2560xi1>
    %broadcast_in_dim3A_862 = vector.broadcast %broadcast_in_dim3A_861 : vector<1x2560xi1> to vector<16x2560xi1>
    %select_n3A_863 = arith.select %broadcast_in_dim3A_862, %slice3A_860, %select_n3A_856 : vector<16x2560xi1>, vector<16x2560xf32>
    %eq3A_864 = arith.constant 2 : i32
    %eq3A_865 = vector.broadcast %eq3A_864 : i32 to vector<2560xi32>
    %eq3A_866 = arith.cmpi eq, %and3A_6, %eq3A_865 : vector<2560xi32>
    %slice3A_867 = vector.extract_strided_slice %select_n3A_847 {offsets = [2, 0], sizes = [16, 2560], strides = [1, 1]} : vector<31x2560xf32> to vector<16x2560xf32>
    %broadcast_in_dim3A_868 = vector.shape_cast %eq3A_866 : vector<2560xi1> to vector<1x2560xi1>
    %broadcast_in_dim3A_869 = vector.broadcast %broadcast_in_dim3A_868 : vector<1x2560xi1> to vector<16x2560xi1>
    %select_n3A_870 = arith.select %broadcast_in_dim3A_869, %slice3A_867, %select_n3A_863 : vector<16x2560xi1>, vector<16x2560xf32>
    %eq3A_871 = arith.constant 3 : i32
    %eq3A_872 = vector.broadcast %eq3A_871 : i32 to vector<2560xi32>
    %eq3A_873 = arith.cmpi eq, %and3A_6, %eq3A_872 : vector<2560xi32>
    %slice3A_874 = vector.extract_strided_slice %select_n3A_847 {offsets = [3, 0], sizes = [16, 2560], strides = [1, 1]} : vector<31x2560xf32> to vector<16x2560xf32>
    %broadcast_in_dim3A_875 = vector.shape_cast %eq3A_873 : vector<2560xi1> to vector<1x2560xi1>
    %broadcast_in_dim3A_876 = vector.broadcast %broadcast_in_dim3A_875 : vector<1x2560xi1> to vector<16x2560xi1>
    %select_n3A_877 = arith.select %broadcast_in_dim3A_876, %slice3A_874, %select_n3A_870 : vector<16x2560xi1>, vector<16x2560xf32>
    %eq3A_878 = arith.constant 4 : i32
    %eq3A_879 = vector.broadcast %eq3A_878 : i32 to vector<2560xi32>
    %eq3A_880 = arith.cmpi eq, %and3A_6, %eq3A_879 : vector<2560xi32>
    %slice3A_881 = vector.extract_strided_slice %select_n3A_847 {offsets = [4, 0], sizes = [16, 2560], strides = [1, 1]} : vector<31x2560xf32> to vector<16x2560xf32>
    %broadcast_in_dim3A_882 = vector.shape_cast %eq3A_880 : vector<2560xi1> to vector<1x2560xi1>
    %broadcast_in_dim3A_883 = vector.broadcast %broadcast_in_dim3A_882 : vector<1x2560xi1> to vector<16x2560xi1>
    %select_n3A_884 = arith.select %broadcast_in_dim3A_883, %slice3A_881, %select_n3A_877 : vector<16x2560xi1>, vector<16x2560xf32>
    %eq3A_885 = arith.constant 5 : i32
    %eq3A_886 = vector.broadcast %eq3A_885 : i32 to vector<2560xi32>
    %eq3A_887 = arith.cmpi eq, %and3A_6, %eq3A_886 : vector<2560xi32>
    %slice3A_888 = vector.extract_strided_slice %select_n3A_847 {offsets = [5, 0], sizes = [16, 2560], strides = [1, 1]} : vector<31x2560xf32> to vector<16x2560xf32>
    %broadcast_in_dim3A_889 = vector.shape_cast %eq3A_887 : vector<2560xi1> to vector<1x2560xi1>
    %broadcast_in_dim3A_890 = vector.broadcast %broadcast_in_dim3A_889 : vector<1x2560xi1> to vector<16x2560xi1>
    %select_n3A_891 = arith.select %broadcast_in_dim3A_890, %slice3A_888, %select_n3A_884 : vector<16x2560xi1>, vector<16x2560xf32>
    %eq3A_892 = arith.constant 6 : i32
    %eq3A_893 = vector.broadcast %eq3A_892 : i32 to vector<2560xi32>
    %eq3A_894 = arith.cmpi eq, %and3A_6, %eq3A_893 : vector<2560xi32>
    %slice3A_895 = vector.extract_strided_slice %select_n3A_847 {offsets = [6, 0], sizes = [16, 2560], strides = [1, 1]} : vector<31x2560xf32> to vector<16x2560xf32>
    %broadcast_in_dim3A_896 = vector.shape_cast %eq3A_894 : vector<2560xi1> to vector<1x2560xi1>
    %broadcast_in_dim3A_897 = vector.broadcast %broadcast_in_dim3A_896 : vector<1x2560xi1> to vector<16x2560xi1>
    %select_n3A_898 = arith.select %broadcast_in_dim3A_897, %slice3A_895, %select_n3A_891 : vector<16x2560xi1>, vector<16x2560xf32>
    %eq3A_899 = arith.constant 7 : i32
    %eq3A_900 = vector.broadcast %eq3A_899 : i32 to vector<2560xi32>
    %eq3A_901 = arith.cmpi eq, %and3A_6, %eq3A_900 : vector<2560xi32>
    %slice3A_902 = vector.extract_strided_slice %select_n3A_847 {offsets = [7, 0], sizes = [16, 2560], strides = [1, 1]} : vector<31x2560xf32> to vector<16x2560xf32>
    %broadcast_in_dim3A_903 = vector.shape_cast %eq3A_901 : vector<2560xi1> to vector<1x2560xi1>
    %broadcast_in_dim3A_904 = vector.broadcast %broadcast_in_dim3A_903 : vector<1x2560xi1> to vector<16x2560xi1>
    %select_n3A_905 = arith.select %broadcast_in_dim3A_904, %slice3A_902, %select_n3A_898 : vector<16x2560xi1>, vector<16x2560xf32>
    %eq3A_906 = arith.constant 8 : i32
    %eq3A_907 = vector.broadcast %eq3A_906 : i32 to vector<2560xi32>
    %eq3A_908 = arith.cmpi eq, %and3A_6, %eq3A_907 : vector<2560xi32>
    %slice3A_909 = vector.extract_strided_slice %select_n3A_847 {offsets = [8, 0], sizes = [16, 2560], strides = [1, 1]} : vector<31x2560xf32> to vector<16x2560xf32>
    %broadcast_in_dim3A_910 = vector.shape_cast %eq3A_908 : vector<2560xi1> to vector<1x2560xi1>
    %broadcast_in_dim3A_911 = vector.broadcast %broadcast_in_dim3A_910 : vector<1x2560xi1> to vector<16x2560xi1>
    %select_n3A_912 = arith.select %broadcast_in_dim3A_911, %slice3A_909, %select_n3A_905 : vector<16x2560xi1>, vector<16x2560xf32>
    %eq3A_913 = arith.constant 9 : i32
    %eq3A_914 = vector.broadcast %eq3A_913 : i32 to vector<2560xi32>
    %eq3A_915 = arith.cmpi eq, %and3A_6, %eq3A_914 : vector<2560xi32>
    %slice3A_916 = vector.extract_strided_slice %select_n3A_847 {offsets = [9, 0], sizes = [16, 2560], strides = [1, 1]} : vector<31x2560xf32> to vector<16x2560xf32>
    %broadcast_in_dim3A_917 = vector.shape_cast %eq3A_915 : vector<2560xi1> to vector<1x2560xi1>
    %broadcast_in_dim3A_918 = vector.broadcast %broadcast_in_dim3A_917 : vector<1x2560xi1> to vector<16x2560xi1>
    %select_n3A_919 = arith.select %broadcast_in_dim3A_918, %slice3A_916, %select_n3A_912 : vector<16x2560xi1>, vector<16x2560xf32>
    %eq3A_920 = arith.constant 10 : i32
    %eq3A_921 = vector.broadcast %eq3A_920 : i32 to vector<2560xi32>
    %eq3A_922 = arith.cmpi eq, %and3A_6, %eq3A_921 : vector<2560xi32>
    %slice3A_923 = vector.extract_strided_slice %select_n3A_847 {offsets = [10, 0], sizes = [16, 2560], strides = [1, 1]} : vector<31x2560xf32> to vector<16x2560xf32>
    %broadcast_in_dim3A_924 = vector.shape_cast %eq3A_922 : vector<2560xi1> to vector<1x2560xi1>
    %broadcast_in_dim3A_925 = vector.broadcast %broadcast_in_dim3A_924 : vector<1x2560xi1> to vector<16x2560xi1>
    %select_n3A_926 = arith.select %broadcast_in_dim3A_925, %slice3A_923, %select_n3A_919 : vector<16x2560xi1>, vector<16x2560xf32>
    %eq3A_927 = arith.constant 11 : i32
    %eq3A_928 = vector.broadcast %eq3A_927 : i32 to vector<2560xi32>
    %eq3A_929 = arith.cmpi eq, %and3A_6, %eq3A_928 : vector<2560xi32>
    %slice3A_930 = vector.extract_strided_slice %select_n3A_847 {offsets = [11, 0], sizes = [16, 2560], strides = [1, 1]} : vector<31x2560xf32> to vector<16x2560xf32>
    %broadcast_in_dim3A_931 = vector.shape_cast %eq3A_929 : vector<2560xi1> to vector<1x2560xi1>
    %broadcast_in_dim3A_932 = vector.broadcast %broadcast_in_dim3A_931 : vector<1x2560xi1> to vector<16x2560xi1>
    %select_n3A_933 = arith.select %broadcast_in_dim3A_932, %slice3A_930, %select_n3A_926 : vector<16x2560xi1>, vector<16x2560xf32>
    %eq3A_934 = arith.constant 12 : i32
    %eq3A_935 = vector.broadcast %eq3A_934 : i32 to vector<2560xi32>
    %eq3A_936 = arith.cmpi eq, %and3A_6, %eq3A_935 : vector<2560xi32>
    %slice3A_937 = vector.extract_strided_slice %select_n3A_847 {offsets = [12, 0], sizes = [16, 2560], strides = [1, 1]} : vector<31x2560xf32> to vector<16x2560xf32>
    %broadcast_in_dim3A_938 = vector.shape_cast %eq3A_936 : vector<2560xi1> to vector<1x2560xi1>
    %broadcast_in_dim3A_939 = vector.broadcast %broadcast_in_dim3A_938 : vector<1x2560xi1> to vector<16x2560xi1>
    %select_n3A_940 = arith.select %broadcast_in_dim3A_939, %slice3A_937, %select_n3A_933 : vector<16x2560xi1>, vector<16x2560xf32>
    %eq3A_941 = arith.constant 13 : i32
    %eq3A_942 = vector.broadcast %eq3A_941 : i32 to vector<2560xi32>
    %eq3A_943 = arith.cmpi eq, %and3A_6, %eq3A_942 : vector<2560xi32>
    %slice3A_944 = vector.extract_strided_slice %select_n3A_847 {offsets = [13, 0], sizes = [16, 2560], strides = [1, 1]} : vector<31x2560xf32> to vector<16x2560xf32>
    %broadcast_in_dim3A_945 = vector.shape_cast %eq3A_943 : vector<2560xi1> to vector<1x2560xi1>
    %broadcast_in_dim3A_946 = vector.broadcast %broadcast_in_dim3A_945 : vector<1x2560xi1> to vector<16x2560xi1>
    %select_n3A_947 = arith.select %broadcast_in_dim3A_946, %slice3A_944, %select_n3A_940 : vector<16x2560xi1>, vector<16x2560xf32>
    %eq3A_948 = arith.constant 14 : i32
    %eq3A_949 = vector.broadcast %eq3A_948 : i32 to vector<2560xi32>
    %eq3A_950 = arith.cmpi eq, %and3A_6, %eq3A_949 : vector<2560xi32>
    %slice3A_951 = vector.extract_strided_slice %select_n3A_847 {offsets = [14, 0], sizes = [16, 2560], strides = [1, 1]} : vector<31x2560xf32> to vector<16x2560xf32>
    %broadcast_in_dim3A_952 = vector.shape_cast %eq3A_950 : vector<2560xi1> to vector<1x2560xi1>
    %broadcast_in_dim3A_953 = vector.broadcast %broadcast_in_dim3A_952 : vector<1x2560xi1> to vector<16x2560xi1>
    %select_n3A_954 = arith.select %broadcast_in_dim3A_953, %slice3A_951, %select_n3A_947 : vector<16x2560xi1>, vector<16x2560xf32>
    %eq3A_955 = arith.constant 15 : i32
    %eq3A_956 = vector.broadcast %eq3A_955 : i32 to vector<2560xi32>
    %eq3A_957 = arith.cmpi eq, %and3A_6, %eq3A_956 : vector<2560xi32>
    %slice3A_958 = vector.extract_strided_slice %select_n3A_847 {offsets = [15, 0], sizes = [16, 2560], strides = [1, 1]} : vector<31x2560xf32> to vector<16x2560xf32>
    %broadcast_in_dim3A_959 = vector.shape_cast %eq3A_957 : vector<2560xi1> to vector<1x2560xi1>
    %broadcast_in_dim3A_960 = vector.broadcast %broadcast_in_dim3A_959 : vector<1x2560xi1> to vector<16x2560xi1>
    %select_n3A_961 = arith.select %broadcast_in_dim3A_960, %slice3A_958, %select_n3A_954 : vector<16x2560xi1>, vector<16x2560xf32>
    %slice3A_962 = vector.extract_strided_slice %select_n3A_961 {offsets = [0, 0], sizes = [16, 2400], strides = [1, 1]} : vector<16x2560xf32> to vector<16x2400xf32>
    %max3A_963 = arith.constant 0.000000e+00 : f32
    %max3A_964 = vector.broadcast %max3A_963 : f32 to vector<16x2400xf32>
    %max3A_965 = arith.maximumf %slice3A_962, %max3A_964 : vector<16x2400xf32>
    %abs3A_966 = math.absf %slice3A_962 : vector<16x2400xf32>
    %neg3A_967 = arith.constant 0.000000e+00 : f32
    %neg3A_968 = vector.broadcast %neg3A_967 : f32 to vector<16x2400xf32>
    %neg3A_969 = arith.subf %neg3A_968, %abs3A_966 : vector<16x2400xf32>
    %exp3A_970 = math.exp %neg3A_969 : vector<16x2400xf32>
    %log1p3A_971 = math.log1p %exp3A_970 : vector<16x2400xf32>
    %add3A_972 = arith.addf %max3A_965, %log1p3A_971 : vector<16x2400xf32>
    %neg3A_973 = arith.constant 0.000000e+00 : f32
    %neg3A_974 = vector.broadcast %neg3A_973 : f32 to vector<16x2400xf32>
    %neg3A_975 = arith.subf %neg3A_974, %slice3A_962 : vector<16x2400xf32>
    %max3A_976 = arith.constant 0.000000e+00 : f32
    %max3A_977 = vector.broadcast %max3A_976 : f32 to vector<16x2400xf32>
    %max3A_978 = arith.maximumf %neg3A_975, %max3A_977 : vector<16x2400xf32>
    %abs3A_979 = math.absf %neg3A_975 : vector<16x2400xf32>
    %neg3A_980 = arith.constant 0.000000e+00 : f32
    %neg3A_981 = vector.broadcast %neg3A_980 : f32 to vector<16x2400xf32>
    %neg3A_982 = arith.subf %neg3A_981, %abs3A_979 : vector<16x2400xf32>
    %exp3A_983 = math.exp %neg3A_982 : vector<16x2400xf32>
    %log1p3A_984 = math.log1p %exp3A_983 : vector<16x2400xf32>
    %add3A_985 = arith.addf %max3A_978, %log1p3A_984 : vector<16x2400xf32>
    %iota3A_986 = tpu.iota {dimensions = array<i32: 0>} : vector<16x2400xi32>
    %add3A_987 = arith.constant 48 : i32
    %add3A_988 = vector.broadcast %add3A_987 : i32 to vector<16x2400xi32>
    %add3A_989 = arith.addi %iota3A_986, %add3A_988 : vector<16x2400xi32>
    %broadcast_in_dim3A_990 = vector.shape_cast %get3A_319 : vector<2400xi32> to vector<1x2400xi32>
    %eq3A_991 = vector.broadcast %broadcast_in_dim3A_990 : vector<1x2400xi32> to vector<16x2400xi32>
    %eq3A_992 = arith.cmpi eq, %add3A_989, %eq3A_991 : vector<16x2400xi32>
    %select_n3A_993 = arith.select %eq3A_992, %add3A_985, %add3A_972 : vector<16x2400xi1>, vector<16x2400xf32>
    %reduce_sum3A_994 = arith.constant dense<0.000000e+00> : vector<2400xf32>
    %reduce_sum3A_995 = vector.multi_reduction <add>, %select_n3A_993, %reduce_sum3A_994 [0] : vector<16x2400xf32> to vector<2400xf32>
    %add3A_996 = arith.addf %add3A_827, %reduce_sum3A_995 : vector<2400xf32>
    %broadcast_in_dim3A_997 = arith.constant 0.000000e+00 : f32
    %broadcast_in_dim3A_998 = vector.broadcast %broadcast_in_dim3A_997 : f32 to vector<31x2560xf32>
    %eq3A_999 = arith.constant 0 : i32
    %eq3A_1000 = vector.broadcast %eq3A_999 : i32 to vector<2560xi32>
    %eq3A_1001 = arith.cmpi eq, %shift_right_logical3A_4, %eq3A_1000 : vector<2560xi32>
    %get3A_1002 = arith.constant 69 : index
    %get3A_1003 = arith.constant 0 : index
    %get3A_1004 = vector.load %arg0[%get3A_1002, %get3A_1003] : memref<128x2560xf32, #tpu.memory_space<vmem>>, vector<31x2560xf32>
    %broadcast_in_dim3A_1005 = vector.shape_cast %eq3A_1001 : vector<2560xi1> to vector<1x2560xi1>
    %broadcast_in_dim3A_1006 = vector.broadcast %broadcast_in_dim3A_1005 : vector<1x2560xi1> to vector<31x2560xi1>
    %select_n3A_1007 = arith.select %broadcast_in_dim3A_1006, %get3A_1004, %broadcast_in_dim3A_998 : vector<31x2560xi1>, vector<31x2560xf32>
    %eq3A_1008 = arith.constant 1 : i32
    %eq3A_1009 = vector.broadcast %eq3A_1008 : i32 to vector<2560xi32>
    %eq3A_1010 = arith.cmpi eq, %shift_right_logical3A_4, %eq3A_1009 : vector<2560xi32>
    %get3A_1011 = arith.constant 85 : index
    %get3A_1012 = arith.constant 0 : index
    %get3A_1013 = vector.load %arg0[%get3A_1011, %get3A_1012] : memref<128x2560xf32, #tpu.memory_space<vmem>>, vector<31x2560xf32>
    %broadcast_in_dim3A_1014 = vector.shape_cast %eq3A_1010 : vector<2560xi1> to vector<1x2560xi1>
    %broadcast_in_dim3A_1015 = vector.broadcast %broadcast_in_dim3A_1014 : vector<1x2560xi1> to vector<31x2560xi1>
    %select_n3A_1016 = arith.select %broadcast_in_dim3A_1015, %get3A_1013, %select_n3A_1007 : vector<31x2560xi1>, vector<31x2560xf32>
    %broadcast_in_dim3A_1017 = arith.constant 0.000000e+00 : f32
    %broadcast_in_dim3A_1018 = vector.broadcast %broadcast_in_dim3A_1017 : f32 to vector<16x2560xf32>
    %eq3A_1019 = arith.constant 0 : i32
    %eq3A_1020 = vector.broadcast %eq3A_1019 : i32 to vector<2560xi32>
    %eq3A_1021 = arith.cmpi eq, %and3A_6, %eq3A_1020 : vector<2560xi32>
    %slice3A_1022 = vector.extract_strided_slice %select_n3A_1016 {offsets = [0, 0], sizes = [16, 2560], strides = [1, 1]} : vector<31x2560xf32> to vector<16x2560xf32>
    %broadcast_in_dim3A_1023 = vector.shape_cast %eq3A_1021 : vector<2560xi1> to vector<1x2560xi1>
    %broadcast_in_dim3A_1024 = vector.broadcast %broadcast_in_dim3A_1023 : vector<1x2560xi1> to vector<16x2560xi1>
    %select_n3A_1025 = arith.select %broadcast_in_dim3A_1024, %slice3A_1022, %broadcast_in_dim3A_1018 : vector<16x2560xi1>, vector<16x2560xf32>
    %eq3A_1026 = arith.constant 1 : i32
    %eq3A_1027 = vector.broadcast %eq3A_1026 : i32 to vector<2560xi32>
    %eq3A_1028 = arith.cmpi eq, %and3A_6, %eq3A_1027 : vector<2560xi32>
    %slice3A_1029 = vector.extract_strided_slice %select_n3A_1016 {offsets = [1, 0], sizes = [16, 2560], strides = [1, 1]} : vector<31x2560xf32> to vector<16x2560xf32>
    %broadcast_in_dim3A_1030 = vector.shape_cast %eq3A_1028 : vector<2560xi1> to vector<1x2560xi1>
    %broadcast_in_dim3A_1031 = vector.broadcast %broadcast_in_dim3A_1030 : vector<1x2560xi1> to vector<16x2560xi1>
    %select_n3A_1032 = arith.select %broadcast_in_dim3A_1031, %slice3A_1029, %select_n3A_1025 : vector<16x2560xi1>, vector<16x2560xf32>
    %eq3A_1033 = arith.constant 2 : i32
    %eq3A_1034 = vector.broadcast %eq3A_1033 : i32 to vector<2560xi32>
    %eq3A_1035 = arith.cmpi eq, %and3A_6, %eq3A_1034 : vector<2560xi32>
    %slice3A_1036 = vector.extract_strided_slice %select_n3A_1016 {offsets = [2, 0], sizes = [16, 2560], strides = [1, 1]} : vector<31x2560xf32> to vector<16x2560xf32>
    %broadcast_in_dim3A_1037 = vector.shape_cast %eq3A_1035 : vector<2560xi1> to vector<1x2560xi1>
    %broadcast_in_dim3A_1038 = vector.broadcast %broadcast_in_dim3A_1037 : vector<1x2560xi1> to vector<16x2560xi1>
    %select_n3A_1039 = arith.select %broadcast_in_dim3A_1038, %slice3A_1036, %select_n3A_1032 : vector<16x2560xi1>, vector<16x2560xf32>
    %eq3A_1040 = arith.constant 3 : i32
    %eq3A_1041 = vector.broadcast %eq3A_1040 : i32 to vector<2560xi32>
    %eq3A_1042 = arith.cmpi eq, %and3A_6, %eq3A_1041 : vector<2560xi32>
    %slice3A_1043 = vector.extract_strided_slice %select_n3A_1016 {offsets = [3, 0], sizes = [16, 2560], strides = [1, 1]} : vector<31x2560xf32> to vector<16x2560xf32>
    %broadcast_in_dim3A_1044 = vector.shape_cast %eq3A_1042 : vector<2560xi1> to vector<1x2560xi1>
    %broadcast_in_dim3A_1045 = vector.broadcast %broadcast_in_dim3A_1044 : vector<1x2560xi1> to vector<16x2560xi1>
    %select_n3A_1046 = arith.select %broadcast_in_dim3A_1045, %slice3A_1043, %select_n3A_1039 : vector<16x2560xi1>, vector<16x2560xf32>
    %eq3A_1047 = arith.constant 4 : i32
    %eq3A_1048 = vector.broadcast %eq3A_1047 : i32 to vector<2560xi32>
    %eq3A_1049 = arith.cmpi eq, %and3A_6, %eq3A_1048 : vector<2560xi32>
    %slice3A_1050 = vector.extract_strided_slice %select_n3A_1016 {offsets = [4, 0], sizes = [16, 2560], strides = [1, 1]} : vector<31x2560xf32> to vector<16x2560xf32>
    %broadcast_in_dim3A_1051 = vector.shape_cast %eq3A_1049 : vector<2560xi1> to vector<1x2560xi1>
    %broadcast_in_dim3A_1052 = vector.broadcast %broadcast_in_dim3A_1051 : vector<1x2560xi1> to vector<16x2560xi1>
    %select_n3A_1053 = arith.select %broadcast_in_dim3A_1052, %slice3A_1050, %select_n3A_1046 : vector<16x2560xi1>, vector<16x2560xf32>
    %eq3A_1054 = arith.constant 5 : i32
    %eq3A_1055 = vector.broadcast %eq3A_1054 : i32 to vector<2560xi32>
    %eq3A_1056 = arith.cmpi eq, %and3A_6, %eq3A_1055 : vector<2560xi32>
    %slice3A_1057 = vector.extract_strided_slice %select_n3A_1016 {offsets = [5, 0], sizes = [16, 2560], strides = [1, 1]} : vector<31x2560xf32> to vector<16x2560xf32>
    %broadcast_in_dim3A_1058 = vector.shape_cast %eq3A_1056 : vector<2560xi1> to vector<1x2560xi1>
    %broadcast_in_dim3A_1059 = vector.broadcast %broadcast_in_dim3A_1058 : vector<1x2560xi1> to vector<16x2560xi1>
    %select_n3A_1060 = arith.select %broadcast_in_dim3A_1059, %slice3A_1057, %select_n3A_1053 : vector<16x2560xi1>, vector<16x2560xf32>
    %eq3A_1061 = arith.constant 6 : i32
    %eq3A_1062 = vector.broadcast %eq3A_1061 : i32 to vector<2560xi32>
    %eq3A_1063 = arith.cmpi eq, %and3A_6, %eq3A_1062 : vector<2560xi32>
    %slice3A_1064 = vector.extract_strided_slice %select_n3A_1016 {offsets = [6, 0], sizes = [16, 2560], strides = [1, 1]} : vector<31x2560xf32> to vector<16x2560xf32>
    %broadcast_in_dim3A_1065 = vector.shape_cast %eq3A_1063 : vector<2560xi1> to vector<1x2560xi1>
    %broadcast_in_dim3A_1066 = vector.broadcast %broadcast_in_dim3A_1065 : vector<1x2560xi1> to vector<16x2560xi1>
    %select_n3A_1067 = arith.select %broadcast_in_dim3A_1066, %slice3A_1064, %select_n3A_1060 : vector<16x2560xi1>, vector<16x2560xf32>
    %eq3A_1068 = arith.constant 7 : i32
    %eq3A_1069 = vector.broadcast %eq3A_1068 : i32 to vector<2560xi32>
    %eq3A_1070 = arith.cmpi eq, %and3A_6, %eq3A_1069 : vector<2560xi32>
    %slice3A_1071 = vector.extract_strided_slice %select_n3A_1016 {offsets = [7, 0], sizes = [16, 2560], strides = [1, 1]} : vector<31x2560xf32> to vector<16x2560xf32>
    %broadcast_in_dim3A_1072 = vector.shape_cast %eq3A_1070 : vector<2560xi1> to vector<1x2560xi1>
    %broadcast_in_dim3A_1073 = vector.broadcast %broadcast_in_dim3A_1072 : vector<1x2560xi1> to vector<16x2560xi1>
    %select_n3A_1074 = arith.select %broadcast_in_dim3A_1073, %slice3A_1071, %select_n3A_1067 : vector<16x2560xi1>, vector<16x2560xf32>
    %eq3A_1075 = arith.constant 8 : i32
    %eq3A_1076 = vector.broadcast %eq3A_1075 : i32 to vector<2560xi32>
    %eq3A_1077 = arith.cmpi eq, %and3A_6, %eq3A_1076 : vector<2560xi32>
    %slice3A_1078 = vector.extract_strided_slice %select_n3A_1016 {offsets = [8, 0], sizes = [16, 2560], strides = [1, 1]} : vector<31x2560xf32> to vector<16x2560xf32>
    %broadcast_in_dim3A_1079 = vector.shape_cast %eq3A_1077 : vector<2560xi1> to vector<1x2560xi1>
    %broadcast_in_dim3A_1080 = vector.broadcast %broadcast_in_dim3A_1079 : vector<1x2560xi1> to vector<16x2560xi1>
    %select_n3A_1081 = arith.select %broadcast_in_dim3A_1080, %slice3A_1078, %select_n3A_1074 : vector<16x2560xi1>, vector<16x2560xf32>
    %eq3A_1082 = arith.constant 9 : i32
    %eq3A_1083 = vector.broadcast %eq3A_1082 : i32 to vector<2560xi32>
    %eq3A_1084 = arith.cmpi eq, %and3A_6, %eq3A_1083 : vector<2560xi32>
    %slice3A_1085 = vector.extract_strided_slice %select_n3A_1016 {offsets = [9, 0], sizes = [16, 2560], strides = [1, 1]} : vector<31x2560xf32> to vector<16x2560xf32>
    %broadcast_in_dim3A_1086 = vector.shape_cast %eq3A_1084 : vector<2560xi1> to vector<1x2560xi1>
    %broadcast_in_dim3A_1087 = vector.broadcast %broadcast_in_dim3A_1086 : vector<1x2560xi1> to vector<16x2560xi1>
    %select_n3A_1088 = arith.select %broadcast_in_dim3A_1087, %slice3A_1085, %select_n3A_1081 : vector<16x2560xi1>, vector<16x2560xf32>
    %eq3A_1089 = arith.constant 10 : i32
    %eq3A_1090 = vector.broadcast %eq3A_1089 : i32 to vector<2560xi32>
    %eq3A_1091 = arith.cmpi eq, %and3A_6, %eq3A_1090 : vector<2560xi32>
    %slice3A_1092 = vector.extract_strided_slice %select_n3A_1016 {offsets = [10, 0], sizes = [16, 2560], strides = [1, 1]} : vector<31x2560xf32> to vector<16x2560xf32>
    %broadcast_in_dim3A_1093 = vector.shape_cast %eq3A_1091 : vector<2560xi1> to vector<1x2560xi1>
    %broadcast_in_dim3A_1094 = vector.broadcast %broadcast_in_dim3A_1093 : vector<1x2560xi1> to vector<16x2560xi1>
    %select_n3A_1095 = arith.select %broadcast_in_dim3A_1094, %slice3A_1092, %select_n3A_1088 : vector<16x2560xi1>, vector<16x2560xf32>
    %eq3A_1096 = arith.constant 11 : i32
    %eq3A_1097 = vector.broadcast %eq3A_1096 : i32 to vector<2560xi32>
    %eq3A_1098 = arith.cmpi eq, %and3A_6, %eq3A_1097 : vector<2560xi32>
    %slice3A_1099 = vector.extract_strided_slice %select_n3A_1016 {offsets = [11, 0], sizes = [16, 2560], strides = [1, 1]} : vector<31x2560xf32> to vector<16x2560xf32>
    %broadcast_in_dim3A_1100 = vector.shape_cast %eq3A_1098 : vector<2560xi1> to vector<1x2560xi1>
    %broadcast_in_dim3A_1101 = vector.broadcast %broadcast_in_dim3A_1100 : vector<1x2560xi1> to vector<16x2560xi1>
    %select_n3A_1102 = arith.select %broadcast_in_dim3A_1101, %slice3A_1099, %select_n3A_1095 : vector<16x2560xi1>, vector<16x2560xf32>
    %eq3A_1103 = arith.constant 12 : i32
    %eq3A_1104 = vector.broadcast %eq3A_1103 : i32 to vector<2560xi32>
    %eq3A_1105 = arith.cmpi eq, %and3A_6, %eq3A_1104 : vector<2560xi32>
    %slice3A_1106 = vector.extract_strided_slice %select_n3A_1016 {offsets = [12, 0], sizes = [16, 2560], strides = [1, 1]} : vector<31x2560xf32> to vector<16x2560xf32>
    %broadcast_in_dim3A_1107 = vector.shape_cast %eq3A_1105 : vector<2560xi1> to vector<1x2560xi1>
    %broadcast_in_dim3A_1108 = vector.broadcast %broadcast_in_dim3A_1107 : vector<1x2560xi1> to vector<16x2560xi1>
    %select_n3A_1109 = arith.select %broadcast_in_dim3A_1108, %slice3A_1106, %select_n3A_1102 : vector<16x2560xi1>, vector<16x2560xf32>
    %eq3A_1110 = arith.constant 13 : i32
    %eq3A_1111 = vector.broadcast %eq3A_1110 : i32 to vector<2560xi32>
    %eq3A_1112 = arith.cmpi eq, %and3A_6, %eq3A_1111 : vector<2560xi32>
    %slice3A_1113 = vector.extract_strided_slice %select_n3A_1016 {offsets = [13, 0], sizes = [16, 2560], strides = [1, 1]} : vector<31x2560xf32> to vector<16x2560xf32>
    %broadcast_in_dim3A_1114 = vector.shape_cast %eq3A_1112 : vector<2560xi1> to vector<1x2560xi1>
    %broadcast_in_dim3A_1115 = vector.broadcast %broadcast_in_dim3A_1114 : vector<1x2560xi1> to vector<16x2560xi1>
    %select_n3A_1116 = arith.select %broadcast_in_dim3A_1115, %slice3A_1113, %select_n3A_1109 : vector<16x2560xi1>, vector<16x2560xf32>
    %eq3A_1117 = arith.constant 14 : i32
    %eq3A_1118 = vector.broadcast %eq3A_1117 : i32 to vector<2560xi32>
    %eq3A_1119 = arith.cmpi eq, %and3A_6, %eq3A_1118 : vector<2560xi32>
    %slice3A_1120 = vector.extract_strided_slice %select_n3A_1016 {offsets = [14, 0], sizes = [16, 2560], strides = [1, 1]} : vector<31x2560xf32> to vector<16x2560xf32>
    %broadcast_in_dim3A_1121 = vector.shape_cast %eq3A_1119 : vector<2560xi1> to vector<1x2560xi1>
    %broadcast_in_dim3A_1122 = vector.broadcast %broadcast_in_dim3A_1121 : vector<1x2560xi1> to vector<16x2560xi1>
    %select_n3A_1123 = arith.select %broadcast_in_dim3A_1122, %slice3A_1120, %select_n3A_1116 : vector<16x2560xi1>, vector<16x2560xf32>
    %eq3A_1124 = arith.constant 15 : i32
    %eq3A_1125 = vector.broadcast %eq3A_1124 : i32 to vector<2560xi32>
    %eq3A_1126 = arith.cmpi eq, %and3A_6, %eq3A_1125 : vector<2560xi32>
    %slice3A_1127 = vector.extract_strided_slice %select_n3A_1016 {offsets = [15, 0], sizes = [16, 2560], strides = [1, 1]} : vector<31x2560xf32> to vector<16x2560xf32>
    %broadcast_in_dim3A_1128 = vector.shape_cast %eq3A_1126 : vector<2560xi1> to vector<1x2560xi1>
    %broadcast_in_dim3A_1129 = vector.broadcast %broadcast_in_dim3A_1128 : vector<1x2560xi1> to vector<16x2560xi1>
    %select_n3A_1130 = arith.select %broadcast_in_dim3A_1129, %slice3A_1127, %select_n3A_1123 : vector<16x2560xi1>, vector<16x2560xf32>
    %slice3A_1131 = vector.extract_strided_slice %select_n3A_1130 {offsets = [0, 0], sizes = [16, 2400], strides = [1, 1]} : vector<16x2560xf32> to vector<16x2400xf32>
    %max3A_1132 = arith.constant 0.000000e+00 : f32
    %max3A_1133 = vector.broadcast %max3A_1132 : f32 to vector<16x2400xf32>
    %max3A_1134 = arith.maximumf %slice3A_1131, %max3A_1133 : vector<16x2400xf32>
    %abs3A_1135 = math.absf %slice3A_1131 : vector<16x2400xf32>
    %neg3A_1136 = arith.constant 0.000000e+00 : f32
    %neg3A_1137 = vector.broadcast %neg3A_1136 : f32 to vector<16x2400xf32>
    %neg3A_1138 = arith.subf %neg3A_1137, %abs3A_1135 : vector<16x2400xf32>
    %exp3A_1139 = math.exp %neg3A_1138 : vector<16x2400xf32>
    %log1p3A_1140 = math.log1p %exp3A_1139 : vector<16x2400xf32>
    %add3A_1141 = arith.addf %max3A_1134, %log1p3A_1140 : vector<16x2400xf32>
    %neg3A_1142 = arith.constant 0.000000e+00 : f32
    %neg3A_1143 = vector.broadcast %neg3A_1142 : f32 to vector<16x2400xf32>
    %neg3A_1144 = arith.subf %neg3A_1143, %slice3A_1131 : vector<16x2400xf32>
    %max3A_1145 = arith.constant 0.000000e+00 : f32
    %max3A_1146 = vector.broadcast %max3A_1145 : f32 to vector<16x2400xf32>
    %max3A_1147 = arith.maximumf %neg3A_1144, %max3A_1146 : vector<16x2400xf32>
    %abs3A_1148 = math.absf %neg3A_1144 : vector<16x2400xf32>
    %neg3A_1149 = arith.constant 0.000000e+00 : f32
    %neg3A_1150 = vector.broadcast %neg3A_1149 : f32 to vector<16x2400xf32>
    %neg3A_1151 = arith.subf %neg3A_1150, %abs3A_1148 : vector<16x2400xf32>
    %exp3A_1152 = math.exp %neg3A_1151 : vector<16x2400xf32>
    %log1p3A_1153 = math.log1p %exp3A_1152 : vector<16x2400xf32>
    %add3A_1154 = arith.addf %max3A_1147, %log1p3A_1153 : vector<16x2400xf32>
    %iota3A_1155 = tpu.iota {dimensions = array<i32: 0>} : vector<16x2400xi32>
    %add3A_1156 = arith.constant 64 : i32
    %add3A_1157 = vector.broadcast %add3A_1156 : i32 to vector<16x2400xi32>
    %add3A_1158 = arith.addi %iota3A_1155, %add3A_1157 : vector<16x2400xi32>
    %broadcast_in_dim3A_1159 = vector.shape_cast %get3A_319 : vector<2400xi32> to vector<1x2400xi32>
    %eq3A_1160 = vector.broadcast %broadcast_in_dim3A_1159 : vector<1x2400xi32> to vector<16x2400xi32>
    %eq3A_1161 = arith.cmpi eq, %add3A_1158, %eq3A_1160 : vector<16x2400xi32>
    %select_n3A_1162 = arith.select %eq3A_1161, %add3A_1154, %add3A_1141 : vector<16x2400xi1>, vector<16x2400xf32>
    %reduce_sum3A_1163 = arith.constant dense<0.000000e+00> : vector<2400xf32>
    %reduce_sum3A_1164 = vector.multi_reduction <add>, %select_n3A_1162, %reduce_sum3A_1163 [0] : vector<16x2400xf32> to vector<2400xf32>
    %add3A_1165 = arith.addf %add3A_996, %reduce_sum3A_1164 : vector<2400xf32>
    %gt3A_1166 = arith.constant 0.000000e+00 : f32
    %gt3A_1167 = vector.broadcast %gt3A_1166 : f32 to vector<2400xf32>
    %gt3A_1168 = arith.cmpf ogt, %get3A_10, %gt3A_1167 : vector<2400xf32>
    %jit3A_1169 = arith.constant 0.000000e+00 : f32
    %broadcast_in_dim3A_1170 = vector.broadcast %jit3A_1169 : f32 to vector<2400xf32>
    %select_n3A_1171 = arith.select %gt3A_1168, %add3A_1165, %broadcast_in_dim3A_1170 : vector<2400xi1>, vector<2400xf32>
    %reduce_sum3A_1172 = vector.shape_cast %select_n3A_1171 : vector<2400xf32> to vector<1x2400xf32>
    %reduce_sum3A_1173 = arith.constant dense<0.000000e+00> : vector<1xf32>
    %reduce_sum3A_1174 = vector.multi_reduction <add>, %reduce_sum3A_1172, %reduce_sum3A_1173 [1] : vector<1x2400xf32> to vector<1xf32>
    %reduce_sum3A_1175 = vector.shape_cast %reduce_sum3A_1174 : vector<1xf32> to vector<1x1xf32>
    %reduce_sum3A_1176 = vector.extract %reduce_sum3A_1175[0, 0] : f32 from vector<1x1xf32>
    %mul3A_1177 = arith.constant 8.000000e+01 : f32
    %mul3A_1178 = arith.mulf %reduce_sum3A_14, %mul3A_1177 : f32
    %div3A_1179 = arith.divf %reduce_sum3A_1176, %mul3A_1178 : f32
    %add3A_1180 = arith.constant 0.000000e+00 : f32
    %add3A_1181 = arith.addf %add3A_1180, %div3A_1179 : f32
    %get3A_1182 = arith.constant 1 : index
    %get3A_1183 = arith.constant 0 : index
    %get3A_1184 = vector.load %arg5[%get3A_1182, %get3A_1183] : memref<3x2560xi32, #tpu.memory_space<vmem>>, vector<1x2560xi32>
    %get3A_1185 = vector.shape_cast %get3A_1184 : vector<1x2560xi32> to vector<2560xi32>
    %shift_right_logical3A_1186 = arith.constant 4 : i32
    %shift_right_logical3A_1187 = vector.broadcast %shift_right_logical3A_1186 : i32 to vector<2560xi32>
    %shift_right_logical3A_1188 = arith.shrui %get3A_1185, %shift_right_logical3A_1187 : vector<2560xi32>
    %and3A_1189 = arith.constant 15 : i32
    %and3A_1190 = vector.broadcast %and3A_1189 : i32 to vector<2560xi32>
    %and3A_1191 = arith.andi %get3A_1185, %and3A_1190 : vector<2560xi32>
    %get3A_1192 = arith.constant 1 : index
    %get3A_1193 = arith.constant 0 : index
    %get3A_1194 = vector.load %arg3[%get3A_1192, %get3A_1193] : memref<3x2400xf32, #tpu.memory_space<vmem>>, vector<1x2400xf32>
    %get3A_1195 = vector.shape_cast %get3A_1194 : vector<1x2400xf32> to vector<2400xf32>
    %reduce_sum3A_1196 = vector.shape_cast %get3A_1195 : vector<2400xf32> to vector<1x2400xf32>
    %reduce_sum3A_1197 = arith.constant dense<0.000000e+00> : vector<1xf32>
    %reduce_sum3A_1198 = vector.multi_reduction <add>, %reduce_sum3A_1196, %reduce_sum3A_1197 [1] : vector<1x2400xf32> to vector<1xf32>
    %reduce_sum3A_1199 = vector.shape_cast %reduce_sum3A_1198 : vector<1xf32> to vector<1x1xf32>
    %reduce_sum3A_1200 = vector.extract %reduce_sum3A_1199[0, 0] : f32 from vector<1x1xf32>
    %broadcast_in_dim3A_1201 = arith.constant 0.000000e+00 : f32
    %broadcast_in_dim3A_1202 = vector.broadcast %broadcast_in_dim3A_1201 : f32 to vector<20x2560xf32>
    %eq3A_1203 = arith.constant 0 : i32
    %eq3A_1204 = vector.broadcast %eq3A_1203 : i32 to vector<2560xi32>
    %eq3A_1205 = arith.cmpi eq, %shift_right_logical3A_1188, %eq3A_1204 : vector<2560xi32>
    %get3A_1206 = arith.constant 0 : index
    %get3A_1207 = arith.constant 0 : index
    %get3A_1208 = vector.load %arg1[%get3A_1206, %get3A_1207] : memref<128x2560xf32, #tpu.memory_space<vmem>>, vector<20x2560xf32>
    %broadcast_in_dim3A_1209 = vector.shape_cast %eq3A_1205 : vector<2560xi1> to vector<1x2560xi1>
    %broadcast_in_dim3A_1210 = vector.broadcast %broadcast_in_dim3A_1209 : vector<1x2560xi1> to vector<20x2560xi1>
    %select_n3A_1211 = arith.select %broadcast_in_dim3A_1210, %get3A_1208, %broadcast_in_dim3A_1202 : vector<20x2560xi1>, vector<20x2560xf32>
    %eq3A_1212 = arith.constant 1 : i32
    %eq3A_1213 = vector.broadcast %eq3A_1212 : i32 to vector<2560xi32>
    %eq3A_1214 = arith.cmpi eq, %shift_right_logical3A_1188, %eq3A_1213 : vector<2560xi32>
    %get3A_1215 = arith.constant 16 : index
    %get3A_1216 = arith.constant 0 : index
    %get3A_1217 = vector.load %arg1[%get3A_1215, %get3A_1216] : memref<128x2560xf32, #tpu.memory_space<vmem>>, vector<20x2560xf32>
    %broadcast_in_dim3A_1218 = vector.shape_cast %eq3A_1214 : vector<2560xi1> to vector<1x2560xi1>
    %broadcast_in_dim3A_1219 = vector.broadcast %broadcast_in_dim3A_1218 : vector<1x2560xi1> to vector<20x2560xi1>
    %select_n3A_1220 = arith.select %broadcast_in_dim3A_1219, %get3A_1217, %select_n3A_1211 : vector<20x2560xi1>, vector<20x2560xf32>
    %broadcast_in_dim3A_1221 = arith.constant 0.000000e+00 : f32
    %broadcast_in_dim3A_1222 = vector.broadcast %broadcast_in_dim3A_1221 : f32 to vector<5x2560xf32>
    %eq3A_1223 = arith.constant 0 : i32
    %eq3A_1224 = vector.broadcast %eq3A_1223 : i32 to vector<2560xi32>
    %eq3A_1225 = arith.cmpi eq, %and3A_1191, %eq3A_1224 : vector<2560xi32>
    %slice3A_1226 = vector.extract_strided_slice %select_n3A_1220 {offsets = [0, 0], sizes = [5, 2560], strides = [1, 1]} : vector<20x2560xf32> to vector<5x2560xf32>
    %broadcast_in_dim3A_1227 = vector.shape_cast %eq3A_1225 : vector<2560xi1> to vector<1x2560xi1>
    %broadcast_in_dim3A_1228 = vector.broadcast %broadcast_in_dim3A_1227 : vector<1x2560xi1> to vector<5x2560xi1>
    %select_n3A_1229 = arith.select %broadcast_in_dim3A_1228, %slice3A_1226, %broadcast_in_dim3A_1222 : vector<5x2560xi1>, vector<5x2560xf32>
    %eq3A_1230 = arith.constant 1 : i32
    %eq3A_1231 = vector.broadcast %eq3A_1230 : i32 to vector<2560xi32>
    %eq3A_1232 = arith.cmpi eq, %and3A_1191, %eq3A_1231 : vector<2560xi32>
    %slice3A_1233 = vector.extract_strided_slice %select_n3A_1220 {offsets = [1, 0], sizes = [5, 2560], strides = [1, 1]} : vector<20x2560xf32> to vector<5x2560xf32>
    %broadcast_in_dim3A_1234 = vector.shape_cast %eq3A_1232 : vector<2560xi1> to vector<1x2560xi1>
    %broadcast_in_dim3A_1235 = vector.broadcast %broadcast_in_dim3A_1234 : vector<1x2560xi1> to vector<5x2560xi1>
    %select_n3A_1236 = arith.select %broadcast_in_dim3A_1235, %slice3A_1233, %select_n3A_1229 : vector<5x2560xi1>, vector<5x2560xf32>
    %eq3A_1237 = arith.constant 2 : i32
    %eq3A_1238 = vector.broadcast %eq3A_1237 : i32 to vector<2560xi32>
    %eq3A_1239 = arith.cmpi eq, %and3A_1191, %eq3A_1238 : vector<2560xi32>
    %slice3A_1240 = vector.extract_strided_slice %select_n3A_1220 {offsets = [2, 0], sizes = [5, 2560], strides = [1, 1]} : vector<20x2560xf32> to vector<5x2560xf32>
    %broadcast_in_dim3A_1241 = vector.shape_cast %eq3A_1239 : vector<2560xi1> to vector<1x2560xi1>
    %broadcast_in_dim3A_1242 = vector.broadcast %broadcast_in_dim3A_1241 : vector<1x2560xi1> to vector<5x2560xi1>
    %select_n3A_1243 = arith.select %broadcast_in_dim3A_1242, %slice3A_1240, %select_n3A_1236 : vector<5x2560xi1>, vector<5x2560xf32>
    %eq3A_1244 = arith.constant 3 : i32
    %eq3A_1245 = vector.broadcast %eq3A_1244 : i32 to vector<2560xi32>
    %eq3A_1246 = arith.cmpi eq, %and3A_1191, %eq3A_1245 : vector<2560xi32>
    %slice3A_1247 = vector.extract_strided_slice %select_n3A_1220 {offsets = [3, 0], sizes = [5, 2560], strides = [1, 1]} : vector<20x2560xf32> to vector<5x2560xf32>
    %broadcast_in_dim3A_1248 = vector.shape_cast %eq3A_1246 : vector<2560xi1> to vector<1x2560xi1>
    %broadcast_in_dim3A_1249 = vector.broadcast %broadcast_in_dim3A_1248 : vector<1x2560xi1> to vector<5x2560xi1>
    %select_n3A_1250 = arith.select %broadcast_in_dim3A_1249, %slice3A_1247, %select_n3A_1243 : vector<5x2560xi1>, vector<5x2560xf32>
    %eq3A_1251 = arith.constant 4 : i32
    %eq3A_1252 = vector.broadcast %eq3A_1251 : i32 to vector<2560xi32>
    %eq3A_1253 = arith.cmpi eq, %and3A_1191, %eq3A_1252 : vector<2560xi32>
    %slice3A_1254 = vector.extract_strided_slice %select_n3A_1220 {offsets = [4, 0], sizes = [5, 2560], strides = [1, 1]} : vector<20x2560xf32> to vector<5x2560xf32>
    %broadcast_in_dim3A_1255 = vector.shape_cast %eq3A_1253 : vector<2560xi1> to vector<1x2560xi1>
    %broadcast_in_dim3A_1256 = vector.broadcast %broadcast_in_dim3A_1255 : vector<1x2560xi1> to vector<5x2560xi1>
    %select_n3A_1257 = arith.select %broadcast_in_dim3A_1256, %slice3A_1254, %select_n3A_1250 : vector<5x2560xi1>, vector<5x2560xf32>
    %eq3A_1258 = arith.constant 5 : i32
    %eq3A_1259 = vector.broadcast %eq3A_1258 : i32 to vector<2560xi32>
    %eq3A_1260 = arith.cmpi eq, %and3A_1191, %eq3A_1259 : vector<2560xi32>
    %slice3A_1261 = vector.extract_strided_slice %select_n3A_1220 {offsets = [5, 0], sizes = [5, 2560], strides = [1, 1]} : vector<20x2560xf32> to vector<5x2560xf32>
    %broadcast_in_dim3A_1262 = vector.shape_cast %eq3A_1260 : vector<2560xi1> to vector<1x2560xi1>
    %broadcast_in_dim3A_1263 = vector.broadcast %broadcast_in_dim3A_1262 : vector<1x2560xi1> to vector<5x2560xi1>
    %select_n3A_1264 = arith.select %broadcast_in_dim3A_1263, %slice3A_1261, %select_n3A_1257 : vector<5x2560xi1>, vector<5x2560xf32>
    %eq3A_1265 = arith.constant 6 : i32
    %eq3A_1266 = vector.broadcast %eq3A_1265 : i32 to vector<2560xi32>
    %eq3A_1267 = arith.cmpi eq, %and3A_1191, %eq3A_1266 : vector<2560xi32>
    %slice3A_1268 = vector.extract_strided_slice %select_n3A_1220 {offsets = [6, 0], sizes = [5, 2560], strides = [1, 1]} : vector<20x2560xf32> to vector<5x2560xf32>
    %broadcast_in_dim3A_1269 = vector.shape_cast %eq3A_1267 : vector<2560xi1> to vector<1x2560xi1>
    %broadcast_in_dim3A_1270 = vector.broadcast %broadcast_in_dim3A_1269 : vector<1x2560xi1> to vector<5x2560xi1>
    %select_n3A_1271 = arith.select %broadcast_in_dim3A_1270, %slice3A_1268, %select_n3A_1264 : vector<5x2560xi1>, vector<5x2560xf32>
    %eq3A_1272 = arith.constant 7 : i32
    %eq3A_1273 = vector.broadcast %eq3A_1272 : i32 to vector<2560xi32>
    %eq3A_1274 = arith.cmpi eq, %and3A_1191, %eq3A_1273 : vector<2560xi32>
    %slice3A_1275 = vector.extract_strided_slice %select_n3A_1220 {offsets = [7, 0], sizes = [5, 2560], strides = [1, 1]} : vector<20x2560xf32> to vector<5x2560xf32>
    %broadcast_in_dim3A_1276 = vector.shape_cast %eq3A_1274 : vector<2560xi1> to vector<1x2560xi1>
    %broadcast_in_dim3A_1277 = vector.broadcast %broadcast_in_dim3A_1276 : vector<1x2560xi1> to vector<5x2560xi1>
    %select_n3A_1278 = arith.select %broadcast_in_dim3A_1277, %slice3A_1275, %select_n3A_1271 : vector<5x2560xi1>, vector<5x2560xf32>
    %eq3A_1279 = arith.constant 8 : i32
    %eq3A_1280 = vector.broadcast %eq3A_1279 : i32 to vector<2560xi32>
    %eq3A_1281 = arith.cmpi eq, %and3A_1191, %eq3A_1280 : vector<2560xi32>
    %slice3A_1282 = vector.extract_strided_slice %select_n3A_1220 {offsets = [8, 0], sizes = [5, 2560], strides = [1, 1]} : vector<20x2560xf32> to vector<5x2560xf32>
    %broadcast_in_dim3A_1283 = vector.shape_cast %eq3A_1281 : vector<2560xi1> to vector<1x2560xi1>
    %broadcast_in_dim3A_1284 = vector.broadcast %broadcast_in_dim3A_1283 : vector<1x2560xi1> to vector<5x2560xi1>
    %select_n3A_1285 = arith.select %broadcast_in_dim3A_1284, %slice3A_1282, %select_n3A_1278 : vector<5x2560xi1>, vector<5x2560xf32>
    %eq3A_1286 = arith.constant 9 : i32
    %eq3A_1287 = vector.broadcast %eq3A_1286 : i32 to vector<2560xi32>
    %eq3A_1288 = arith.cmpi eq, %and3A_1191, %eq3A_1287 : vector<2560xi32>
    %slice3A_1289 = vector.extract_strided_slice %select_n3A_1220 {offsets = [9, 0], sizes = [5, 2560], strides = [1, 1]} : vector<20x2560xf32> to vector<5x2560xf32>
    %broadcast_in_dim3A_1290 = vector.shape_cast %eq3A_1288 : vector<2560xi1> to vector<1x2560xi1>
    %broadcast_in_dim3A_1291 = vector.broadcast %broadcast_in_dim3A_1290 : vector<1x2560xi1> to vector<5x2560xi1>
    %select_n3A_1292 = arith.select %broadcast_in_dim3A_1291, %slice3A_1289, %select_n3A_1285 : vector<5x2560xi1>, vector<5x2560xf32>
    %eq3A_1293 = arith.constant 10 : i32
    %eq3A_1294 = vector.broadcast %eq3A_1293 : i32 to vector<2560xi32>
    %eq3A_1295 = arith.cmpi eq, %and3A_1191, %eq3A_1294 : vector<2560xi32>
    %slice3A_1296 = vector.extract_strided_slice %select_n3A_1220 {offsets = [10, 0], sizes = [5, 2560], strides = [1, 1]} : vector<20x2560xf32> to vector<5x2560xf32>
    %broadcast_in_dim3A_1297 = vector.shape_cast %eq3A_1295 : vector<2560xi1> to vector<1x2560xi1>
    %broadcast_in_dim3A_1298 = vector.broadcast %broadcast_in_dim3A_1297 : vector<1x2560xi1> to vector<5x2560xi1>
    %select_n3A_1299 = arith.select %broadcast_in_dim3A_1298, %slice3A_1296, %select_n3A_1292 : vector<5x2560xi1>, vector<5x2560xf32>
    %eq3A_1300 = arith.constant 11 : i32
    %eq3A_1301 = vector.broadcast %eq3A_1300 : i32 to vector<2560xi32>
    %eq3A_1302 = arith.cmpi eq, %and3A_1191, %eq3A_1301 : vector<2560xi32>
    %slice3A_1303 = vector.extract_strided_slice %select_n3A_1220 {offsets = [11, 0], sizes = [5, 2560], strides = [1, 1]} : vector<20x2560xf32> to vector<5x2560xf32>
    %broadcast_in_dim3A_1304 = vector.shape_cast %eq3A_1302 : vector<2560xi1> to vector<1x2560xi1>
    %broadcast_in_dim3A_1305 = vector.broadcast %broadcast_in_dim3A_1304 : vector<1x2560xi1> to vector<5x2560xi1>
    %select_n3A_1306 = arith.select %broadcast_in_dim3A_1305, %slice3A_1303, %select_n3A_1299 : vector<5x2560xi1>, vector<5x2560xf32>
    %eq3A_1307 = arith.constant 12 : i32
    %eq3A_1308 = vector.broadcast %eq3A_1307 : i32 to vector<2560xi32>
    %eq3A_1309 = arith.cmpi eq, %and3A_1191, %eq3A_1308 : vector<2560xi32>
    %slice3A_1310 = vector.extract_strided_slice %select_n3A_1220 {offsets = [12, 0], sizes = [5, 2560], strides = [1, 1]} : vector<20x2560xf32> to vector<5x2560xf32>
    %broadcast_in_dim3A_1311 = vector.shape_cast %eq3A_1309 : vector<2560xi1> to vector<1x2560xi1>
    %broadcast_in_dim3A_1312 = vector.broadcast %broadcast_in_dim3A_1311 : vector<1x2560xi1> to vector<5x2560xi1>
    %select_n3A_1313 = arith.select %broadcast_in_dim3A_1312, %slice3A_1310, %select_n3A_1306 : vector<5x2560xi1>, vector<5x2560xf32>
    %eq3A_1314 = arith.constant 13 : i32
    %eq3A_1315 = vector.broadcast %eq3A_1314 : i32 to vector<2560xi32>
    %eq3A_1316 = arith.cmpi eq, %and3A_1191, %eq3A_1315 : vector<2560xi32>
    %slice3A_1317 = vector.extract_strided_slice %select_n3A_1220 {offsets = [13, 0], sizes = [5, 2560], strides = [1, 1]} : vector<20x2560xf32> to vector<5x2560xf32>
    %broadcast_in_dim3A_1318 = vector.shape_cast %eq3A_1316 : vector<2560xi1> to vector<1x2560xi1>
    %broadcast_in_dim3A_1319 = vector.broadcast %broadcast_in_dim3A_1318 : vector<1x2560xi1> to vector<5x2560xi1>
    %select_n3A_1320 = arith.select %broadcast_in_dim3A_1319, %slice3A_1317, %select_n3A_1313 : vector<5x2560xi1>, vector<5x2560xf32>
    %eq3A_1321 = arith.constant 14 : i32
    %eq3A_1322 = vector.broadcast %eq3A_1321 : i32 to vector<2560xi32>
    %eq3A_1323 = arith.cmpi eq, %and3A_1191, %eq3A_1322 : vector<2560xi32>
    %slice3A_1324 = vector.extract_strided_slice %select_n3A_1220 {offsets = [14, 0], sizes = [5, 2560], strides = [1, 1]} : vector<20x2560xf32> to vector<5x2560xf32>
    %broadcast_in_dim3A_1325 = vector.shape_cast %eq3A_1323 : vector<2560xi1> to vector<1x2560xi1>
    %broadcast_in_dim3A_1326 = vector.broadcast %broadcast_in_dim3A_1325 : vector<1x2560xi1> to vector<5x2560xi1>
    %select_n3A_1327 = arith.select %broadcast_in_dim3A_1326, %slice3A_1324, %select_n3A_1320 : vector<5x2560xi1>, vector<5x2560xf32>
    %eq3A_1328 = arith.constant 15 : i32
    %eq3A_1329 = vector.broadcast %eq3A_1328 : i32 to vector<2560xi32>
    %eq3A_1330 = arith.cmpi eq, %and3A_1191, %eq3A_1329 : vector<2560xi32>
    %slice3A_1331 = vector.extract_strided_slice %select_n3A_1220 {offsets = [15, 0], sizes = [5, 2560], strides = [1, 1]} : vector<20x2560xf32> to vector<5x2560xf32>
    %broadcast_in_dim3A_1332 = vector.shape_cast %eq3A_1330 : vector<2560xi1> to vector<1x2560xi1>
    %broadcast_in_dim3A_1333 = vector.broadcast %broadcast_in_dim3A_1332 : vector<1x2560xi1> to vector<5x2560xi1>
    %select_n3A_1334 = arith.select %broadcast_in_dim3A_1333, %slice3A_1331, %select_n3A_1327 : vector<5x2560xi1>, vector<5x2560xf32>
    %slice3A_1335 = vector.extract_strided_slice %select_n3A_1334 {offsets = [0, 0], sizes = [5, 2400], strides = [1, 1]} : vector<5x2560xf32> to vector<5x2400xf32>
    %slice3A_1336 = vector.extract_strided_slice %slice3A_1335 {offsets = [0, 0], sizes = [1, 2400], strides = [1, 1]} : vector<5x2400xf32> to vector<1x2400xf32>
    %squeeze3A_1337 = vector.shape_cast %slice3A_1336 : vector<1x2400xf32> to vector<2400xf32>
    %neg3A_1338 = arith.constant 0.000000e+00 : f32
    %neg3A_1339 = vector.broadcast %neg3A_1338 : f32 to vector<2400xf32>
    %neg3A_1340 = arith.subf %neg3A_1339, %squeeze3A_1337 : vector<2400xf32>
    %exp3A_1341 = math.exp %neg3A_1340 : vector<2400xf32>
    %add3A_1342 = arith.constant 1.000000e+00 : f32
    %add3A_1343 = vector.broadcast %add3A_1342 : f32 to vector<2400xf32>
    %add3A_1344 = arith.addf %add3A_1343, %exp3A_1341 : vector<2400xf32>
    %div3A_1345 = arith.constant 1.000000e+00 : f32
    %div3A_1346 = vector.broadcast %div3A_1345 : f32 to vector<2400xf32>
    %div3A_1347 = arith.divf %div3A_1346, %add3A_1344 : vector<2400xf32>
    %slice3A_1348 = vector.extract_strided_slice %slice3A_1335 {offsets = [1, 0], sizes = [1, 2400], strides = [1, 1]} : vector<5x2400xf32> to vector<1x2400xf32>
    %squeeze3A_1349 = vector.shape_cast %slice3A_1348 : vector<1x2400xf32> to vector<2400xf32>
    %neg3A_1350 = arith.constant 0.000000e+00 : f32
    %neg3A_1351 = vector.broadcast %neg3A_1350 : f32 to vector<2400xf32>
    %neg3A_1352 = arith.subf %neg3A_1351, %squeeze3A_1349 : vector<2400xf32>
    %exp3A_1353 = math.exp %neg3A_1352 : vector<2400xf32>
    %add3A_1354 = arith.constant 1.000000e+00 : f32
    %add3A_1355 = vector.broadcast %add3A_1354 : f32 to vector<2400xf32>
    %add3A_1356 = arith.addf %add3A_1355, %exp3A_1353 : vector<2400xf32>
    %div3A_1357 = arith.constant 1.000000e+00 : f32
    %div3A_1358 = vector.broadcast %div3A_1357 : f32 to vector<2400xf32>
    %div3A_1359 = arith.divf %div3A_1358, %add3A_1356 : vector<2400xf32>
    %slice3A_1360 = vector.extract_strided_slice %slice3A_1335 {offsets = [2, 0], sizes = [1, 2400], strides = [1, 1]} : vector<5x2400xf32> to vector<1x2400xf32>
    %squeeze3A_1361 = vector.shape_cast %slice3A_1360 : vector<1x2400xf32> to vector<2400xf32>
    %exp3A_1362 = math.exp %squeeze3A_1361 : vector<2400xf32>
    %min3A_1363 = arith.constant 1.000000e+03 : f32
    %min3A_1364 = vector.broadcast %min3A_1363 : f32 to vector<2400xf32>
    %min3A_1365 = arith.minimumf %exp3A_1362, %min3A_1364 : vector<2400xf32>
    %get3A_1366 = arith.constant 1 : index
    %get3A_1367 = arith.constant 0 : index
    %get3A_1368 = arith.constant 0 : index
    %get3A_1369 = vector.load %arg7[%get3A_1366, %get3A_1367, %get3A_1368] : memref<3x2x2400xf32, #tpu.memory_space<vmem>>, vector<1x1x2400xf32>
    %get3A_1370 = vector.shape_cast %get3A_1369 : vector<1x1x2400xf32> to vector<2400xf32>
    %mul3A_1371 = arith.mulf %min3A_1365, %get3A_1370 : vector<2400xf32>
    %slice3A_1372 = vector.extract_strided_slice %slice3A_1335 {offsets = [3, 0], sizes = [1, 2400], strides = [1, 1]} : vector<5x2400xf32> to vector<1x2400xf32>
    %squeeze3A_1373 = vector.shape_cast %slice3A_1372 : vector<1x2400xf32> to vector<2400xf32>
    %exp3A_1374 = math.exp %squeeze3A_1373 : vector<2400xf32>
    %min3A_1375 = arith.constant 1.000000e+03 : f32
    %min3A_1376 = vector.broadcast %min3A_1375 : f32 to vector<2400xf32>
    %min3A_1377 = arith.minimumf %exp3A_1374, %min3A_1376 : vector<2400xf32>
    %get3A_1378 = arith.constant 1 : index
    %get3A_1379 = arith.constant 1 : index
    %get3A_1380 = arith.constant 0 : index
    %get3A_1381 = vector.load %arg7[%get3A_1378, %get3A_1379, %get3A_1380] : memref<3x2x2400xf32, #tpu.memory_space<vmem>>, vector<1x1x2400xf32>
    %get3A_1382 = vector.shape_cast %get3A_1381 : vector<1x1x2400xf32> to vector<2400xf32>
    %mul3A_1383 = arith.mulf %min3A_1377, %get3A_1382 : vector<2400xf32>
    %get3A_1384 = arith.constant 1 : index
    %get3A_1385 = arith.constant 0 : index
    %get3A_1386 = arith.constant 0 : index
    %get3A_1387 = vector.load %arg6[%get3A_1384, %get3A_1385, %get3A_1386] : memref<3x4x2400xf32, #tpu.memory_space<vmem>>, vector<1x1x2400xf32>
    %get3A_1388 = vector.shape_cast %get3A_1387 : vector<1x1x2400xf32> to vector<2400xf32>
    %get3A_1389 = arith.constant 1 : index
    %get3A_1390 = arith.constant 1 : index
    %get3A_1391 = arith.constant 0 : index
    %get3A_1392 = vector.load %arg6[%get3A_1389, %get3A_1390, %get3A_1391] : memref<3x4x2400xf32, #tpu.memory_space<vmem>>, vector<1x1x2400xf32>
    %get3A_1393 = vector.shape_cast %get3A_1392 : vector<1x1x2400xf32> to vector<2400xf32>
    %get3A_1394 = arith.constant 1 : index
    %get3A_1395 = arith.constant 2 : index
    %get3A_1396 = arith.constant 0 : index
    %get3A_1397 = vector.load %arg6[%get3A_1394, %get3A_1395, %get3A_1396] : memref<3x4x2400xf32, #tpu.memory_space<vmem>>, vector<1x1x2400xf32>
    %get3A_1398 = vector.shape_cast %get3A_1397 : vector<1x1x2400xf32> to vector<2400xf32>
    %get3A_1399 = arith.constant 1 : index
    %get3A_1400 = arith.constant 3 : index
    %get3A_1401 = arith.constant 0 : index
    %get3A_1402 = vector.load %arg6[%get3A_1399, %get3A_1400, %get3A_1401] : memref<3x4x2400xf32, #tpu.memory_space<vmem>>, vector<1x1x2400xf32>
    %get3A_1403 = vector.shape_cast %get3A_1402 : vector<1x1x2400xf32> to vector<2400xf32>
    %mul3A_1404 = arith.constant 5.000000e-01 : f32
    %mul3A_1405 = vector.broadcast %mul3A_1404 : f32 to vector<2400xf32>
    %mul3A_1406 = arith.mulf %mul3A_1371, %mul3A_1405 : vector<2400xf32>
    %sub3A_1407 = arith.subf %div3A_1347, %mul3A_1406 : vector<2400xf32>
    %mul3A_1408 = arith.constant 5.000000e-01 : f32
    %mul3A_1409 = vector.broadcast %mul3A_1408 : f32 to vector<2400xf32>
    %mul3A_1410 = arith.mulf %get3A_1398, %mul3A_1409 : vector<2400xf32>
    %sub3A_1411 = arith.subf %get3A_1388, %mul3A_1410 : vector<2400xf32>
    %max3A_1412 = arith.maximumf %sub3A_1407, %sub3A_1411 : vector<2400xf32>
    %mul3A_1413 = arith.constant 5.000000e-01 : f32
    %mul3A_1414 = vector.broadcast %mul3A_1413 : f32 to vector<2400xf32>
    %mul3A_1415 = arith.mulf %mul3A_1383, %mul3A_1414 : vector<2400xf32>
    %sub3A_1416 = arith.subf %div3A_1359, %mul3A_1415 : vector<2400xf32>
    %mul3A_1417 = arith.constant 5.000000e-01 : f32
    %mul3A_1418 = vector.broadcast %mul3A_1417 : f32 to vector<2400xf32>
    %mul3A_1419 = arith.mulf %get3A_1403, %mul3A_1418 : vector<2400xf32>
    %sub3A_1420 = arith.subf %get3A_1393, %mul3A_1419 : vector<2400xf32>
    %max3A_1421 = arith.maximumf %sub3A_1416, %sub3A_1420 : vector<2400xf32>
    %mul3A_1422 = arith.constant 5.000000e-01 : f32
    %mul3A_1423 = vector.broadcast %mul3A_1422 : f32 to vector<2400xf32>
    %mul3A_1424 = arith.mulf %mul3A_1371, %mul3A_1423 : vector<2400xf32>
    %add3A_1425 = arith.addf %div3A_1347, %mul3A_1424 : vector<2400xf32>
    %mul3A_1426 = arith.constant 5.000000e-01 : f32
    %mul3A_1427 = vector.broadcast %mul3A_1426 : f32 to vector<2400xf32>
    %mul3A_1428 = arith.mulf %get3A_1398, %mul3A_1427 : vector<2400xf32>
    %add3A_1429 = arith.addf %get3A_1388, %mul3A_1428 : vector<2400xf32>
    %min3A_1430 = arith.minimumf %add3A_1425, %add3A_1429 : vector<2400xf32>
    %mul3A_1431 = arith.constant 5.000000e-01 : f32
    %mul3A_1432 = vector.broadcast %mul3A_1431 : f32 to vector<2400xf32>
    %mul3A_1433 = arith.mulf %mul3A_1383, %mul3A_1432 : vector<2400xf32>
    %add3A_1434 = arith.addf %div3A_1359, %mul3A_1433 : vector<2400xf32>
    %mul3A_1435 = arith.constant 5.000000e-01 : f32
    %mul3A_1436 = vector.broadcast %mul3A_1435 : f32 to vector<2400xf32>
    %mul3A_1437 = arith.mulf %get3A_1403, %mul3A_1436 : vector<2400xf32>
    %add3A_1438 = arith.addf %get3A_1393, %mul3A_1437 : vector<2400xf32>
    %min3A_1439 = arith.minimumf %add3A_1434, %add3A_1438 : vector<2400xf32>
    %lt3A_1440 = arith.cmpf olt, %max3A_1412, %min3A_1430 : vector<2400xf32>
    %lt3A_1441 = arith.cmpf olt, %max3A_1421, %min3A_1439 : vector<2400xf32>
    %and3A_1442 = arith.andi %lt3A_1440, %lt3A_1441 : vector<2400xi1>
    %convert_element_type3A_1443 = arith.extui %and3A_1442 : vector<2400xi1> to vector<2400xi32>
    %convert_element_type3A_1444 = arith.sitofp %convert_element_type3A_1443 : vector<2400xi32> to vector<2400xf32>
    %sub3A_1445 = arith.subf %min3A_1430, %max3A_1412 : vector<2400xf32>
    %sub3A_1446 = arith.subf %min3A_1439, %max3A_1421 : vector<2400xf32>
    %mul3A_1447 = arith.mulf %sub3A_1445, %sub3A_1446 : vector<2400xf32>
    %mul3A_1448 = arith.mulf %mul3A_1447, %convert_element_type3A_1444 : vector<2400xf32>
    %mul3A_1449 = arith.mulf %mul3A_1371, %mul3A_1383 : vector<2400xf32>
    %mul3A_1450 = arith.mulf %get3A_1398, %get3A_1403 : vector<2400xf32>
    %add3A_1451 = arith.addf %mul3A_1449, %mul3A_1450 : vector<2400xf32>
    %sub3A_1452 = arith.subf %add3A_1451, %mul3A_1448 : vector<2400xf32>
    %div3A_1453 = arith.divf %mul3A_1448, %sub3A_1452 : vector<2400xf32>
    %gt3A_1454 = arith.constant 0.000000e+00 : f32
    %gt3A_1455 = vector.broadcast %gt3A_1454 : f32 to vector<2400xf32>
    %gt3A_1456 = arith.cmpf ogt, %get3A_1195, %gt3A_1455 : vector<2400xf32>
    %sub3A_1457 = arith.constant 1.000000e+00 : f32
    %sub3A_1458 = vector.broadcast %sub3A_1457 : f32 to vector<2400xf32>
    %sub3A_1459 = arith.subf %sub3A_1458, %div3A_1453 : vector<2400xf32>
    %jit3A_1460 = arith.constant 0.000000e+00 : f32
    %broadcast_in_dim3A_1461 = vector.broadcast %jit3A_1460 : f32 to vector<2400xf32>
    %select_n3A_1462 = arith.select %gt3A_1456, %sub3A_1459, %broadcast_in_dim3A_1461 : vector<2400xi1>, vector<2400xf32>
    %reduce_sum3A_1463 = vector.shape_cast %select_n3A_1462 : vector<2400xf32> to vector<1x2400xf32>
    %reduce_sum3A_1464 = arith.constant dense<0.000000e+00> : vector<1xf32>
    %reduce_sum3A_1465 = vector.multi_reduction <add>, %reduce_sum3A_1463, %reduce_sum3A_1464 [1] : vector<1x2400xf32> to vector<1xf32>
    %reduce_sum3A_1466 = vector.shape_cast %reduce_sum3A_1465 : vector<1xf32> to vector<1x1xf32>
    %reduce_sum3A_1467 = vector.extract %reduce_sum3A_1466[0, 0] : f32 from vector<1x1xf32>
    %div3A_1468 = arith.divf %reduce_sum3A_1467, %reduce_sum3A_1200 : f32
    %add3A_1469 = arith.addf %add3A_267, %div3A_1468 : f32
    %slice3A_1470 = vector.extract_strided_slice %slice3A_1335 {offsets = [4, 0], sizes = [1, 2400], strides = [1, 1]} : vector<5x2400xf32> to vector<1x2400xf32>
    %squeeze3A_1471 = vector.shape_cast %slice3A_1470 : vector<1x2400xf32> to vector<2400xf32>
    %get3A_1472 = arith.constant 1 : index
    %get3A_1473 = arith.constant 0 : index
    %get3A_1474 = vector.load %arg4[%get3A_1472, %get3A_1473] : memref<3x2400xf32, #tpu.memory_space<vmem>>, vector<1x2400xf32>
    %get3A_1475 = vector.shape_cast %get3A_1474 : vector<1x2400xf32> to vector<2400xf32>
    %gt3A_1476 = arith.constant 0.000000e+00 : f32
    %gt3A_1477 = vector.broadcast %gt3A_1476 : f32 to vector<2400xf32>
    %gt3A_1478 = arith.cmpf ogt, %get3A_1475, %gt3A_1477 : vector<2400xf32>
    %neg3A_1479 = arith.constant 0.000000e+00 : f32
    %neg3A_1480 = vector.broadcast %neg3A_1479 : f32 to vector<2400xf32>
    %neg3A_1481 = arith.subf %neg3A_1480, %squeeze3A_1471 : vector<2400xf32>
    %max3A_1482 = arith.constant 0.000000e+00 : f32
    %max3A_1483 = vector.broadcast %max3A_1482 : f32 to vector<2400xf32>
    %max3A_1484 = arith.maximumf %neg3A_1481, %max3A_1483 : vector<2400xf32>
    %abs3A_1485 = math.absf %neg3A_1481 : vector<2400xf32>
    %neg3A_1486 = arith.constant 0.000000e+00 : f32
    %neg3A_1487 = vector.broadcast %neg3A_1486 : f32 to vector<2400xf32>
    %neg3A_1488 = arith.subf %neg3A_1487, %abs3A_1485 : vector<2400xf32>
    %exp3A_1489 = math.exp %neg3A_1488 : vector<2400xf32>
    %log1p3A_1490 = math.log1p %exp3A_1489 : vector<2400xf32>
    %add3A_1491 = arith.addf %max3A_1484, %log1p3A_1490 : vector<2400xf32>
    %max3A_1492 = arith.constant 0.000000e+00 : f32
    %max3A_1493 = vector.broadcast %max3A_1492 : f32 to vector<2400xf32>
    %max3A_1494 = arith.maximumf %squeeze3A_1471, %max3A_1493 : vector<2400xf32>
    %abs3A_1495 = math.absf %squeeze3A_1471 : vector<2400xf32>
    %neg3A_1496 = arith.constant 0.000000e+00 : f32
    %neg3A_1497 = vector.broadcast %neg3A_1496 : f32 to vector<2400xf32>
    %neg3A_1498 = arith.subf %neg3A_1497, %abs3A_1495 : vector<2400xf32>
    %exp3A_1499 = math.exp %neg3A_1498 : vector<2400xf32>
    %log1p3A_1500 = math.log1p %exp3A_1499 : vector<2400xf32>
    %add3A_1501 = arith.addf %max3A_1494, %log1p3A_1500 : vector<2400xf32>
    %sub3A_1502 = arith.subf %add3A_1491, %add3A_1501 : vector<2400xf32>
    %jit3A_1503 = arith.constant 0.000000e+00 : f32
    %broadcast_in_dim3A_1504 = vector.broadcast %jit3A_1503 : f32 to vector<2400xf32>
    %select_n3A_1505 = arith.select %gt3A_1478, %sub3A_1502, %broadcast_in_dim3A_1504 : vector<2400xi1>, vector<2400xf32>
    %reduce_sum3A_1506 = vector.shape_cast %select_n3A_1505 : vector<2400xf32> to vector<1x2400xf32>
    %reduce_sum3A_1507 = arith.constant dense<0.000000e+00> : vector<1xf32>
    %reduce_sum3A_1508 = vector.multi_reduction <add>, %reduce_sum3A_1506, %reduce_sum3A_1507 [1] : vector<1x2400xf32> to vector<1xf32>
    %reduce_sum3A_1509 = vector.shape_cast %reduce_sum3A_1508 : vector<1xf32> to vector<1x1xf32>
    %reduce_sum3A_1510 = vector.extract %reduce_sum3A_1509[0, 0] : f32 from vector<1x1xf32>
    %get3A_1511 = arith.constant 0 : index
    %get3A_1512 = arith.constant 0 : index
    %get3A_1513 = vector.load %arg10[%get3A_1511, %get3A_1512] : memref<1x1xf32, #tpu.memory_space<vmem>>, vector<1x1xf32>
    %squeeze3A_1514 = vector.extract %get3A_1513[0, 0] : f32 from vector<1x1xf32>
    %add3A_1515 = arith.addf %squeeze3A_1514, %reduce_sum3A_1510 : f32
    %mul3A_1516 = arith.constant 2.03450527E-5 : f32
    %mul3A_1517 = arith.mulf %add3A_1515, %mul3A_1516 : f32
    %add3A_1518 = arith.addf %add3A_315, %mul3A_1517 : f32
    %get3A_1519 = arith.constant 1 : index
    %get3A_1520 = arith.constant 0 : index
    %get3A_1521 = vector.load %arg8[%get3A_1519, %get3A_1520] : memref<3x2400xi32, #tpu.memory_space<vmem>>, vector<1x2400xi32>
    %get3A_1522 = vector.shape_cast %get3A_1521 : vector<1x2400xi32> to vector<2400xi32>
    %broadcast_in_dim3A_1523 = arith.constant 0.000000e+00 : f32
    %broadcast_in_dim3A_1524 = vector.broadcast %broadcast_in_dim3A_1523 : f32 to vector<2400xf32>
    %broadcast_in_dim3A_1525 = arith.constant 0.000000e+00 : f32
    %broadcast_in_dim3A_1526 = vector.broadcast %broadcast_in_dim3A_1525 : f32 to vector<31x2560xf32>
    %eq3A_1527 = arith.constant 0 : i32
    %eq3A_1528 = vector.broadcast %eq3A_1527 : i32 to vector<2560xi32>
    %eq3A_1529 = arith.cmpi eq, %shift_right_logical3A_1188, %eq3A_1528 : vector<2560xi32>
    %get3A_1530 = arith.constant 5 : index
    %get3A_1531 = arith.constant 0 : index
    %get3A_1532 = vector.load %arg1[%get3A_1530, %get3A_1531] : memref<128x2560xf32, #tpu.memory_space<vmem>>, vector<31x2560xf32>
    %broadcast_in_dim3A_1533 = vector.shape_cast %eq3A_1529 : vector<2560xi1> to vector<1x2560xi1>
    %broadcast_in_dim3A_1534 = vector.broadcast %broadcast_in_dim3A_1533 : vector<1x2560xi1> to vector<31x2560xi1>
    %select_n3A_1535 = arith.select %broadcast_in_dim3A_1534, %get3A_1532, %broadcast_in_dim3A_1526 : vector<31x2560xi1>, vector<31x2560xf32>
    %eq3A_1536 = arith.constant 1 : i32
    %eq3A_1537 = vector.broadcast %eq3A_1536 : i32 to vector<2560xi32>
    %eq3A_1538 = arith.cmpi eq, %shift_right_logical3A_1188, %eq3A_1537 : vector<2560xi32>
    %get3A_1539 = arith.constant 21 : index
    %get3A_1540 = arith.constant 0 : index
    %get3A_1541 = vector.load %arg1[%get3A_1539, %get3A_1540] : memref<128x2560xf32, #tpu.memory_space<vmem>>, vector<31x2560xf32>
    %broadcast_in_dim3A_1542 = vector.shape_cast %eq3A_1538 : vector<2560xi1> to vector<1x2560xi1>
    %broadcast_in_dim3A_1543 = vector.broadcast %broadcast_in_dim3A_1542 : vector<1x2560xi1> to vector<31x2560xi1>
    %select_n3A_1544 = arith.select %broadcast_in_dim3A_1543, %get3A_1541, %select_n3A_1535 : vector<31x2560xi1>, vector<31x2560xf32>
    %broadcast_in_dim3A_1545 = arith.constant 0.000000e+00 : f32
    %broadcast_in_dim3A_1546 = vector.broadcast %broadcast_in_dim3A_1545 : f32 to vector<16x2560xf32>
    %eq3A_1547 = arith.constant 0 : i32
    %eq3A_1548 = vector.broadcast %eq3A_1547 : i32 to vector<2560xi32>
    %eq3A_1549 = arith.cmpi eq, %and3A_1191, %eq3A_1548 : vector<2560xi32>
    %slice3A_1550 = vector.extract_strided_slice %select_n3A_1544 {offsets = [0, 0], sizes = [16, 2560], strides = [1, 1]} : vector<31x2560xf32> to vector<16x2560xf32>
    %broadcast_in_dim3A_1551 = vector.shape_cast %eq3A_1549 : vector<2560xi1> to vector<1x2560xi1>
    %broadcast_in_dim3A_1552 = vector.broadcast %broadcast_in_dim3A_1551 : vector<1x2560xi1> to vector<16x2560xi1>
    %select_n3A_1553 = arith.select %broadcast_in_dim3A_1552, %slice3A_1550, %broadcast_in_dim3A_1546 : vector<16x2560xi1>, vector<16x2560xf32>
    %eq3A_1554 = arith.constant 1 : i32
    %eq3A_1555 = vector.broadcast %eq3A_1554 : i32 to vector<2560xi32>
    %eq3A_1556 = arith.cmpi eq, %and3A_1191, %eq3A_1555 : vector<2560xi32>
    %slice3A_1557 = vector.extract_strided_slice %select_n3A_1544 {offsets = [1, 0], sizes = [16, 2560], strides = [1, 1]} : vector<31x2560xf32> to vector<16x2560xf32>
    %broadcast_in_dim3A_1558 = vector.shape_cast %eq3A_1556 : vector<2560xi1> to vector<1x2560xi1>
    %broadcast_in_dim3A_1559 = vector.broadcast %broadcast_in_dim3A_1558 : vector<1x2560xi1> to vector<16x2560xi1>
    %select_n3A_1560 = arith.select %broadcast_in_dim3A_1559, %slice3A_1557, %select_n3A_1553 : vector<16x2560xi1>, vector<16x2560xf32>
    %eq3A_1561 = arith.constant 2 : i32
    %eq3A_1562 = vector.broadcast %eq3A_1561 : i32 to vector<2560xi32>
    %eq3A_1563 = arith.cmpi eq, %and3A_1191, %eq3A_1562 : vector<2560xi32>
    %slice3A_1564 = vector.extract_strided_slice %select_n3A_1544 {offsets = [2, 0], sizes = [16, 2560], strides = [1, 1]} : vector<31x2560xf32> to vector<16x2560xf32>
    %broadcast_in_dim3A_1565 = vector.shape_cast %eq3A_1563 : vector<2560xi1> to vector<1x2560xi1>
    %broadcast_in_dim3A_1566 = vector.broadcast %broadcast_in_dim3A_1565 : vector<1x2560xi1> to vector<16x2560xi1>
    %select_n3A_1567 = arith.select %broadcast_in_dim3A_1566, %slice3A_1564, %select_n3A_1560 : vector<16x2560xi1>, vector<16x2560xf32>
    %eq3A_1568 = arith.constant 3 : i32
    %eq3A_1569 = vector.broadcast %eq3A_1568 : i32 to vector<2560xi32>
    %eq3A_1570 = arith.cmpi eq, %and3A_1191, %eq3A_1569 : vector<2560xi32>
    %slice3A_1571 = vector.extract_strided_slice %select_n3A_1544 {offsets = [3, 0], sizes = [16, 2560], strides = [1, 1]} : vector<31x2560xf32> to vector<16x2560xf32>
    %broadcast_in_dim3A_1572 = vector.shape_cast %eq3A_1570 : vector<2560xi1> to vector<1x2560xi1>
    %broadcast_in_dim3A_1573 = vector.broadcast %broadcast_in_dim3A_1572 : vector<1x2560xi1> to vector<16x2560xi1>
    %select_n3A_1574 = arith.select %broadcast_in_dim3A_1573, %slice3A_1571, %select_n3A_1567 : vector<16x2560xi1>, vector<16x2560xf32>
    %eq3A_1575 = arith.constant 4 : i32
    %eq3A_1576 = vector.broadcast %eq3A_1575 : i32 to vector<2560xi32>
    %eq3A_1577 = arith.cmpi eq, %and3A_1191, %eq3A_1576 : vector<2560xi32>
    %slice3A_1578 = vector.extract_strided_slice %select_n3A_1544 {offsets = [4, 0], sizes = [16, 2560], strides = [1, 1]} : vector<31x2560xf32> to vector<16x2560xf32>
    %broadcast_in_dim3A_1579 = vector.shape_cast %eq3A_1577 : vector<2560xi1> to vector<1x2560xi1>
    %broadcast_in_dim3A_1580 = vector.broadcast %broadcast_in_dim3A_1579 : vector<1x2560xi1> to vector<16x2560xi1>
    %select_n3A_1581 = arith.select %broadcast_in_dim3A_1580, %slice3A_1578, %select_n3A_1574 : vector<16x2560xi1>, vector<16x2560xf32>
    %eq3A_1582 = arith.constant 5 : i32
    %eq3A_1583 = vector.broadcast %eq3A_1582 : i32 to vector<2560xi32>
    %eq3A_1584 = arith.cmpi eq, %and3A_1191, %eq3A_1583 : vector<2560xi32>
    %slice3A_1585 = vector.extract_strided_slice %select_n3A_1544 {offsets = [5, 0], sizes = [16, 2560], strides = [1, 1]} : vector<31x2560xf32> to vector<16x2560xf32>
    %broadcast_in_dim3A_1586 = vector.shape_cast %eq3A_1584 : vector<2560xi1> to vector<1x2560xi1>
    %broadcast_in_dim3A_1587 = vector.broadcast %broadcast_in_dim3A_1586 : vector<1x2560xi1> to vector<16x2560xi1>
    %select_n3A_1588 = arith.select %broadcast_in_dim3A_1587, %slice3A_1585, %select_n3A_1581 : vector<16x2560xi1>, vector<16x2560xf32>
    %eq3A_1589 = arith.constant 6 : i32
    %eq3A_1590 = vector.broadcast %eq3A_1589 : i32 to vector<2560xi32>
    %eq3A_1591 = arith.cmpi eq, %and3A_1191, %eq3A_1590 : vector<2560xi32>
    %slice3A_1592 = vector.extract_strided_slice %select_n3A_1544 {offsets = [6, 0], sizes = [16, 2560], strides = [1, 1]} : vector<31x2560xf32> to vector<16x2560xf32>
    %broadcast_in_dim3A_1593 = vector.shape_cast %eq3A_1591 : vector<2560xi1> to vector<1x2560xi1>
    %broadcast_in_dim3A_1594 = vector.broadcast %broadcast_in_dim3A_1593 : vector<1x2560xi1> to vector<16x2560xi1>
    %select_n3A_1595 = arith.select %broadcast_in_dim3A_1594, %slice3A_1592, %select_n3A_1588 : vector<16x2560xi1>, vector<16x2560xf32>
    %eq3A_1596 = arith.constant 7 : i32
    %eq3A_1597 = vector.broadcast %eq3A_1596 : i32 to vector<2560xi32>
    %eq3A_1598 = arith.cmpi eq, %and3A_1191, %eq3A_1597 : vector<2560xi32>
    %slice3A_1599 = vector.extract_strided_slice %select_n3A_1544 {offsets = [7, 0], sizes = [16, 2560], strides = [1, 1]} : vector<31x2560xf32> to vector<16x2560xf32>
    %broadcast_in_dim3A_1600 = vector.shape_cast %eq3A_1598 : vector<2560xi1> to vector<1x2560xi1>
    %broadcast_in_dim3A_1601 = vector.broadcast %broadcast_in_dim3A_1600 : vector<1x2560xi1> to vector<16x2560xi1>
    %select_n3A_1602 = arith.select %broadcast_in_dim3A_1601, %slice3A_1599, %select_n3A_1595 : vector<16x2560xi1>, vector<16x2560xf32>
    %eq3A_1603 = arith.constant 8 : i32
    %eq3A_1604 = vector.broadcast %eq3A_1603 : i32 to vector<2560xi32>
    %eq3A_1605 = arith.cmpi eq, %and3A_1191, %eq3A_1604 : vector<2560xi32>
    %slice3A_1606 = vector.extract_strided_slice %select_n3A_1544 {offsets = [8, 0], sizes = [16, 2560], strides = [1, 1]} : vector<31x2560xf32> to vector<16x2560xf32>
    %broadcast_in_dim3A_1607 = vector.shape_cast %eq3A_1605 : vector<2560xi1> to vector<1x2560xi1>
    %broadcast_in_dim3A_1608 = vector.broadcast %broadcast_in_dim3A_1607 : vector<1x2560xi1> to vector<16x2560xi1>
    %select_n3A_1609 = arith.select %broadcast_in_dim3A_1608, %slice3A_1606, %select_n3A_1602 : vector<16x2560xi1>, vector<16x2560xf32>
    %eq3A_1610 = arith.constant 9 : i32
    %eq3A_1611 = vector.broadcast %eq3A_1610 : i32 to vector<2560xi32>
    %eq3A_1612 = arith.cmpi eq, %and3A_1191, %eq3A_1611 : vector<2560xi32>
    %slice3A_1613 = vector.extract_strided_slice %select_n3A_1544 {offsets = [9, 0], sizes = [16, 2560], strides = [1, 1]} : vector<31x2560xf32> to vector<16x2560xf32>
    %broadcast_in_dim3A_1614 = vector.shape_cast %eq3A_1612 : vector<2560xi1> to vector<1x2560xi1>
    %broadcast_in_dim3A_1615 = vector.broadcast %broadcast_in_dim3A_1614 : vector<1x2560xi1> to vector<16x2560xi1>
    %select_n3A_1616 = arith.select %broadcast_in_dim3A_1615, %slice3A_1613, %select_n3A_1609 : vector<16x2560xi1>, vector<16x2560xf32>
    %eq3A_1617 = arith.constant 10 : i32
    %eq3A_1618 = vector.broadcast %eq3A_1617 : i32 to vector<2560xi32>
    %eq3A_1619 = arith.cmpi eq, %and3A_1191, %eq3A_1618 : vector<2560xi32>
    %slice3A_1620 = vector.extract_strided_slice %select_n3A_1544 {offsets = [10, 0], sizes = [16, 2560], strides = [1, 1]} : vector<31x2560xf32> to vector<16x2560xf32>
    %broadcast_in_dim3A_1621 = vector.shape_cast %eq3A_1619 : vector<2560xi1> to vector<1x2560xi1>
    %broadcast_in_dim3A_1622 = vector.broadcast %broadcast_in_dim3A_1621 : vector<1x2560xi1> to vector<16x2560xi1>
    %select_n3A_1623 = arith.select %broadcast_in_dim3A_1622, %slice3A_1620, %select_n3A_1616 : vector<16x2560xi1>, vector<16x2560xf32>
    %eq3A_1624 = arith.constant 11 : i32
    %eq3A_1625 = vector.broadcast %eq3A_1624 : i32 to vector<2560xi32>
    %eq3A_1626 = arith.cmpi eq, %and3A_1191, %eq3A_1625 : vector<2560xi32>
    %slice3A_1627 = vector.extract_strided_slice %select_n3A_1544 {offsets = [11, 0], sizes = [16, 2560], strides = [1, 1]} : vector<31x2560xf32> to vector<16x2560xf32>
    %broadcast_in_dim3A_1628 = vector.shape_cast %eq3A_1626 : vector<2560xi1> to vector<1x2560xi1>
    %broadcast_in_dim3A_1629 = vector.broadcast %broadcast_in_dim3A_1628 : vector<1x2560xi1> to vector<16x2560xi1>
    %select_n3A_1630 = arith.select %broadcast_in_dim3A_1629, %slice3A_1627, %select_n3A_1623 : vector<16x2560xi1>, vector<16x2560xf32>
    %eq3A_1631 = arith.constant 12 : i32
    %eq3A_1632 = vector.broadcast %eq3A_1631 : i32 to vector<2560xi32>
    %eq3A_1633 = arith.cmpi eq, %and3A_1191, %eq3A_1632 : vector<2560xi32>
    %slice3A_1634 = vector.extract_strided_slice %select_n3A_1544 {offsets = [12, 0], sizes = [16, 2560], strides = [1, 1]} : vector<31x2560xf32> to vector<16x2560xf32>
    %broadcast_in_dim3A_1635 = vector.shape_cast %eq3A_1633 : vector<2560xi1> to vector<1x2560xi1>
    %broadcast_in_dim3A_1636 = vector.broadcast %broadcast_in_dim3A_1635 : vector<1x2560xi1> to vector<16x2560xi1>
    %select_n3A_1637 = arith.select %broadcast_in_dim3A_1636, %slice3A_1634, %select_n3A_1630 : vector<16x2560xi1>, vector<16x2560xf32>
    %eq3A_1638 = arith.constant 13 : i32
    %eq3A_1639 = vector.broadcast %eq3A_1638 : i32 to vector<2560xi32>
    %eq3A_1640 = arith.cmpi eq, %and3A_1191, %eq3A_1639 : vector<2560xi32>
    %slice3A_1641 = vector.extract_strided_slice %select_n3A_1544 {offsets = [13, 0], sizes = [16, 2560], strides = [1, 1]} : vector<31x2560xf32> to vector<16x2560xf32>
    %broadcast_in_dim3A_1642 = vector.shape_cast %eq3A_1640 : vector<2560xi1> to vector<1x2560xi1>
    %broadcast_in_dim3A_1643 = vector.broadcast %broadcast_in_dim3A_1642 : vector<1x2560xi1> to vector<16x2560xi1>
    %select_n3A_1644 = arith.select %broadcast_in_dim3A_1643, %slice3A_1641, %select_n3A_1637 : vector<16x2560xi1>, vector<16x2560xf32>
    %eq3A_1645 = arith.constant 14 : i32
    %eq3A_1646 = vector.broadcast %eq3A_1645 : i32 to vector<2560xi32>
    %eq3A_1647 = arith.cmpi eq, %and3A_1191, %eq3A_1646 : vector<2560xi32>
    %slice3A_1648 = vector.extract_strided_slice %select_n3A_1544 {offsets = [14, 0], sizes = [16, 2560], strides = [1, 1]} : vector<31x2560xf32> to vector<16x2560xf32>
    %broadcast_in_dim3A_1649 = vector.shape_cast %eq3A_1647 : vector<2560xi1> to vector<1x2560xi1>
    %broadcast_in_dim3A_1650 = vector.broadcast %broadcast_in_dim3A_1649 : vector<1x2560xi1> to vector<16x2560xi1>
    %select_n3A_1651 = arith.select %broadcast_in_dim3A_1650, %slice3A_1648, %select_n3A_1644 : vector<16x2560xi1>, vector<16x2560xf32>
    %eq3A_1652 = arith.constant 15 : i32
    %eq3A_1653 = vector.broadcast %eq3A_1652 : i32 to vector<2560xi32>
    %eq3A_1654 = arith.cmpi eq, %and3A_1191, %eq3A_1653 : vector<2560xi32>
    %slice3A_1655 = vector.extract_strided_slice %select_n3A_1544 {offsets = [15, 0], sizes = [16, 2560], strides = [1, 1]} : vector<31x2560xf32> to vector<16x2560xf32>
    %broadcast_in_dim3A_1656 = vector.shape_cast %eq3A_1654 : vector<2560xi1> to vector<1x2560xi1>
    %broadcast_in_dim3A_1657 = vector.broadcast %broadcast_in_dim3A_1656 : vector<1x2560xi1> to vector<16x2560xi1>
    %select_n3A_1658 = arith.select %broadcast_in_dim3A_1657, %slice3A_1655, %select_n3A_1651 : vector<16x2560xi1>, vector<16x2560xf32>
    %slice3A_1659 = vector.extract_strided_slice %select_n3A_1658 {offsets = [0, 0], sizes = [16, 2400], strides = [1, 1]} : vector<16x2560xf32> to vector<16x2400xf32>
    %max3A_1660 = arith.constant 0.000000e+00 : f32
    %max3A_1661 = vector.broadcast %max3A_1660 : f32 to vector<16x2400xf32>
    %max3A_1662 = arith.maximumf %slice3A_1659, %max3A_1661 : vector<16x2400xf32>
    %abs3A_1663 = math.absf %slice3A_1659 : vector<16x2400xf32>
    %neg3A_1664 = arith.constant 0.000000e+00 : f32
    %neg3A_1665 = vector.broadcast %neg3A_1664 : f32 to vector<16x2400xf32>
    %neg3A_1666 = arith.subf %neg3A_1665, %abs3A_1663 : vector<16x2400xf32>
    %exp3A_1667 = math.exp %neg3A_1666 : vector<16x2400xf32>
    %log1p3A_1668 = math.log1p %exp3A_1667 : vector<16x2400xf32>
    %add3A_1669 = arith.addf %max3A_1662, %log1p3A_1668 : vector<16x2400xf32>
    %neg3A_1670 = arith.constant 0.000000e+00 : f32
    %neg3A_1671 = vector.broadcast %neg3A_1670 : f32 to vector<16x2400xf32>
    %neg3A_1672 = arith.subf %neg3A_1671, %slice3A_1659 : vector<16x2400xf32>
    %max3A_1673 = arith.constant 0.000000e+00 : f32
    %max3A_1674 = vector.broadcast %max3A_1673 : f32 to vector<16x2400xf32>
    %max3A_1675 = arith.maximumf %neg3A_1672, %max3A_1674 : vector<16x2400xf32>
    %abs3A_1676 = math.absf %neg3A_1672 : vector<16x2400xf32>
    %neg3A_1677 = arith.constant 0.000000e+00 : f32
    %neg3A_1678 = vector.broadcast %neg3A_1677 : f32 to vector<16x2400xf32>
    %neg3A_1679 = arith.subf %neg3A_1678, %abs3A_1676 : vector<16x2400xf32>
    %exp3A_1680 = math.exp %neg3A_1679 : vector<16x2400xf32>
    %log1p3A_1681 = math.log1p %exp3A_1680 : vector<16x2400xf32>
    %add3A_1682 = arith.addf %max3A_1675, %log1p3A_1681 : vector<16x2400xf32>
    %iota3A_1683 = tpu.iota {dimensions = array<i32: 0>} : vector<16x2400xi32>
    %add3A_1684 = arith.constant 0 : i32
    %add3A_1685 = vector.broadcast %add3A_1684 : i32 to vector<16x2400xi32>
    %add3A_1686 = arith.addi %iota3A_1683, %add3A_1685 : vector<16x2400xi32>
    %broadcast_in_dim3A_1687 = vector.shape_cast %get3A_1522 : vector<2400xi32> to vector<1x2400xi32>
    %eq3A_1688 = vector.broadcast %broadcast_in_dim3A_1687 : vector<1x2400xi32> to vector<16x2400xi32>
    %eq3A_1689 = arith.cmpi eq, %add3A_1686, %eq3A_1688 : vector<16x2400xi32>
    %select_n3A_1690 = arith.select %eq3A_1689, %add3A_1682, %add3A_1669 : vector<16x2400xi1>, vector<16x2400xf32>
    %reduce_sum3A_1691 = arith.constant dense<0.000000e+00> : vector<2400xf32>
    %reduce_sum3A_1692 = vector.multi_reduction <add>, %select_n3A_1690, %reduce_sum3A_1691 [0] : vector<16x2400xf32> to vector<2400xf32>
    %add3A_1693 = arith.addf %broadcast_in_dim3A_1524, %reduce_sum3A_1692 : vector<2400xf32>
    %broadcast_in_dim3A_1694 = arith.constant 0.000000e+00 : f32
    %broadcast_in_dim3A_1695 = vector.broadcast %broadcast_in_dim3A_1694 : f32 to vector<31x2560xf32>
    %eq3A_1696 = arith.constant 0 : i32
    %eq3A_1697 = vector.broadcast %eq3A_1696 : i32 to vector<2560xi32>
    %eq3A_1698 = arith.cmpi eq, %shift_right_logical3A_1188, %eq3A_1697 : vector<2560xi32>
    %get3A_1699 = arith.constant 21 : index
    %get3A_1700 = arith.constant 0 : index
    %get3A_1701 = vector.load %arg1[%get3A_1699, %get3A_1700] : memref<128x2560xf32, #tpu.memory_space<vmem>>, vector<31x2560xf32>
    %broadcast_in_dim3A_1702 = vector.shape_cast %eq3A_1698 : vector<2560xi1> to vector<1x2560xi1>
    %broadcast_in_dim3A_1703 = vector.broadcast %broadcast_in_dim3A_1702 : vector<1x2560xi1> to vector<31x2560xi1>
    %select_n3A_1704 = arith.select %broadcast_in_dim3A_1703, %get3A_1701, %broadcast_in_dim3A_1695 : vector<31x2560xi1>, vector<31x2560xf32>
    %eq3A_1705 = arith.constant 1 : i32
    %eq3A_1706 = vector.broadcast %eq3A_1705 : i32 to vector<2560xi32>
    %eq3A_1707 = arith.cmpi eq, %shift_right_logical3A_1188, %eq3A_1706 : vector<2560xi32>
    %get3A_1708 = arith.constant 37 : index
    %get3A_1709 = arith.constant 0 : index
    %get3A_1710 = vector.load %arg1[%get3A_1708, %get3A_1709] : memref<128x2560xf32, #tpu.memory_space<vmem>>, vector<31x2560xf32>
    %broadcast_in_dim3A_1711 = vector.shape_cast %eq3A_1707 : vector<2560xi1> to vector<1x2560xi1>
    %broadcast_in_dim3A_1712 = vector.broadcast %broadcast_in_dim3A_1711 : vector<1x2560xi1> to vector<31x2560xi1>
    %select_n3A_1713 = arith.select %broadcast_in_dim3A_1712, %get3A_1710, %select_n3A_1704 : vector<31x2560xi1>, vector<31x2560xf32>
    %broadcast_in_dim3A_1714 = arith.constant 0.000000e+00 : f32
    %broadcast_in_dim3A_1715 = vector.broadcast %broadcast_in_dim3A_1714 : f32 to vector<16x2560xf32>
    %eq3A_1716 = arith.constant 0 : i32
    %eq3A_1717 = vector.broadcast %eq3A_1716 : i32 to vector<2560xi32>
    %eq3A_1718 = arith.cmpi eq, %and3A_1191, %eq3A_1717 : vector<2560xi32>
    %slice3A_1719 = vector.extract_strided_slice %select_n3A_1713 {offsets = [0, 0], sizes = [16, 2560], strides = [1, 1]} : vector<31x2560xf32> to vector<16x2560xf32>
    %broadcast_in_dim3A_1720 = vector.shape_cast %eq3A_1718 : vector<2560xi1> to vector<1x2560xi1>
    %broadcast_in_dim3A_1721 = vector.broadcast %broadcast_in_dim3A_1720 : vector<1x2560xi1> to vector<16x2560xi1>
    %select_n3A_1722 = arith.select %broadcast_in_dim3A_1721, %slice3A_1719, %broadcast_in_dim3A_1715 : vector<16x2560xi1>, vector<16x2560xf32>
    %eq3A_1723 = arith.constant 1 : i32
    %eq3A_1724 = vector.broadcast %eq3A_1723 : i32 to vector<2560xi32>
    %eq3A_1725 = arith.cmpi eq, %and3A_1191, %eq3A_1724 : vector<2560xi32>
    %slice3A_1726 = vector.extract_strided_slice %select_n3A_1713 {offsets = [1, 0], sizes = [16, 2560], strides = [1, 1]} : vector<31x2560xf32> to vector<16x2560xf32>
    %broadcast_in_dim3A_1727 = vector.shape_cast %eq3A_1725 : vector<2560xi1> to vector<1x2560xi1>
    %broadcast_in_dim3A_1728 = vector.broadcast %broadcast_in_dim3A_1727 : vector<1x2560xi1> to vector<16x2560xi1>
    %select_n3A_1729 = arith.select %broadcast_in_dim3A_1728, %slice3A_1726, %select_n3A_1722 : vector<16x2560xi1>, vector<16x2560xf32>
    %eq3A_1730 = arith.constant 2 : i32
    %eq3A_1731 = vector.broadcast %eq3A_1730 : i32 to vector<2560xi32>
    %eq3A_1732 = arith.cmpi eq, %and3A_1191, %eq3A_1731 : vector<2560xi32>
    %slice3A_1733 = vector.extract_strided_slice %select_n3A_1713 {offsets = [2, 0], sizes = [16, 2560], strides = [1, 1]} : vector<31x2560xf32> to vector<16x2560xf32>
    %broadcast_in_dim3A_1734 = vector.shape_cast %eq3A_1732 : vector<2560xi1> to vector<1x2560xi1>
    %broadcast_in_dim3A_1735 = vector.broadcast %broadcast_in_dim3A_1734 : vector<1x2560xi1> to vector<16x2560xi1>
    %select_n3A_1736 = arith.select %broadcast_in_dim3A_1735, %slice3A_1733, %select_n3A_1729 : vector<16x2560xi1>, vector<16x2560xf32>
    %eq3A_1737 = arith.constant 3 : i32
    %eq3A_1738 = vector.broadcast %eq3A_1737 : i32 to vector<2560xi32>
    %eq3A_1739 = arith.cmpi eq, %and3A_1191, %eq3A_1738 : vector<2560xi32>
    %slice3A_1740 = vector.extract_strided_slice %select_n3A_1713 {offsets = [3, 0], sizes = [16, 2560], strides = [1, 1]} : vector<31x2560xf32> to vector<16x2560xf32>
    %broadcast_in_dim3A_1741 = vector.shape_cast %eq3A_1739 : vector<2560xi1> to vector<1x2560xi1>
    %broadcast_in_dim3A_1742 = vector.broadcast %broadcast_in_dim3A_1741 : vector<1x2560xi1> to vector<16x2560xi1>
    %select_n3A_1743 = arith.select %broadcast_in_dim3A_1742, %slice3A_1740, %select_n3A_1736 : vector<16x2560xi1>, vector<16x2560xf32>
    %eq3A_1744 = arith.constant 4 : i32
    %eq3A_1745 = vector.broadcast %eq3A_1744 : i32 to vector<2560xi32>
    %eq3A_1746 = arith.cmpi eq, %and3A_1191, %eq3A_1745 : vector<2560xi32>
    %slice3A_1747 = vector.extract_strided_slice %select_n3A_1713 {offsets = [4, 0], sizes = [16, 2560], strides = [1, 1]} : vector<31x2560xf32> to vector<16x2560xf32>
    %broadcast_in_dim3A_1748 = vector.shape_cast %eq3A_1746 : vector<2560xi1> to vector<1x2560xi1>
    %broadcast_in_dim3A_1749 = vector.broadcast %broadcast_in_dim3A_1748 : vector<1x2560xi1> to vector<16x2560xi1>
    %select_n3A_1750 = arith.select %broadcast_in_dim3A_1749, %slice3A_1747, %select_n3A_1743 : vector<16x2560xi1>, vector<16x2560xf32>
    %eq3A_1751 = arith.constant 5 : i32
    %eq3A_1752 = vector.broadcast %eq3A_1751 : i32 to vector<2560xi32>
    %eq3A_1753 = arith.cmpi eq, %and3A_1191, %eq3A_1752 : vector<2560xi32>
    %slice3A_1754 = vector.extract_strided_slice %select_n3A_1713 {offsets = [5, 0], sizes = [16, 2560], strides = [1, 1]} : vector<31x2560xf32> to vector<16x2560xf32>
    %broadcast_in_dim3A_1755 = vector.shape_cast %eq3A_1753 : vector<2560xi1> to vector<1x2560xi1>
    %broadcast_in_dim3A_1756 = vector.broadcast %broadcast_in_dim3A_1755 : vector<1x2560xi1> to vector<16x2560xi1>
    %select_n3A_1757 = arith.select %broadcast_in_dim3A_1756, %slice3A_1754, %select_n3A_1750 : vector<16x2560xi1>, vector<16x2560xf32>
    %eq3A_1758 = arith.constant 6 : i32
    %eq3A_1759 = vector.broadcast %eq3A_1758 : i32 to vector<2560xi32>
    %eq3A_1760 = arith.cmpi eq, %and3A_1191, %eq3A_1759 : vector<2560xi32>
    %slice3A_1761 = vector.extract_strided_slice %select_n3A_1713 {offsets = [6, 0], sizes = [16, 2560], strides = [1, 1]} : vector<31x2560xf32> to vector<16x2560xf32>
    %broadcast_in_dim3A_1762 = vector.shape_cast %eq3A_1760 : vector<2560xi1> to vector<1x2560xi1>
    %broadcast_in_dim3A_1763 = vector.broadcast %broadcast_in_dim3A_1762 : vector<1x2560xi1> to vector<16x2560xi1>
    %select_n3A_1764 = arith.select %broadcast_in_dim3A_1763, %slice3A_1761, %select_n3A_1757 : vector<16x2560xi1>, vector<16x2560xf32>
    %eq3A_1765 = arith.constant 7 : i32
    %eq3A_1766 = vector.broadcast %eq3A_1765 : i32 to vector<2560xi32>
    %eq3A_1767 = arith.cmpi eq, %and3A_1191, %eq3A_1766 : vector<2560xi32>
    %slice3A_1768 = vector.extract_strided_slice %select_n3A_1713 {offsets = [7, 0], sizes = [16, 2560], strides = [1, 1]} : vector<31x2560xf32> to vector<16x2560xf32>
    %broadcast_in_dim3A_1769 = vector.shape_cast %eq3A_1767 : vector<2560xi1> to vector<1x2560xi1>
    %broadcast_in_dim3A_1770 = vector.broadcast %broadcast_in_dim3A_1769 : vector<1x2560xi1> to vector<16x2560xi1>
    %select_n3A_1771 = arith.select %broadcast_in_dim3A_1770, %slice3A_1768, %select_n3A_1764 : vector<16x2560xi1>, vector<16x2560xf32>
    %eq3A_1772 = arith.constant 8 : i32
    %eq3A_1773 = vector.broadcast %eq3A_1772 : i32 to vector<2560xi32>
    %eq3A_1774 = arith.cmpi eq, %and3A_1191, %eq3A_1773 : vector<2560xi32>
    %slice3A_1775 = vector.extract_strided_slice %select_n3A_1713 {offsets = [8, 0], sizes = [16, 2560], strides = [1, 1]} : vector<31x2560xf32> to vector<16x2560xf32>
    %broadcast_in_dim3A_1776 = vector.shape_cast %eq3A_1774 : vector<2560xi1> to vector<1x2560xi1>
    %broadcast_in_dim3A_1777 = vector.broadcast %broadcast_in_dim3A_1776 : vector<1x2560xi1> to vector<16x2560xi1>
    %select_n3A_1778 = arith.select %broadcast_in_dim3A_1777, %slice3A_1775, %select_n3A_1771 : vector<16x2560xi1>, vector<16x2560xf32>
    %eq3A_1779 = arith.constant 9 : i32
    %eq3A_1780 = vector.broadcast %eq3A_1779 : i32 to vector<2560xi32>
    %eq3A_1781 = arith.cmpi eq, %and3A_1191, %eq3A_1780 : vector<2560xi32>
    %slice3A_1782 = vector.extract_strided_slice %select_n3A_1713 {offsets = [9, 0], sizes = [16, 2560], strides = [1, 1]} : vector<31x2560xf32> to vector<16x2560xf32>
    %broadcast_in_dim3A_1783 = vector.shape_cast %eq3A_1781 : vector<2560xi1> to vector<1x2560xi1>
    %broadcast_in_dim3A_1784 = vector.broadcast %broadcast_in_dim3A_1783 : vector<1x2560xi1> to vector<16x2560xi1>
    %select_n3A_1785 = arith.select %broadcast_in_dim3A_1784, %slice3A_1782, %select_n3A_1778 : vector<16x2560xi1>, vector<16x2560xf32>
    %eq3A_1786 = arith.constant 10 : i32
    %eq3A_1787 = vector.broadcast %eq3A_1786 : i32 to vector<2560xi32>
    %eq3A_1788 = arith.cmpi eq, %and3A_1191, %eq3A_1787 : vector<2560xi32>
    %slice3A_1789 = vector.extract_strided_slice %select_n3A_1713 {offsets = [10, 0], sizes = [16, 2560], strides = [1, 1]} : vector<31x2560xf32> to vector<16x2560xf32>
    %broadcast_in_dim3A_1790 = vector.shape_cast %eq3A_1788 : vector<2560xi1> to vector<1x2560xi1>
    %broadcast_in_dim3A_1791 = vector.broadcast %broadcast_in_dim3A_1790 : vector<1x2560xi1> to vector<16x2560xi1>
    %select_n3A_1792 = arith.select %broadcast_in_dim3A_1791, %slice3A_1789, %select_n3A_1785 : vector<16x2560xi1>, vector<16x2560xf32>
    %eq3A_1793 = arith.constant 11 : i32
    %eq3A_1794 = vector.broadcast %eq3A_1793 : i32 to vector<2560xi32>
    %eq3A_1795 = arith.cmpi eq, %and3A_1191, %eq3A_1794 : vector<2560xi32>
    %slice3A_1796 = vector.extract_strided_slice %select_n3A_1713 {offsets = [11, 0], sizes = [16, 2560], strides = [1, 1]} : vector<31x2560xf32> to vector<16x2560xf32>
    %broadcast_in_dim3A_1797 = vector.shape_cast %eq3A_1795 : vector<2560xi1> to vector<1x2560xi1>
    %broadcast_in_dim3A_1798 = vector.broadcast %broadcast_in_dim3A_1797 : vector<1x2560xi1> to vector<16x2560xi1>
    %select_n3A_1799 = arith.select %broadcast_in_dim3A_1798, %slice3A_1796, %select_n3A_1792 : vector<16x2560xi1>, vector<16x2560xf32>
    %eq3A_1800 = arith.constant 12 : i32
    %eq3A_1801 = vector.broadcast %eq3A_1800 : i32 to vector<2560xi32>
    %eq3A_1802 = arith.cmpi eq, %and3A_1191, %eq3A_1801 : vector<2560xi32>
    %slice3A_1803 = vector.extract_strided_slice %select_n3A_1713 {offsets = [12, 0], sizes = [16, 2560], strides = [1, 1]} : vector<31x2560xf32> to vector<16x2560xf32>
    %broadcast_in_dim3A_1804 = vector.shape_cast %eq3A_1802 : vector<2560xi1> to vector<1x2560xi1>
    %broadcast_in_dim3A_1805 = vector.broadcast %broadcast_in_dim3A_1804 : vector<1x2560xi1> to vector<16x2560xi1>
    %select_n3A_1806 = arith.select %broadcast_in_dim3A_1805, %slice3A_1803, %select_n3A_1799 : vector<16x2560xi1>, vector<16x2560xf32>
    %eq3A_1807 = arith.constant 13 : i32
    %eq3A_1808 = vector.broadcast %eq3A_1807 : i32 to vector<2560xi32>
    %eq3A_1809 = arith.cmpi eq, %and3A_1191, %eq3A_1808 : vector<2560xi32>
    %slice3A_1810 = vector.extract_strided_slice %select_n3A_1713 {offsets = [13, 0], sizes = [16, 2560], strides = [1, 1]} : vector<31x2560xf32> to vector<16x2560xf32>
    %broadcast_in_dim3A_1811 = vector.shape_cast %eq3A_1809 : vector<2560xi1> to vector<1x2560xi1>
    %broadcast_in_dim3A_1812 = vector.broadcast %broadcast_in_dim3A_1811 : vector<1x2560xi1> to vector<16x2560xi1>
    %select_n3A_1813 = arith.select %broadcast_in_dim3A_1812, %slice3A_1810, %select_n3A_1806 : vector<16x2560xi1>, vector<16x2560xf32>
    %eq3A_1814 = arith.constant 14 : i32
    %eq3A_1815 = vector.broadcast %eq3A_1814 : i32 to vector<2560xi32>
    %eq3A_1816 = arith.cmpi eq, %and3A_1191, %eq3A_1815 : vector<2560xi32>
    %slice3A_1817 = vector.extract_strided_slice %select_n3A_1713 {offsets = [14, 0], sizes = [16, 2560], strides = [1, 1]} : vector<31x2560xf32> to vector<16x2560xf32>
    %broadcast_in_dim3A_1818 = vector.shape_cast %eq3A_1816 : vector<2560xi1> to vector<1x2560xi1>
    %broadcast_in_dim3A_1819 = vector.broadcast %broadcast_in_dim3A_1818 : vector<1x2560xi1> to vector<16x2560xi1>
    %select_n3A_1820 = arith.select %broadcast_in_dim3A_1819, %slice3A_1817, %select_n3A_1813 : vector<16x2560xi1>, vector<16x2560xf32>
    %eq3A_1821 = arith.constant 15 : i32
    %eq3A_1822 = vector.broadcast %eq3A_1821 : i32 to vector<2560xi32>
    %eq3A_1823 = arith.cmpi eq, %and3A_1191, %eq3A_1822 : vector<2560xi32>
    %slice3A_1824 = vector.extract_strided_slice %select_n3A_1713 {offsets = [15, 0], sizes = [16, 2560], strides = [1, 1]} : vector<31x2560xf32> to vector<16x2560xf32>
    %broadcast_in_dim3A_1825 = vector.shape_cast %eq3A_1823 : vector<2560xi1> to vector<1x2560xi1>
    %broadcast_in_dim3A_1826 = vector.broadcast %broadcast_in_dim3A_1825 : vector<1x2560xi1> to vector<16x2560xi1>
    %select_n3A_1827 = arith.select %broadcast_in_dim3A_1826, %slice3A_1824, %select_n3A_1820 : vector<16x2560xi1>, vector<16x2560xf32>
    %slice3A_1828 = vector.extract_strided_slice %select_n3A_1827 {offsets = [0, 0], sizes = [16, 2400], strides = [1, 1]} : vector<16x2560xf32> to vector<16x2400xf32>
    %max3A_1829 = arith.constant 0.000000e+00 : f32
    %max3A_1830 = vector.broadcast %max3A_1829 : f32 to vector<16x2400xf32>
    %max3A_1831 = arith.maximumf %slice3A_1828, %max3A_1830 : vector<16x2400xf32>
    %abs3A_1832 = math.absf %slice3A_1828 : vector<16x2400xf32>
    %neg3A_1833 = arith.constant 0.000000e+00 : f32
    %neg3A_1834 = vector.broadcast %neg3A_1833 : f32 to vector<16x2400xf32>
    %neg3A_1835 = arith.subf %neg3A_1834, %abs3A_1832 : vector<16x2400xf32>
    %exp3A_1836 = math.exp %neg3A_1835 : vector<16x2400xf32>
    %log1p3A_1837 = math.log1p %exp3A_1836 : vector<16x2400xf32>
    %add3A_1838 = arith.addf %max3A_1831, %log1p3A_1837 : vector<16x2400xf32>
    %neg3A_1839 = arith.constant 0.000000e+00 : f32
    %neg3A_1840 = vector.broadcast %neg3A_1839 : f32 to vector<16x2400xf32>
    %neg3A_1841 = arith.subf %neg3A_1840, %slice3A_1828 : vector<16x2400xf32>
    %max3A_1842 = arith.constant 0.000000e+00 : f32
    %max3A_1843 = vector.broadcast %max3A_1842 : f32 to vector<16x2400xf32>
    %max3A_1844 = arith.maximumf %neg3A_1841, %max3A_1843 : vector<16x2400xf32>
    %abs3A_1845 = math.absf %neg3A_1841 : vector<16x2400xf32>
    %neg3A_1846 = arith.constant 0.000000e+00 : f32
    %neg3A_1847 = vector.broadcast %neg3A_1846 : f32 to vector<16x2400xf32>
    %neg3A_1848 = arith.subf %neg3A_1847, %abs3A_1845 : vector<16x2400xf32>
    %exp3A_1849 = math.exp %neg3A_1848 : vector<16x2400xf32>
    %log1p3A_1850 = math.log1p %exp3A_1849 : vector<16x2400xf32>
    %add3A_1851 = arith.addf %max3A_1844, %log1p3A_1850 : vector<16x2400xf32>
    %iota3A_1852 = tpu.iota {dimensions = array<i32: 0>} : vector<16x2400xi32>
    %add3A_1853 = arith.constant 16 : i32
    %add3A_1854 = vector.broadcast %add3A_1853 : i32 to vector<16x2400xi32>
    %add3A_1855 = arith.addi %iota3A_1852, %add3A_1854 : vector<16x2400xi32>
    %broadcast_in_dim3A_1856 = vector.shape_cast %get3A_1522 : vector<2400xi32> to vector<1x2400xi32>
    %eq3A_1857 = vector.broadcast %broadcast_in_dim3A_1856 : vector<1x2400xi32> to vector<16x2400xi32>
    %eq3A_1858 = arith.cmpi eq, %add3A_1855, %eq3A_1857 : vector<16x2400xi32>
    %select_n3A_1859 = arith.select %eq3A_1858, %add3A_1851, %add3A_1838 : vector<16x2400xi1>, vector<16x2400xf32>
    %reduce_sum3A_1860 = arith.constant dense<0.000000e+00> : vector<2400xf32>
    %reduce_sum3A_1861 = vector.multi_reduction <add>, %select_n3A_1859, %reduce_sum3A_1860 [0] : vector<16x2400xf32> to vector<2400xf32>
    %add3A_1862 = arith.addf %add3A_1693, %reduce_sum3A_1861 : vector<2400xf32>
    %broadcast_in_dim3A_1863 = arith.constant 0.000000e+00 : f32
    %broadcast_in_dim3A_1864 = vector.broadcast %broadcast_in_dim3A_1863 : f32 to vector<31x2560xf32>
    %eq3A_1865 = arith.constant 0 : i32
    %eq3A_1866 = vector.broadcast %eq3A_1865 : i32 to vector<2560xi32>
    %eq3A_1867 = arith.cmpi eq, %shift_right_logical3A_1188, %eq3A_1866 : vector<2560xi32>
    %get3A_1868 = arith.constant 37 : index
    %get3A_1869 = arith.constant 0 : index
    %get3A_1870 = vector.load %arg1[%get3A_1868, %get3A_1869] : memref<128x2560xf32, #tpu.memory_space<vmem>>, vector<31x2560xf32>
    %broadcast_in_dim3A_1871 = vector.shape_cast %eq3A_1867 : vector<2560xi1> to vector<1x2560xi1>
    %broadcast_in_dim3A_1872 = vector.broadcast %broadcast_in_dim3A_1871 : vector<1x2560xi1> to vector<31x2560xi1>
    %select_n3A_1873 = arith.select %broadcast_in_dim3A_1872, %get3A_1870, %broadcast_in_dim3A_1864 : vector<31x2560xi1>, vector<31x2560xf32>
    %eq3A_1874 = arith.constant 1 : i32
    %eq3A_1875 = vector.broadcast %eq3A_1874 : i32 to vector<2560xi32>
    %eq3A_1876 = arith.cmpi eq, %shift_right_logical3A_1188, %eq3A_1875 : vector<2560xi32>
    %get3A_1877 = arith.constant 53 : index
    %get3A_1878 = arith.constant 0 : index
    %get3A_1879 = vector.load %arg1[%get3A_1877, %get3A_1878] : memref<128x2560xf32, #tpu.memory_space<vmem>>, vector<31x2560xf32>
    %broadcast_in_dim3A_1880 = vector.shape_cast %eq3A_1876 : vector<2560xi1> to vector<1x2560xi1>
    %broadcast_in_dim3A_1881 = vector.broadcast %broadcast_in_dim3A_1880 : vector<1x2560xi1> to vector<31x2560xi1>
    %select_n3A_1882 = arith.select %broadcast_in_dim3A_1881, %get3A_1879, %select_n3A_1873 : vector<31x2560xi1>, vector<31x2560xf32>
    %broadcast_in_dim3A_1883 = arith.constant 0.000000e+00 : f32
    %broadcast_in_dim3A_1884 = vector.broadcast %broadcast_in_dim3A_1883 : f32 to vector<16x2560xf32>
    %eq3A_1885 = arith.constant 0 : i32
    %eq3A_1886 = vector.broadcast %eq3A_1885 : i32 to vector<2560xi32>
    %eq3A_1887 = arith.cmpi eq, %and3A_1191, %eq3A_1886 : vector<2560xi32>
    %slice3A_1888 = vector.extract_strided_slice %select_n3A_1882 {offsets = [0, 0], sizes = [16, 2560], strides = [1, 1]} : vector<31x2560xf32> to vector<16x2560xf32>
    %broadcast_in_dim3A_1889 = vector.shape_cast %eq3A_1887 : vector<2560xi1> to vector<1x2560xi1>
    %broadcast_in_dim3A_1890 = vector.broadcast %broadcast_in_dim3A_1889 : vector<1x2560xi1> to vector<16x2560xi1>
    %select_n3A_1891 = arith.select %broadcast_in_dim3A_1890, %slice3A_1888, %broadcast_in_dim3A_1884 : vector<16x2560xi1>, vector<16x2560xf32>
    %eq3A_1892 = arith.constant 1 : i32
    %eq3A_1893 = vector.broadcast %eq3A_1892 : i32 to vector<2560xi32>
    %eq3A_1894 = arith.cmpi eq, %and3A_1191, %eq3A_1893 : vector<2560xi32>
    %slice3A_1895 = vector.extract_strided_slice %select_n3A_1882 {offsets = [1, 0], sizes = [16, 2560], strides = [1, 1]} : vector<31x2560xf32> to vector<16x2560xf32>
    %broadcast_in_dim3A_1896 = vector.shape_cast %eq3A_1894 : vector<2560xi1> to vector<1x2560xi1>
    %broadcast_in_dim3A_1897 = vector.broadcast %broadcast_in_dim3A_1896 : vector<1x2560xi1> to vector<16x2560xi1>
    %select_n3A_1898 = arith.select %broadcast_in_dim3A_1897, %slice3A_1895, %select_n3A_1891 : vector<16x2560xi1>, vector<16x2560xf32>
    %eq3A_1899 = arith.constant 2 : i32
    %eq3A_1900 = vector.broadcast %eq3A_1899 : i32 to vector<2560xi32>
    %eq3A_1901 = arith.cmpi eq, %and3A_1191, %eq3A_1900 : vector<2560xi32>
    %slice3A_1902 = vector.extract_strided_slice %select_n3A_1882 {offsets = [2, 0], sizes = [16, 2560], strides = [1, 1]} : vector<31x2560xf32> to vector<16x2560xf32>
    %broadcast_in_dim3A_1903 = vector.shape_cast %eq3A_1901 : vector<2560xi1> to vector<1x2560xi1>
    %broadcast_in_dim3A_1904 = vector.broadcast %broadcast_in_dim3A_1903 : vector<1x2560xi1> to vector<16x2560xi1>
    %select_n3A_1905 = arith.select %broadcast_in_dim3A_1904, %slice3A_1902, %select_n3A_1898 : vector<16x2560xi1>, vector<16x2560xf32>
    %eq3A_1906 = arith.constant 3 : i32
    %eq3A_1907 = vector.broadcast %eq3A_1906 : i32 to vector<2560xi32>
    %eq3A_1908 = arith.cmpi eq, %and3A_1191, %eq3A_1907 : vector<2560xi32>
    %slice3A_1909 = vector.extract_strided_slice %select_n3A_1882 {offsets = [3, 0], sizes = [16, 2560], strides = [1, 1]} : vector<31x2560xf32> to vector<16x2560xf32>
    %broadcast_in_dim3A_1910 = vector.shape_cast %eq3A_1908 : vector<2560xi1> to vector<1x2560xi1>
    %broadcast_in_dim3A_1911 = vector.broadcast %broadcast_in_dim3A_1910 : vector<1x2560xi1> to vector<16x2560xi1>
    %select_n3A_1912 = arith.select %broadcast_in_dim3A_1911, %slice3A_1909, %select_n3A_1905 : vector<16x2560xi1>, vector<16x2560xf32>
    %eq3A_1913 = arith.constant 4 : i32
    %eq3A_1914 = vector.broadcast %eq3A_1913 : i32 to vector<2560xi32>
    %eq3A_1915 = arith.cmpi eq, %and3A_1191, %eq3A_1914 : vector<2560xi32>
    %slice3A_1916 = vector.extract_strided_slice %select_n3A_1882 {offsets = [4, 0], sizes = [16, 2560], strides = [1, 1]} : vector<31x2560xf32> to vector<16x2560xf32>
    %broadcast_in_dim3A_1917 = vector.shape_cast %eq3A_1915 : vector<2560xi1> to vector<1x2560xi1>
    %broadcast_in_dim3A_1918 = vector.broadcast %broadcast_in_dim3A_1917 : vector<1x2560xi1> to vector<16x2560xi1>
    %select_n3A_1919 = arith.select %broadcast_in_dim3A_1918, %slice3A_1916, %select_n3A_1912 : vector<16x2560xi1>, vector<16x2560xf32>
    %eq3A_1920 = arith.constant 5 : i32
    %eq3A_1921 = vector.broadcast %eq3A_1920 : i32 to vector<2560xi32>
    %eq3A_1922 = arith.cmpi eq, %and3A_1191, %eq3A_1921 : vector<2560xi32>
    %slice3A_1923 = vector.extract_strided_slice %select_n3A_1882 {offsets = [5, 0], sizes = [16, 2560], strides = [1, 1]} : vector<31x2560xf32> to vector<16x2560xf32>
    %broadcast_in_dim3A_1924 = vector.shape_cast %eq3A_1922 : vector<2560xi1> to vector<1x2560xi1>
    %broadcast_in_dim3A_1925 = vector.broadcast %broadcast_in_dim3A_1924 : vector<1x2560xi1> to vector<16x2560xi1>
    %select_n3A_1926 = arith.select %broadcast_in_dim3A_1925, %slice3A_1923, %select_n3A_1919 : vector<16x2560xi1>, vector<16x2560xf32>
    %eq3A_1927 = arith.constant 6 : i32
    %eq3A_1928 = vector.broadcast %eq3A_1927 : i32 to vector<2560xi32>
    %eq3A_1929 = arith.cmpi eq, %and3A_1191, %eq3A_1928 : vector<2560xi32>
    %slice3A_1930 = vector.extract_strided_slice %select_n3A_1882 {offsets = [6, 0], sizes = [16, 2560], strides = [1, 1]} : vector<31x2560xf32> to vector<16x2560xf32>
    %broadcast_in_dim3A_1931 = vector.shape_cast %eq3A_1929 : vector<2560xi1> to vector<1x2560xi1>
    %broadcast_in_dim3A_1932 = vector.broadcast %broadcast_in_dim3A_1931 : vector<1x2560xi1> to vector<16x2560xi1>
    %select_n3A_1933 = arith.select %broadcast_in_dim3A_1932, %slice3A_1930, %select_n3A_1926 : vector<16x2560xi1>, vector<16x2560xf32>
    %eq3A_1934 = arith.constant 7 : i32
    %eq3A_1935 = vector.broadcast %eq3A_1934 : i32 to vector<2560xi32>
    %eq3A_1936 = arith.cmpi eq, %and3A_1191, %eq3A_1935 : vector<2560xi32>
    %slice3A_1937 = vector.extract_strided_slice %select_n3A_1882 {offsets = [7, 0], sizes = [16, 2560], strides = [1, 1]} : vector<31x2560xf32> to vector<16x2560xf32>
    %broadcast_in_dim3A_1938 = vector.shape_cast %eq3A_1936 : vector<2560xi1> to vector<1x2560xi1>
    %broadcast_in_dim3A_1939 = vector.broadcast %broadcast_in_dim3A_1938 : vector<1x2560xi1> to vector<16x2560xi1>
    %select_n3A_1940 = arith.select %broadcast_in_dim3A_1939, %slice3A_1937, %select_n3A_1933 : vector<16x2560xi1>, vector<16x2560xf32>
    %eq3A_1941 = arith.constant 8 : i32
    %eq3A_1942 = vector.broadcast %eq3A_1941 : i32 to vector<2560xi32>
    %eq3A_1943 = arith.cmpi eq, %and3A_1191, %eq3A_1942 : vector<2560xi32>
    %slice3A_1944 = vector.extract_strided_slice %select_n3A_1882 {offsets = [8, 0], sizes = [16, 2560], strides = [1, 1]} : vector<31x2560xf32> to vector<16x2560xf32>
    %broadcast_in_dim3A_1945 = vector.shape_cast %eq3A_1943 : vector<2560xi1> to vector<1x2560xi1>
    %broadcast_in_dim3A_1946 = vector.broadcast %broadcast_in_dim3A_1945 : vector<1x2560xi1> to vector<16x2560xi1>
    %select_n3A_1947 = arith.select %broadcast_in_dim3A_1946, %slice3A_1944, %select_n3A_1940 : vector<16x2560xi1>, vector<16x2560xf32>
    %eq3A_1948 = arith.constant 9 : i32
    %eq3A_1949 = vector.broadcast %eq3A_1948 : i32 to vector<2560xi32>
    %eq3A_1950 = arith.cmpi eq, %and3A_1191, %eq3A_1949 : vector<2560xi32>
    %slice3A_1951 = vector.extract_strided_slice %select_n3A_1882 {offsets = [9, 0], sizes = [16, 2560], strides = [1, 1]} : vector<31x2560xf32> to vector<16x2560xf32>
    %broadcast_in_dim3A_1952 = vector.shape_cast %eq3A_1950 : vector<2560xi1> to vector<1x2560xi1>
    %broadcast_in_dim3A_1953 = vector.broadcast %broadcast_in_dim3A_1952 : vector<1x2560xi1> to vector<16x2560xi1>
    %select_n3A_1954 = arith.select %broadcast_in_dim3A_1953, %slice3A_1951, %select_n3A_1947 : vector<16x2560xi1>, vector<16x2560xf32>
    %eq3A_1955 = arith.constant 10 : i32
    %eq3A_1956 = vector.broadcast %eq3A_1955 : i32 to vector<2560xi32>
    %eq3A_1957 = arith.cmpi eq, %and3A_1191, %eq3A_1956 : vector<2560xi32>
    %slice3A_1958 = vector.extract_strided_slice %select_n3A_1882 {offsets = [10, 0], sizes = [16, 2560], strides = [1, 1]} : vector<31x2560xf32> to vector<16x2560xf32>
    %broadcast_in_dim3A_1959 = vector.shape_cast %eq3A_1957 : vector<2560xi1> to vector<1x2560xi1>
    %broadcast_in_dim3A_1960 = vector.broadcast %broadcast_in_dim3A_1959 : vector<1x2560xi1> to vector<16x2560xi1>
    %select_n3A_1961 = arith.select %broadcast_in_dim3A_1960, %slice3A_1958, %select_n3A_1954 : vector<16x2560xi1>, vector<16x2560xf32>
    %eq3A_1962 = arith.constant 11 : i32
    %eq3A_1963 = vector.broadcast %eq3A_1962 : i32 to vector<2560xi32>
    %eq3A_1964 = arith.cmpi eq, %and3A_1191, %eq3A_1963 : vector<2560xi32>
    %slice3A_1965 = vector.extract_strided_slice %select_n3A_1882 {offsets = [11, 0], sizes = [16, 2560], strides = [1, 1]} : vector<31x2560xf32> to vector<16x2560xf32>
    %broadcast_in_dim3A_1966 = vector.shape_cast %eq3A_1964 : vector<2560xi1> to vector<1x2560xi1>
    %broadcast_in_dim3A_1967 = vector.broadcast %broadcast_in_dim3A_1966 : vector<1x2560xi1> to vector<16x2560xi1>
    %select_n3A_1968 = arith.select %broadcast_in_dim3A_1967, %slice3A_1965, %select_n3A_1961 : vector<16x2560xi1>, vector<16x2560xf32>
    %eq3A_1969 = arith.constant 12 : i32
    %eq3A_1970 = vector.broadcast %eq3A_1969 : i32 to vector<2560xi32>
    %eq3A_1971 = arith.cmpi eq, %and3A_1191, %eq3A_1970 : vector<2560xi32>
    %slice3A_1972 = vector.extract_strided_slice %select_n3A_1882 {offsets = [12, 0], sizes = [16, 2560], strides = [1, 1]} : vector<31x2560xf32> to vector<16x2560xf32>
    %broadcast_in_dim3A_1973 = vector.shape_cast %eq3A_1971 : vector<2560xi1> to vector<1x2560xi1>
    %broadcast_in_dim3A_1974 = vector.broadcast %broadcast_in_dim3A_1973 : vector<1x2560xi1> to vector<16x2560xi1>
    %select_n3A_1975 = arith.select %broadcast_in_dim3A_1974, %slice3A_1972, %select_n3A_1968 : vector<16x2560xi1>, vector<16x2560xf32>
    %eq3A_1976 = arith.constant 13 : i32
    %eq3A_1977 = vector.broadcast %eq3A_1976 : i32 to vector<2560xi32>
    %eq3A_1978 = arith.cmpi eq, %and3A_1191, %eq3A_1977 : vector<2560xi32>
    %slice3A_1979 = vector.extract_strided_slice %select_n3A_1882 {offsets = [13, 0], sizes = [16, 2560], strides = [1, 1]} : vector<31x2560xf32> to vector<16x2560xf32>
    %broadcast_in_dim3A_1980 = vector.shape_cast %eq3A_1978 : vector<2560xi1> to vector<1x2560xi1>
    %broadcast_in_dim3A_1981 = vector.broadcast %broadcast_in_dim3A_1980 : vector<1x2560xi1> to vector<16x2560xi1>
    %select_n3A_1982 = arith.select %broadcast_in_dim3A_1981, %slice3A_1979, %select_n3A_1975 : vector<16x2560xi1>, vector<16x2560xf32>
    %eq3A_1983 = arith.constant 14 : i32
    %eq3A_1984 = vector.broadcast %eq3A_1983 : i32 to vector<2560xi32>
    %eq3A_1985 = arith.cmpi eq, %and3A_1191, %eq3A_1984 : vector<2560xi32>
    %slice3A_1986 = vector.extract_strided_slice %select_n3A_1882 {offsets = [14, 0], sizes = [16, 2560], strides = [1, 1]} : vector<31x2560xf32> to vector<16x2560xf32>
    %broadcast_in_dim3A_1987 = vector.shape_cast %eq3A_1985 : vector<2560xi1> to vector<1x2560xi1>
    %broadcast_in_dim3A_1988 = vector.broadcast %broadcast_in_dim3A_1987 : vector<1x2560xi1> to vector<16x2560xi1>
    %select_n3A_1989 = arith.select %broadcast_in_dim3A_1988, %slice3A_1986, %select_n3A_1982 : vector<16x2560xi1>, vector<16x2560xf32>
    %eq3A_1990 = arith.constant 15 : i32
    %eq3A_1991 = vector.broadcast %eq3A_1990 : i32 to vector<2560xi32>
    %eq3A_1992 = arith.cmpi eq, %and3A_1191, %eq3A_1991 : vector<2560xi32>
    %slice3A_1993 = vector.extract_strided_slice %select_n3A_1882 {offsets = [15, 0], sizes = [16, 2560], strides = [1, 1]} : vector<31x2560xf32> to vector<16x2560xf32>
    %broadcast_in_dim3A_1994 = vector.shape_cast %eq3A_1992 : vector<2560xi1> to vector<1x2560xi1>
    %broadcast_in_dim3A_1995 = vector.broadcast %broadcast_in_dim3A_1994 : vector<1x2560xi1> to vector<16x2560xi1>
    %select_n3A_1996 = arith.select %broadcast_in_dim3A_1995, %slice3A_1993, %select_n3A_1989 : vector<16x2560xi1>, vector<16x2560xf32>
    %slice3A_1997 = vector.extract_strided_slice %select_n3A_1996 {offsets = [0, 0], sizes = [16, 2400], strides = [1, 1]} : vector<16x2560xf32> to vector<16x2400xf32>
    %max3A_1998 = arith.constant 0.000000e+00 : f32
    %max3A_1999 = vector.broadcast %max3A_1998 : f32 to vector<16x2400xf32>
    %max3A_2000 = arith.maximumf %slice3A_1997, %max3A_1999 : vector<16x2400xf32>
    %abs3A_2001 = math.absf %slice3A_1997 : vector<16x2400xf32>
    %neg3A_2002 = arith.constant 0.000000e+00 : f32
    %neg3A_2003 = vector.broadcast %neg3A_2002 : f32 to vector<16x2400xf32>
    %neg3A_2004 = arith.subf %neg3A_2003, %abs3A_2001 : vector<16x2400xf32>
    %exp3A_2005 = math.exp %neg3A_2004 : vector<16x2400xf32>
    %log1p3A_2006 = math.log1p %exp3A_2005 : vector<16x2400xf32>
    %add3A_2007 = arith.addf %max3A_2000, %log1p3A_2006 : vector<16x2400xf32>
    %neg3A_2008 = arith.constant 0.000000e+00 : f32
    %neg3A_2009 = vector.broadcast %neg3A_2008 : f32 to vector<16x2400xf32>
    %neg3A_2010 = arith.subf %neg3A_2009, %slice3A_1997 : vector<16x2400xf32>
    %max3A_2011 = arith.constant 0.000000e+00 : f32
    %max3A_2012 = vector.broadcast %max3A_2011 : f32 to vector<16x2400xf32>
    %max3A_2013 = arith.maximumf %neg3A_2010, %max3A_2012 : vector<16x2400xf32>
    %abs3A_2014 = math.absf %neg3A_2010 : vector<16x2400xf32>
    %neg3A_2015 = arith.constant 0.000000e+00 : f32
    %neg3A_2016 = vector.broadcast %neg3A_2015 : f32 to vector<16x2400xf32>
    %neg3A_2017 = arith.subf %neg3A_2016, %abs3A_2014 : vector<16x2400xf32>
    %exp3A_2018 = math.exp %neg3A_2017 : vector<16x2400xf32>
    %log1p3A_2019 = math.log1p %exp3A_2018 : vector<16x2400xf32>
    %add3A_2020 = arith.addf %max3A_2013, %log1p3A_2019 : vector<16x2400xf32>
    %iota3A_2021 = tpu.iota {dimensions = array<i32: 0>} : vector<16x2400xi32>
    %add3A_2022 = arith.constant 32 : i32
    %add3A_2023 = vector.broadcast %add3A_2022 : i32 to vector<16x2400xi32>
    %add3A_2024 = arith.addi %iota3A_2021, %add3A_2023 : vector<16x2400xi32>
    %broadcast_in_dim3A_2025 = vector.shape_cast %get3A_1522 : vector<2400xi32> to vector<1x2400xi32>
    %eq3A_2026 = vector.broadcast %broadcast_in_dim3A_2025 : vector<1x2400xi32> to vector<16x2400xi32>
    %eq3A_2027 = arith.cmpi eq, %add3A_2024, %eq3A_2026 : vector<16x2400xi32>
    %select_n3A_2028 = arith.select %eq3A_2027, %add3A_2020, %add3A_2007 : vector<16x2400xi1>, vector<16x2400xf32>
    %reduce_sum3A_2029 = arith.constant dense<0.000000e+00> : vector<2400xf32>
    %reduce_sum3A_2030 = vector.multi_reduction <add>, %select_n3A_2028, %reduce_sum3A_2029 [0] : vector<16x2400xf32> to vector<2400xf32>
    %add3A_2031 = arith.addf %add3A_1862, %reduce_sum3A_2030 : vector<2400xf32>
    %broadcast_in_dim3A_2032 = arith.constant 0.000000e+00 : f32
    %broadcast_in_dim3A_2033 = vector.broadcast %broadcast_in_dim3A_2032 : f32 to vector<31x2560xf32>
    %eq3A_2034 = arith.constant 0 : i32
    %eq3A_2035 = vector.broadcast %eq3A_2034 : i32 to vector<2560xi32>
    %eq3A_2036 = arith.cmpi eq, %shift_right_logical3A_1188, %eq3A_2035 : vector<2560xi32>
    %get3A_2037 = arith.constant 53 : index
    %get3A_2038 = arith.constant 0 : index
    %get3A_2039 = vector.load %arg1[%get3A_2037, %get3A_2038] : memref<128x2560xf32, #tpu.memory_space<vmem>>, vector<31x2560xf32>
    %broadcast_in_dim3A_2040 = vector.shape_cast %eq3A_2036 : vector<2560xi1> to vector<1x2560xi1>
    %broadcast_in_dim3A_2041 = vector.broadcast %broadcast_in_dim3A_2040 : vector<1x2560xi1> to vector<31x2560xi1>
    %select_n3A_2042 = arith.select %broadcast_in_dim3A_2041, %get3A_2039, %broadcast_in_dim3A_2033 : vector<31x2560xi1>, vector<31x2560xf32>
    %eq3A_2043 = arith.constant 1 : i32
    %eq3A_2044 = vector.broadcast %eq3A_2043 : i32 to vector<2560xi32>
    %eq3A_2045 = arith.cmpi eq, %shift_right_logical3A_1188, %eq3A_2044 : vector<2560xi32>
    %get3A_2046 = arith.constant 69 : index
    %get3A_2047 = arith.constant 0 : index
    %get3A_2048 = vector.load %arg1[%get3A_2046, %get3A_2047] : memref<128x2560xf32, #tpu.memory_space<vmem>>, vector<31x2560xf32>
    %broadcast_in_dim3A_2049 = vector.shape_cast %eq3A_2045 : vector<2560xi1> to vector<1x2560xi1>
    %broadcast_in_dim3A_2050 = vector.broadcast %broadcast_in_dim3A_2049 : vector<1x2560xi1> to vector<31x2560xi1>
    %select_n3A_2051 = arith.select %broadcast_in_dim3A_2050, %get3A_2048, %select_n3A_2042 : vector<31x2560xi1>, vector<31x2560xf32>
    %broadcast_in_dim3A_2052 = arith.constant 0.000000e+00 : f32
    %broadcast_in_dim3A_2053 = vector.broadcast %broadcast_in_dim3A_2052 : f32 to vector<16x2560xf32>
    %eq3A_2054 = arith.constant 0 : i32
    %eq3A_2055 = vector.broadcast %eq3A_2054 : i32 to vector<2560xi32>
    %eq3A_2056 = arith.cmpi eq, %and3A_1191, %eq3A_2055 : vector<2560xi32>
    %slice3A_2057 = vector.extract_strided_slice %select_n3A_2051 {offsets = [0, 0], sizes = [16, 2560], strides = [1, 1]} : vector<31x2560xf32> to vector<16x2560xf32>
    %broadcast_in_dim3A_2058 = vector.shape_cast %eq3A_2056 : vector<2560xi1> to vector<1x2560xi1>
    %broadcast_in_dim3A_2059 = vector.broadcast %broadcast_in_dim3A_2058 : vector<1x2560xi1> to vector<16x2560xi1>
    %select_n3A_2060 = arith.select %broadcast_in_dim3A_2059, %slice3A_2057, %broadcast_in_dim3A_2053 : vector<16x2560xi1>, vector<16x2560xf32>
    %eq3A_2061 = arith.constant 1 : i32
    %eq3A_2062 = vector.broadcast %eq3A_2061 : i32 to vector<2560xi32>
    %eq3A_2063 = arith.cmpi eq, %and3A_1191, %eq3A_2062 : vector<2560xi32>
    %slice3A_2064 = vector.extract_strided_slice %select_n3A_2051 {offsets = [1, 0], sizes = [16, 2560], strides = [1, 1]} : vector<31x2560xf32> to vector<16x2560xf32>
    %broadcast_in_dim3A_2065 = vector.shape_cast %eq3A_2063 : vector<2560xi1> to vector<1x2560xi1>
    %broadcast_in_dim3A_2066 = vector.broadcast %broadcast_in_dim3A_2065 : vector<1x2560xi1> to vector<16x2560xi1>
    %select_n3A_2067 = arith.select %broadcast_in_dim3A_2066, %slice3A_2064, %select_n3A_2060 : vector<16x2560xi1>, vector<16x2560xf32>
    %eq3A_2068 = arith.constant 2 : i32
    %eq3A_2069 = vector.broadcast %eq3A_2068 : i32 to vector<2560xi32>
    %eq3A_2070 = arith.cmpi eq, %and3A_1191, %eq3A_2069 : vector<2560xi32>
    %slice3A_2071 = vector.extract_strided_slice %select_n3A_2051 {offsets = [2, 0], sizes = [16, 2560], strides = [1, 1]} : vector<31x2560xf32> to vector<16x2560xf32>
    %broadcast_in_dim3A_2072 = vector.shape_cast %eq3A_2070 : vector<2560xi1> to vector<1x2560xi1>
    %broadcast_in_dim3A_2073 = vector.broadcast %broadcast_in_dim3A_2072 : vector<1x2560xi1> to vector<16x2560xi1>
    %select_n3A_2074 = arith.select %broadcast_in_dim3A_2073, %slice3A_2071, %select_n3A_2067 : vector<16x2560xi1>, vector<16x2560xf32>
    %eq3A_2075 = arith.constant 3 : i32
    %eq3A_2076 = vector.broadcast %eq3A_2075 : i32 to vector<2560xi32>
    %eq3A_2077 = arith.cmpi eq, %and3A_1191, %eq3A_2076 : vector<2560xi32>
    %slice3A_2078 = vector.extract_strided_slice %select_n3A_2051 {offsets = [3, 0], sizes = [16, 2560], strides = [1, 1]} : vector<31x2560xf32> to vector<16x2560xf32>
    %broadcast_in_dim3A_2079 = vector.shape_cast %eq3A_2077 : vector<2560xi1> to vector<1x2560xi1>
    %broadcast_in_dim3A_2080 = vector.broadcast %broadcast_in_dim3A_2079 : vector<1x2560xi1> to vector<16x2560xi1>
    %select_n3A_2081 = arith.select %broadcast_in_dim3A_2080, %slice3A_2078, %select_n3A_2074 : vector<16x2560xi1>, vector<16x2560xf32>
    %eq3A_2082 = arith.constant 4 : i32
    %eq3A_2083 = vector.broadcast %eq3A_2082 : i32 to vector<2560xi32>
    %eq3A_2084 = arith.cmpi eq, %and3A_1191, %eq3A_2083 : vector<2560xi32>
    %slice3A_2085 = vector.extract_strided_slice %select_n3A_2051 {offsets = [4, 0], sizes = [16, 2560], strides = [1, 1]} : vector<31x2560xf32> to vector<16x2560xf32>
    %broadcast_in_dim3A_2086 = vector.shape_cast %eq3A_2084 : vector<2560xi1> to vector<1x2560xi1>
    %broadcast_in_dim3A_2087 = vector.broadcast %broadcast_in_dim3A_2086 : vector<1x2560xi1> to vector<16x2560xi1>
    %select_n3A_2088 = arith.select %broadcast_in_dim3A_2087, %slice3A_2085, %select_n3A_2081 : vector<16x2560xi1>, vector<16x2560xf32>
    %eq3A_2089 = arith.constant 5 : i32
    %eq3A_2090 = vector.broadcast %eq3A_2089 : i32 to vector<2560xi32>
    %eq3A_2091 = arith.cmpi eq, %and3A_1191, %eq3A_2090 : vector<2560xi32>
    %slice3A_2092 = vector.extract_strided_slice %select_n3A_2051 {offsets = [5, 0], sizes = [16, 2560], strides = [1, 1]} : vector<31x2560xf32> to vector<16x2560xf32>
    %broadcast_in_dim3A_2093 = vector.shape_cast %eq3A_2091 : vector<2560xi1> to vector<1x2560xi1>
    %broadcast_in_dim3A_2094 = vector.broadcast %broadcast_in_dim3A_2093 : vector<1x2560xi1> to vector<16x2560xi1>
    %select_n3A_2095 = arith.select %broadcast_in_dim3A_2094, %slice3A_2092, %select_n3A_2088 : vector<16x2560xi1>, vector<16x2560xf32>
    %eq3A_2096 = arith.constant 6 : i32
    %eq3A_2097 = vector.broadcast %eq3A_2096 : i32 to vector<2560xi32>
    %eq3A_2098 = arith.cmpi eq, %and3A_1191, %eq3A_2097 : vector<2560xi32>
    %slice3A_2099 = vector.extract_strided_slice %select_n3A_2051 {offsets = [6, 0], sizes = [16, 2560], strides = [1, 1]} : vector<31x2560xf32> to vector<16x2560xf32>
    %broadcast_in_dim3A_2100 = vector.shape_cast %eq3A_2098 : vector<2560xi1> to vector<1x2560xi1>
    %broadcast_in_dim3A_2101 = vector.broadcast %broadcast_in_dim3A_2100 : vector<1x2560xi1> to vector<16x2560xi1>
    %select_n3A_2102 = arith.select %broadcast_in_dim3A_2101, %slice3A_2099, %select_n3A_2095 : vector<16x2560xi1>, vector<16x2560xf32>
    %eq3A_2103 = arith.constant 7 : i32
    %eq3A_2104 = vector.broadcast %eq3A_2103 : i32 to vector<2560xi32>
    %eq3A_2105 = arith.cmpi eq, %and3A_1191, %eq3A_2104 : vector<2560xi32>
    %slice3A_2106 = vector.extract_strided_slice %select_n3A_2051 {offsets = [7, 0], sizes = [16, 2560], strides = [1, 1]} : vector<31x2560xf32> to vector<16x2560xf32>
    %broadcast_in_dim3A_2107 = vector.shape_cast %eq3A_2105 : vector<2560xi1> to vector<1x2560xi1>
    %broadcast_in_dim3A_2108 = vector.broadcast %broadcast_in_dim3A_2107 : vector<1x2560xi1> to vector<16x2560xi1>
    %select_n3A_2109 = arith.select %broadcast_in_dim3A_2108, %slice3A_2106, %select_n3A_2102 : vector<16x2560xi1>, vector<16x2560xf32>
    %eq3A_2110 = arith.constant 8 : i32
    %eq3A_2111 = vector.broadcast %eq3A_2110 : i32 to vector<2560xi32>
    %eq3A_2112 = arith.cmpi eq, %and3A_1191, %eq3A_2111 : vector<2560xi32>
    %slice3A_2113 = vector.extract_strided_slice %select_n3A_2051 {offsets = [8, 0], sizes = [16, 2560], strides = [1, 1]} : vector<31x2560xf32> to vector<16x2560xf32>
    %broadcast_in_dim3A_2114 = vector.shape_cast %eq3A_2112 : vector<2560xi1> to vector<1x2560xi1>
    %broadcast_in_dim3A_2115 = vector.broadcast %broadcast_in_dim3A_2114 : vector<1x2560xi1> to vector<16x2560xi1>
    %select_n3A_2116 = arith.select %broadcast_in_dim3A_2115, %slice3A_2113, %select_n3A_2109 : vector<16x2560xi1>, vector<16x2560xf32>
    %eq3A_2117 = arith.constant 9 : i32
    %eq3A_2118 = vector.broadcast %eq3A_2117 : i32 to vector<2560xi32>
    %eq3A_2119 = arith.cmpi eq, %and3A_1191, %eq3A_2118 : vector<2560xi32>
    %slice3A_2120 = vector.extract_strided_slice %select_n3A_2051 {offsets = [9, 0], sizes = [16, 2560], strides = [1, 1]} : vector<31x2560xf32> to vector<16x2560xf32>
    %broadcast_in_dim3A_2121 = vector.shape_cast %eq3A_2119 : vector<2560xi1> to vector<1x2560xi1>
    %broadcast_in_dim3A_2122 = vector.broadcast %broadcast_in_dim3A_2121 : vector<1x2560xi1> to vector<16x2560xi1>
    %select_n3A_2123 = arith.select %broadcast_in_dim3A_2122, %slice3A_2120, %select_n3A_2116 : vector<16x2560xi1>, vector<16x2560xf32>
    %eq3A_2124 = arith.constant 10 : i32
    %eq3A_2125 = vector.broadcast %eq3A_2124 : i32 to vector<2560xi32>
    %eq3A_2126 = arith.cmpi eq, %and3A_1191, %eq3A_2125 : vector<2560xi32>
    %slice3A_2127 = vector.extract_strided_slice %select_n3A_2051 {offsets = [10, 0], sizes = [16, 2560], strides = [1, 1]} : vector<31x2560xf32> to vector<16x2560xf32>
    %broadcast_in_dim3A_2128 = vector.shape_cast %eq3A_2126 : vector<2560xi1> to vector<1x2560xi1>
    %broadcast_in_dim3A_2129 = vector.broadcast %broadcast_in_dim3A_2128 : vector<1x2560xi1> to vector<16x2560xi1>
    %select_n3A_2130 = arith.select %broadcast_in_dim3A_2129, %slice3A_2127, %select_n3A_2123 : vector<16x2560xi1>, vector<16x2560xf32>
    %eq3A_2131 = arith.constant 11 : i32
    %eq3A_2132 = vector.broadcast %eq3A_2131 : i32 to vector<2560xi32>
    %eq3A_2133 = arith.cmpi eq, %and3A_1191, %eq3A_2132 : vector<2560xi32>
    %slice3A_2134 = vector.extract_strided_slice %select_n3A_2051 {offsets = [11, 0], sizes = [16, 2560], strides = [1, 1]} : vector<31x2560xf32> to vector<16x2560xf32>
    %broadcast_in_dim3A_2135 = vector.shape_cast %eq3A_2133 : vector<2560xi1> to vector<1x2560xi1>
    %broadcast_in_dim3A_2136 = vector.broadcast %broadcast_in_dim3A_2135 : vector<1x2560xi1> to vector<16x2560xi1>
    %select_n3A_2137 = arith.select %broadcast_in_dim3A_2136, %slice3A_2134, %select_n3A_2130 : vector<16x2560xi1>, vector<16x2560xf32>
    %eq3A_2138 = arith.constant 12 : i32
    %eq3A_2139 = vector.broadcast %eq3A_2138 : i32 to vector<2560xi32>
    %eq3A_2140 = arith.cmpi eq, %and3A_1191, %eq3A_2139 : vector<2560xi32>
    %slice3A_2141 = vector.extract_strided_slice %select_n3A_2051 {offsets = [12, 0], sizes = [16, 2560], strides = [1, 1]} : vector<31x2560xf32> to vector<16x2560xf32>
    %broadcast_in_dim3A_2142 = vector.shape_cast %eq3A_2140 : vector<2560xi1> to vector<1x2560xi1>
    %broadcast_in_dim3A_2143 = vector.broadcast %broadcast_in_dim3A_2142 : vector<1x2560xi1> to vector<16x2560xi1>
    %select_n3A_2144 = arith.select %broadcast_in_dim3A_2143, %slice3A_2141, %select_n3A_2137 : vector<16x2560xi1>, vector<16x2560xf32>
    %eq3A_2145 = arith.constant 13 : i32
    %eq3A_2146 = vector.broadcast %eq3A_2145 : i32 to vector<2560xi32>
    %eq3A_2147 = arith.cmpi eq, %and3A_1191, %eq3A_2146 : vector<2560xi32>
    %slice3A_2148 = vector.extract_strided_slice %select_n3A_2051 {offsets = [13, 0], sizes = [16, 2560], strides = [1, 1]} : vector<31x2560xf32> to vector<16x2560xf32>
    %broadcast_in_dim3A_2149 = vector.shape_cast %eq3A_2147 : vector<2560xi1> to vector<1x2560xi1>
    %broadcast_in_dim3A_2150 = vector.broadcast %broadcast_in_dim3A_2149 : vector<1x2560xi1> to vector<16x2560xi1>
    %select_n3A_2151 = arith.select %broadcast_in_dim3A_2150, %slice3A_2148, %select_n3A_2144 : vector<16x2560xi1>, vector<16x2560xf32>
    %eq3A_2152 = arith.constant 14 : i32
    %eq3A_2153 = vector.broadcast %eq3A_2152 : i32 to vector<2560xi32>
    %eq3A_2154 = arith.cmpi eq, %and3A_1191, %eq3A_2153 : vector<2560xi32>
    %slice3A_2155 = vector.extract_strided_slice %select_n3A_2051 {offsets = [14, 0], sizes = [16, 2560], strides = [1, 1]} : vector<31x2560xf32> to vector<16x2560xf32>
    %broadcast_in_dim3A_2156 = vector.shape_cast %eq3A_2154 : vector<2560xi1> to vector<1x2560xi1>
    %broadcast_in_dim3A_2157 = vector.broadcast %broadcast_in_dim3A_2156 : vector<1x2560xi1> to vector<16x2560xi1>
    %select_n3A_2158 = arith.select %broadcast_in_dim3A_2157, %slice3A_2155, %select_n3A_2151 : vector<16x2560xi1>, vector<16x2560xf32>
    %eq3A_2159 = arith.constant 15 : i32
    %eq3A_2160 = vector.broadcast %eq3A_2159 : i32 to vector<2560xi32>
    %eq3A_2161 = arith.cmpi eq, %and3A_1191, %eq3A_2160 : vector<2560xi32>
    %slice3A_2162 = vector.extract_strided_slice %select_n3A_2051 {offsets = [15, 0], sizes = [16, 2560], strides = [1, 1]} : vector<31x2560xf32> to vector<16x2560xf32>
    %broadcast_in_dim3A_2163 = vector.shape_cast %eq3A_2161 : vector<2560xi1> to vector<1x2560xi1>
    %broadcast_in_dim3A_2164 = vector.broadcast %broadcast_in_dim3A_2163 : vector<1x2560xi1> to vector<16x2560xi1>
    %select_n3A_2165 = arith.select %broadcast_in_dim3A_2164, %slice3A_2162, %select_n3A_2158 : vector<16x2560xi1>, vector<16x2560xf32>
    %slice3A_2166 = vector.extract_strided_slice %select_n3A_2165 {offsets = [0, 0], sizes = [16, 2400], strides = [1, 1]} : vector<16x2560xf32> to vector<16x2400xf32>
    %max3A_2167 = arith.constant 0.000000e+00 : f32
    %max3A_2168 = vector.broadcast %max3A_2167 : f32 to vector<16x2400xf32>
    %max3A_2169 = arith.maximumf %slice3A_2166, %max3A_2168 : vector<16x2400xf32>
    %abs3A_2170 = math.absf %slice3A_2166 : vector<16x2400xf32>
    %neg3A_2171 = arith.constant 0.000000e+00 : f32
    %neg3A_2172 = vector.broadcast %neg3A_2171 : f32 to vector<16x2400xf32>
    %neg3A_2173 = arith.subf %neg3A_2172, %abs3A_2170 : vector<16x2400xf32>
    %exp3A_2174 = math.exp %neg3A_2173 : vector<16x2400xf32>
    %log1p3A_2175 = math.log1p %exp3A_2174 : vector<16x2400xf32>
    %add3A_2176 = arith.addf %max3A_2169, %log1p3A_2175 : vector<16x2400xf32>
    %neg3A_2177 = arith.constant 0.000000e+00 : f32
    %neg3A_2178 = vector.broadcast %neg3A_2177 : f32 to vector<16x2400xf32>
    %neg3A_2179 = arith.subf %neg3A_2178, %slice3A_2166 : vector<16x2400xf32>
    %max3A_2180 = arith.constant 0.000000e+00 : f32
    %max3A_2181 = vector.broadcast %max3A_2180 : f32 to vector<16x2400xf32>
    %max3A_2182 = arith.maximumf %neg3A_2179, %max3A_2181 : vector<16x2400xf32>
    %abs3A_2183 = math.absf %neg3A_2179 : vector<16x2400xf32>
    %neg3A_2184 = arith.constant 0.000000e+00 : f32
    %neg3A_2185 = vector.broadcast %neg3A_2184 : f32 to vector<16x2400xf32>
    %neg3A_2186 = arith.subf %neg3A_2185, %abs3A_2183 : vector<16x2400xf32>
    %exp3A_2187 = math.exp %neg3A_2186 : vector<16x2400xf32>
    %log1p3A_2188 = math.log1p %exp3A_2187 : vector<16x2400xf32>
    %add3A_2189 = arith.addf %max3A_2182, %log1p3A_2188 : vector<16x2400xf32>
    %iota3A_2190 = tpu.iota {dimensions = array<i32: 0>} : vector<16x2400xi32>
    %add3A_2191 = arith.constant 48 : i32
    %add3A_2192 = vector.broadcast %add3A_2191 : i32 to vector<16x2400xi32>
    %add3A_2193 = arith.addi %iota3A_2190, %add3A_2192 : vector<16x2400xi32>
    %broadcast_in_dim3A_2194 = vector.shape_cast %get3A_1522 : vector<2400xi32> to vector<1x2400xi32>
    %eq3A_2195 = vector.broadcast %broadcast_in_dim3A_2194 : vector<1x2400xi32> to vector<16x2400xi32>
    %eq3A_2196 = arith.cmpi eq, %add3A_2193, %eq3A_2195 : vector<16x2400xi32>
    %select_n3A_2197 = arith.select %eq3A_2196, %add3A_2189, %add3A_2176 : vector<16x2400xi1>, vector<16x2400xf32>
    %reduce_sum3A_2198 = arith.constant dense<0.000000e+00> : vector<2400xf32>
    %reduce_sum3A_2199 = vector.multi_reduction <add>, %select_n3A_2197, %reduce_sum3A_2198 [0] : vector<16x2400xf32> to vector<2400xf32>
    %add3A_2200 = arith.addf %add3A_2031, %reduce_sum3A_2199 : vector<2400xf32>
    %broadcast_in_dim3A_2201 = arith.constant 0.000000e+00 : f32
    %broadcast_in_dim3A_2202 = vector.broadcast %broadcast_in_dim3A_2201 : f32 to vector<31x2560xf32>
    %eq3A_2203 = arith.constant 0 : i32
    %eq3A_2204 = vector.broadcast %eq3A_2203 : i32 to vector<2560xi32>
    %eq3A_2205 = arith.cmpi eq, %shift_right_logical3A_1188, %eq3A_2204 : vector<2560xi32>
    %get3A_2206 = arith.constant 69 : index
    %get3A_2207 = arith.constant 0 : index
    %get3A_2208 = vector.load %arg1[%get3A_2206, %get3A_2207] : memref<128x2560xf32, #tpu.memory_space<vmem>>, vector<31x2560xf32>
    %broadcast_in_dim3A_2209 = vector.shape_cast %eq3A_2205 : vector<2560xi1> to vector<1x2560xi1>
    %broadcast_in_dim3A_2210 = vector.broadcast %broadcast_in_dim3A_2209 : vector<1x2560xi1> to vector<31x2560xi1>
    %select_n3A_2211 = arith.select %broadcast_in_dim3A_2210, %get3A_2208, %broadcast_in_dim3A_2202 : vector<31x2560xi1>, vector<31x2560xf32>
    %eq3A_2212 = arith.constant 1 : i32
    %eq3A_2213 = vector.broadcast %eq3A_2212 : i32 to vector<2560xi32>
    %eq3A_2214 = arith.cmpi eq, %shift_right_logical3A_1188, %eq3A_2213 : vector<2560xi32>
    %get3A_2215 = arith.constant 85 : index
    %get3A_2216 = arith.constant 0 : index
    %get3A_2217 = vector.load %arg1[%get3A_2215, %get3A_2216] : memref<128x2560xf32, #tpu.memory_space<vmem>>, vector<31x2560xf32>
    %broadcast_in_dim3A_2218 = vector.shape_cast %eq3A_2214 : vector<2560xi1> to vector<1x2560xi1>
    %broadcast_in_dim3A_2219 = vector.broadcast %broadcast_in_dim3A_2218 : vector<1x2560xi1> to vector<31x2560xi1>
    %select_n3A_2220 = arith.select %broadcast_in_dim3A_2219, %get3A_2217, %select_n3A_2211 : vector<31x2560xi1>, vector<31x2560xf32>
    %broadcast_in_dim3A_2221 = arith.constant 0.000000e+00 : f32
    %broadcast_in_dim3A_2222 = vector.broadcast %broadcast_in_dim3A_2221 : f32 to vector<16x2560xf32>
    %eq3A_2223 = arith.constant 0 : i32
    %eq3A_2224 = vector.broadcast %eq3A_2223 : i32 to vector<2560xi32>
    %eq3A_2225 = arith.cmpi eq, %and3A_1191, %eq3A_2224 : vector<2560xi32>
    %slice3A_2226 = vector.extract_strided_slice %select_n3A_2220 {offsets = [0, 0], sizes = [16, 2560], strides = [1, 1]} : vector<31x2560xf32> to vector<16x2560xf32>
    %broadcast_in_dim3A_2227 = vector.shape_cast %eq3A_2225 : vector<2560xi1> to vector<1x2560xi1>
    %broadcast_in_dim3A_2228 = vector.broadcast %broadcast_in_dim3A_2227 : vector<1x2560xi1> to vector<16x2560xi1>
    %select_n3A_2229 = arith.select %broadcast_in_dim3A_2228, %slice3A_2226, %broadcast_in_dim3A_2222 : vector<16x2560xi1>, vector<16x2560xf32>
    %eq3A_2230 = arith.constant 1 : i32
    %eq3A_2231 = vector.broadcast %eq3A_2230 : i32 to vector<2560xi32>
    %eq3A_2232 = arith.cmpi eq, %and3A_1191, %eq3A_2231 : vector<2560xi32>
    %slice3A_2233 = vector.extract_strided_slice %select_n3A_2220 {offsets = [1, 0], sizes = [16, 2560], strides = [1, 1]} : vector<31x2560xf32> to vector<16x2560xf32>
    %broadcast_in_dim3A_2234 = vector.shape_cast %eq3A_2232 : vector<2560xi1> to vector<1x2560xi1>
    %broadcast_in_dim3A_2235 = vector.broadcast %broadcast_in_dim3A_2234 : vector<1x2560xi1> to vector<16x2560xi1>
    %select_n3A_2236 = arith.select %broadcast_in_dim3A_2235, %slice3A_2233, %select_n3A_2229 : vector<16x2560xi1>, vector<16x2560xf32>
    %eq3A_2237 = arith.constant 2 : i32
    %eq3A_2238 = vector.broadcast %eq3A_2237 : i32 to vector<2560xi32>
    %eq3A_2239 = arith.cmpi eq, %and3A_1191, %eq3A_2238 : vector<2560xi32>
    %slice3A_2240 = vector.extract_strided_slice %select_n3A_2220 {offsets = [2, 0], sizes = [16, 2560], strides = [1, 1]} : vector<31x2560xf32> to vector<16x2560xf32>
    %broadcast_in_dim3A_2241 = vector.shape_cast %eq3A_2239 : vector<2560xi1> to vector<1x2560xi1>
    %broadcast_in_dim3A_2242 = vector.broadcast %broadcast_in_dim3A_2241 : vector<1x2560xi1> to vector<16x2560xi1>
    %select_n3A_2243 = arith.select %broadcast_in_dim3A_2242, %slice3A_2240, %select_n3A_2236 : vector<16x2560xi1>, vector<16x2560xf32>
    %eq3A_2244 = arith.constant 3 : i32
    %eq3A_2245 = vector.broadcast %eq3A_2244 : i32 to vector<2560xi32>
    %eq3A_2246 = arith.cmpi eq, %and3A_1191, %eq3A_2245 : vector<2560xi32>
    %slice3A_2247 = vector.extract_strided_slice %select_n3A_2220 {offsets = [3, 0], sizes = [16, 2560], strides = [1, 1]} : vector<31x2560xf32> to vector<16x2560xf32>
    %broadcast_in_dim3A_2248 = vector.shape_cast %eq3A_2246 : vector<2560xi1> to vector<1x2560xi1>
    %broadcast_in_dim3A_2249 = vector.broadcast %broadcast_in_dim3A_2248 : vector<1x2560xi1> to vector<16x2560xi1>
    %select_n3A_2250 = arith.select %broadcast_in_dim3A_2249, %slice3A_2247, %select_n3A_2243 : vector<16x2560xi1>, vector<16x2560xf32>
    %eq3A_2251 = arith.constant 4 : i32
    %eq3A_2252 = vector.broadcast %eq3A_2251 : i32 to vector<2560xi32>
    %eq3A_2253 = arith.cmpi eq, %and3A_1191, %eq3A_2252 : vector<2560xi32>
    %slice3A_2254 = vector.extract_strided_slice %select_n3A_2220 {offsets = [4, 0], sizes = [16, 2560], strides = [1, 1]} : vector<31x2560xf32> to vector<16x2560xf32>
    %broadcast_in_dim3A_2255 = vector.shape_cast %eq3A_2253 : vector<2560xi1> to vector<1x2560xi1>
    %broadcast_in_dim3A_2256 = vector.broadcast %broadcast_in_dim3A_2255 : vector<1x2560xi1> to vector<16x2560xi1>
    %select_n3A_2257 = arith.select %broadcast_in_dim3A_2256, %slice3A_2254, %select_n3A_2250 : vector<16x2560xi1>, vector<16x2560xf32>
    %eq3A_2258 = arith.constant 5 : i32
    %eq3A_2259 = vector.broadcast %eq3A_2258 : i32 to vector<2560xi32>
    %eq3A_2260 = arith.cmpi eq, %and3A_1191, %eq3A_2259 : vector<2560xi32>
    %slice3A_2261 = vector.extract_strided_slice %select_n3A_2220 {offsets = [5, 0], sizes = [16, 2560], strides = [1, 1]} : vector<31x2560xf32> to vector<16x2560xf32>
    %broadcast_in_dim3A_2262 = vector.shape_cast %eq3A_2260 : vector<2560xi1> to vector<1x2560xi1>
    %broadcast_in_dim3A_2263 = vector.broadcast %broadcast_in_dim3A_2262 : vector<1x2560xi1> to vector<16x2560xi1>
    %select_n3A_2264 = arith.select %broadcast_in_dim3A_2263, %slice3A_2261, %select_n3A_2257 : vector<16x2560xi1>, vector<16x2560xf32>
    %eq3A_2265 = arith.constant 6 : i32
    %eq3A_2266 = vector.broadcast %eq3A_2265 : i32 to vector<2560xi32>
    %eq3A_2267 = arith.cmpi eq, %and3A_1191, %eq3A_2266 : vector<2560xi32>
    %slice3A_2268 = vector.extract_strided_slice %select_n3A_2220 {offsets = [6, 0], sizes = [16, 2560], strides = [1, 1]} : vector<31x2560xf32> to vector<16x2560xf32>
    %broadcast_in_dim3A_2269 = vector.shape_cast %eq3A_2267 : vector<2560xi1> to vector<1x2560xi1>
    %broadcast_in_dim3A_2270 = vector.broadcast %broadcast_in_dim3A_2269 : vector<1x2560xi1> to vector<16x2560xi1>
    %select_n3A_2271 = arith.select %broadcast_in_dim3A_2270, %slice3A_2268, %select_n3A_2264 : vector<16x2560xi1>, vector<16x2560xf32>
    %eq3A_2272 = arith.constant 7 : i32
    %eq3A_2273 = vector.broadcast %eq3A_2272 : i32 to vector<2560xi32>
    %eq3A_2274 = arith.cmpi eq, %and3A_1191, %eq3A_2273 : vector<2560xi32>
    %slice3A_2275 = vector.extract_strided_slice %select_n3A_2220 {offsets = [7, 0], sizes = [16, 2560], strides = [1, 1]} : vector<31x2560xf32> to vector<16x2560xf32>
    %broadcast_in_dim3A_2276 = vector.shape_cast %eq3A_2274 : vector<2560xi1> to vector<1x2560xi1>
    %broadcast_in_dim3A_2277 = vector.broadcast %broadcast_in_dim3A_2276 : vector<1x2560xi1> to vector<16x2560xi1>
    %select_n3A_2278 = arith.select %broadcast_in_dim3A_2277, %slice3A_2275, %select_n3A_2271 : vector<16x2560xi1>, vector<16x2560xf32>
    %eq3A_2279 = arith.constant 8 : i32
    %eq3A_2280 = vector.broadcast %eq3A_2279 : i32 to vector<2560xi32>
    %eq3A_2281 = arith.cmpi eq, %and3A_1191, %eq3A_2280 : vector<2560xi32>
    %slice3A_2282 = vector.extract_strided_slice %select_n3A_2220 {offsets = [8, 0], sizes = [16, 2560], strides = [1, 1]} : vector<31x2560xf32> to vector<16x2560xf32>
    %broadcast_in_dim3A_2283 = vector.shape_cast %eq3A_2281 : vector<2560xi1> to vector<1x2560xi1>
    %broadcast_in_dim3A_2284 = vector.broadcast %broadcast_in_dim3A_2283 : vector<1x2560xi1> to vector<16x2560xi1>
    %select_n3A_2285 = arith.select %broadcast_in_dim3A_2284, %slice3A_2282, %select_n3A_2278 : vector<16x2560xi1>, vector<16x2560xf32>
    %eq3A_2286 = arith.constant 9 : i32
    %eq3A_2287 = vector.broadcast %eq3A_2286 : i32 to vector<2560xi32>
    %eq3A_2288 = arith.cmpi eq, %and3A_1191, %eq3A_2287 : vector<2560xi32>
    %slice3A_2289 = vector.extract_strided_slice %select_n3A_2220 {offsets = [9, 0], sizes = [16, 2560], strides = [1, 1]} : vector<31x2560xf32> to vector<16x2560xf32>
    %broadcast_in_dim3A_2290 = vector.shape_cast %eq3A_2288 : vector<2560xi1> to vector<1x2560xi1>
    %broadcast_in_dim3A_2291 = vector.broadcast %broadcast_in_dim3A_2290 : vector<1x2560xi1> to vector<16x2560xi1>
    %select_n3A_2292 = arith.select %broadcast_in_dim3A_2291, %slice3A_2289, %select_n3A_2285 : vector<16x2560xi1>, vector<16x2560xf32>
    %eq3A_2293 = arith.constant 10 : i32
    %eq3A_2294 = vector.broadcast %eq3A_2293 : i32 to vector<2560xi32>
    %eq3A_2295 = arith.cmpi eq, %and3A_1191, %eq3A_2294 : vector<2560xi32>
    %slice3A_2296 = vector.extract_strided_slice %select_n3A_2220 {offsets = [10, 0], sizes = [16, 2560], strides = [1, 1]} : vector<31x2560xf32> to vector<16x2560xf32>
    %broadcast_in_dim3A_2297 = vector.shape_cast %eq3A_2295 : vector<2560xi1> to vector<1x2560xi1>
    %broadcast_in_dim3A_2298 = vector.broadcast %broadcast_in_dim3A_2297 : vector<1x2560xi1> to vector<16x2560xi1>
    %select_n3A_2299 = arith.select %broadcast_in_dim3A_2298, %slice3A_2296, %select_n3A_2292 : vector<16x2560xi1>, vector<16x2560xf32>
    %eq3A_2300 = arith.constant 11 : i32
    %eq3A_2301 = vector.broadcast %eq3A_2300 : i32 to vector<2560xi32>
    %eq3A_2302 = arith.cmpi eq, %and3A_1191, %eq3A_2301 : vector<2560xi32>
    %slice3A_2303 = vector.extract_strided_slice %select_n3A_2220 {offsets = [11, 0], sizes = [16, 2560], strides = [1, 1]} : vector<31x2560xf32> to vector<16x2560xf32>
    %broadcast_in_dim3A_2304 = vector.shape_cast %eq3A_2302 : vector<2560xi1> to vector<1x2560xi1>
    %broadcast_in_dim3A_2305 = vector.broadcast %broadcast_in_dim3A_2304 : vector<1x2560xi1> to vector<16x2560xi1>
    %select_n3A_2306 = arith.select %broadcast_in_dim3A_2305, %slice3A_2303, %select_n3A_2299 : vector<16x2560xi1>, vector<16x2560xf32>
    %eq3A_2307 = arith.constant 12 : i32
    %eq3A_2308 = vector.broadcast %eq3A_2307 : i32 to vector<2560xi32>
    %eq3A_2309 = arith.cmpi eq, %and3A_1191, %eq3A_2308 : vector<2560xi32>
    %slice3A_2310 = vector.extract_strided_slice %select_n3A_2220 {offsets = [12, 0], sizes = [16, 2560], strides = [1, 1]} : vector<31x2560xf32> to vector<16x2560xf32>
    %broadcast_in_dim3A_2311 = vector.shape_cast %eq3A_2309 : vector<2560xi1> to vector<1x2560xi1>
    %broadcast_in_dim3A_2312 = vector.broadcast %broadcast_in_dim3A_2311 : vector<1x2560xi1> to vector<16x2560xi1>
    %select_n3A_2313 = arith.select %broadcast_in_dim3A_2312, %slice3A_2310, %select_n3A_2306 : vector<16x2560xi1>, vector<16x2560xf32>
    %eq3A_2314 = arith.constant 13 : i32
    %eq3A_2315 = vector.broadcast %eq3A_2314 : i32 to vector<2560xi32>
    %eq3A_2316 = arith.cmpi eq, %and3A_1191, %eq3A_2315 : vector<2560xi32>
    %slice3A_2317 = vector.extract_strided_slice %select_n3A_2220 {offsets = [13, 0], sizes = [16, 2560], strides = [1, 1]} : vector<31x2560xf32> to vector<16x2560xf32>
    %broadcast_in_dim3A_2318 = vector.shape_cast %eq3A_2316 : vector<2560xi1> to vector<1x2560xi1>
    %broadcast_in_dim3A_2319 = vector.broadcast %broadcast_in_dim3A_2318 : vector<1x2560xi1> to vector<16x2560xi1>
    %select_n3A_2320 = arith.select %broadcast_in_dim3A_2319, %slice3A_2317, %select_n3A_2313 : vector<16x2560xi1>, vector<16x2560xf32>
    %eq3A_2321 = arith.constant 14 : i32
    %eq3A_2322 = vector.broadcast %eq3A_2321 : i32 to vector<2560xi32>
    %eq3A_2323 = arith.cmpi eq, %and3A_1191, %eq3A_2322 : vector<2560xi32>
    %slice3A_2324 = vector.extract_strided_slice %select_n3A_2220 {offsets = [14, 0], sizes = [16, 2560], strides = [1, 1]} : vector<31x2560xf32> to vector<16x2560xf32>
    %broadcast_in_dim3A_2325 = vector.shape_cast %eq3A_2323 : vector<2560xi1> to vector<1x2560xi1>
    %broadcast_in_dim3A_2326 = vector.broadcast %broadcast_in_dim3A_2325 : vector<1x2560xi1> to vector<16x2560xi1>
    %select_n3A_2327 = arith.select %broadcast_in_dim3A_2326, %slice3A_2324, %select_n3A_2320 : vector<16x2560xi1>, vector<16x2560xf32>
    %eq3A_2328 = arith.constant 15 : i32
    %eq3A_2329 = vector.broadcast %eq3A_2328 : i32 to vector<2560xi32>
    %eq3A_2330 = arith.cmpi eq, %and3A_1191, %eq3A_2329 : vector<2560xi32>
    %slice3A_2331 = vector.extract_strided_slice %select_n3A_2220 {offsets = [15, 0], sizes = [16, 2560], strides = [1, 1]} : vector<31x2560xf32> to vector<16x2560xf32>
    %broadcast_in_dim3A_2332 = vector.shape_cast %eq3A_2330 : vector<2560xi1> to vector<1x2560xi1>
    %broadcast_in_dim3A_2333 = vector.broadcast %broadcast_in_dim3A_2332 : vector<1x2560xi1> to vector<16x2560xi1>
    %select_n3A_2334 = arith.select %broadcast_in_dim3A_2333, %slice3A_2331, %select_n3A_2327 : vector<16x2560xi1>, vector<16x2560xf32>
    %slice3A_2335 = vector.extract_strided_slice %select_n3A_2334 {offsets = [0, 0], sizes = [16, 2400], strides = [1, 1]} : vector<16x2560xf32> to vector<16x2400xf32>
    %max3A_2336 = arith.constant 0.000000e+00 : f32
    %max3A_2337 = vector.broadcast %max3A_2336 : f32 to vector<16x2400xf32>
    %max3A_2338 = arith.maximumf %slice3A_2335, %max3A_2337 : vector<16x2400xf32>
    %abs3A_2339 = math.absf %slice3A_2335 : vector<16x2400xf32>
    %neg3A_2340 = arith.constant 0.000000e+00 : f32
    %neg3A_2341 = vector.broadcast %neg3A_2340 : f32 to vector<16x2400xf32>
    %neg3A_2342 = arith.subf %neg3A_2341, %abs3A_2339 : vector<16x2400xf32>
    %exp3A_2343 = math.exp %neg3A_2342 : vector<16x2400xf32>
    %log1p3A_2344 = math.log1p %exp3A_2343 : vector<16x2400xf32>
    %add3A_2345 = arith.addf %max3A_2338, %log1p3A_2344 : vector<16x2400xf32>
    %neg3A_2346 = arith.constant 0.000000e+00 : f32
    %neg3A_2347 = vector.broadcast %neg3A_2346 : f32 to vector<16x2400xf32>
    %neg3A_2348 = arith.subf %neg3A_2347, %slice3A_2335 : vector<16x2400xf32>
    %max3A_2349 = arith.constant 0.000000e+00 : f32
    %max3A_2350 = vector.broadcast %max3A_2349 : f32 to vector<16x2400xf32>
    %max3A_2351 = arith.maximumf %neg3A_2348, %max3A_2350 : vector<16x2400xf32>
    %abs3A_2352 = math.absf %neg3A_2348 : vector<16x2400xf32>
    %neg3A_2353 = arith.constant 0.000000e+00 : f32
    %neg3A_2354 = vector.broadcast %neg3A_2353 : f32 to vector<16x2400xf32>
    %neg3A_2355 = arith.subf %neg3A_2354, %abs3A_2352 : vector<16x2400xf32>
    %exp3A_2356 = math.exp %neg3A_2355 : vector<16x2400xf32>
    %log1p3A_2357 = math.log1p %exp3A_2356 : vector<16x2400xf32>
    %add3A_2358 = arith.addf %max3A_2351, %log1p3A_2357 : vector<16x2400xf32>
    %iota3A_2359 = tpu.iota {dimensions = array<i32: 0>} : vector<16x2400xi32>
    %add3A_2360 = arith.constant 64 : i32
    %add3A_2361 = vector.broadcast %add3A_2360 : i32 to vector<16x2400xi32>
    %add3A_2362 = arith.addi %iota3A_2359, %add3A_2361 : vector<16x2400xi32>
    %broadcast_in_dim3A_2363 = vector.shape_cast %get3A_1522 : vector<2400xi32> to vector<1x2400xi32>
    %eq3A_2364 = vector.broadcast %broadcast_in_dim3A_2363 : vector<1x2400xi32> to vector<16x2400xi32>
    %eq3A_2365 = arith.cmpi eq, %add3A_2362, %eq3A_2364 : vector<16x2400xi32>
    %select_n3A_2366 = arith.select %eq3A_2365, %add3A_2358, %add3A_2345 : vector<16x2400xi1>, vector<16x2400xf32>
    %reduce_sum3A_2367 = arith.constant dense<0.000000e+00> : vector<2400xf32>
    %reduce_sum3A_2368 = vector.multi_reduction <add>, %select_n3A_2366, %reduce_sum3A_2367 [0] : vector<16x2400xf32> to vector<2400xf32>
    %add3A_2369 = arith.addf %add3A_2200, %reduce_sum3A_2368 : vector<2400xf32>
    %gt3A_2370 = arith.constant 0.000000e+00 : f32
    %gt3A_2371 = vector.broadcast %gt3A_2370 : f32 to vector<2400xf32>
    %gt3A_2372 = arith.cmpf ogt, %get3A_1195, %gt3A_2371 : vector<2400xf32>
    %jit3A_2373 = arith.constant 0.000000e+00 : f32
    %broadcast_in_dim3A_2374 = vector.broadcast %jit3A_2373 : f32 to vector<2400xf32>
    %select_n3A_2375 = arith.select %gt3A_2372, %add3A_2369, %broadcast_in_dim3A_2374 : vector<2400xi1>, vector<2400xf32>
    %reduce_sum3A_2376 = vector.shape_cast %select_n3A_2375 : vector<2400xf32> to vector<1x2400xf32>
    %reduce_sum3A_2377 = arith.constant dense<0.000000e+00> : vector<1xf32>
    %reduce_sum3A_2378 = vector.multi_reduction <add>, %reduce_sum3A_2376, %reduce_sum3A_2377 [1] : vector<1x2400xf32> to vector<1xf32>
    %reduce_sum3A_2379 = vector.shape_cast %reduce_sum3A_2378 : vector<1xf32> to vector<1x1xf32>
    %reduce_sum3A_2380 = vector.extract %reduce_sum3A_2379[0, 0] : f32 from vector<1x1xf32>
    %mul3A_2381 = arith.constant 8.000000e+01 : f32
    %mul3A_2382 = arith.mulf %reduce_sum3A_1200, %mul3A_2381 : f32
    %div3A_2383 = arith.divf %reduce_sum3A_2380, %mul3A_2382 : f32
    %add3A_2384 = arith.addf %add3A_1181, %div3A_2383 : f32
    %get3A_2385 = arith.constant 2 : index
    %get3A_2386 = arith.constant 0 : index
    %get3A_2387 = vector.load %arg5[%get3A_2385, %get3A_2386] : memref<3x2560xi32, #tpu.memory_space<vmem>>, vector<1x2560xi32>
    %get3A_2388 = vector.shape_cast %get3A_2387 : vector<1x2560xi32> to vector<2560xi32>
    %shift_right_logical3A_2389 = arith.constant 4 : i32
    %shift_right_logical3A_2390 = vector.broadcast %shift_right_logical3A_2389 : i32 to vector<2560xi32>
    %shift_right_logical3A_2391 = arith.shrui %get3A_2388, %shift_right_logical3A_2390 : vector<2560xi32>
    %and3A_2392 = arith.constant 15 : i32
    %and3A_2393 = vector.broadcast %and3A_2392 : i32 to vector<2560xi32>
    %and3A_2394 = arith.andi %get3A_2388, %and3A_2393 : vector<2560xi32>
    %get3A_2395 = arith.constant 2 : index
    %get3A_2396 = arith.constant 0 : index
    %get3A_2397 = vector.load %arg3[%get3A_2395, %get3A_2396] : memref<3x2400xf32, #tpu.memory_space<vmem>>, vector<1x2400xf32>
    %get3A_2398 = vector.shape_cast %get3A_2397 : vector<1x2400xf32> to vector<2400xf32>
    %reduce_sum3A_2399 = vector.shape_cast %get3A_2398 : vector<2400xf32> to vector<1x2400xf32>
    %reduce_sum3A_2400 = arith.constant dense<0.000000e+00> : vector<1xf32>
    %reduce_sum3A_2401 = vector.multi_reduction <add>, %reduce_sum3A_2399, %reduce_sum3A_2400 [1] : vector<1x2400xf32> to vector<1xf32>
    %reduce_sum3A_2402 = vector.shape_cast %reduce_sum3A_2401 : vector<1xf32> to vector<1x1xf32>
    %reduce_sum3A_2403 = vector.extract %reduce_sum3A_2402[0, 0] : f32 from vector<1x1xf32>
    %broadcast_in_dim3A_2404 = arith.constant 0.000000e+00 : f32
    %broadcast_in_dim3A_2405 = vector.broadcast %broadcast_in_dim3A_2404 : f32 to vector<20x2560xf32>
    %eq3A_2406 = arith.constant 0 : i32
    %eq3A_2407 = vector.broadcast %eq3A_2406 : i32 to vector<2560xi32>
    %eq3A_2408 = arith.cmpi eq, %shift_right_logical3A_2391, %eq3A_2407 : vector<2560xi32>
    %get3A_2409 = arith.constant 0 : index
    %get3A_2410 = arith.constant 0 : index
    %get3A_2411 = vector.load %arg2[%get3A_2409, %get3A_2410] : memref<128x2560xf32, #tpu.memory_space<vmem>>, vector<20x2560xf32>
    %broadcast_in_dim3A_2412 = vector.shape_cast %eq3A_2408 : vector<2560xi1> to vector<1x2560xi1>
    %broadcast_in_dim3A_2413 = vector.broadcast %broadcast_in_dim3A_2412 : vector<1x2560xi1> to vector<20x2560xi1>
    %select_n3A_2414 = arith.select %broadcast_in_dim3A_2413, %get3A_2411, %broadcast_in_dim3A_2405 : vector<20x2560xi1>, vector<20x2560xf32>
    %eq3A_2415 = arith.constant 1 : i32
    %eq3A_2416 = vector.broadcast %eq3A_2415 : i32 to vector<2560xi32>
    %eq3A_2417 = arith.cmpi eq, %shift_right_logical3A_2391, %eq3A_2416 : vector<2560xi32>
    %get3A_2418 = arith.constant 16 : index
    %get3A_2419 = arith.constant 0 : index
    %get3A_2420 = vector.load %arg2[%get3A_2418, %get3A_2419] : memref<128x2560xf32, #tpu.memory_space<vmem>>, vector<20x2560xf32>
    %broadcast_in_dim3A_2421 = vector.shape_cast %eq3A_2417 : vector<2560xi1> to vector<1x2560xi1>
    %broadcast_in_dim3A_2422 = vector.broadcast %broadcast_in_dim3A_2421 : vector<1x2560xi1> to vector<20x2560xi1>
    %select_n3A_2423 = arith.select %broadcast_in_dim3A_2422, %get3A_2420, %select_n3A_2414 : vector<20x2560xi1>, vector<20x2560xf32>
    %broadcast_in_dim3A_2424 = arith.constant 0.000000e+00 : f32
    %broadcast_in_dim3A_2425 = vector.broadcast %broadcast_in_dim3A_2424 : f32 to vector<5x2560xf32>
    %eq3A_2426 = arith.constant 0 : i32
    %eq3A_2427 = vector.broadcast %eq3A_2426 : i32 to vector<2560xi32>
    %eq3A_2428 = arith.cmpi eq, %and3A_2394, %eq3A_2427 : vector<2560xi32>
    %slice3A_2429 = vector.extract_strided_slice %select_n3A_2423 {offsets = [0, 0], sizes = [5, 2560], strides = [1, 1]} : vector<20x2560xf32> to vector<5x2560xf32>
    %broadcast_in_dim3A_2430 = vector.shape_cast %eq3A_2428 : vector<2560xi1> to vector<1x2560xi1>
    %broadcast_in_dim3A_2431 = vector.broadcast %broadcast_in_dim3A_2430 : vector<1x2560xi1> to vector<5x2560xi1>
    %select_n3A_2432 = arith.select %broadcast_in_dim3A_2431, %slice3A_2429, %broadcast_in_dim3A_2425 : vector<5x2560xi1>, vector<5x2560xf32>
    %eq3A_2433 = arith.constant 1 : i32
    %eq3A_2434 = vector.broadcast %eq3A_2433 : i32 to vector<2560xi32>
    %eq3A_2435 = arith.cmpi eq, %and3A_2394, %eq3A_2434 : vector<2560xi32>
    %slice3A_2436 = vector.extract_strided_slice %select_n3A_2423 {offsets = [1, 0], sizes = [5, 2560], strides = [1, 1]} : vector<20x2560xf32> to vector<5x2560xf32>
    %broadcast_in_dim3A_2437 = vector.shape_cast %eq3A_2435 : vector<2560xi1> to vector<1x2560xi1>
    %broadcast_in_dim3A_2438 = vector.broadcast %broadcast_in_dim3A_2437 : vector<1x2560xi1> to vector<5x2560xi1>
    %select_n3A_2439 = arith.select %broadcast_in_dim3A_2438, %slice3A_2436, %select_n3A_2432 : vector<5x2560xi1>, vector<5x2560xf32>
    %eq3A_2440 = arith.constant 2 : i32
    %eq3A_2441 = vector.broadcast %eq3A_2440 : i32 to vector<2560xi32>
    %eq3A_2442 = arith.cmpi eq, %and3A_2394, %eq3A_2441 : vector<2560xi32>
    %slice3A_2443 = vector.extract_strided_slice %select_n3A_2423 {offsets = [2, 0], sizes = [5, 2560], strides = [1, 1]} : vector<20x2560xf32> to vector<5x2560xf32>
    %broadcast_in_dim3A_2444 = vector.shape_cast %eq3A_2442 : vector<2560xi1> to vector<1x2560xi1>
    %broadcast_in_dim3A_2445 = vector.broadcast %broadcast_in_dim3A_2444 : vector<1x2560xi1> to vector<5x2560xi1>
    %select_n3A_2446 = arith.select %broadcast_in_dim3A_2445, %slice3A_2443, %select_n3A_2439 : vector<5x2560xi1>, vector<5x2560xf32>
    %eq3A_2447 = arith.constant 3 : i32
    %eq3A_2448 = vector.broadcast %eq3A_2447 : i32 to vector<2560xi32>
    %eq3A_2449 = arith.cmpi eq, %and3A_2394, %eq3A_2448 : vector<2560xi32>
    %slice3A_2450 = vector.extract_strided_slice %select_n3A_2423 {offsets = [3, 0], sizes = [5, 2560], strides = [1, 1]} : vector<20x2560xf32> to vector<5x2560xf32>
    %broadcast_in_dim3A_2451 = vector.shape_cast %eq3A_2449 : vector<2560xi1> to vector<1x2560xi1>
    %broadcast_in_dim3A_2452 = vector.broadcast %broadcast_in_dim3A_2451 : vector<1x2560xi1> to vector<5x2560xi1>
    %select_n3A_2453 = arith.select %broadcast_in_dim3A_2452, %slice3A_2450, %select_n3A_2446 : vector<5x2560xi1>, vector<5x2560xf32>
    %eq3A_2454 = arith.constant 4 : i32
    %eq3A_2455 = vector.broadcast %eq3A_2454 : i32 to vector<2560xi32>
    %eq3A_2456 = arith.cmpi eq, %and3A_2394, %eq3A_2455 : vector<2560xi32>
    %slice3A_2457 = vector.extract_strided_slice %select_n3A_2423 {offsets = [4, 0], sizes = [5, 2560], strides = [1, 1]} : vector<20x2560xf32> to vector<5x2560xf32>
    %broadcast_in_dim3A_2458 = vector.shape_cast %eq3A_2456 : vector<2560xi1> to vector<1x2560xi1>
    %broadcast_in_dim3A_2459 = vector.broadcast %broadcast_in_dim3A_2458 : vector<1x2560xi1> to vector<5x2560xi1>
    %select_n3A_2460 = arith.select %broadcast_in_dim3A_2459, %slice3A_2457, %select_n3A_2453 : vector<5x2560xi1>, vector<5x2560xf32>
    %eq3A_2461 = arith.constant 5 : i32
    %eq3A_2462 = vector.broadcast %eq3A_2461 : i32 to vector<2560xi32>
    %eq3A_2463 = arith.cmpi eq, %and3A_2394, %eq3A_2462 : vector<2560xi32>
    %slice3A_2464 = vector.extract_strided_slice %select_n3A_2423 {offsets = [5, 0], sizes = [5, 2560], strides = [1, 1]} : vector<20x2560xf32> to vector<5x2560xf32>
    %broadcast_in_dim3A_2465 = vector.shape_cast %eq3A_2463 : vector<2560xi1> to vector<1x2560xi1>
    %broadcast_in_dim3A_2466 = vector.broadcast %broadcast_in_dim3A_2465 : vector<1x2560xi1> to vector<5x2560xi1>
    %select_n3A_2467 = arith.select %broadcast_in_dim3A_2466, %slice3A_2464, %select_n3A_2460 : vector<5x2560xi1>, vector<5x2560xf32>
    %eq3A_2468 = arith.constant 6 : i32
    %eq3A_2469 = vector.broadcast %eq3A_2468 : i32 to vector<2560xi32>
    %eq3A_2470 = arith.cmpi eq, %and3A_2394, %eq3A_2469 : vector<2560xi32>
    %slice3A_2471 = vector.extract_strided_slice %select_n3A_2423 {offsets = [6, 0], sizes = [5, 2560], strides = [1, 1]} : vector<20x2560xf32> to vector<5x2560xf32>
    %broadcast_in_dim3A_2472 = vector.shape_cast %eq3A_2470 : vector<2560xi1> to vector<1x2560xi1>
    %broadcast_in_dim3A_2473 = vector.broadcast %broadcast_in_dim3A_2472 : vector<1x2560xi1> to vector<5x2560xi1>
    %select_n3A_2474 = arith.select %broadcast_in_dim3A_2473, %slice3A_2471, %select_n3A_2467 : vector<5x2560xi1>, vector<5x2560xf32>
    %eq3A_2475 = arith.constant 7 : i32
    %eq3A_2476 = vector.broadcast %eq3A_2475 : i32 to vector<2560xi32>
    %eq3A_2477 = arith.cmpi eq, %and3A_2394, %eq3A_2476 : vector<2560xi32>
    %slice3A_2478 = vector.extract_strided_slice %select_n3A_2423 {offsets = [7, 0], sizes = [5, 2560], strides = [1, 1]} : vector<20x2560xf32> to vector<5x2560xf32>
    %broadcast_in_dim3A_2479 = vector.shape_cast %eq3A_2477 : vector<2560xi1> to vector<1x2560xi1>
    %broadcast_in_dim3A_2480 = vector.broadcast %broadcast_in_dim3A_2479 : vector<1x2560xi1> to vector<5x2560xi1>
    %select_n3A_2481 = arith.select %broadcast_in_dim3A_2480, %slice3A_2478, %select_n3A_2474 : vector<5x2560xi1>, vector<5x2560xf32>
    %eq3A_2482 = arith.constant 8 : i32
    %eq3A_2483 = vector.broadcast %eq3A_2482 : i32 to vector<2560xi32>
    %eq3A_2484 = arith.cmpi eq, %and3A_2394, %eq3A_2483 : vector<2560xi32>
    %slice3A_2485 = vector.extract_strided_slice %select_n3A_2423 {offsets = [8, 0], sizes = [5, 2560], strides = [1, 1]} : vector<20x2560xf32> to vector<5x2560xf32>
    %broadcast_in_dim3A_2486 = vector.shape_cast %eq3A_2484 : vector<2560xi1> to vector<1x2560xi1>
    %broadcast_in_dim3A_2487 = vector.broadcast %broadcast_in_dim3A_2486 : vector<1x2560xi1> to vector<5x2560xi1>
    %select_n3A_2488 = arith.select %broadcast_in_dim3A_2487, %slice3A_2485, %select_n3A_2481 : vector<5x2560xi1>, vector<5x2560xf32>
    %eq3A_2489 = arith.constant 9 : i32
    %eq3A_2490 = vector.broadcast %eq3A_2489 : i32 to vector<2560xi32>
    %eq3A_2491 = arith.cmpi eq, %and3A_2394, %eq3A_2490 : vector<2560xi32>
    %slice3A_2492 = vector.extract_strided_slice %select_n3A_2423 {offsets = [9, 0], sizes = [5, 2560], strides = [1, 1]} : vector<20x2560xf32> to vector<5x2560xf32>
    %broadcast_in_dim3A_2493 = vector.shape_cast %eq3A_2491 : vector<2560xi1> to vector<1x2560xi1>
    %broadcast_in_dim3A_2494 = vector.broadcast %broadcast_in_dim3A_2493 : vector<1x2560xi1> to vector<5x2560xi1>
    %select_n3A_2495 = arith.select %broadcast_in_dim3A_2494, %slice3A_2492, %select_n3A_2488 : vector<5x2560xi1>, vector<5x2560xf32>
    %eq3A_2496 = arith.constant 10 : i32
    %eq3A_2497 = vector.broadcast %eq3A_2496 : i32 to vector<2560xi32>
    %eq3A_2498 = arith.cmpi eq, %and3A_2394, %eq3A_2497 : vector<2560xi32>
    %slice3A_2499 = vector.extract_strided_slice %select_n3A_2423 {offsets = [10, 0], sizes = [5, 2560], strides = [1, 1]} : vector<20x2560xf32> to vector<5x2560xf32>
    %broadcast_in_dim3A_2500 = vector.shape_cast %eq3A_2498 : vector<2560xi1> to vector<1x2560xi1>
    %broadcast_in_dim3A_2501 = vector.broadcast %broadcast_in_dim3A_2500 : vector<1x2560xi1> to vector<5x2560xi1>
    %select_n3A_2502 = arith.select %broadcast_in_dim3A_2501, %slice3A_2499, %select_n3A_2495 : vector<5x2560xi1>, vector<5x2560xf32>
    %eq3A_2503 = arith.constant 11 : i32
    %eq3A_2504 = vector.broadcast %eq3A_2503 : i32 to vector<2560xi32>
    %eq3A_2505 = arith.cmpi eq, %and3A_2394, %eq3A_2504 : vector<2560xi32>
    %slice3A_2506 = vector.extract_strided_slice %select_n3A_2423 {offsets = [11, 0], sizes = [5, 2560], strides = [1, 1]} : vector<20x2560xf32> to vector<5x2560xf32>
    %broadcast_in_dim3A_2507 = vector.shape_cast %eq3A_2505 : vector<2560xi1> to vector<1x2560xi1>
    %broadcast_in_dim3A_2508 = vector.broadcast %broadcast_in_dim3A_2507 : vector<1x2560xi1> to vector<5x2560xi1>
    %select_n3A_2509 = arith.select %broadcast_in_dim3A_2508, %slice3A_2506, %select_n3A_2502 : vector<5x2560xi1>, vector<5x2560xf32>
    %eq3A_2510 = arith.constant 12 : i32
    %eq3A_2511 = vector.broadcast %eq3A_2510 : i32 to vector<2560xi32>
    %eq3A_2512 = arith.cmpi eq, %and3A_2394, %eq3A_2511 : vector<2560xi32>
    %slice3A_2513 = vector.extract_strided_slice %select_n3A_2423 {offsets = [12, 0], sizes = [5, 2560], strides = [1, 1]} : vector<20x2560xf32> to vector<5x2560xf32>
    %broadcast_in_dim3A_2514 = vector.shape_cast %eq3A_2512 : vector<2560xi1> to vector<1x2560xi1>
    %broadcast_in_dim3A_2515 = vector.broadcast %broadcast_in_dim3A_2514 : vector<1x2560xi1> to vector<5x2560xi1>
    %select_n3A_2516 = arith.select %broadcast_in_dim3A_2515, %slice3A_2513, %select_n3A_2509 : vector<5x2560xi1>, vector<5x2560xf32>
    %eq3A_2517 = arith.constant 13 : i32
    %eq3A_2518 = vector.broadcast %eq3A_2517 : i32 to vector<2560xi32>
    %eq3A_2519 = arith.cmpi eq, %and3A_2394, %eq3A_2518 : vector<2560xi32>
    %slice3A_2520 = vector.extract_strided_slice %select_n3A_2423 {offsets = [13, 0], sizes = [5, 2560], strides = [1, 1]} : vector<20x2560xf32> to vector<5x2560xf32>
    %broadcast_in_dim3A_2521 = vector.shape_cast %eq3A_2519 : vector<2560xi1> to vector<1x2560xi1>
    %broadcast_in_dim3A_2522 = vector.broadcast %broadcast_in_dim3A_2521 : vector<1x2560xi1> to vector<5x2560xi1>
    %select_n3A_2523 = arith.select %broadcast_in_dim3A_2522, %slice3A_2520, %select_n3A_2516 : vector<5x2560xi1>, vector<5x2560xf32>
    %eq3A_2524 = arith.constant 14 : i32
    %eq3A_2525 = vector.broadcast %eq3A_2524 : i32 to vector<2560xi32>
    %eq3A_2526 = arith.cmpi eq, %and3A_2394, %eq3A_2525 : vector<2560xi32>
    %slice3A_2527 = vector.extract_strided_slice %select_n3A_2423 {offsets = [14, 0], sizes = [5, 2560], strides = [1, 1]} : vector<20x2560xf32> to vector<5x2560xf32>
    %broadcast_in_dim3A_2528 = vector.shape_cast %eq3A_2526 : vector<2560xi1> to vector<1x2560xi1>
    %broadcast_in_dim3A_2529 = vector.broadcast %broadcast_in_dim3A_2528 : vector<1x2560xi1> to vector<5x2560xi1>
    %select_n3A_2530 = arith.select %broadcast_in_dim3A_2529, %slice3A_2527, %select_n3A_2523 : vector<5x2560xi1>, vector<5x2560xf32>
    %eq3A_2531 = arith.constant 15 : i32
    %eq3A_2532 = vector.broadcast %eq3A_2531 : i32 to vector<2560xi32>
    %eq3A_2533 = arith.cmpi eq, %and3A_2394, %eq3A_2532 : vector<2560xi32>
    %slice3A_2534 = vector.extract_strided_slice %select_n3A_2423 {offsets = [15, 0], sizes = [5, 2560], strides = [1, 1]} : vector<20x2560xf32> to vector<5x2560xf32>
    %broadcast_in_dim3A_2535 = vector.shape_cast %eq3A_2533 : vector<2560xi1> to vector<1x2560xi1>
    %broadcast_in_dim3A_2536 = vector.broadcast %broadcast_in_dim3A_2535 : vector<1x2560xi1> to vector<5x2560xi1>
    %select_n3A_2537 = arith.select %broadcast_in_dim3A_2536, %slice3A_2534, %select_n3A_2530 : vector<5x2560xi1>, vector<5x2560xf32>
    %slice3A_2538 = vector.extract_strided_slice %select_n3A_2537 {offsets = [0, 0], sizes = [5, 2400], strides = [1, 1]} : vector<5x2560xf32> to vector<5x2400xf32>
    %slice3A_2539 = vector.extract_strided_slice %slice3A_2538 {offsets = [0, 0], sizes = [1, 2400], strides = [1, 1]} : vector<5x2400xf32> to vector<1x2400xf32>
    %squeeze3A_2540 = vector.shape_cast %slice3A_2539 : vector<1x2400xf32> to vector<2400xf32>
    %neg3A_2541 = arith.constant 0.000000e+00 : f32
    %neg3A_2542 = vector.broadcast %neg3A_2541 : f32 to vector<2400xf32>
    %neg3A_2543 = arith.subf %neg3A_2542, %squeeze3A_2540 : vector<2400xf32>
    %exp3A_2544 = math.exp %neg3A_2543 : vector<2400xf32>
    %add3A_2545 = arith.constant 1.000000e+00 : f32
    %add3A_2546 = vector.broadcast %add3A_2545 : f32 to vector<2400xf32>
    %add3A_2547 = arith.addf %add3A_2546, %exp3A_2544 : vector<2400xf32>
    %div3A_2548 = arith.constant 1.000000e+00 : f32
    %div3A_2549 = vector.broadcast %div3A_2548 : f32 to vector<2400xf32>
    %div3A_2550 = arith.divf %div3A_2549, %add3A_2547 : vector<2400xf32>
    %slice3A_2551 = vector.extract_strided_slice %slice3A_2538 {offsets = [1, 0], sizes = [1, 2400], strides = [1, 1]} : vector<5x2400xf32> to vector<1x2400xf32>
    %squeeze3A_2552 = vector.shape_cast %slice3A_2551 : vector<1x2400xf32> to vector<2400xf32>
    %neg3A_2553 = arith.constant 0.000000e+00 : f32
    %neg3A_2554 = vector.broadcast %neg3A_2553 : f32 to vector<2400xf32>
    %neg3A_2555 = arith.subf %neg3A_2554, %squeeze3A_2552 : vector<2400xf32>
    %exp3A_2556 = math.exp %neg3A_2555 : vector<2400xf32>
    %add3A_2557 = arith.constant 1.000000e+00 : f32
    %add3A_2558 = vector.broadcast %add3A_2557 : f32 to vector<2400xf32>
    %add3A_2559 = arith.addf %add3A_2558, %exp3A_2556 : vector<2400xf32>
    %div3A_2560 = arith.constant 1.000000e+00 : f32
    %div3A_2561 = vector.broadcast %div3A_2560 : f32 to vector<2400xf32>
    %div3A_2562 = arith.divf %div3A_2561, %add3A_2559 : vector<2400xf32>
    %slice3A_2563 = vector.extract_strided_slice %slice3A_2538 {offsets = [2, 0], sizes = [1, 2400], strides = [1, 1]} : vector<5x2400xf32> to vector<1x2400xf32>
    %squeeze3A_2564 = vector.shape_cast %slice3A_2563 : vector<1x2400xf32> to vector<2400xf32>
    %exp3A_2565 = math.exp %squeeze3A_2564 : vector<2400xf32>
    %min3A_2566 = arith.constant 1.000000e+03 : f32
    %min3A_2567 = vector.broadcast %min3A_2566 : f32 to vector<2400xf32>
    %min3A_2568 = arith.minimumf %exp3A_2565, %min3A_2567 : vector<2400xf32>
    %get3A_2569 = arith.constant 2 : index
    %get3A_2570 = arith.constant 0 : index
    %get3A_2571 = arith.constant 0 : index
    %get3A_2572 = vector.load %arg7[%get3A_2569, %get3A_2570, %get3A_2571] : memref<3x2x2400xf32, #tpu.memory_space<vmem>>, vector<1x1x2400xf32>
    %get3A_2573 = vector.shape_cast %get3A_2572 : vector<1x1x2400xf32> to vector<2400xf32>
    %mul3A_2574 = arith.mulf %min3A_2568, %get3A_2573 : vector<2400xf32>
    %slice3A_2575 = vector.extract_strided_slice %slice3A_2538 {offsets = [3, 0], sizes = [1, 2400], strides = [1, 1]} : vector<5x2400xf32> to vector<1x2400xf32>
    %squeeze3A_2576 = vector.shape_cast %slice3A_2575 : vector<1x2400xf32> to vector<2400xf32>
    %exp3A_2577 = math.exp %squeeze3A_2576 : vector<2400xf32>
    %min3A_2578 = arith.constant 1.000000e+03 : f32
    %min3A_2579 = vector.broadcast %min3A_2578 : f32 to vector<2400xf32>
    %min3A_2580 = arith.minimumf %exp3A_2577, %min3A_2579 : vector<2400xf32>
    %get3A_2581 = arith.constant 2 : index
    %get3A_2582 = arith.constant 1 : index
    %get3A_2583 = arith.constant 0 : index
    %get3A_2584 = vector.load %arg7[%get3A_2581, %get3A_2582, %get3A_2583] : memref<3x2x2400xf32, #tpu.memory_space<vmem>>, vector<1x1x2400xf32>
    %get3A_2585 = vector.shape_cast %get3A_2584 : vector<1x1x2400xf32> to vector<2400xf32>
    %mul3A_2586 = arith.mulf %min3A_2580, %get3A_2585 : vector<2400xf32>
    %get3A_2587 = arith.constant 2 : index
    %get3A_2588 = arith.constant 0 : index
    %get3A_2589 = arith.constant 0 : index
    %get3A_2590 = vector.load %arg6[%get3A_2587, %get3A_2588, %get3A_2589] : memref<3x4x2400xf32, #tpu.memory_space<vmem>>, vector<1x1x2400xf32>
    %get3A_2591 = vector.shape_cast %get3A_2590 : vector<1x1x2400xf32> to vector<2400xf32>
    %get3A_2592 = arith.constant 2 : index
    %get3A_2593 = arith.constant 1 : index
    %get3A_2594 = arith.constant 0 : index
    %get3A_2595 = vector.load %arg6[%get3A_2592, %get3A_2593, %get3A_2594] : memref<3x4x2400xf32, #tpu.memory_space<vmem>>, vector<1x1x2400xf32>
    %get3A_2596 = vector.shape_cast %get3A_2595 : vector<1x1x2400xf32> to vector<2400xf32>
    %get3A_2597 = arith.constant 2 : index
    %get3A_2598 = arith.constant 2 : index
    %get3A_2599 = arith.constant 0 : index
    %get3A_2600 = vector.load %arg6[%get3A_2597, %get3A_2598, %get3A_2599] : memref<3x4x2400xf32, #tpu.memory_space<vmem>>, vector<1x1x2400xf32>
    %get3A_2601 = vector.shape_cast %get3A_2600 : vector<1x1x2400xf32> to vector<2400xf32>
    %get3A_2602 = arith.constant 2 : index
    %get3A_2603 = arith.constant 3 : index
    %get3A_2604 = arith.constant 0 : index
    %get3A_2605 = vector.load %arg6[%get3A_2602, %get3A_2603, %get3A_2604] : memref<3x4x2400xf32, #tpu.memory_space<vmem>>, vector<1x1x2400xf32>
    %get3A_2606 = vector.shape_cast %get3A_2605 : vector<1x1x2400xf32> to vector<2400xf32>
    %mul3A_2607 = arith.constant 5.000000e-01 : f32
    %mul3A_2608 = vector.broadcast %mul3A_2607 : f32 to vector<2400xf32>
    %mul3A_2609 = arith.mulf %mul3A_2574, %mul3A_2608 : vector<2400xf32>
    %sub3A_2610 = arith.subf %div3A_2550, %mul3A_2609 : vector<2400xf32>
    %mul3A_2611 = arith.constant 5.000000e-01 : f32
    %mul3A_2612 = vector.broadcast %mul3A_2611 : f32 to vector<2400xf32>
    %mul3A_2613 = arith.mulf %get3A_2601, %mul3A_2612 : vector<2400xf32>
    %sub3A_2614 = arith.subf %get3A_2591, %mul3A_2613 : vector<2400xf32>
    %max3A_2615 = arith.maximumf %sub3A_2610, %sub3A_2614 : vector<2400xf32>
    %mul3A_2616 = arith.constant 5.000000e-01 : f32
    %mul3A_2617 = vector.broadcast %mul3A_2616 : f32 to vector<2400xf32>
    %mul3A_2618 = arith.mulf %mul3A_2586, %mul3A_2617 : vector<2400xf32>
    %sub3A_2619 = arith.subf %div3A_2562, %mul3A_2618 : vector<2400xf32>
    %mul3A_2620 = arith.constant 5.000000e-01 : f32
    %mul3A_2621 = vector.broadcast %mul3A_2620 : f32 to vector<2400xf32>
    %mul3A_2622 = arith.mulf %get3A_2606, %mul3A_2621 : vector<2400xf32>
    %sub3A_2623 = arith.subf %get3A_2596, %mul3A_2622 : vector<2400xf32>
    %max3A_2624 = arith.maximumf %sub3A_2619, %sub3A_2623 : vector<2400xf32>
    %mul3A_2625 = arith.constant 5.000000e-01 : f32
    %mul3A_2626 = vector.broadcast %mul3A_2625 : f32 to vector<2400xf32>
    %mul3A_2627 = arith.mulf %mul3A_2574, %mul3A_2626 : vector<2400xf32>
    %add3A_2628 = arith.addf %div3A_2550, %mul3A_2627 : vector<2400xf32>
    %mul3A_2629 = arith.constant 5.000000e-01 : f32
    %mul3A_2630 = vector.broadcast %mul3A_2629 : f32 to vector<2400xf32>
    %mul3A_2631 = arith.mulf %get3A_2601, %mul3A_2630 : vector<2400xf32>
    %add3A_2632 = arith.addf %get3A_2591, %mul3A_2631 : vector<2400xf32>
    %min3A_2633 = arith.minimumf %add3A_2628, %add3A_2632 : vector<2400xf32>
    %mul3A_2634 = arith.constant 5.000000e-01 : f32
    %mul3A_2635 = vector.broadcast %mul3A_2634 : f32 to vector<2400xf32>
    %mul3A_2636 = arith.mulf %mul3A_2586, %mul3A_2635 : vector<2400xf32>
    %add3A_2637 = arith.addf %div3A_2562, %mul3A_2636 : vector<2400xf32>
    %mul3A_2638 = arith.constant 5.000000e-01 : f32
    %mul3A_2639 = vector.broadcast %mul3A_2638 : f32 to vector<2400xf32>
    %mul3A_2640 = arith.mulf %get3A_2606, %mul3A_2639 : vector<2400xf32>
    %add3A_2641 = arith.addf %get3A_2596, %mul3A_2640 : vector<2400xf32>
    %min3A_2642 = arith.minimumf %add3A_2637, %add3A_2641 : vector<2400xf32>
    %lt3A_2643 = arith.cmpf olt, %max3A_2615, %min3A_2633 : vector<2400xf32>
    %lt3A_2644 = arith.cmpf olt, %max3A_2624, %min3A_2642 : vector<2400xf32>
    %and3A_2645 = arith.andi %lt3A_2643, %lt3A_2644 : vector<2400xi1>
    %convert_element_type3A_2646 = arith.extui %and3A_2645 : vector<2400xi1> to vector<2400xi32>
    %convert_element_type3A_2647 = arith.sitofp %convert_element_type3A_2646 : vector<2400xi32> to vector<2400xf32>
    %sub3A_2648 = arith.subf %min3A_2633, %max3A_2615 : vector<2400xf32>
    %sub3A_2649 = arith.subf %min3A_2642, %max3A_2624 : vector<2400xf32>
    %mul3A_2650 = arith.mulf %sub3A_2648, %sub3A_2649 : vector<2400xf32>
    %mul3A_2651 = arith.mulf %mul3A_2650, %convert_element_type3A_2647 : vector<2400xf32>
    %mul3A_2652 = arith.mulf %mul3A_2574, %mul3A_2586 : vector<2400xf32>
    %mul3A_2653 = arith.mulf %get3A_2601, %get3A_2606 : vector<2400xf32>
    %add3A_2654 = arith.addf %mul3A_2652, %mul3A_2653 : vector<2400xf32>
    %sub3A_2655 = arith.subf %add3A_2654, %mul3A_2651 : vector<2400xf32>
    %div3A_2656 = arith.divf %mul3A_2651, %sub3A_2655 : vector<2400xf32>
    %gt3A_2657 = arith.constant 0.000000e+00 : f32
    %gt3A_2658 = vector.broadcast %gt3A_2657 : f32 to vector<2400xf32>
    %gt3A_2659 = arith.cmpf ogt, %get3A_2398, %gt3A_2658 : vector<2400xf32>
    %sub3A_2660 = arith.constant 1.000000e+00 : f32
    %sub3A_2661 = vector.broadcast %sub3A_2660 : f32 to vector<2400xf32>
    %sub3A_2662 = arith.subf %sub3A_2661, %div3A_2656 : vector<2400xf32>
    %jit3A_2663 = arith.constant 0.000000e+00 : f32
    %broadcast_in_dim3A_2664 = vector.broadcast %jit3A_2663 : f32 to vector<2400xf32>
    %select_n3A_2665 = arith.select %gt3A_2659, %sub3A_2662, %broadcast_in_dim3A_2664 : vector<2400xi1>, vector<2400xf32>
    %reduce_sum3A_2666 = vector.shape_cast %select_n3A_2665 : vector<2400xf32> to vector<1x2400xf32>
    %reduce_sum3A_2667 = arith.constant dense<0.000000e+00> : vector<1xf32>
    %reduce_sum3A_2668 = vector.multi_reduction <add>, %reduce_sum3A_2666, %reduce_sum3A_2667 [1] : vector<1x2400xf32> to vector<1xf32>
    %reduce_sum3A_2669 = vector.shape_cast %reduce_sum3A_2668 : vector<1xf32> to vector<1x1xf32>
    %reduce_sum3A_2670 = vector.extract %reduce_sum3A_2669[0, 0] : f32 from vector<1x1xf32>
    %div3A_2671 = arith.divf %reduce_sum3A_2670, %reduce_sum3A_2403 : f32
    %add3A_2672 = arith.addf %add3A_1469, %div3A_2671 : f32
    %slice3A_2673 = vector.extract_strided_slice %slice3A_2538 {offsets = [4, 0], sizes = [1, 2400], strides = [1, 1]} : vector<5x2400xf32> to vector<1x2400xf32>
    %squeeze3A_2674 = vector.shape_cast %slice3A_2673 : vector<1x2400xf32> to vector<2400xf32>
    %get3A_2675 = arith.constant 2 : index
    %get3A_2676 = arith.constant 0 : index
    %get3A_2677 = vector.load %arg4[%get3A_2675, %get3A_2676] : memref<3x2400xf32, #tpu.memory_space<vmem>>, vector<1x2400xf32>
    %get3A_2678 = vector.shape_cast %get3A_2677 : vector<1x2400xf32> to vector<2400xf32>
    %gt3A_2679 = arith.constant 0.000000e+00 : f32
    %gt3A_2680 = vector.broadcast %gt3A_2679 : f32 to vector<2400xf32>
    %gt3A_2681 = arith.cmpf ogt, %get3A_2678, %gt3A_2680 : vector<2400xf32>
    %neg3A_2682 = arith.constant 0.000000e+00 : f32
    %neg3A_2683 = vector.broadcast %neg3A_2682 : f32 to vector<2400xf32>
    %neg3A_2684 = arith.subf %neg3A_2683, %squeeze3A_2674 : vector<2400xf32>
    %max3A_2685 = arith.constant 0.000000e+00 : f32
    %max3A_2686 = vector.broadcast %max3A_2685 : f32 to vector<2400xf32>
    %max3A_2687 = arith.maximumf %neg3A_2684, %max3A_2686 : vector<2400xf32>
    %abs3A_2688 = math.absf %neg3A_2684 : vector<2400xf32>
    %neg3A_2689 = arith.constant 0.000000e+00 : f32
    %neg3A_2690 = vector.broadcast %neg3A_2689 : f32 to vector<2400xf32>
    %neg3A_2691 = arith.subf %neg3A_2690, %abs3A_2688 : vector<2400xf32>
    %exp3A_2692 = math.exp %neg3A_2691 : vector<2400xf32>
    %log1p3A_2693 = math.log1p %exp3A_2692 : vector<2400xf32>
    %add3A_2694 = arith.addf %max3A_2687, %log1p3A_2693 : vector<2400xf32>
    %max3A_2695 = arith.constant 0.000000e+00 : f32
    %max3A_2696 = vector.broadcast %max3A_2695 : f32 to vector<2400xf32>
    %max3A_2697 = arith.maximumf %squeeze3A_2674, %max3A_2696 : vector<2400xf32>
    %abs3A_2698 = math.absf %squeeze3A_2674 : vector<2400xf32>
    %neg3A_2699 = arith.constant 0.000000e+00 : f32
    %neg3A_2700 = vector.broadcast %neg3A_2699 : f32 to vector<2400xf32>
    %neg3A_2701 = arith.subf %neg3A_2700, %abs3A_2698 : vector<2400xf32>
    %exp3A_2702 = math.exp %neg3A_2701 : vector<2400xf32>
    %log1p3A_2703 = math.log1p %exp3A_2702 : vector<2400xf32>
    %add3A_2704 = arith.addf %max3A_2697, %log1p3A_2703 : vector<2400xf32>
    %sub3A_2705 = arith.subf %add3A_2694, %add3A_2704 : vector<2400xf32>
    %jit3A_2706 = arith.constant 0.000000e+00 : f32
    %broadcast_in_dim3A_2707 = vector.broadcast %jit3A_2706 : f32 to vector<2400xf32>
    %select_n3A_2708 = arith.select %gt3A_2681, %sub3A_2705, %broadcast_in_dim3A_2707 : vector<2400xi1>, vector<2400xf32>
    %reduce_sum3A_2709 = vector.shape_cast %select_n3A_2708 : vector<2400xf32> to vector<1x2400xf32>
    %reduce_sum3A_2710 = arith.constant dense<0.000000e+00> : vector<1xf32>
    %reduce_sum3A_2711 = vector.multi_reduction <add>, %reduce_sum3A_2709, %reduce_sum3A_2710 [1] : vector<1x2400xf32> to vector<1xf32>
    %reduce_sum3A_2712 = vector.shape_cast %reduce_sum3A_2711 : vector<1xf32> to vector<1x1xf32>
    %reduce_sum3A_2713 = vector.extract %reduce_sum3A_2712[0, 0] : f32 from vector<1x1xf32>
    %get3A_2714 = arith.constant 0 : index
    %get3A_2715 = arith.constant 0 : index
    %get3A_2716 = vector.load %arg11[%get3A_2714, %get3A_2715] : memref<1x1xf32, #tpu.memory_space<vmem>>, vector<1x1xf32>
    %squeeze3A_2717 = vector.extract %get3A_2716[0, 0] : f32 from vector<1x1xf32>
    %add3A_2718 = arith.addf %squeeze3A_2717, %reduce_sum3A_2713 : f32
    %mul3A_2719 = arith.constant 8.13802107E-5 : f32
    %mul3A_2720 = arith.mulf %add3A_2718, %mul3A_2719 : f32
    %add3A_2721 = arith.addf %add3A_1518, %mul3A_2720 : f32
    %get3A_2722 = arith.constant 2 : index
    %get3A_2723 = arith.constant 0 : index
    %get3A_2724 = vector.load %arg8[%get3A_2722, %get3A_2723] : memref<3x2400xi32, #tpu.memory_space<vmem>>, vector<1x2400xi32>
    %get3A_2725 = vector.shape_cast %get3A_2724 : vector<1x2400xi32> to vector<2400xi32>
    %broadcast_in_dim3A_2726 = arith.constant 0.000000e+00 : f32
    %broadcast_in_dim3A_2727 = vector.broadcast %broadcast_in_dim3A_2726 : f32 to vector<2400xf32>
    %broadcast_in_dim3A_2728 = arith.constant 0.000000e+00 : f32
    %broadcast_in_dim3A_2729 = vector.broadcast %broadcast_in_dim3A_2728 : f32 to vector<31x2560xf32>
    %eq3A_2730 = arith.constant 0 : i32
    %eq3A_2731 = vector.broadcast %eq3A_2730 : i32 to vector<2560xi32>
    %eq3A_2732 = arith.cmpi eq, %shift_right_logical3A_2391, %eq3A_2731 : vector<2560xi32>
    %get3A_2733 = arith.constant 5 : index
    %get3A_2734 = arith.constant 0 : index
    %get3A_2735 = vector.load %arg2[%get3A_2733, %get3A_2734] : memref<128x2560xf32, #tpu.memory_space<vmem>>, vector<31x2560xf32>
    %broadcast_in_dim3A_2736 = vector.shape_cast %eq3A_2732 : vector<2560xi1> to vector<1x2560xi1>
    %broadcast_in_dim3A_2737 = vector.broadcast %broadcast_in_dim3A_2736 : vector<1x2560xi1> to vector<31x2560xi1>
    %select_n3A_2738 = arith.select %broadcast_in_dim3A_2737, %get3A_2735, %broadcast_in_dim3A_2729 : vector<31x2560xi1>, vector<31x2560xf32>
    %eq3A_2739 = arith.constant 1 : i32
    %eq3A_2740 = vector.broadcast %eq3A_2739 : i32 to vector<2560xi32>
    %eq3A_2741 = arith.cmpi eq, %shift_right_logical3A_2391, %eq3A_2740 : vector<2560xi32>
    %get3A_2742 = arith.constant 21 : index
    %get3A_2743 = arith.constant 0 : index
    %get3A_2744 = vector.load %arg2[%get3A_2742, %get3A_2743] : memref<128x2560xf32, #tpu.memory_space<vmem>>, vector<31x2560xf32>
    %broadcast_in_dim3A_2745 = vector.shape_cast %eq3A_2741 : vector<2560xi1> to vector<1x2560xi1>
    %broadcast_in_dim3A_2746 = vector.broadcast %broadcast_in_dim3A_2745 : vector<1x2560xi1> to vector<31x2560xi1>
    %select_n3A_2747 = arith.select %broadcast_in_dim3A_2746, %get3A_2744, %select_n3A_2738 : vector<31x2560xi1>, vector<31x2560xf32>
    %broadcast_in_dim3A_2748 = arith.constant 0.000000e+00 : f32
    %broadcast_in_dim3A_2749 = vector.broadcast %broadcast_in_dim3A_2748 : f32 to vector<16x2560xf32>
    %eq3A_2750 = arith.constant 0 : i32
    %eq3A_2751 = vector.broadcast %eq3A_2750 : i32 to vector<2560xi32>
    %eq3A_2752 = arith.cmpi eq, %and3A_2394, %eq3A_2751 : vector<2560xi32>
    %slice3A_2753 = vector.extract_strided_slice %select_n3A_2747 {offsets = [0, 0], sizes = [16, 2560], strides = [1, 1]} : vector<31x2560xf32> to vector<16x2560xf32>
    %broadcast_in_dim3A_2754 = vector.shape_cast %eq3A_2752 : vector<2560xi1> to vector<1x2560xi1>
    %broadcast_in_dim3A_2755 = vector.broadcast %broadcast_in_dim3A_2754 : vector<1x2560xi1> to vector<16x2560xi1>
    %select_n3A_2756 = arith.select %broadcast_in_dim3A_2755, %slice3A_2753, %broadcast_in_dim3A_2749 : vector<16x2560xi1>, vector<16x2560xf32>
    %eq3A_2757 = arith.constant 1 : i32
    %eq3A_2758 = vector.broadcast %eq3A_2757 : i32 to vector<2560xi32>
    %eq3A_2759 = arith.cmpi eq, %and3A_2394, %eq3A_2758 : vector<2560xi32>
    %slice3A_2760 = vector.extract_strided_slice %select_n3A_2747 {offsets = [1, 0], sizes = [16, 2560], strides = [1, 1]} : vector<31x2560xf32> to vector<16x2560xf32>
    %broadcast_in_dim3A_2761 = vector.shape_cast %eq3A_2759 : vector<2560xi1> to vector<1x2560xi1>
    %broadcast_in_dim3A_2762 = vector.broadcast %broadcast_in_dim3A_2761 : vector<1x2560xi1> to vector<16x2560xi1>
    %select_n3A_2763 = arith.select %broadcast_in_dim3A_2762, %slice3A_2760, %select_n3A_2756 : vector<16x2560xi1>, vector<16x2560xf32>
    %eq3A_2764 = arith.constant 2 : i32
    %eq3A_2765 = vector.broadcast %eq3A_2764 : i32 to vector<2560xi32>
    %eq3A_2766 = arith.cmpi eq, %and3A_2394, %eq3A_2765 : vector<2560xi32>
    %slice3A_2767 = vector.extract_strided_slice %select_n3A_2747 {offsets = [2, 0], sizes = [16, 2560], strides = [1, 1]} : vector<31x2560xf32> to vector<16x2560xf32>
    %broadcast_in_dim3A_2768 = vector.shape_cast %eq3A_2766 : vector<2560xi1> to vector<1x2560xi1>
    %broadcast_in_dim3A_2769 = vector.broadcast %broadcast_in_dim3A_2768 : vector<1x2560xi1> to vector<16x2560xi1>
    %select_n3A_2770 = arith.select %broadcast_in_dim3A_2769, %slice3A_2767, %select_n3A_2763 : vector<16x2560xi1>, vector<16x2560xf32>
    %eq3A_2771 = arith.constant 3 : i32
    %eq3A_2772 = vector.broadcast %eq3A_2771 : i32 to vector<2560xi32>
    %eq3A_2773 = arith.cmpi eq, %and3A_2394, %eq3A_2772 : vector<2560xi32>
    %slice3A_2774 = vector.extract_strided_slice %select_n3A_2747 {offsets = [3, 0], sizes = [16, 2560], strides = [1, 1]} : vector<31x2560xf32> to vector<16x2560xf32>
    %broadcast_in_dim3A_2775 = vector.shape_cast %eq3A_2773 : vector<2560xi1> to vector<1x2560xi1>
    %broadcast_in_dim3A_2776 = vector.broadcast %broadcast_in_dim3A_2775 : vector<1x2560xi1> to vector<16x2560xi1>
    %select_n3A_2777 = arith.select %broadcast_in_dim3A_2776, %slice3A_2774, %select_n3A_2770 : vector<16x2560xi1>, vector<16x2560xf32>
    %eq3A_2778 = arith.constant 4 : i32
    %eq3A_2779 = vector.broadcast %eq3A_2778 : i32 to vector<2560xi32>
    %eq3A_2780 = arith.cmpi eq, %and3A_2394, %eq3A_2779 : vector<2560xi32>
    %slice3A_2781 = vector.extract_strided_slice %select_n3A_2747 {offsets = [4, 0], sizes = [16, 2560], strides = [1, 1]} : vector<31x2560xf32> to vector<16x2560xf32>
    %broadcast_in_dim3A_2782 = vector.shape_cast %eq3A_2780 : vector<2560xi1> to vector<1x2560xi1>
    %broadcast_in_dim3A_2783 = vector.broadcast %broadcast_in_dim3A_2782 : vector<1x2560xi1> to vector<16x2560xi1>
    %select_n3A_2784 = arith.select %broadcast_in_dim3A_2783, %slice3A_2781, %select_n3A_2777 : vector<16x2560xi1>, vector<16x2560xf32>
    %eq3A_2785 = arith.constant 5 : i32
    %eq3A_2786 = vector.broadcast %eq3A_2785 : i32 to vector<2560xi32>
    %eq3A_2787 = arith.cmpi eq, %and3A_2394, %eq3A_2786 : vector<2560xi32>
    %slice3A_2788 = vector.extract_strided_slice %select_n3A_2747 {offsets = [5, 0], sizes = [16, 2560], strides = [1, 1]} : vector<31x2560xf32> to vector<16x2560xf32>
    %broadcast_in_dim3A_2789 = vector.shape_cast %eq3A_2787 : vector<2560xi1> to vector<1x2560xi1>
    %broadcast_in_dim3A_2790 = vector.broadcast %broadcast_in_dim3A_2789 : vector<1x2560xi1> to vector<16x2560xi1>
    %select_n3A_2791 = arith.select %broadcast_in_dim3A_2790, %slice3A_2788, %select_n3A_2784 : vector<16x2560xi1>, vector<16x2560xf32>
    %eq3A_2792 = arith.constant 6 : i32
    %eq3A_2793 = vector.broadcast %eq3A_2792 : i32 to vector<2560xi32>
    %eq3A_2794 = arith.cmpi eq, %and3A_2394, %eq3A_2793 : vector<2560xi32>
    %slice3A_2795 = vector.extract_strided_slice %select_n3A_2747 {offsets = [6, 0], sizes = [16, 2560], strides = [1, 1]} : vector<31x2560xf32> to vector<16x2560xf32>
    %broadcast_in_dim3A_2796 = vector.shape_cast %eq3A_2794 : vector<2560xi1> to vector<1x2560xi1>
    %broadcast_in_dim3A_2797 = vector.broadcast %broadcast_in_dim3A_2796 : vector<1x2560xi1> to vector<16x2560xi1>
    %select_n3A_2798 = arith.select %broadcast_in_dim3A_2797, %slice3A_2795, %select_n3A_2791 : vector<16x2560xi1>, vector<16x2560xf32>
    %eq3A_2799 = arith.constant 7 : i32
    %eq3A_2800 = vector.broadcast %eq3A_2799 : i32 to vector<2560xi32>
    %eq3A_2801 = arith.cmpi eq, %and3A_2394, %eq3A_2800 : vector<2560xi32>
    %slice3A_2802 = vector.extract_strided_slice %select_n3A_2747 {offsets = [7, 0], sizes = [16, 2560], strides = [1, 1]} : vector<31x2560xf32> to vector<16x2560xf32>
    %broadcast_in_dim3A_2803 = vector.shape_cast %eq3A_2801 : vector<2560xi1> to vector<1x2560xi1>
    %broadcast_in_dim3A_2804 = vector.broadcast %broadcast_in_dim3A_2803 : vector<1x2560xi1> to vector<16x2560xi1>
    %select_n3A_2805 = arith.select %broadcast_in_dim3A_2804, %slice3A_2802, %select_n3A_2798 : vector<16x2560xi1>, vector<16x2560xf32>
    %eq3A_2806 = arith.constant 8 : i32
    %eq3A_2807 = vector.broadcast %eq3A_2806 : i32 to vector<2560xi32>
    %eq3A_2808 = arith.cmpi eq, %and3A_2394, %eq3A_2807 : vector<2560xi32>
    %slice3A_2809 = vector.extract_strided_slice %select_n3A_2747 {offsets = [8, 0], sizes = [16, 2560], strides = [1, 1]} : vector<31x2560xf32> to vector<16x2560xf32>
    %broadcast_in_dim3A_2810 = vector.shape_cast %eq3A_2808 : vector<2560xi1> to vector<1x2560xi1>
    %broadcast_in_dim3A_2811 = vector.broadcast %broadcast_in_dim3A_2810 : vector<1x2560xi1> to vector<16x2560xi1>
    %select_n3A_2812 = arith.select %broadcast_in_dim3A_2811, %slice3A_2809, %select_n3A_2805 : vector<16x2560xi1>, vector<16x2560xf32>
    %eq3A_2813 = arith.constant 9 : i32
    %eq3A_2814 = vector.broadcast %eq3A_2813 : i32 to vector<2560xi32>
    %eq3A_2815 = arith.cmpi eq, %and3A_2394, %eq3A_2814 : vector<2560xi32>
    %slice3A_2816 = vector.extract_strided_slice %select_n3A_2747 {offsets = [9, 0], sizes = [16, 2560], strides = [1, 1]} : vector<31x2560xf32> to vector<16x2560xf32>
    %broadcast_in_dim3A_2817 = vector.shape_cast %eq3A_2815 : vector<2560xi1> to vector<1x2560xi1>
    %broadcast_in_dim3A_2818 = vector.broadcast %broadcast_in_dim3A_2817 : vector<1x2560xi1> to vector<16x2560xi1>
    %select_n3A_2819 = arith.select %broadcast_in_dim3A_2818, %slice3A_2816, %select_n3A_2812 : vector<16x2560xi1>, vector<16x2560xf32>
    %eq3A_2820 = arith.constant 10 : i32
    %eq3A_2821 = vector.broadcast %eq3A_2820 : i32 to vector<2560xi32>
    %eq3A_2822 = arith.cmpi eq, %and3A_2394, %eq3A_2821 : vector<2560xi32>
    %slice3A_2823 = vector.extract_strided_slice %select_n3A_2747 {offsets = [10, 0], sizes = [16, 2560], strides = [1, 1]} : vector<31x2560xf32> to vector<16x2560xf32>
    %broadcast_in_dim3A_2824 = vector.shape_cast %eq3A_2822 : vector<2560xi1> to vector<1x2560xi1>
    %broadcast_in_dim3A_2825 = vector.broadcast %broadcast_in_dim3A_2824 : vector<1x2560xi1> to vector<16x2560xi1>
    %select_n3A_2826 = arith.select %broadcast_in_dim3A_2825, %slice3A_2823, %select_n3A_2819 : vector<16x2560xi1>, vector<16x2560xf32>
    %eq3A_2827 = arith.constant 11 : i32
    %eq3A_2828 = vector.broadcast %eq3A_2827 : i32 to vector<2560xi32>
    %eq3A_2829 = arith.cmpi eq, %and3A_2394, %eq3A_2828 : vector<2560xi32>
    %slice3A_2830 = vector.extract_strided_slice %select_n3A_2747 {offsets = [11, 0], sizes = [16, 2560], strides = [1, 1]} : vector<31x2560xf32> to vector<16x2560xf32>
    %broadcast_in_dim3A_2831 = vector.shape_cast %eq3A_2829 : vector<2560xi1> to vector<1x2560xi1>
    %broadcast_in_dim3A_2832 = vector.broadcast %broadcast_in_dim3A_2831 : vector<1x2560xi1> to vector<16x2560xi1>
    %select_n3A_2833 = arith.select %broadcast_in_dim3A_2832, %slice3A_2830, %select_n3A_2826 : vector<16x2560xi1>, vector<16x2560xf32>
    %eq3A_2834 = arith.constant 12 : i32
    %eq3A_2835 = vector.broadcast %eq3A_2834 : i32 to vector<2560xi32>
    %eq3A_2836 = arith.cmpi eq, %and3A_2394, %eq3A_2835 : vector<2560xi32>
    %slice3A_2837 = vector.extract_strided_slice %select_n3A_2747 {offsets = [12, 0], sizes = [16, 2560], strides = [1, 1]} : vector<31x2560xf32> to vector<16x2560xf32>
    %broadcast_in_dim3A_2838 = vector.shape_cast %eq3A_2836 : vector<2560xi1> to vector<1x2560xi1>
    %broadcast_in_dim3A_2839 = vector.broadcast %broadcast_in_dim3A_2838 : vector<1x2560xi1> to vector<16x2560xi1>
    %select_n3A_2840 = arith.select %broadcast_in_dim3A_2839, %slice3A_2837, %select_n3A_2833 : vector<16x2560xi1>, vector<16x2560xf32>
    %eq3A_2841 = arith.constant 13 : i32
    %eq3A_2842 = vector.broadcast %eq3A_2841 : i32 to vector<2560xi32>
    %eq3A_2843 = arith.cmpi eq, %and3A_2394, %eq3A_2842 : vector<2560xi32>
    %slice3A_2844 = vector.extract_strided_slice %select_n3A_2747 {offsets = [13, 0], sizes = [16, 2560], strides = [1, 1]} : vector<31x2560xf32> to vector<16x2560xf32>
    %broadcast_in_dim3A_2845 = vector.shape_cast %eq3A_2843 : vector<2560xi1> to vector<1x2560xi1>
    %broadcast_in_dim3A_2846 = vector.broadcast %broadcast_in_dim3A_2845 : vector<1x2560xi1> to vector<16x2560xi1>
    %select_n3A_2847 = arith.select %broadcast_in_dim3A_2846, %slice3A_2844, %select_n3A_2840 : vector<16x2560xi1>, vector<16x2560xf32>
    %eq3A_2848 = arith.constant 14 : i32
    %eq3A_2849 = vector.broadcast %eq3A_2848 : i32 to vector<2560xi32>
    %eq3A_2850 = arith.cmpi eq, %and3A_2394, %eq3A_2849 : vector<2560xi32>
    %slice3A_2851 = vector.extract_strided_slice %select_n3A_2747 {offsets = [14, 0], sizes = [16, 2560], strides = [1, 1]} : vector<31x2560xf32> to vector<16x2560xf32>
    %broadcast_in_dim3A_2852 = vector.shape_cast %eq3A_2850 : vector<2560xi1> to vector<1x2560xi1>
    %broadcast_in_dim3A_2853 = vector.broadcast %broadcast_in_dim3A_2852 : vector<1x2560xi1> to vector<16x2560xi1>
    %select_n3A_2854 = arith.select %broadcast_in_dim3A_2853, %slice3A_2851, %select_n3A_2847 : vector<16x2560xi1>, vector<16x2560xf32>
    %eq3A_2855 = arith.constant 15 : i32
    %eq3A_2856 = vector.broadcast %eq3A_2855 : i32 to vector<2560xi32>
    %eq3A_2857 = arith.cmpi eq, %and3A_2394, %eq3A_2856 : vector<2560xi32>
    %slice3A_2858 = vector.extract_strided_slice %select_n3A_2747 {offsets = [15, 0], sizes = [16, 2560], strides = [1, 1]} : vector<31x2560xf32> to vector<16x2560xf32>
    %broadcast_in_dim3A_2859 = vector.shape_cast %eq3A_2857 : vector<2560xi1> to vector<1x2560xi1>
    %broadcast_in_dim3A_2860 = vector.broadcast %broadcast_in_dim3A_2859 : vector<1x2560xi1> to vector<16x2560xi1>
    %select_n3A_2861 = arith.select %broadcast_in_dim3A_2860, %slice3A_2858, %select_n3A_2854 : vector<16x2560xi1>, vector<16x2560xf32>
    %slice3A_2862 = vector.extract_strided_slice %select_n3A_2861 {offsets = [0, 0], sizes = [16, 2400], strides = [1, 1]} : vector<16x2560xf32> to vector<16x2400xf32>
    %max3A_2863 = arith.constant 0.000000e+00 : f32
    %max3A_2864 = vector.broadcast %max3A_2863 : f32 to vector<16x2400xf32>
    %max3A_2865 = arith.maximumf %slice3A_2862, %max3A_2864 : vector<16x2400xf32>
    %abs3A_2866 = math.absf %slice3A_2862 : vector<16x2400xf32>
    %neg3A_2867 = arith.constant 0.000000e+00 : f32
    %neg3A_2868 = vector.broadcast %neg3A_2867 : f32 to vector<16x2400xf32>
    %neg3A_2869 = arith.subf %neg3A_2868, %abs3A_2866 : vector<16x2400xf32>
    %exp3A_2870 = math.exp %neg3A_2869 : vector<16x2400xf32>
    %log1p3A_2871 = math.log1p %exp3A_2870 : vector<16x2400xf32>
    %add3A_2872 = arith.addf %max3A_2865, %log1p3A_2871 : vector<16x2400xf32>
    %neg3A_2873 = arith.constant 0.000000e+00 : f32
    %neg3A_2874 = vector.broadcast %neg3A_2873 : f32 to vector<16x2400xf32>
    %neg3A_2875 = arith.subf %neg3A_2874, %slice3A_2862 : vector<16x2400xf32>
    %max3A_2876 = arith.constant 0.000000e+00 : f32
    %max3A_2877 = vector.broadcast %max3A_2876 : f32 to vector<16x2400xf32>
    %max3A_2878 = arith.maximumf %neg3A_2875, %max3A_2877 : vector<16x2400xf32>
    %abs3A_2879 = math.absf %neg3A_2875 : vector<16x2400xf32>
    %neg3A_2880 = arith.constant 0.000000e+00 : f32
    %neg3A_2881 = vector.broadcast %neg3A_2880 : f32 to vector<16x2400xf32>
    %neg3A_2882 = arith.subf %neg3A_2881, %abs3A_2879 : vector<16x2400xf32>
    %exp3A_2883 = math.exp %neg3A_2882 : vector<16x2400xf32>
    %log1p3A_2884 = math.log1p %exp3A_2883 : vector<16x2400xf32>
    %add3A_2885 = arith.addf %max3A_2878, %log1p3A_2884 : vector<16x2400xf32>
    %iota3A_2886 = tpu.iota {dimensions = array<i32: 0>} : vector<16x2400xi32>
    %add3A_2887 = arith.constant 0 : i32
    %add3A_2888 = vector.broadcast %add3A_2887 : i32 to vector<16x2400xi32>
    %add3A_2889 = arith.addi %iota3A_2886, %add3A_2888 : vector<16x2400xi32>
    %broadcast_in_dim3A_2890 = vector.shape_cast %get3A_2725 : vector<2400xi32> to vector<1x2400xi32>
    %eq3A_2891 = vector.broadcast %broadcast_in_dim3A_2890 : vector<1x2400xi32> to vector<16x2400xi32>
    %eq3A_2892 = arith.cmpi eq, %add3A_2889, %eq3A_2891 : vector<16x2400xi32>
    %select_n3A_2893 = arith.select %eq3A_2892, %add3A_2885, %add3A_2872 : vector<16x2400xi1>, vector<16x2400xf32>
    %reduce_sum3A_2894 = arith.constant dense<0.000000e+00> : vector<2400xf32>
    %reduce_sum3A_2895 = vector.multi_reduction <add>, %select_n3A_2893, %reduce_sum3A_2894 [0] : vector<16x2400xf32> to vector<2400xf32>
    %add3A_2896 = arith.addf %broadcast_in_dim3A_2727, %reduce_sum3A_2895 : vector<2400xf32>
    %broadcast_in_dim3A_2897 = arith.constant 0.000000e+00 : f32
    %broadcast_in_dim3A_2898 = vector.broadcast %broadcast_in_dim3A_2897 : f32 to vector<31x2560xf32>
    %eq3A_2899 = arith.constant 0 : i32
    %eq3A_2900 = vector.broadcast %eq3A_2899 : i32 to vector<2560xi32>
    %eq3A_2901 = arith.cmpi eq, %shift_right_logical3A_2391, %eq3A_2900 : vector<2560xi32>
    %get3A_2902 = arith.constant 21 : index
    %get3A_2903 = arith.constant 0 : index
    %get3A_2904 = vector.load %arg2[%get3A_2902, %get3A_2903] : memref<128x2560xf32, #tpu.memory_space<vmem>>, vector<31x2560xf32>
    %broadcast_in_dim3A_2905 = vector.shape_cast %eq3A_2901 : vector<2560xi1> to vector<1x2560xi1>
    %broadcast_in_dim3A_2906 = vector.broadcast %broadcast_in_dim3A_2905 : vector<1x2560xi1> to vector<31x2560xi1>
    %select_n3A_2907 = arith.select %broadcast_in_dim3A_2906, %get3A_2904, %broadcast_in_dim3A_2898 : vector<31x2560xi1>, vector<31x2560xf32>
    %eq3A_2908 = arith.constant 1 : i32
    %eq3A_2909 = vector.broadcast %eq3A_2908 : i32 to vector<2560xi32>
    %eq3A_2910 = arith.cmpi eq, %shift_right_logical3A_2391, %eq3A_2909 : vector<2560xi32>
    %get3A_2911 = arith.constant 37 : index
    %get3A_2912 = arith.constant 0 : index
    %get3A_2913 = vector.load %arg2[%get3A_2911, %get3A_2912] : memref<128x2560xf32, #tpu.memory_space<vmem>>, vector<31x2560xf32>
    %broadcast_in_dim3A_2914 = vector.shape_cast %eq3A_2910 : vector<2560xi1> to vector<1x2560xi1>
    %broadcast_in_dim3A_2915 = vector.broadcast %broadcast_in_dim3A_2914 : vector<1x2560xi1> to vector<31x2560xi1>
    %select_n3A_2916 = arith.select %broadcast_in_dim3A_2915, %get3A_2913, %select_n3A_2907 : vector<31x2560xi1>, vector<31x2560xf32>
    %broadcast_in_dim3A_2917 = arith.constant 0.000000e+00 : f32
    %broadcast_in_dim3A_2918 = vector.broadcast %broadcast_in_dim3A_2917 : f32 to vector<16x2560xf32>
    %eq3A_2919 = arith.constant 0 : i32
    %eq3A_2920 = vector.broadcast %eq3A_2919 : i32 to vector<2560xi32>
    %eq3A_2921 = arith.cmpi eq, %and3A_2394, %eq3A_2920 : vector<2560xi32>
    %slice3A_2922 = vector.extract_strided_slice %select_n3A_2916 {offsets = [0, 0], sizes = [16, 2560], strides = [1, 1]} : vector<31x2560xf32> to vector<16x2560xf32>
    %broadcast_in_dim3A_2923 = vector.shape_cast %eq3A_2921 : vector<2560xi1> to vector<1x2560xi1>
    %broadcast_in_dim3A_2924 = vector.broadcast %broadcast_in_dim3A_2923 : vector<1x2560xi1> to vector<16x2560xi1>
    %select_n3A_2925 = arith.select %broadcast_in_dim3A_2924, %slice3A_2922, %broadcast_in_dim3A_2918 : vector<16x2560xi1>, vector<16x2560xf32>
    %eq3A_2926 = arith.constant 1 : i32
    %eq3A_2927 = vector.broadcast %eq3A_2926 : i32 to vector<2560xi32>
    %eq3A_2928 = arith.cmpi eq, %and3A_2394, %eq3A_2927 : vector<2560xi32>
    %slice3A_2929 = vector.extract_strided_slice %select_n3A_2916 {offsets = [1, 0], sizes = [16, 2560], strides = [1, 1]} : vector<31x2560xf32> to vector<16x2560xf32>
    %broadcast_in_dim3A_2930 = vector.shape_cast %eq3A_2928 : vector<2560xi1> to vector<1x2560xi1>
    %broadcast_in_dim3A_2931 = vector.broadcast %broadcast_in_dim3A_2930 : vector<1x2560xi1> to vector<16x2560xi1>
    %select_n3A_2932 = arith.select %broadcast_in_dim3A_2931, %slice3A_2929, %select_n3A_2925 : vector<16x2560xi1>, vector<16x2560xf32>
    %eq3A_2933 = arith.constant 2 : i32
    %eq3A_2934 = vector.broadcast %eq3A_2933 : i32 to vector<2560xi32>
    %eq3A_2935 = arith.cmpi eq, %and3A_2394, %eq3A_2934 : vector<2560xi32>
    %slice3A_2936 = vector.extract_strided_slice %select_n3A_2916 {offsets = [2, 0], sizes = [16, 2560], strides = [1, 1]} : vector<31x2560xf32> to vector<16x2560xf32>
    %broadcast_in_dim3A_2937 = vector.shape_cast %eq3A_2935 : vector<2560xi1> to vector<1x2560xi1>
    %broadcast_in_dim3A_2938 = vector.broadcast %broadcast_in_dim3A_2937 : vector<1x2560xi1> to vector<16x2560xi1>
    %select_n3A_2939 = arith.select %broadcast_in_dim3A_2938, %slice3A_2936, %select_n3A_2932 : vector<16x2560xi1>, vector<16x2560xf32>
    %eq3A_2940 = arith.constant 3 : i32
    %eq3A_2941 = vector.broadcast %eq3A_2940 : i32 to vector<2560xi32>
    %eq3A_2942 = arith.cmpi eq, %and3A_2394, %eq3A_2941 : vector<2560xi32>
    %slice3A_2943 = vector.extract_strided_slice %select_n3A_2916 {offsets = [3, 0], sizes = [16, 2560], strides = [1, 1]} : vector<31x2560xf32> to vector<16x2560xf32>
    %broadcast_in_dim3A_2944 = vector.shape_cast %eq3A_2942 : vector<2560xi1> to vector<1x2560xi1>
    %broadcast_in_dim3A_2945 = vector.broadcast %broadcast_in_dim3A_2944 : vector<1x2560xi1> to vector<16x2560xi1>
    %select_n3A_2946 = arith.select %broadcast_in_dim3A_2945, %slice3A_2943, %select_n3A_2939 : vector<16x2560xi1>, vector<16x2560xf32>
    %eq3A_2947 = arith.constant 4 : i32
    %eq3A_2948 = vector.broadcast %eq3A_2947 : i32 to vector<2560xi32>
    %eq3A_2949 = arith.cmpi eq, %and3A_2394, %eq3A_2948 : vector<2560xi32>
    %slice3A_2950 = vector.extract_strided_slice %select_n3A_2916 {offsets = [4, 0], sizes = [16, 2560], strides = [1, 1]} : vector<31x2560xf32> to vector<16x2560xf32>
    %broadcast_in_dim3A_2951 = vector.shape_cast %eq3A_2949 : vector<2560xi1> to vector<1x2560xi1>
    %broadcast_in_dim3A_2952 = vector.broadcast %broadcast_in_dim3A_2951 : vector<1x2560xi1> to vector<16x2560xi1>
    %select_n3A_2953 = arith.select %broadcast_in_dim3A_2952, %slice3A_2950, %select_n3A_2946 : vector<16x2560xi1>, vector<16x2560xf32>
    %eq3A_2954 = arith.constant 5 : i32
    %eq3A_2955 = vector.broadcast %eq3A_2954 : i32 to vector<2560xi32>
    %eq3A_2956 = arith.cmpi eq, %and3A_2394, %eq3A_2955 : vector<2560xi32>
    %slice3A_2957 = vector.extract_strided_slice %select_n3A_2916 {offsets = [5, 0], sizes = [16, 2560], strides = [1, 1]} : vector<31x2560xf32> to vector<16x2560xf32>
    %broadcast_in_dim3A_2958 = vector.shape_cast %eq3A_2956 : vector<2560xi1> to vector<1x2560xi1>
    %broadcast_in_dim3A_2959 = vector.broadcast %broadcast_in_dim3A_2958 : vector<1x2560xi1> to vector<16x2560xi1>
    %select_n3A_2960 = arith.select %broadcast_in_dim3A_2959, %slice3A_2957, %select_n3A_2953 : vector<16x2560xi1>, vector<16x2560xf32>
    %eq3A_2961 = arith.constant 6 : i32
    %eq3A_2962 = vector.broadcast %eq3A_2961 : i32 to vector<2560xi32>
    %eq3A_2963 = arith.cmpi eq, %and3A_2394, %eq3A_2962 : vector<2560xi32>
    %slice3A_2964 = vector.extract_strided_slice %select_n3A_2916 {offsets = [6, 0], sizes = [16, 2560], strides = [1, 1]} : vector<31x2560xf32> to vector<16x2560xf32>
    %broadcast_in_dim3A_2965 = vector.shape_cast %eq3A_2963 : vector<2560xi1> to vector<1x2560xi1>
    %broadcast_in_dim3A_2966 = vector.broadcast %broadcast_in_dim3A_2965 : vector<1x2560xi1> to vector<16x2560xi1>
    %select_n3A_2967 = arith.select %broadcast_in_dim3A_2966, %slice3A_2964, %select_n3A_2960 : vector<16x2560xi1>, vector<16x2560xf32>
    %eq3A_2968 = arith.constant 7 : i32
    %eq3A_2969 = vector.broadcast %eq3A_2968 : i32 to vector<2560xi32>
    %eq3A_2970 = arith.cmpi eq, %and3A_2394, %eq3A_2969 : vector<2560xi32>
    %slice3A_2971 = vector.extract_strided_slice %select_n3A_2916 {offsets = [7, 0], sizes = [16, 2560], strides = [1, 1]} : vector<31x2560xf32> to vector<16x2560xf32>
    %broadcast_in_dim3A_2972 = vector.shape_cast %eq3A_2970 : vector<2560xi1> to vector<1x2560xi1>
    %broadcast_in_dim3A_2973 = vector.broadcast %broadcast_in_dim3A_2972 : vector<1x2560xi1> to vector<16x2560xi1>
    %select_n3A_2974 = arith.select %broadcast_in_dim3A_2973, %slice3A_2971, %select_n3A_2967 : vector<16x2560xi1>, vector<16x2560xf32>
    %eq3A_2975 = arith.constant 8 : i32
    %eq3A_2976 = vector.broadcast %eq3A_2975 : i32 to vector<2560xi32>
    %eq3A_2977 = arith.cmpi eq, %and3A_2394, %eq3A_2976 : vector<2560xi32>
    %slice3A_2978 = vector.extract_strided_slice %select_n3A_2916 {offsets = [8, 0], sizes = [16, 2560], strides = [1, 1]} : vector<31x2560xf32> to vector<16x2560xf32>
    %broadcast_in_dim3A_2979 = vector.shape_cast %eq3A_2977 : vector<2560xi1> to vector<1x2560xi1>
    %broadcast_in_dim3A_2980 = vector.broadcast %broadcast_in_dim3A_2979 : vector<1x2560xi1> to vector<16x2560xi1>
    %select_n3A_2981 = arith.select %broadcast_in_dim3A_2980, %slice3A_2978, %select_n3A_2974 : vector<16x2560xi1>, vector<16x2560xf32>
    %eq3A_2982 = arith.constant 9 : i32
    %eq3A_2983 = vector.broadcast %eq3A_2982 : i32 to vector<2560xi32>
    %eq3A_2984 = arith.cmpi eq, %and3A_2394, %eq3A_2983 : vector<2560xi32>
    %slice3A_2985 = vector.extract_strided_slice %select_n3A_2916 {offsets = [9, 0], sizes = [16, 2560], strides = [1, 1]} : vector<31x2560xf32> to vector<16x2560xf32>
    %broadcast_in_dim3A_2986 = vector.shape_cast %eq3A_2984 : vector<2560xi1> to vector<1x2560xi1>
    %broadcast_in_dim3A_2987 = vector.broadcast %broadcast_in_dim3A_2986 : vector<1x2560xi1> to vector<16x2560xi1>
    %select_n3A_2988 = arith.select %broadcast_in_dim3A_2987, %slice3A_2985, %select_n3A_2981 : vector<16x2560xi1>, vector<16x2560xf32>
    %eq3A_2989 = arith.constant 10 : i32
    %eq3A_2990 = vector.broadcast %eq3A_2989 : i32 to vector<2560xi32>
    %eq3A_2991 = arith.cmpi eq, %and3A_2394, %eq3A_2990 : vector<2560xi32>
    %slice3A_2992 = vector.extract_strided_slice %select_n3A_2916 {offsets = [10, 0], sizes = [16, 2560], strides = [1, 1]} : vector<31x2560xf32> to vector<16x2560xf32>
    %broadcast_in_dim3A_2993 = vector.shape_cast %eq3A_2991 : vector<2560xi1> to vector<1x2560xi1>
    %broadcast_in_dim3A_2994 = vector.broadcast %broadcast_in_dim3A_2993 : vector<1x2560xi1> to vector<16x2560xi1>
    %select_n3A_2995 = arith.select %broadcast_in_dim3A_2994, %slice3A_2992, %select_n3A_2988 : vector<16x2560xi1>, vector<16x2560xf32>
    %eq3A_2996 = arith.constant 11 : i32
    %eq3A_2997 = vector.broadcast %eq3A_2996 : i32 to vector<2560xi32>
    %eq3A_2998 = arith.cmpi eq, %and3A_2394, %eq3A_2997 : vector<2560xi32>
    %slice3A_2999 = vector.extract_strided_slice %select_n3A_2916 {offsets = [11, 0], sizes = [16, 2560], strides = [1, 1]} : vector<31x2560xf32> to vector<16x2560xf32>
    %broadcast_in_dim3A_3000 = vector.shape_cast %eq3A_2998 : vector<2560xi1> to vector<1x2560xi1>
    %broadcast_in_dim3A_3001 = vector.broadcast %broadcast_in_dim3A_3000 : vector<1x2560xi1> to vector<16x2560xi1>
    %select_n3A_3002 = arith.select %broadcast_in_dim3A_3001, %slice3A_2999, %select_n3A_2995 : vector<16x2560xi1>, vector<16x2560xf32>
    %eq3A_3003 = arith.constant 12 : i32
    %eq3A_3004 = vector.broadcast %eq3A_3003 : i32 to vector<2560xi32>
    %eq3A_3005 = arith.cmpi eq, %and3A_2394, %eq3A_3004 : vector<2560xi32>
    %slice3A_3006 = vector.extract_strided_slice %select_n3A_2916 {offsets = [12, 0], sizes = [16, 2560], strides = [1, 1]} : vector<31x2560xf32> to vector<16x2560xf32>
    %broadcast_in_dim3A_3007 = vector.shape_cast %eq3A_3005 : vector<2560xi1> to vector<1x2560xi1>
    %broadcast_in_dim3A_3008 = vector.broadcast %broadcast_in_dim3A_3007 : vector<1x2560xi1> to vector<16x2560xi1>
    %select_n3A_3009 = arith.select %broadcast_in_dim3A_3008, %slice3A_3006, %select_n3A_3002 : vector<16x2560xi1>, vector<16x2560xf32>
    %eq3A_3010 = arith.constant 13 : i32
    %eq3A_3011 = vector.broadcast %eq3A_3010 : i32 to vector<2560xi32>
    %eq3A_3012 = arith.cmpi eq, %and3A_2394, %eq3A_3011 : vector<2560xi32>
    %slice3A_3013 = vector.extract_strided_slice %select_n3A_2916 {offsets = [13, 0], sizes = [16, 2560], strides = [1, 1]} : vector<31x2560xf32> to vector<16x2560xf32>
    %broadcast_in_dim3A_3014 = vector.shape_cast %eq3A_3012 : vector<2560xi1> to vector<1x2560xi1>
    %broadcast_in_dim3A_3015 = vector.broadcast %broadcast_in_dim3A_3014 : vector<1x2560xi1> to vector<16x2560xi1>
    %select_n3A_3016 = arith.select %broadcast_in_dim3A_3015, %slice3A_3013, %select_n3A_3009 : vector<16x2560xi1>, vector<16x2560xf32>
    %eq3A_3017 = arith.constant 14 : i32
    %eq3A_3018 = vector.broadcast %eq3A_3017 : i32 to vector<2560xi32>
    %eq3A_3019 = arith.cmpi eq, %and3A_2394, %eq3A_3018 : vector<2560xi32>
    %slice3A_3020 = vector.extract_strided_slice %select_n3A_2916 {offsets = [14, 0], sizes = [16, 2560], strides = [1, 1]} : vector<31x2560xf32> to vector<16x2560xf32>
    %broadcast_in_dim3A_3021 = vector.shape_cast %eq3A_3019 : vector<2560xi1> to vector<1x2560xi1>
    %broadcast_in_dim3A_3022 = vector.broadcast %broadcast_in_dim3A_3021 : vector<1x2560xi1> to vector<16x2560xi1>
    %select_n3A_3023 = arith.select %broadcast_in_dim3A_3022, %slice3A_3020, %select_n3A_3016 : vector<16x2560xi1>, vector<16x2560xf32>
    %eq3A_3024 = arith.constant 15 : i32
    %eq3A_3025 = vector.broadcast %eq3A_3024 : i32 to vector<2560xi32>
    %eq3A_3026 = arith.cmpi eq, %and3A_2394, %eq3A_3025 : vector<2560xi32>
    %slice3A_3027 = vector.extract_strided_slice %select_n3A_2916 {offsets = [15, 0], sizes = [16, 2560], strides = [1, 1]} : vector<31x2560xf32> to vector<16x2560xf32>
    %broadcast_in_dim3A_3028 = vector.shape_cast %eq3A_3026 : vector<2560xi1> to vector<1x2560xi1>
    %broadcast_in_dim3A_3029 = vector.broadcast %broadcast_in_dim3A_3028 : vector<1x2560xi1> to vector<16x2560xi1>
    %select_n3A_3030 = arith.select %broadcast_in_dim3A_3029, %slice3A_3027, %select_n3A_3023 : vector<16x2560xi1>, vector<16x2560xf32>
    %slice3A_3031 = vector.extract_strided_slice %select_n3A_3030 {offsets = [0, 0], sizes = [16, 2400], strides = [1, 1]} : vector<16x2560xf32> to vector<16x2400xf32>
    %max3A_3032 = arith.constant 0.000000e+00 : f32
    %max3A_3033 = vector.broadcast %max3A_3032 : f32 to vector<16x2400xf32>
    %max3A_3034 = arith.maximumf %slice3A_3031, %max3A_3033 : vector<16x2400xf32>
    %abs3A_3035 = math.absf %slice3A_3031 : vector<16x2400xf32>
    %neg3A_3036 = arith.constant 0.000000e+00 : f32
    %neg3A_3037 = vector.broadcast %neg3A_3036 : f32 to vector<16x2400xf32>
    %neg3A_3038 = arith.subf %neg3A_3037, %abs3A_3035 : vector<16x2400xf32>
    %exp3A_3039 = math.exp %neg3A_3038 : vector<16x2400xf32>
    %log1p3A_3040 = math.log1p %exp3A_3039 : vector<16x2400xf32>
    %add3A_3041 = arith.addf %max3A_3034, %log1p3A_3040 : vector<16x2400xf32>
    %neg3A_3042 = arith.constant 0.000000e+00 : f32
    %neg3A_3043 = vector.broadcast %neg3A_3042 : f32 to vector<16x2400xf32>
    %neg3A_3044 = arith.subf %neg3A_3043, %slice3A_3031 : vector<16x2400xf32>
    %max3A_3045 = arith.constant 0.000000e+00 : f32
    %max3A_3046 = vector.broadcast %max3A_3045 : f32 to vector<16x2400xf32>
    %max3A_3047 = arith.maximumf %neg3A_3044, %max3A_3046 : vector<16x2400xf32>
    %abs3A_3048 = math.absf %neg3A_3044 : vector<16x2400xf32>
    %neg3A_3049 = arith.constant 0.000000e+00 : f32
    %neg3A_3050 = vector.broadcast %neg3A_3049 : f32 to vector<16x2400xf32>
    %neg3A_3051 = arith.subf %neg3A_3050, %abs3A_3048 : vector<16x2400xf32>
    %exp3A_3052 = math.exp %neg3A_3051 : vector<16x2400xf32>
    %log1p3A_3053 = math.log1p %exp3A_3052 : vector<16x2400xf32>
    %add3A_3054 = arith.addf %max3A_3047, %log1p3A_3053 : vector<16x2400xf32>
    %iota3A_3055 = tpu.iota {dimensions = array<i32: 0>} : vector<16x2400xi32>
    %add3A_3056 = arith.constant 16 : i32
    %add3A_3057 = vector.broadcast %add3A_3056 : i32 to vector<16x2400xi32>
    %add3A_3058 = arith.addi %iota3A_3055, %add3A_3057 : vector<16x2400xi32>
    %broadcast_in_dim3A_3059 = vector.shape_cast %get3A_2725 : vector<2400xi32> to vector<1x2400xi32>
    %eq3A_3060 = vector.broadcast %broadcast_in_dim3A_3059 : vector<1x2400xi32> to vector<16x2400xi32>
    %eq3A_3061 = arith.cmpi eq, %add3A_3058, %eq3A_3060 : vector<16x2400xi32>
    %select_n3A_3062 = arith.select %eq3A_3061, %add3A_3054, %add3A_3041 : vector<16x2400xi1>, vector<16x2400xf32>
    %reduce_sum3A_3063 = arith.constant dense<0.000000e+00> : vector<2400xf32>
    %reduce_sum3A_3064 = vector.multi_reduction <add>, %select_n3A_3062, %reduce_sum3A_3063 [0] : vector<16x2400xf32> to vector<2400xf32>
    %add3A_3065 = arith.addf %add3A_2896, %reduce_sum3A_3064 : vector<2400xf32>
    %broadcast_in_dim3A_3066 = arith.constant 0.000000e+00 : f32
    %broadcast_in_dim3A_3067 = vector.broadcast %broadcast_in_dim3A_3066 : f32 to vector<31x2560xf32>
    %eq3A_3068 = arith.constant 0 : i32
    %eq3A_3069 = vector.broadcast %eq3A_3068 : i32 to vector<2560xi32>
    %eq3A_3070 = arith.cmpi eq, %shift_right_logical3A_2391, %eq3A_3069 : vector<2560xi32>
    %get3A_3071 = arith.constant 37 : index
    %get3A_3072 = arith.constant 0 : index
    %get3A_3073 = vector.load %arg2[%get3A_3071, %get3A_3072] : memref<128x2560xf32, #tpu.memory_space<vmem>>, vector<31x2560xf32>
    %broadcast_in_dim3A_3074 = vector.shape_cast %eq3A_3070 : vector<2560xi1> to vector<1x2560xi1>
    %broadcast_in_dim3A_3075 = vector.broadcast %broadcast_in_dim3A_3074 : vector<1x2560xi1> to vector<31x2560xi1>
    %select_n3A_3076 = arith.select %broadcast_in_dim3A_3075, %get3A_3073, %broadcast_in_dim3A_3067 : vector<31x2560xi1>, vector<31x2560xf32>
    %eq3A_3077 = arith.constant 1 : i32
    %eq3A_3078 = vector.broadcast %eq3A_3077 : i32 to vector<2560xi32>
    %eq3A_3079 = arith.cmpi eq, %shift_right_logical3A_2391, %eq3A_3078 : vector<2560xi32>
    %get3A_3080 = arith.constant 53 : index
    %get3A_3081 = arith.constant 0 : index
    %get3A_3082 = vector.load %arg2[%get3A_3080, %get3A_3081] : memref<128x2560xf32, #tpu.memory_space<vmem>>, vector<31x2560xf32>
    %broadcast_in_dim3A_3083 = vector.shape_cast %eq3A_3079 : vector<2560xi1> to vector<1x2560xi1>
    %broadcast_in_dim3A_3084 = vector.broadcast %broadcast_in_dim3A_3083 : vector<1x2560xi1> to vector<31x2560xi1>
    %select_n3A_3085 = arith.select %broadcast_in_dim3A_3084, %get3A_3082, %select_n3A_3076 : vector<31x2560xi1>, vector<31x2560xf32>
    %broadcast_in_dim3A_3086 = arith.constant 0.000000e+00 : f32
    %broadcast_in_dim3A_3087 = vector.broadcast %broadcast_in_dim3A_3086 : f32 to vector<16x2560xf32>
    %eq3A_3088 = arith.constant 0 : i32
    %eq3A_3089 = vector.broadcast %eq3A_3088 : i32 to vector<2560xi32>
    %eq3A_3090 = arith.cmpi eq, %and3A_2394, %eq3A_3089 : vector<2560xi32>
    %slice3A_3091 = vector.extract_strided_slice %select_n3A_3085 {offsets = [0, 0], sizes = [16, 2560], strides = [1, 1]} : vector<31x2560xf32> to vector<16x2560xf32>
    %broadcast_in_dim3A_3092 = vector.shape_cast %eq3A_3090 : vector<2560xi1> to vector<1x2560xi1>
    %broadcast_in_dim3A_3093 = vector.broadcast %broadcast_in_dim3A_3092 : vector<1x2560xi1> to vector<16x2560xi1>
    %select_n3A_3094 = arith.select %broadcast_in_dim3A_3093, %slice3A_3091, %broadcast_in_dim3A_3087 : vector<16x2560xi1>, vector<16x2560xf32>
    %eq3A_3095 = arith.constant 1 : i32
    %eq3A_3096 = vector.broadcast %eq3A_3095 : i32 to vector<2560xi32>
    %eq3A_3097 = arith.cmpi eq, %and3A_2394, %eq3A_3096 : vector<2560xi32>
    %slice3A_3098 = vector.extract_strided_slice %select_n3A_3085 {offsets = [1, 0], sizes = [16, 2560], strides = [1, 1]} : vector<31x2560xf32> to vector<16x2560xf32>
    %broadcast_in_dim3A_3099 = vector.shape_cast %eq3A_3097 : vector<2560xi1> to vector<1x2560xi1>
    %broadcast_in_dim3A_3100 = vector.broadcast %broadcast_in_dim3A_3099 : vector<1x2560xi1> to vector<16x2560xi1>
    %select_n3A_3101 = arith.select %broadcast_in_dim3A_3100, %slice3A_3098, %select_n3A_3094 : vector<16x2560xi1>, vector<16x2560xf32>
    %eq3A_3102 = arith.constant 2 : i32
    %eq3A_3103 = vector.broadcast %eq3A_3102 : i32 to vector<2560xi32>
    %eq3A_3104 = arith.cmpi eq, %and3A_2394, %eq3A_3103 : vector<2560xi32>
    %slice3A_3105 = vector.extract_strided_slice %select_n3A_3085 {offsets = [2, 0], sizes = [16, 2560], strides = [1, 1]} : vector<31x2560xf32> to vector<16x2560xf32>
    %broadcast_in_dim3A_3106 = vector.shape_cast %eq3A_3104 : vector<2560xi1> to vector<1x2560xi1>
    %broadcast_in_dim3A_3107 = vector.broadcast %broadcast_in_dim3A_3106 : vector<1x2560xi1> to vector<16x2560xi1>
    %select_n3A_3108 = arith.select %broadcast_in_dim3A_3107, %slice3A_3105, %select_n3A_3101 : vector<16x2560xi1>, vector<16x2560xf32>
    %eq3A_3109 = arith.constant 3 : i32
    %eq3A_3110 = vector.broadcast %eq3A_3109 : i32 to vector<2560xi32>
    %eq3A_3111 = arith.cmpi eq, %and3A_2394, %eq3A_3110 : vector<2560xi32>
    %slice3A_3112 = vector.extract_strided_slice %select_n3A_3085 {offsets = [3, 0], sizes = [16, 2560], strides = [1, 1]} : vector<31x2560xf32> to vector<16x2560xf32>
    %broadcast_in_dim3A_3113 = vector.shape_cast %eq3A_3111 : vector<2560xi1> to vector<1x2560xi1>
    %broadcast_in_dim3A_3114 = vector.broadcast %broadcast_in_dim3A_3113 : vector<1x2560xi1> to vector<16x2560xi1>
    %select_n3A_3115 = arith.select %broadcast_in_dim3A_3114, %slice3A_3112, %select_n3A_3108 : vector<16x2560xi1>, vector<16x2560xf32>
    %eq3A_3116 = arith.constant 4 : i32
    %eq3A_3117 = vector.broadcast %eq3A_3116 : i32 to vector<2560xi32>
    %eq3A_3118 = arith.cmpi eq, %and3A_2394, %eq3A_3117 : vector<2560xi32>
    %slice3A_3119 = vector.extract_strided_slice %select_n3A_3085 {offsets = [4, 0], sizes = [16, 2560], strides = [1, 1]} : vector<31x2560xf32> to vector<16x2560xf32>
    %broadcast_in_dim3A_3120 = vector.shape_cast %eq3A_3118 : vector<2560xi1> to vector<1x2560xi1>
    %broadcast_in_dim3A_3121 = vector.broadcast %broadcast_in_dim3A_3120 : vector<1x2560xi1> to vector<16x2560xi1>
    %select_n3A_3122 = arith.select %broadcast_in_dim3A_3121, %slice3A_3119, %select_n3A_3115 : vector<16x2560xi1>, vector<16x2560xf32>
    %eq3A_3123 = arith.constant 5 : i32
    %eq3A_3124 = vector.broadcast %eq3A_3123 : i32 to vector<2560xi32>
    %eq3A_3125 = arith.cmpi eq, %and3A_2394, %eq3A_3124 : vector<2560xi32>
    %slice3A_3126 = vector.extract_strided_slice %select_n3A_3085 {offsets = [5, 0], sizes = [16, 2560], strides = [1, 1]} : vector<31x2560xf32> to vector<16x2560xf32>
    %broadcast_in_dim3A_3127 = vector.shape_cast %eq3A_3125 : vector<2560xi1> to vector<1x2560xi1>
    %broadcast_in_dim3A_3128 = vector.broadcast %broadcast_in_dim3A_3127 : vector<1x2560xi1> to vector<16x2560xi1>
    %select_n3A_3129 = arith.select %broadcast_in_dim3A_3128, %slice3A_3126, %select_n3A_3122 : vector<16x2560xi1>, vector<16x2560xf32>
    %eq3A_3130 = arith.constant 6 : i32
    %eq3A_3131 = vector.broadcast %eq3A_3130 : i32 to vector<2560xi32>
    %eq3A_3132 = arith.cmpi eq, %and3A_2394, %eq3A_3131 : vector<2560xi32>
    %slice3A_3133 = vector.extract_strided_slice %select_n3A_3085 {offsets = [6, 0], sizes = [16, 2560], strides = [1, 1]} : vector<31x2560xf32> to vector<16x2560xf32>
    %broadcast_in_dim3A_3134 = vector.shape_cast %eq3A_3132 : vector<2560xi1> to vector<1x2560xi1>
    %broadcast_in_dim3A_3135 = vector.broadcast %broadcast_in_dim3A_3134 : vector<1x2560xi1> to vector<16x2560xi1>
    %select_n3A_3136 = arith.select %broadcast_in_dim3A_3135, %slice3A_3133, %select_n3A_3129 : vector<16x2560xi1>, vector<16x2560xf32>
    %eq3A_3137 = arith.constant 7 : i32
    %eq3A_3138 = vector.broadcast %eq3A_3137 : i32 to vector<2560xi32>
    %eq3A_3139 = arith.cmpi eq, %and3A_2394, %eq3A_3138 : vector<2560xi32>
    %slice3A_3140 = vector.extract_strided_slice %select_n3A_3085 {offsets = [7, 0], sizes = [16, 2560], strides = [1, 1]} : vector<31x2560xf32> to vector<16x2560xf32>
    %broadcast_in_dim3A_3141 = vector.shape_cast %eq3A_3139 : vector<2560xi1> to vector<1x2560xi1>
    %broadcast_in_dim3A_3142 = vector.broadcast %broadcast_in_dim3A_3141 : vector<1x2560xi1> to vector<16x2560xi1>
    %select_n3A_3143 = arith.select %broadcast_in_dim3A_3142, %slice3A_3140, %select_n3A_3136 : vector<16x2560xi1>, vector<16x2560xf32>
    %eq3A_3144 = arith.constant 8 : i32
    %eq3A_3145 = vector.broadcast %eq3A_3144 : i32 to vector<2560xi32>
    %eq3A_3146 = arith.cmpi eq, %and3A_2394, %eq3A_3145 : vector<2560xi32>
    %slice3A_3147 = vector.extract_strided_slice %select_n3A_3085 {offsets = [8, 0], sizes = [16, 2560], strides = [1, 1]} : vector<31x2560xf32> to vector<16x2560xf32>
    %broadcast_in_dim3A_3148 = vector.shape_cast %eq3A_3146 : vector<2560xi1> to vector<1x2560xi1>
    %broadcast_in_dim3A_3149 = vector.broadcast %broadcast_in_dim3A_3148 : vector<1x2560xi1> to vector<16x2560xi1>
    %select_n3A_3150 = arith.select %broadcast_in_dim3A_3149, %slice3A_3147, %select_n3A_3143 : vector<16x2560xi1>, vector<16x2560xf32>
    %eq3A_3151 = arith.constant 9 : i32
    %eq3A_3152 = vector.broadcast %eq3A_3151 : i32 to vector<2560xi32>
    %eq3A_3153 = arith.cmpi eq, %and3A_2394, %eq3A_3152 : vector<2560xi32>
    %slice3A_3154 = vector.extract_strided_slice %select_n3A_3085 {offsets = [9, 0], sizes = [16, 2560], strides = [1, 1]} : vector<31x2560xf32> to vector<16x2560xf32>
    %broadcast_in_dim3A_3155 = vector.shape_cast %eq3A_3153 : vector<2560xi1> to vector<1x2560xi1>
    %broadcast_in_dim3A_3156 = vector.broadcast %broadcast_in_dim3A_3155 : vector<1x2560xi1> to vector<16x2560xi1>
    %select_n3A_3157 = arith.select %broadcast_in_dim3A_3156, %slice3A_3154, %select_n3A_3150 : vector<16x2560xi1>, vector<16x2560xf32>
    %eq3A_3158 = arith.constant 10 : i32
    %eq3A_3159 = vector.broadcast %eq3A_3158 : i32 to vector<2560xi32>
    %eq3A_3160 = arith.cmpi eq, %and3A_2394, %eq3A_3159 : vector<2560xi32>
    %slice3A_3161 = vector.extract_strided_slice %select_n3A_3085 {offsets = [10, 0], sizes = [16, 2560], strides = [1, 1]} : vector<31x2560xf32> to vector<16x2560xf32>
    %broadcast_in_dim3A_3162 = vector.shape_cast %eq3A_3160 : vector<2560xi1> to vector<1x2560xi1>
    %broadcast_in_dim3A_3163 = vector.broadcast %broadcast_in_dim3A_3162 : vector<1x2560xi1> to vector<16x2560xi1>
    %select_n3A_3164 = arith.select %broadcast_in_dim3A_3163, %slice3A_3161, %select_n3A_3157 : vector<16x2560xi1>, vector<16x2560xf32>
    %eq3A_3165 = arith.constant 11 : i32
    %eq3A_3166 = vector.broadcast %eq3A_3165 : i32 to vector<2560xi32>
    %eq3A_3167 = arith.cmpi eq, %and3A_2394, %eq3A_3166 : vector<2560xi32>
    %slice3A_3168 = vector.extract_strided_slice %select_n3A_3085 {offsets = [11, 0], sizes = [16, 2560], strides = [1, 1]} : vector<31x2560xf32> to vector<16x2560xf32>
    %broadcast_in_dim3A_3169 = vector.shape_cast %eq3A_3167 : vector<2560xi1> to vector<1x2560xi1>
    %broadcast_in_dim3A_3170 = vector.broadcast %broadcast_in_dim3A_3169 : vector<1x2560xi1> to vector<16x2560xi1>
    %select_n3A_3171 = arith.select %broadcast_in_dim3A_3170, %slice3A_3168, %select_n3A_3164 : vector<16x2560xi1>, vector<16x2560xf32>
    %eq3A_3172 = arith.constant 12 : i32
    %eq3A_3173 = vector.broadcast %eq3A_3172 : i32 to vector<2560xi32>
    %eq3A_3174 = arith.cmpi eq, %and3A_2394, %eq3A_3173 : vector<2560xi32>
    %slice3A_3175 = vector.extract_strided_slice %select_n3A_3085 {offsets = [12, 0], sizes = [16, 2560], strides = [1, 1]} : vector<31x2560xf32> to vector<16x2560xf32>
    %broadcast_in_dim3A_3176 = vector.shape_cast %eq3A_3174 : vector<2560xi1> to vector<1x2560xi1>
    %broadcast_in_dim3A_3177 = vector.broadcast %broadcast_in_dim3A_3176 : vector<1x2560xi1> to vector<16x2560xi1>
    %select_n3A_3178 = arith.select %broadcast_in_dim3A_3177, %slice3A_3175, %select_n3A_3171 : vector<16x2560xi1>, vector<16x2560xf32>
    %eq3A_3179 = arith.constant 13 : i32
    %eq3A_3180 = vector.broadcast %eq3A_3179 : i32 to vector<2560xi32>
    %eq3A_3181 = arith.cmpi eq, %and3A_2394, %eq3A_3180 : vector<2560xi32>
    %slice3A_3182 = vector.extract_strided_slice %select_n3A_3085 {offsets = [13, 0], sizes = [16, 2560], strides = [1, 1]} : vector<31x2560xf32> to vector<16x2560xf32>
    %broadcast_in_dim3A_3183 = vector.shape_cast %eq3A_3181 : vector<2560xi1> to vector<1x2560xi1>
    %broadcast_in_dim3A_3184 = vector.broadcast %broadcast_in_dim3A_3183 : vector<1x2560xi1> to vector<16x2560xi1>
    %select_n3A_3185 = arith.select %broadcast_in_dim3A_3184, %slice3A_3182, %select_n3A_3178 : vector<16x2560xi1>, vector<16x2560xf32>
    %eq3A_3186 = arith.constant 14 : i32
    %eq3A_3187 = vector.broadcast %eq3A_3186 : i32 to vector<2560xi32>
    %eq3A_3188 = arith.cmpi eq, %and3A_2394, %eq3A_3187 : vector<2560xi32>
    %slice3A_3189 = vector.extract_strided_slice %select_n3A_3085 {offsets = [14, 0], sizes = [16, 2560], strides = [1, 1]} : vector<31x2560xf32> to vector<16x2560xf32>
    %broadcast_in_dim3A_3190 = vector.shape_cast %eq3A_3188 : vector<2560xi1> to vector<1x2560xi1>
    %broadcast_in_dim3A_3191 = vector.broadcast %broadcast_in_dim3A_3190 : vector<1x2560xi1> to vector<16x2560xi1>
    %select_n3A_3192 = arith.select %broadcast_in_dim3A_3191, %slice3A_3189, %select_n3A_3185 : vector<16x2560xi1>, vector<16x2560xf32>
    %eq3A_3193 = arith.constant 15 : i32
    %eq3A_3194 = vector.broadcast %eq3A_3193 : i32 to vector<2560xi32>
    %eq3A_3195 = arith.cmpi eq, %and3A_2394, %eq3A_3194 : vector<2560xi32>
    %slice3A_3196 = vector.extract_strided_slice %select_n3A_3085 {offsets = [15, 0], sizes = [16, 2560], strides = [1, 1]} : vector<31x2560xf32> to vector<16x2560xf32>
    %broadcast_in_dim3A_3197 = vector.shape_cast %eq3A_3195 : vector<2560xi1> to vector<1x2560xi1>
    %broadcast_in_dim3A_3198 = vector.broadcast %broadcast_in_dim3A_3197 : vector<1x2560xi1> to vector<16x2560xi1>
    %select_n3A_3199 = arith.select %broadcast_in_dim3A_3198, %slice3A_3196, %select_n3A_3192 : vector<16x2560xi1>, vector<16x2560xf32>
    %slice3A_3200 = vector.extract_strided_slice %select_n3A_3199 {offsets = [0, 0], sizes = [16, 2400], strides = [1, 1]} : vector<16x2560xf32> to vector<16x2400xf32>
    %max3A_3201 = arith.constant 0.000000e+00 : f32
    %max3A_3202 = vector.broadcast %max3A_3201 : f32 to vector<16x2400xf32>
    %max3A_3203 = arith.maximumf %slice3A_3200, %max3A_3202 : vector<16x2400xf32>
    %abs3A_3204 = math.absf %slice3A_3200 : vector<16x2400xf32>
    %neg3A_3205 = arith.constant 0.000000e+00 : f32
    %neg3A_3206 = vector.broadcast %neg3A_3205 : f32 to vector<16x2400xf32>
    %neg3A_3207 = arith.subf %neg3A_3206, %abs3A_3204 : vector<16x2400xf32>
    %exp3A_3208 = math.exp %neg3A_3207 : vector<16x2400xf32>
    %log1p3A_3209 = math.log1p %exp3A_3208 : vector<16x2400xf32>
    %add3A_3210 = arith.addf %max3A_3203, %log1p3A_3209 : vector<16x2400xf32>
    %neg3A_3211 = arith.constant 0.000000e+00 : f32
    %neg3A_3212 = vector.broadcast %neg3A_3211 : f32 to vector<16x2400xf32>
    %neg3A_3213 = arith.subf %neg3A_3212, %slice3A_3200 : vector<16x2400xf32>
    %max3A_3214 = arith.constant 0.000000e+00 : f32
    %max3A_3215 = vector.broadcast %max3A_3214 : f32 to vector<16x2400xf32>
    %max3A_3216 = arith.maximumf %neg3A_3213, %max3A_3215 : vector<16x2400xf32>
    %abs3A_3217 = math.absf %neg3A_3213 : vector<16x2400xf32>
    %neg3A_3218 = arith.constant 0.000000e+00 : f32
    %neg3A_3219 = vector.broadcast %neg3A_3218 : f32 to vector<16x2400xf32>
    %neg3A_3220 = arith.subf %neg3A_3219, %abs3A_3217 : vector<16x2400xf32>
    %exp3A_3221 = math.exp %neg3A_3220 : vector<16x2400xf32>
    %log1p3A_3222 = math.log1p %exp3A_3221 : vector<16x2400xf32>
    %add3A_3223 = arith.addf %max3A_3216, %log1p3A_3222 : vector<16x2400xf32>
    %iota3A_3224 = tpu.iota {dimensions = array<i32: 0>} : vector<16x2400xi32>
    %add3A_3225 = arith.constant 32 : i32
    %add3A_3226 = vector.broadcast %add3A_3225 : i32 to vector<16x2400xi32>
    %add3A_3227 = arith.addi %iota3A_3224, %add3A_3226 : vector<16x2400xi32>
    %broadcast_in_dim3A_3228 = vector.shape_cast %get3A_2725 : vector<2400xi32> to vector<1x2400xi32>
    %eq3A_3229 = vector.broadcast %broadcast_in_dim3A_3228 : vector<1x2400xi32> to vector<16x2400xi32>
    %eq3A_3230 = arith.cmpi eq, %add3A_3227, %eq3A_3229 : vector<16x2400xi32>
    %select_n3A_3231 = arith.select %eq3A_3230, %add3A_3223, %add3A_3210 : vector<16x2400xi1>, vector<16x2400xf32>
    %reduce_sum3A_3232 = arith.constant dense<0.000000e+00> : vector<2400xf32>
    %reduce_sum3A_3233 = vector.multi_reduction <add>, %select_n3A_3231, %reduce_sum3A_3232 [0] : vector<16x2400xf32> to vector<2400xf32>
    %add3A_3234 = arith.addf %add3A_3065, %reduce_sum3A_3233 : vector<2400xf32>
    %broadcast_in_dim3A_3235 = arith.constant 0.000000e+00 : f32
    %broadcast_in_dim3A_3236 = vector.broadcast %broadcast_in_dim3A_3235 : f32 to vector<31x2560xf32>
    %eq3A_3237 = arith.constant 0 : i32
    %eq3A_3238 = vector.broadcast %eq3A_3237 : i32 to vector<2560xi32>
    %eq3A_3239 = arith.cmpi eq, %shift_right_logical3A_2391, %eq3A_3238 : vector<2560xi32>
    %get3A_3240 = arith.constant 53 : index
    %get3A_3241 = arith.constant 0 : index
    %get3A_3242 = vector.load %arg2[%get3A_3240, %get3A_3241] : memref<128x2560xf32, #tpu.memory_space<vmem>>, vector<31x2560xf32>
    %broadcast_in_dim3A_3243 = vector.shape_cast %eq3A_3239 : vector<2560xi1> to vector<1x2560xi1>
    %broadcast_in_dim3A_3244 = vector.broadcast %broadcast_in_dim3A_3243 : vector<1x2560xi1> to vector<31x2560xi1>
    %select_n3A_3245 = arith.select %broadcast_in_dim3A_3244, %get3A_3242, %broadcast_in_dim3A_3236 : vector<31x2560xi1>, vector<31x2560xf32>
    %eq3A_3246 = arith.constant 1 : i32
    %eq3A_3247 = vector.broadcast %eq3A_3246 : i32 to vector<2560xi32>
    %eq3A_3248 = arith.cmpi eq, %shift_right_logical3A_2391, %eq3A_3247 : vector<2560xi32>
    %get3A_3249 = arith.constant 69 : index
    %get3A_3250 = arith.constant 0 : index
    %get3A_3251 = vector.load %arg2[%get3A_3249, %get3A_3250] : memref<128x2560xf32, #tpu.memory_space<vmem>>, vector<31x2560xf32>
    %broadcast_in_dim3A_3252 = vector.shape_cast %eq3A_3248 : vector<2560xi1> to vector<1x2560xi1>
    %broadcast_in_dim3A_3253 = vector.broadcast %broadcast_in_dim3A_3252 : vector<1x2560xi1> to vector<31x2560xi1>
    %select_n3A_3254 = arith.select %broadcast_in_dim3A_3253, %get3A_3251, %select_n3A_3245 : vector<31x2560xi1>, vector<31x2560xf32>
    %broadcast_in_dim3A_3255 = arith.constant 0.000000e+00 : f32
    %broadcast_in_dim3A_3256 = vector.broadcast %broadcast_in_dim3A_3255 : f32 to vector<16x2560xf32>
    %eq3A_3257 = arith.constant 0 : i32
    %eq3A_3258 = vector.broadcast %eq3A_3257 : i32 to vector<2560xi32>
    %eq3A_3259 = arith.cmpi eq, %and3A_2394, %eq3A_3258 : vector<2560xi32>
    %slice3A_3260 = vector.extract_strided_slice %select_n3A_3254 {offsets = [0, 0], sizes = [16, 2560], strides = [1, 1]} : vector<31x2560xf32> to vector<16x2560xf32>
    %broadcast_in_dim3A_3261 = vector.shape_cast %eq3A_3259 : vector<2560xi1> to vector<1x2560xi1>
    %broadcast_in_dim3A_3262 = vector.broadcast %broadcast_in_dim3A_3261 : vector<1x2560xi1> to vector<16x2560xi1>
    %select_n3A_3263 = arith.select %broadcast_in_dim3A_3262, %slice3A_3260, %broadcast_in_dim3A_3256 : vector<16x2560xi1>, vector<16x2560xf32>
    %eq3A_3264 = arith.constant 1 : i32
    %eq3A_3265 = vector.broadcast %eq3A_3264 : i32 to vector<2560xi32>
    %eq3A_3266 = arith.cmpi eq, %and3A_2394, %eq3A_3265 : vector<2560xi32>
    %slice3A_3267 = vector.extract_strided_slice %select_n3A_3254 {offsets = [1, 0], sizes = [16, 2560], strides = [1, 1]} : vector<31x2560xf32> to vector<16x2560xf32>
    %broadcast_in_dim3A_3268 = vector.shape_cast %eq3A_3266 : vector<2560xi1> to vector<1x2560xi1>
    %broadcast_in_dim3A_3269 = vector.broadcast %broadcast_in_dim3A_3268 : vector<1x2560xi1> to vector<16x2560xi1>
    %select_n3A_3270 = arith.select %broadcast_in_dim3A_3269, %slice3A_3267, %select_n3A_3263 : vector<16x2560xi1>, vector<16x2560xf32>
    %eq3A_3271 = arith.constant 2 : i32
    %eq3A_3272 = vector.broadcast %eq3A_3271 : i32 to vector<2560xi32>
    %eq3A_3273 = arith.cmpi eq, %and3A_2394, %eq3A_3272 : vector<2560xi32>
    %slice3A_3274 = vector.extract_strided_slice %select_n3A_3254 {offsets = [2, 0], sizes = [16, 2560], strides = [1, 1]} : vector<31x2560xf32> to vector<16x2560xf32>
    %broadcast_in_dim3A_3275 = vector.shape_cast %eq3A_3273 : vector<2560xi1> to vector<1x2560xi1>
    %broadcast_in_dim3A_3276 = vector.broadcast %broadcast_in_dim3A_3275 : vector<1x2560xi1> to vector<16x2560xi1>
    %select_n3A_3277 = arith.select %broadcast_in_dim3A_3276, %slice3A_3274, %select_n3A_3270 : vector<16x2560xi1>, vector<16x2560xf32>
    %eq3A_3278 = arith.constant 3 : i32
    %eq3A_3279 = vector.broadcast %eq3A_3278 : i32 to vector<2560xi32>
    %eq3A_3280 = arith.cmpi eq, %and3A_2394, %eq3A_3279 : vector<2560xi32>
    %slice3A_3281 = vector.extract_strided_slice %select_n3A_3254 {offsets = [3, 0], sizes = [16, 2560], strides = [1, 1]} : vector<31x2560xf32> to vector<16x2560xf32>
    %broadcast_in_dim3A_3282 = vector.shape_cast %eq3A_3280 : vector<2560xi1> to vector<1x2560xi1>
    %broadcast_in_dim3A_3283 = vector.broadcast %broadcast_in_dim3A_3282 : vector<1x2560xi1> to vector<16x2560xi1>
    %select_n3A_3284 = arith.select %broadcast_in_dim3A_3283, %slice3A_3281, %select_n3A_3277 : vector<16x2560xi1>, vector<16x2560xf32>
    %eq3A_3285 = arith.constant 4 : i32
    %eq3A_3286 = vector.broadcast %eq3A_3285 : i32 to vector<2560xi32>
    %eq3A_3287 = arith.cmpi eq, %and3A_2394, %eq3A_3286 : vector<2560xi32>
    %slice3A_3288 = vector.extract_strided_slice %select_n3A_3254 {offsets = [4, 0], sizes = [16, 2560], strides = [1, 1]} : vector<31x2560xf32> to vector<16x2560xf32>
    %broadcast_in_dim3A_3289 = vector.shape_cast %eq3A_3287 : vector<2560xi1> to vector<1x2560xi1>
    %broadcast_in_dim3A_3290 = vector.broadcast %broadcast_in_dim3A_3289 : vector<1x2560xi1> to vector<16x2560xi1>
    %select_n3A_3291 = arith.select %broadcast_in_dim3A_3290, %slice3A_3288, %select_n3A_3284 : vector<16x2560xi1>, vector<16x2560xf32>
    %eq3A_3292 = arith.constant 5 : i32
    %eq3A_3293 = vector.broadcast %eq3A_3292 : i32 to vector<2560xi32>
    %eq3A_3294 = arith.cmpi eq, %and3A_2394, %eq3A_3293 : vector<2560xi32>
    %slice3A_3295 = vector.extract_strided_slice %select_n3A_3254 {offsets = [5, 0], sizes = [16, 2560], strides = [1, 1]} : vector<31x2560xf32> to vector<16x2560xf32>
    %broadcast_in_dim3A_3296 = vector.shape_cast %eq3A_3294 : vector<2560xi1> to vector<1x2560xi1>
    %broadcast_in_dim3A_3297 = vector.broadcast %broadcast_in_dim3A_3296 : vector<1x2560xi1> to vector<16x2560xi1>
    %select_n3A_3298 = arith.select %broadcast_in_dim3A_3297, %slice3A_3295, %select_n3A_3291 : vector<16x2560xi1>, vector<16x2560xf32>
    %eq3A_3299 = arith.constant 6 : i32
    %eq3A_3300 = vector.broadcast %eq3A_3299 : i32 to vector<2560xi32>
    %eq3A_3301 = arith.cmpi eq, %and3A_2394, %eq3A_3300 : vector<2560xi32>
    %slice3A_3302 = vector.extract_strided_slice %select_n3A_3254 {offsets = [6, 0], sizes = [16, 2560], strides = [1, 1]} : vector<31x2560xf32> to vector<16x2560xf32>
    %broadcast_in_dim3A_3303 = vector.shape_cast %eq3A_3301 : vector<2560xi1> to vector<1x2560xi1>
    %broadcast_in_dim3A_3304 = vector.broadcast %broadcast_in_dim3A_3303 : vector<1x2560xi1> to vector<16x2560xi1>
    %select_n3A_3305 = arith.select %broadcast_in_dim3A_3304, %slice3A_3302, %select_n3A_3298 : vector<16x2560xi1>, vector<16x2560xf32>
    %eq3A_3306 = arith.constant 7 : i32
    %eq3A_3307 = vector.broadcast %eq3A_3306 : i32 to vector<2560xi32>
    %eq3A_3308 = arith.cmpi eq, %and3A_2394, %eq3A_3307 : vector<2560xi32>
    %slice3A_3309 = vector.extract_strided_slice %select_n3A_3254 {offsets = [7, 0], sizes = [16, 2560], strides = [1, 1]} : vector<31x2560xf32> to vector<16x2560xf32>
    %broadcast_in_dim3A_3310 = vector.shape_cast %eq3A_3308 : vector<2560xi1> to vector<1x2560xi1>
    %broadcast_in_dim3A_3311 = vector.broadcast %broadcast_in_dim3A_3310 : vector<1x2560xi1> to vector<16x2560xi1>
    %select_n3A_3312 = arith.select %broadcast_in_dim3A_3311, %slice3A_3309, %select_n3A_3305 : vector<16x2560xi1>, vector<16x2560xf32>
    %eq3A_3313 = arith.constant 8 : i32
    %eq3A_3314 = vector.broadcast %eq3A_3313 : i32 to vector<2560xi32>
    %eq3A_3315 = arith.cmpi eq, %and3A_2394, %eq3A_3314 : vector<2560xi32>
    %slice3A_3316 = vector.extract_strided_slice %select_n3A_3254 {offsets = [8, 0], sizes = [16, 2560], strides = [1, 1]} : vector<31x2560xf32> to vector<16x2560xf32>
    %broadcast_in_dim3A_3317 = vector.shape_cast %eq3A_3315 : vector<2560xi1> to vector<1x2560xi1>
    %broadcast_in_dim3A_3318 = vector.broadcast %broadcast_in_dim3A_3317 : vector<1x2560xi1> to vector<16x2560xi1>
    %select_n3A_3319 = arith.select %broadcast_in_dim3A_3318, %slice3A_3316, %select_n3A_3312 : vector<16x2560xi1>, vector<16x2560xf32>
    %eq3A_3320 = arith.constant 9 : i32
    %eq3A_3321 = vector.broadcast %eq3A_3320 : i32 to vector<2560xi32>
    %eq3A_3322 = arith.cmpi eq, %and3A_2394, %eq3A_3321 : vector<2560xi32>
    %slice3A_3323 = vector.extract_strided_slice %select_n3A_3254 {offsets = [9, 0], sizes = [16, 2560], strides = [1, 1]} : vector<31x2560xf32> to vector<16x2560xf32>
    %broadcast_in_dim3A_3324 = vector.shape_cast %eq3A_3322 : vector<2560xi1> to vector<1x2560xi1>
    %broadcast_in_dim3A_3325 = vector.broadcast %broadcast_in_dim3A_3324 : vector<1x2560xi1> to vector<16x2560xi1>
    %select_n3A_3326 = arith.select %broadcast_in_dim3A_3325, %slice3A_3323, %select_n3A_3319 : vector<16x2560xi1>, vector<16x2560xf32>
    %eq3A_3327 = arith.constant 10 : i32
    %eq3A_3328 = vector.broadcast %eq3A_3327 : i32 to vector<2560xi32>
    %eq3A_3329 = arith.cmpi eq, %and3A_2394, %eq3A_3328 : vector<2560xi32>
    %slice3A_3330 = vector.extract_strided_slice %select_n3A_3254 {offsets = [10, 0], sizes = [16, 2560], strides = [1, 1]} : vector<31x2560xf32> to vector<16x2560xf32>
    %broadcast_in_dim3A_3331 = vector.shape_cast %eq3A_3329 : vector<2560xi1> to vector<1x2560xi1>
    %broadcast_in_dim3A_3332 = vector.broadcast %broadcast_in_dim3A_3331 : vector<1x2560xi1> to vector<16x2560xi1>
    %select_n3A_3333 = arith.select %broadcast_in_dim3A_3332, %slice3A_3330, %select_n3A_3326 : vector<16x2560xi1>, vector<16x2560xf32>
    %eq3A_3334 = arith.constant 11 : i32
    %eq3A_3335 = vector.broadcast %eq3A_3334 : i32 to vector<2560xi32>
    %eq3A_3336 = arith.cmpi eq, %and3A_2394, %eq3A_3335 : vector<2560xi32>
    %slice3A_3337 = vector.extract_strided_slice %select_n3A_3254 {offsets = [11, 0], sizes = [16, 2560], strides = [1, 1]} : vector<31x2560xf32> to vector<16x2560xf32>
    %broadcast_in_dim3A_3338 = vector.shape_cast %eq3A_3336 : vector<2560xi1> to vector<1x2560xi1>
    %broadcast_in_dim3A_3339 = vector.broadcast %broadcast_in_dim3A_3338 : vector<1x2560xi1> to vector<16x2560xi1>
    %select_n3A_3340 = arith.select %broadcast_in_dim3A_3339, %slice3A_3337, %select_n3A_3333 : vector<16x2560xi1>, vector<16x2560xf32>
    %eq3A_3341 = arith.constant 12 : i32
    %eq3A_3342 = vector.broadcast %eq3A_3341 : i32 to vector<2560xi32>
    %eq3A_3343 = arith.cmpi eq, %and3A_2394, %eq3A_3342 : vector<2560xi32>
    %slice3A_3344 = vector.extract_strided_slice %select_n3A_3254 {offsets = [12, 0], sizes = [16, 2560], strides = [1, 1]} : vector<31x2560xf32> to vector<16x2560xf32>
    %broadcast_in_dim3A_3345 = vector.shape_cast %eq3A_3343 : vector<2560xi1> to vector<1x2560xi1>
    %broadcast_in_dim3A_3346 = vector.broadcast %broadcast_in_dim3A_3345 : vector<1x2560xi1> to vector<16x2560xi1>
    %select_n3A_3347 = arith.select %broadcast_in_dim3A_3346, %slice3A_3344, %select_n3A_3340 : vector<16x2560xi1>, vector<16x2560xf32>
    %eq3A_3348 = arith.constant 13 : i32
    %eq3A_3349 = vector.broadcast %eq3A_3348 : i32 to vector<2560xi32>
    %eq3A_3350 = arith.cmpi eq, %and3A_2394, %eq3A_3349 : vector<2560xi32>
    %slice3A_3351 = vector.extract_strided_slice %select_n3A_3254 {offsets = [13, 0], sizes = [16, 2560], strides = [1, 1]} : vector<31x2560xf32> to vector<16x2560xf32>
    %broadcast_in_dim3A_3352 = vector.shape_cast %eq3A_3350 : vector<2560xi1> to vector<1x2560xi1>
    %broadcast_in_dim3A_3353 = vector.broadcast %broadcast_in_dim3A_3352 : vector<1x2560xi1> to vector<16x2560xi1>
    %select_n3A_3354 = arith.select %broadcast_in_dim3A_3353, %slice3A_3351, %select_n3A_3347 : vector<16x2560xi1>, vector<16x2560xf32>
    %eq3A_3355 = arith.constant 14 : i32
    %eq3A_3356 = vector.broadcast %eq3A_3355 : i32 to vector<2560xi32>
    %eq3A_3357 = arith.cmpi eq, %and3A_2394, %eq3A_3356 : vector<2560xi32>
    %slice3A_3358 = vector.extract_strided_slice %select_n3A_3254 {offsets = [14, 0], sizes = [16, 2560], strides = [1, 1]} : vector<31x2560xf32> to vector<16x2560xf32>
    %broadcast_in_dim3A_3359 = vector.shape_cast %eq3A_3357 : vector<2560xi1> to vector<1x2560xi1>
    %broadcast_in_dim3A_3360 = vector.broadcast %broadcast_in_dim3A_3359 : vector<1x2560xi1> to vector<16x2560xi1>
    %select_n3A_3361 = arith.select %broadcast_in_dim3A_3360, %slice3A_3358, %select_n3A_3354 : vector<16x2560xi1>, vector<16x2560xf32>
    %eq3A_3362 = arith.constant 15 : i32
    %eq3A_3363 = vector.broadcast %eq3A_3362 : i32 to vector<2560xi32>
    %eq3A_3364 = arith.cmpi eq, %and3A_2394, %eq3A_3363 : vector<2560xi32>
    %slice3A_3365 = vector.extract_strided_slice %select_n3A_3254 {offsets = [15, 0], sizes = [16, 2560], strides = [1, 1]} : vector<31x2560xf32> to vector<16x2560xf32>
    %broadcast_in_dim3A_3366 = vector.shape_cast %eq3A_3364 : vector<2560xi1> to vector<1x2560xi1>
    %broadcast_in_dim3A_3367 = vector.broadcast %broadcast_in_dim3A_3366 : vector<1x2560xi1> to vector<16x2560xi1>
    %select_n3A_3368 = arith.select %broadcast_in_dim3A_3367, %slice3A_3365, %select_n3A_3361 : vector<16x2560xi1>, vector<16x2560xf32>
    %slice3A_3369 = vector.extract_strided_slice %select_n3A_3368 {offsets = [0, 0], sizes = [16, 2400], strides = [1, 1]} : vector<16x2560xf32> to vector<16x2400xf32>
    %max3A_3370 = arith.constant 0.000000e+00 : f32
    %max3A_3371 = vector.broadcast %max3A_3370 : f32 to vector<16x2400xf32>
    %max3A_3372 = arith.maximumf %slice3A_3369, %max3A_3371 : vector<16x2400xf32>
    %abs3A_3373 = math.absf %slice3A_3369 : vector<16x2400xf32>
    %neg3A_3374 = arith.constant 0.000000e+00 : f32
    %neg3A_3375 = vector.broadcast %neg3A_3374 : f32 to vector<16x2400xf32>
    %neg3A_3376 = arith.subf %neg3A_3375, %abs3A_3373 : vector<16x2400xf32>
    %exp3A_3377 = math.exp %neg3A_3376 : vector<16x2400xf32>
    %log1p3A_3378 = math.log1p %exp3A_3377 : vector<16x2400xf32>
    %add3A_3379 = arith.addf %max3A_3372, %log1p3A_3378 : vector<16x2400xf32>
    %neg3A_3380 = arith.constant 0.000000e+00 : f32
    %neg3A_3381 = vector.broadcast %neg3A_3380 : f32 to vector<16x2400xf32>
    %neg3A_3382 = arith.subf %neg3A_3381, %slice3A_3369 : vector<16x2400xf32>
    %max3A_3383 = arith.constant 0.000000e+00 : f32
    %max3A_3384 = vector.broadcast %max3A_3383 : f32 to vector<16x2400xf32>
    %max3A_3385 = arith.maximumf %neg3A_3382, %max3A_3384 : vector<16x2400xf32>
    %abs3A_3386 = math.absf %neg3A_3382 : vector<16x2400xf32>
    %neg3A_3387 = arith.constant 0.000000e+00 : f32
    %neg3A_3388 = vector.broadcast %neg3A_3387 : f32 to vector<16x2400xf32>
    %neg3A_3389 = arith.subf %neg3A_3388, %abs3A_3386 : vector<16x2400xf32>
    %exp3A_3390 = math.exp %neg3A_3389 : vector<16x2400xf32>
    %log1p3A_3391 = math.log1p %exp3A_3390 : vector<16x2400xf32>
    %add3A_3392 = arith.addf %max3A_3385, %log1p3A_3391 : vector<16x2400xf32>
    %iota3A_3393 = tpu.iota {dimensions = array<i32: 0>} : vector<16x2400xi32>
    %add3A_3394 = arith.constant 48 : i32
    %add3A_3395 = vector.broadcast %add3A_3394 : i32 to vector<16x2400xi32>
    %add3A_3396 = arith.addi %iota3A_3393, %add3A_3395 : vector<16x2400xi32>
    %broadcast_in_dim3A_3397 = vector.shape_cast %get3A_2725 : vector<2400xi32> to vector<1x2400xi32>
    %eq3A_3398 = vector.broadcast %broadcast_in_dim3A_3397 : vector<1x2400xi32> to vector<16x2400xi32>
    %eq3A_3399 = arith.cmpi eq, %add3A_3396, %eq3A_3398 : vector<16x2400xi32>
    %select_n3A_3400 = arith.select %eq3A_3399, %add3A_3392, %add3A_3379 : vector<16x2400xi1>, vector<16x2400xf32>
    %reduce_sum3A_3401 = arith.constant dense<0.000000e+00> : vector<2400xf32>
    %reduce_sum3A_3402 = vector.multi_reduction <add>, %select_n3A_3400, %reduce_sum3A_3401 [0] : vector<16x2400xf32> to vector<2400xf32>
    %add3A_3403 = arith.addf %add3A_3234, %reduce_sum3A_3402 : vector<2400xf32>
    %broadcast_in_dim3A_3404 = arith.constant 0.000000e+00 : f32
    %broadcast_in_dim3A_3405 = vector.broadcast %broadcast_in_dim3A_3404 : f32 to vector<31x2560xf32>
    %eq3A_3406 = arith.constant 0 : i32
    %eq3A_3407 = vector.broadcast %eq3A_3406 : i32 to vector<2560xi32>
    %eq3A_3408 = arith.cmpi eq, %shift_right_logical3A_2391, %eq3A_3407 : vector<2560xi32>
    %get3A_3409 = arith.constant 69 : index
    %get3A_3410 = arith.constant 0 : index
    %get3A_3411 = vector.load %arg2[%get3A_3409, %get3A_3410] : memref<128x2560xf32, #tpu.memory_space<vmem>>, vector<31x2560xf32>
    %broadcast_in_dim3A_3412 = vector.shape_cast %eq3A_3408 : vector<2560xi1> to vector<1x2560xi1>
    %broadcast_in_dim3A_3413 = vector.broadcast %broadcast_in_dim3A_3412 : vector<1x2560xi1> to vector<31x2560xi1>
    %select_n3A_3414 = arith.select %broadcast_in_dim3A_3413, %get3A_3411, %broadcast_in_dim3A_3405 : vector<31x2560xi1>, vector<31x2560xf32>
    %eq3A_3415 = arith.constant 1 : i32
    %eq3A_3416 = vector.broadcast %eq3A_3415 : i32 to vector<2560xi32>
    %eq3A_3417 = arith.cmpi eq, %shift_right_logical3A_2391, %eq3A_3416 : vector<2560xi32>
    %get3A_3418 = arith.constant 85 : index
    %get3A_3419 = arith.constant 0 : index
    %get3A_3420 = vector.load %arg2[%get3A_3418, %get3A_3419] : memref<128x2560xf32, #tpu.memory_space<vmem>>, vector<31x2560xf32>
    %broadcast_in_dim3A_3421 = vector.shape_cast %eq3A_3417 : vector<2560xi1> to vector<1x2560xi1>
    %broadcast_in_dim3A_3422 = vector.broadcast %broadcast_in_dim3A_3421 : vector<1x2560xi1> to vector<31x2560xi1>
    %select_n3A_3423 = arith.select %broadcast_in_dim3A_3422, %get3A_3420, %select_n3A_3414 : vector<31x2560xi1>, vector<31x2560xf32>
    %broadcast_in_dim3A_3424 = arith.constant 0.000000e+00 : f32
    %broadcast_in_dim3A_3425 = vector.broadcast %broadcast_in_dim3A_3424 : f32 to vector<16x2560xf32>
    %eq3A_3426 = arith.constant 0 : i32
    %eq3A_3427 = vector.broadcast %eq3A_3426 : i32 to vector<2560xi32>
    %eq3A_3428 = arith.cmpi eq, %and3A_2394, %eq3A_3427 : vector<2560xi32>
    %slice3A_3429 = vector.extract_strided_slice %select_n3A_3423 {offsets = [0, 0], sizes = [16, 2560], strides = [1, 1]} : vector<31x2560xf32> to vector<16x2560xf32>
    %broadcast_in_dim3A_3430 = vector.shape_cast %eq3A_3428 : vector<2560xi1> to vector<1x2560xi1>
    %broadcast_in_dim3A_3431 = vector.broadcast %broadcast_in_dim3A_3430 : vector<1x2560xi1> to vector<16x2560xi1>
    %select_n3A_3432 = arith.select %broadcast_in_dim3A_3431, %slice3A_3429, %broadcast_in_dim3A_3425 : vector<16x2560xi1>, vector<16x2560xf32>
    %eq3A_3433 = arith.constant 1 : i32
    %eq3A_3434 = vector.broadcast %eq3A_3433 : i32 to vector<2560xi32>
    %eq3A_3435 = arith.cmpi eq, %and3A_2394, %eq3A_3434 : vector<2560xi32>
    %slice3A_3436 = vector.extract_strided_slice %select_n3A_3423 {offsets = [1, 0], sizes = [16, 2560], strides = [1, 1]} : vector<31x2560xf32> to vector<16x2560xf32>
    %broadcast_in_dim3A_3437 = vector.shape_cast %eq3A_3435 : vector<2560xi1> to vector<1x2560xi1>
    %broadcast_in_dim3A_3438 = vector.broadcast %broadcast_in_dim3A_3437 : vector<1x2560xi1> to vector<16x2560xi1>
    %select_n3A_3439 = arith.select %broadcast_in_dim3A_3438, %slice3A_3436, %select_n3A_3432 : vector<16x2560xi1>, vector<16x2560xf32>
    %eq3A_3440 = arith.constant 2 : i32
    %eq3A_3441 = vector.broadcast %eq3A_3440 : i32 to vector<2560xi32>
    %eq3A_3442 = arith.cmpi eq, %and3A_2394, %eq3A_3441 : vector<2560xi32>
    %slice3A_3443 = vector.extract_strided_slice %select_n3A_3423 {offsets = [2, 0], sizes = [16, 2560], strides = [1, 1]} : vector<31x2560xf32> to vector<16x2560xf32>
    %broadcast_in_dim3A_3444 = vector.shape_cast %eq3A_3442 : vector<2560xi1> to vector<1x2560xi1>
    %broadcast_in_dim3A_3445 = vector.broadcast %broadcast_in_dim3A_3444 : vector<1x2560xi1> to vector<16x2560xi1>
    %select_n3A_3446 = arith.select %broadcast_in_dim3A_3445, %slice3A_3443, %select_n3A_3439 : vector<16x2560xi1>, vector<16x2560xf32>
    %eq3A_3447 = arith.constant 3 : i32
    %eq3A_3448 = vector.broadcast %eq3A_3447 : i32 to vector<2560xi32>
    %eq3A_3449 = arith.cmpi eq, %and3A_2394, %eq3A_3448 : vector<2560xi32>
    %slice3A_3450 = vector.extract_strided_slice %select_n3A_3423 {offsets = [3, 0], sizes = [16, 2560], strides = [1, 1]} : vector<31x2560xf32> to vector<16x2560xf32>
    %broadcast_in_dim3A_3451 = vector.shape_cast %eq3A_3449 : vector<2560xi1> to vector<1x2560xi1>
    %broadcast_in_dim3A_3452 = vector.broadcast %broadcast_in_dim3A_3451 : vector<1x2560xi1> to vector<16x2560xi1>
    %select_n3A_3453 = arith.select %broadcast_in_dim3A_3452, %slice3A_3450, %select_n3A_3446 : vector<16x2560xi1>, vector<16x2560xf32>
    %eq3A_3454 = arith.constant 4 : i32
    %eq3A_3455 = vector.broadcast %eq3A_3454 : i32 to vector<2560xi32>
    %eq3A_3456 = arith.cmpi eq, %and3A_2394, %eq3A_3455 : vector<2560xi32>
    %slice3A_3457 = vector.extract_strided_slice %select_n3A_3423 {offsets = [4, 0], sizes = [16, 2560], strides = [1, 1]} : vector<31x2560xf32> to vector<16x2560xf32>
    %broadcast_in_dim3A_3458 = vector.shape_cast %eq3A_3456 : vector<2560xi1> to vector<1x2560xi1>
    %broadcast_in_dim3A_3459 = vector.broadcast %broadcast_in_dim3A_3458 : vector<1x2560xi1> to vector<16x2560xi1>
    %select_n3A_3460 = arith.select %broadcast_in_dim3A_3459, %slice3A_3457, %select_n3A_3453 : vector<16x2560xi1>, vector<16x2560xf32>
    %eq3A_3461 = arith.constant 5 : i32
    %eq3A_3462 = vector.broadcast %eq3A_3461 : i32 to vector<2560xi32>
    %eq3A_3463 = arith.cmpi eq, %and3A_2394, %eq3A_3462 : vector<2560xi32>
    %slice3A_3464 = vector.extract_strided_slice %select_n3A_3423 {offsets = [5, 0], sizes = [16, 2560], strides = [1, 1]} : vector<31x2560xf32> to vector<16x2560xf32>
    %broadcast_in_dim3A_3465 = vector.shape_cast %eq3A_3463 : vector<2560xi1> to vector<1x2560xi1>
    %broadcast_in_dim3A_3466 = vector.broadcast %broadcast_in_dim3A_3465 : vector<1x2560xi1> to vector<16x2560xi1>
    %select_n3A_3467 = arith.select %broadcast_in_dim3A_3466, %slice3A_3464, %select_n3A_3460 : vector<16x2560xi1>, vector<16x2560xf32>
    %eq3A_3468 = arith.constant 6 : i32
    %eq3A_3469 = vector.broadcast %eq3A_3468 : i32 to vector<2560xi32>
    %eq3A_3470 = arith.cmpi eq, %and3A_2394, %eq3A_3469 : vector<2560xi32>
    %slice3A_3471 = vector.extract_strided_slice %select_n3A_3423 {offsets = [6, 0], sizes = [16, 2560], strides = [1, 1]} : vector<31x2560xf32> to vector<16x2560xf32>
    %broadcast_in_dim3A_3472 = vector.shape_cast %eq3A_3470 : vector<2560xi1> to vector<1x2560xi1>
    %broadcast_in_dim3A_3473 = vector.broadcast %broadcast_in_dim3A_3472 : vector<1x2560xi1> to vector<16x2560xi1>
    %select_n3A_3474 = arith.select %broadcast_in_dim3A_3473, %slice3A_3471, %select_n3A_3467 : vector<16x2560xi1>, vector<16x2560xf32>
    %eq3A_3475 = arith.constant 7 : i32
    %eq3A_3476 = vector.broadcast %eq3A_3475 : i32 to vector<2560xi32>
    %eq3A_3477 = arith.cmpi eq, %and3A_2394, %eq3A_3476 : vector<2560xi32>
    %slice3A_3478 = vector.extract_strided_slice %select_n3A_3423 {offsets = [7, 0], sizes = [16, 2560], strides = [1, 1]} : vector<31x2560xf32> to vector<16x2560xf32>
    %broadcast_in_dim3A_3479 = vector.shape_cast %eq3A_3477 : vector<2560xi1> to vector<1x2560xi1>
    %broadcast_in_dim3A_3480 = vector.broadcast %broadcast_in_dim3A_3479 : vector<1x2560xi1> to vector<16x2560xi1>
    %select_n3A_3481 = arith.select %broadcast_in_dim3A_3480, %slice3A_3478, %select_n3A_3474 : vector<16x2560xi1>, vector<16x2560xf32>
    %eq3A_3482 = arith.constant 8 : i32
    %eq3A_3483 = vector.broadcast %eq3A_3482 : i32 to vector<2560xi32>
    %eq3A_3484 = arith.cmpi eq, %and3A_2394, %eq3A_3483 : vector<2560xi32>
    %slice3A_3485 = vector.extract_strided_slice %select_n3A_3423 {offsets = [8, 0], sizes = [16, 2560], strides = [1, 1]} : vector<31x2560xf32> to vector<16x2560xf32>
    %broadcast_in_dim3A_3486 = vector.shape_cast %eq3A_3484 : vector<2560xi1> to vector<1x2560xi1>
    %broadcast_in_dim3A_3487 = vector.broadcast %broadcast_in_dim3A_3486 : vector<1x2560xi1> to vector<16x2560xi1>
    %select_n3A_3488 = arith.select %broadcast_in_dim3A_3487, %slice3A_3485, %select_n3A_3481 : vector<16x2560xi1>, vector<16x2560xf32>
    %eq3A_3489 = arith.constant 9 : i32
    %eq3A_3490 = vector.broadcast %eq3A_3489 : i32 to vector<2560xi32>
    %eq3A_3491 = arith.cmpi eq, %and3A_2394, %eq3A_3490 : vector<2560xi32>
    %slice3A_3492 = vector.extract_strided_slice %select_n3A_3423 {offsets = [9, 0], sizes = [16, 2560], strides = [1, 1]} : vector<31x2560xf32> to vector<16x2560xf32>
    %broadcast_in_dim3A_3493 = vector.shape_cast %eq3A_3491 : vector<2560xi1> to vector<1x2560xi1>
    %broadcast_in_dim3A_3494 = vector.broadcast %broadcast_in_dim3A_3493 : vector<1x2560xi1> to vector<16x2560xi1>
    %select_n3A_3495 = arith.select %broadcast_in_dim3A_3494, %slice3A_3492, %select_n3A_3488 : vector<16x2560xi1>, vector<16x2560xf32>
    %eq3A_3496 = arith.constant 10 : i32
    %eq3A_3497 = vector.broadcast %eq3A_3496 : i32 to vector<2560xi32>
    %eq3A_3498 = arith.cmpi eq, %and3A_2394, %eq3A_3497 : vector<2560xi32>
    %slice3A_3499 = vector.extract_strided_slice %select_n3A_3423 {offsets = [10, 0], sizes = [16, 2560], strides = [1, 1]} : vector<31x2560xf32> to vector<16x2560xf32>
    %broadcast_in_dim3A_3500 = vector.shape_cast %eq3A_3498 : vector<2560xi1> to vector<1x2560xi1>
    %broadcast_in_dim3A_3501 = vector.broadcast %broadcast_in_dim3A_3500 : vector<1x2560xi1> to vector<16x2560xi1>
    %select_n3A_3502 = arith.select %broadcast_in_dim3A_3501, %slice3A_3499, %select_n3A_3495 : vector<16x2560xi1>, vector<16x2560xf32>
    %eq3A_3503 = arith.constant 11 : i32
    %eq3A_3504 = vector.broadcast %eq3A_3503 : i32 to vector<2560xi32>
    %eq3A_3505 = arith.cmpi eq, %and3A_2394, %eq3A_3504 : vector<2560xi32>
    %slice3A_3506 = vector.extract_strided_slice %select_n3A_3423 {offsets = [11, 0], sizes = [16, 2560], strides = [1, 1]} : vector<31x2560xf32> to vector<16x2560xf32>
    %broadcast_in_dim3A_3507 = vector.shape_cast %eq3A_3505 : vector<2560xi1> to vector<1x2560xi1>
    %broadcast_in_dim3A_3508 = vector.broadcast %broadcast_in_dim3A_3507 : vector<1x2560xi1> to vector<16x2560xi1>
    %select_n3A_3509 = arith.select %broadcast_in_dim3A_3508, %slice3A_3506, %select_n3A_3502 : vector<16x2560xi1>, vector<16x2560xf32>
    %eq3A_3510 = arith.constant 12 : i32
    %eq3A_3511 = vector.broadcast %eq3A_3510 : i32 to vector<2560xi32>
    %eq3A_3512 = arith.cmpi eq, %and3A_2394, %eq3A_3511 : vector<2560xi32>
    %slice3A_3513 = vector.extract_strided_slice %select_n3A_3423 {offsets = [12, 0], sizes = [16, 2560], strides = [1, 1]} : vector<31x2560xf32> to vector<16x2560xf32>
    %broadcast_in_dim3A_3514 = vector.shape_cast %eq3A_3512 : vector<2560xi1> to vector<1x2560xi1>
    %broadcast_in_dim3A_3515 = vector.broadcast %broadcast_in_dim3A_3514 : vector<1x2560xi1> to vector<16x2560xi1>
    %select_n3A_3516 = arith.select %broadcast_in_dim3A_3515, %slice3A_3513, %select_n3A_3509 : vector<16x2560xi1>, vector<16x2560xf32>
    %eq3A_3517 = arith.constant 13 : i32
    %eq3A_3518 = vector.broadcast %eq3A_3517 : i32 to vector<2560xi32>
    %eq3A_3519 = arith.cmpi eq, %and3A_2394, %eq3A_3518 : vector<2560xi32>
    %slice3A_3520 = vector.extract_strided_slice %select_n3A_3423 {offsets = [13, 0], sizes = [16, 2560], strides = [1, 1]} : vector<31x2560xf32> to vector<16x2560xf32>
    %broadcast_in_dim3A_3521 = vector.shape_cast %eq3A_3519 : vector<2560xi1> to vector<1x2560xi1>
    %broadcast_in_dim3A_3522 = vector.broadcast %broadcast_in_dim3A_3521 : vector<1x2560xi1> to vector<16x2560xi1>
    %select_n3A_3523 = arith.select %broadcast_in_dim3A_3522, %slice3A_3520, %select_n3A_3516 : vector<16x2560xi1>, vector<16x2560xf32>
    %eq3A_3524 = arith.constant 14 : i32
    %eq3A_3525 = vector.broadcast %eq3A_3524 : i32 to vector<2560xi32>
    %eq3A_3526 = arith.cmpi eq, %and3A_2394, %eq3A_3525 : vector<2560xi32>
    %slice3A_3527 = vector.extract_strided_slice %select_n3A_3423 {offsets = [14, 0], sizes = [16, 2560], strides = [1, 1]} : vector<31x2560xf32> to vector<16x2560xf32>
    %broadcast_in_dim3A_3528 = vector.shape_cast %eq3A_3526 : vector<2560xi1> to vector<1x2560xi1>
    %broadcast_in_dim3A_3529 = vector.broadcast %broadcast_in_dim3A_3528 : vector<1x2560xi1> to vector<16x2560xi1>
    %select_n3A_3530 = arith.select %broadcast_in_dim3A_3529, %slice3A_3527, %select_n3A_3523 : vector<16x2560xi1>, vector<16x2560xf32>
    %eq3A_3531 = arith.constant 15 : i32
    %eq3A_3532 = vector.broadcast %eq3A_3531 : i32 to vector<2560xi32>
    %eq3A_3533 = arith.cmpi eq, %and3A_2394, %eq3A_3532 : vector<2560xi32>
    %slice3A_3534 = vector.extract_strided_slice %select_n3A_3423 {offsets = [15, 0], sizes = [16, 2560], strides = [1, 1]} : vector<31x2560xf32> to vector<16x2560xf32>
    %broadcast_in_dim3A_3535 = vector.shape_cast %eq3A_3533 : vector<2560xi1> to vector<1x2560xi1>
    %broadcast_in_dim3A_3536 = vector.broadcast %broadcast_in_dim3A_3535 : vector<1x2560xi1> to vector<16x2560xi1>
    %select_n3A_3537 = arith.select %broadcast_in_dim3A_3536, %slice3A_3534, %select_n3A_3530 : vector<16x2560xi1>, vector<16x2560xf32>
    %slice3A_3538 = vector.extract_strided_slice %select_n3A_3537 {offsets = [0, 0], sizes = [16, 2400], strides = [1, 1]} : vector<16x2560xf32> to vector<16x2400xf32>
    %max3A_3539 = arith.constant 0.000000e+00 : f32
    %max3A_3540 = vector.broadcast %max3A_3539 : f32 to vector<16x2400xf32>
    %max3A_3541 = arith.maximumf %slice3A_3538, %max3A_3540 : vector<16x2400xf32>
    %abs3A_3542 = math.absf %slice3A_3538 : vector<16x2400xf32>
    %neg3A_3543 = arith.constant 0.000000e+00 : f32
    %neg3A_3544 = vector.broadcast %neg3A_3543 : f32 to vector<16x2400xf32>
    %neg3A_3545 = arith.subf %neg3A_3544, %abs3A_3542 : vector<16x2400xf32>
    %exp3A_3546 = math.exp %neg3A_3545 : vector<16x2400xf32>
    %log1p3A_3547 = math.log1p %exp3A_3546 : vector<16x2400xf32>
    %add3A_3548 = arith.addf %max3A_3541, %log1p3A_3547 : vector<16x2400xf32>
    %neg3A_3549 = arith.constant 0.000000e+00 : f32
    %neg3A_3550 = vector.broadcast %neg3A_3549 : f32 to vector<16x2400xf32>
    %neg3A_3551 = arith.subf %neg3A_3550, %slice3A_3538 : vector<16x2400xf32>
    %max3A_3552 = arith.constant 0.000000e+00 : f32
    %max3A_3553 = vector.broadcast %max3A_3552 : f32 to vector<16x2400xf32>
    %max3A_3554 = arith.maximumf %neg3A_3551, %max3A_3553 : vector<16x2400xf32>
    %abs3A_3555 = math.absf %neg3A_3551 : vector<16x2400xf32>
    %neg3A_3556 = arith.constant 0.000000e+00 : f32
    %neg3A_3557 = vector.broadcast %neg3A_3556 : f32 to vector<16x2400xf32>
    %neg3A_3558 = arith.subf %neg3A_3557, %abs3A_3555 : vector<16x2400xf32>
    %exp3A_3559 = math.exp %neg3A_3558 : vector<16x2400xf32>
    %log1p3A_3560 = math.log1p %exp3A_3559 : vector<16x2400xf32>
    %add3A_3561 = arith.addf %max3A_3554, %log1p3A_3560 : vector<16x2400xf32>
    %iota3A_3562 = tpu.iota {dimensions = array<i32: 0>} : vector<16x2400xi32>
    %add3A_3563 = arith.constant 64 : i32
    %add3A_3564 = vector.broadcast %add3A_3563 : i32 to vector<16x2400xi32>
    %add3A_3565 = arith.addi %iota3A_3562, %add3A_3564 : vector<16x2400xi32>
    %broadcast_in_dim3A_3566 = vector.shape_cast %get3A_2725 : vector<2400xi32> to vector<1x2400xi32>
    %eq3A_3567 = vector.broadcast %broadcast_in_dim3A_3566 : vector<1x2400xi32> to vector<16x2400xi32>
    %eq3A_3568 = arith.cmpi eq, %add3A_3565, %eq3A_3567 : vector<16x2400xi32>
    %select_n3A_3569 = arith.select %eq3A_3568, %add3A_3561, %add3A_3548 : vector<16x2400xi1>, vector<16x2400xf32>
    %reduce_sum3A_3570 = arith.constant dense<0.000000e+00> : vector<2400xf32>
    %reduce_sum3A_3571 = vector.multi_reduction <add>, %select_n3A_3569, %reduce_sum3A_3570 [0] : vector<16x2400xf32> to vector<2400xf32>
    %add3A_3572 = arith.addf %add3A_3403, %reduce_sum3A_3571 : vector<2400xf32>
    %gt3A_3573 = arith.constant 0.000000e+00 : f32
    %gt3A_3574 = vector.broadcast %gt3A_3573 : f32 to vector<2400xf32>
    %gt3A_3575 = arith.cmpf ogt, %get3A_2398, %gt3A_3574 : vector<2400xf32>
    %jit3A_3576 = arith.constant 0.000000e+00 : f32
    %broadcast_in_dim3A_3577 = vector.broadcast %jit3A_3576 : f32 to vector<2400xf32>
    %select_n3A_3578 = arith.select %gt3A_3575, %add3A_3572, %broadcast_in_dim3A_3577 : vector<2400xi1>, vector<2400xf32>
    %reduce_sum3A_3579 = vector.shape_cast %select_n3A_3578 : vector<2400xf32> to vector<1x2400xf32>
    %reduce_sum3A_3580 = arith.constant dense<0.000000e+00> : vector<1xf32>
    %reduce_sum3A_3581 = vector.multi_reduction <add>, %reduce_sum3A_3579, %reduce_sum3A_3580 [1] : vector<1x2400xf32> to vector<1xf32>
    %reduce_sum3A_3582 = vector.shape_cast %reduce_sum3A_3581 : vector<1xf32> to vector<1x1xf32>
    %reduce_sum3A_3583 = vector.extract %reduce_sum3A_3582[0, 0] : f32 from vector<1x1xf32>
    %mul3A_3584 = arith.constant 8.000000e+01 : f32
    %mul3A_3585 = arith.mulf %reduce_sum3A_2403, %mul3A_3584 : f32
    %div3A_3586 = arith.divf %reduce_sum3A_3583, %mul3A_3585 : f32
    %add3A_3587 = arith.addf %add3A_2384, %div3A_3586 : f32
    %mul3A_3588 = arith.constant 3.540000e+00 : f32
    %mul3A_3589 = arith.mulf %add3A_2672, %mul3A_3588 : f32
    %mul3A_3590 = arith.constant 6.430000e+01 : f32
    %mul3A_3591 = arith.mulf %add3A_2721, %mul3A_3590 : f32
    %add3A_3592 = arith.addf %mul3A_3589, %mul3A_3591 : f32
    %mul3A_3593 = arith.constant 3.740000e+01 : f32
    %mul3A_3594 = arith.mulf %add3A_3587, %mul3A_3593 : f32
    %add3A_3595 = arith.addf %add3A_3592, %mul3A_3594 : f32
    %reshape3A = vector.broadcast %add3A_3595 : f32 to vector<1x1xf32>
    %swap3A = arith.constant 0 : index
    %swap3A_3596 = arith.constant 0 : index
    %swap3A_3597 = vector.load %arg12[%swap3A, %swap3A_3596] : memref<1x1xf32, #tpu.memory_space<vmem>>, vector<1x1xf32>
    tpu.vector_store %arg12[%swap3A, %swap3A_3596], %reshape3A {strides = array<i32>} : memref<1x1xf32, #tpu.memory_space<vmem>>, vector<1x1xf32>,
    return
  }
}

</mosaic_0001>

<sc_bundles>
// kernel: kernel.6.cloned.1.call-start
scs
__scs_entry_jumppad:
0x0: {  	(pc) =	sbr.rel $0x88, $3  }
0x1: {  	(tag) =	ssettag $0x0;
	lr =	simm.s32 $0x1  }
0x2: {  	[smem:$0x3F9B] =	sst lr;
	_ =	strace $0xD0000000  }
0x3: {  	_ = 	snop  }
0x4: {  	_ = 	snop  }
0x5: {  	_ = 	snop  }
0x6: {  	_ = 	snop  }
0x7: {  	_ = 	snop  }
__scs_overlays_trampoline_lowered:
0x8: {  	[smem:$0x3FAA] =	sst s0  }
0x9: {  	[smem:$0x3FAB] =	sst s1  }
0xa: {  	[smem:$0x3FAC] =	sst s2  }
0xb: {  	[smem:$0x3FAD] =	sst s3  }
0xc: {  	[smem:$0x3FAE] =	sst s4  }
0xd: {  	[smem:$0x3FAF] =	sst s5  }
0xe: {  	[smem:$0x3FB0] =	sst s6  }
0xf: {  	[smem:$0x3FB1] =	sst s7  }
0x10: {  	[smem:$0x3FB2] =	sst s8  }
0x11: {  	[smem:$0x3FB3] =	sst s9;
	s0 =	simm.s32 @!p0 $0x0  }
0x12: {  	s1 =	sld [smem:$0x3F99];
	s0 =	simm.s32 @p0 $0x1  }
0x13: {  	[smem:$0x3FB4] =	sst s0;
	s0 =	simm.s32 @!p1 $0x0  }
0x14: {  	s2 =	sld [smem:$0x3F98];
	s0 =	simm.s32 @p1 $0x1  }
0x15: {  	[smem:$0x3FB5] =	sst s0;
	s0 =	simm.s32 @!p2 $0x0  }
0x16: {  	s3 =	sld [smem:$0x3FDB];
	s0 =	simm.s32 @p2 $0x1  }
0x17: {  	s4 =	simm.s32 $0x1BF5;
	[smem:$0x3FB7] =	sst s0  }
0x18: {  	s0 =	sld [smem:$0x3F9A];
	_ =	swait.ge [sflag:s4], $0x0  }
0x19: {  	s7 =	sld [smem:$0x3F9B]  }
0x1a: {  	s8 =	sadd.s32 $0xFFFFE003, lr  }
0x1b: {  	s9 =	sadd.s32 $0xFFFFFEF7, lr;
	s5 =	simm.s32 $0xFFFFFFFF;
	p2 =	slt.u32 s8, $0xFFFFF086  }
0x1c: {  	p1 =	slt.u32 s9, $0xF7A;
	s5 =	simm.s32 @!p2 $0x0  }
0x1d: {  	s5 =	simm.s32 @p1 $0x1;
	p0 =	seq.s32 s7, s2  }
0x1e: {  	s7 =	smul.u32 @!p0 $0xF7A, s2;
	p2 =	seq.s32 @!p0 s5, $0x0  }
0x1f: {  	s9 =	smul.u32 $0xF7A, s1;
	s8 =	simm.s32 @!p0 $0x1BF5;
	p2 =	por !p2, p0  }
0x20: {  	[sflag:s8] =	ssyncset.s32 @!p0 $0xFFFFF086;
	s6 =	sadd.s32 @!p0 s3, s7;
	s7 =	simm.s32 @!p0 $0x108  }
0x21: {  	s3 =	sadd.s32 s3, s9;
	s6 =	sadd.s32 @!p0 $0x88, s6;
	s7 =	simm.s32 @p2 $0x1082  }
0x22: {  	[simem:s7], [sflag:s8] =	dma.local @!p0 [hbm:s6], $0xF7A  }
0x23: {  	s9 =	sor.u32 $0xD0000000, s2;
	s6 =	simm.s32 $0x108;
	_ =	swait.ge @!p0 [sflag:s8], $0x0  }
0x24: {  	s3 =	sadd.s32 $0x88, s3;
	s6 =	simm.s32 @!p1 $0x1082;
	[sflag:s4] =	ssyncset.s32 $0xFFFFF086  }
0x25: {  	[simem:s6], [sflag:s4] =	dma.local [hbm:s3], $0xF7A  }
0x26: {  	[smem:$0x3F9B] =	sst s1;
	(tag) =	ssettag s2;
	_ =	strace s9  }
0x27: {  	s1 =	sld [smem:$0x3FAB]  }
0x28: {  	s2 =	sld [smem:$0x3FAC]  }
0x29: {  	s4 =	sld [smem:$0x3FAE]  }
0x2a: {  	p0 =	seq.s32 s5, $0x0;
	s5 =	sld [smem:$0x3FAF]  }
0x2b: {  	s6 =	sld [smem:$0x3FB0]  }
0x2c: {  	s7 =	sld [smem:$0x3FB1]  }
0x2d: {  	s3 =	simm.s32 $0x108;
	s8 =	sld [smem:$0x3FB2]  }
0x2e: {  	s3 =	simm.s32 @!p0 $0x1082;
	s9 =	sld [smem:$0x3FB3]  }
0x2f: {  	lr =	sadd.s32 s0, s3;
	s0 =	sld [smem:$0x3FAA]  }
0x30: {  	s3 =	sld [smem:$0x3FAD]  }
0x31: {  	[smem:$0x3FB6] =	sst s10  }
0x32: {  	s10 =	sld [smem:$0x3FB4];
	_ =	sdelay $0x3  }
0x33: {  	p0 =	seq.s32 s10, $0x1;
	s10 =	sld [smem:$0x3FB6];
	_ =	sdelay $0x3  }
0x34: {  	[smem:$0x3FB6] =	sst s10  }
0x35: {  	s10 =	sld [smem:$0x3FB5];
	_ =	sdelay $0x3  }
0x36: {  	p1 =	seq.s32 s10, $0x1;
	s10 =	sld [smem:$0x3FB6];
	_ =	sdelay $0x3  }
0x37: {  	[smem:$0x3FB6] =	sst s10  }
0x38: {  	s10 =	sld [smem:$0x3FB7]  }
0x39: {  	_ = 	snop;
	(pc) =	sbr.ind lr, $3  }
0x3a: {  	_ = 	snop  }
0x3b: {  	_ = 	snop  }
0x3c: {  	p2 =	seq.s32 s10, $0x1;
	s10 =	sld [smem:$0x3FB6]  }
0x3d: {  	_ =	shalt  }
0x3e: {  	_ =	shalt  }
0x3f: {  	_ =	shalt  }
0x40: {  	_ =	shalt  }
0x41: {  	_ =	shalt  }
0x42: {  	_ =	shalt  }
0x43: {  	_ =	shalt  }
0x44: {  	_ =	shalt  }
0x45: {  	_ =	shalt  }
0x46: {  	_ =	shalt  }
0x47: {  	_ =	shalt  }
0x48: {  	_ =	shalt  }
0x49: {  	_ =	shalt  }
0x4a: {  	_ =	shalt  }
0x4b: {  	_ =	shalt  }
0x4c: {  	_ =	shalt  }
0x4d: {  	_ =	shalt  }
0x4e: {  	_ =	shalt  }
0x4f: {  	_ =	shalt  }
0x50: {  	_ =	shalt  }
0x51: {  	_ =	shalt  }
0x52: {  	_ =	shalt  }
0x53: {  	_ =	shalt  }
0x54: {  	_ =	shalt  }
0x55: {  	_ =	shalt  }
0x56: {  	_ =	shalt  }
0x57: {  	_ =	shalt  }
0x58: {  	_ =	shalt  }
0x59: {  	_ =	shalt  }
0x5a: {  	_ =	shalt  }
0x5b: {  	_ =	shalt  }
0x5c: {  	_ =	shalt  }
0x5d: {  	_ =	shalt  }
0x5e: {  	_ =	shalt  }
0x5f: {  	_ =	shalt  }
0x60: {  	_ =	shalt  }
0x61: {  	_ =	shalt  }
0x62: {  	_ =	shalt  }
0x63: {  	_ =	shalt  }
0x64: {  	_ =	shalt  }
0x65: {  	_ =	shalt  }
0x66: {  	_ =	shalt  }
0x67: {  	_ =	shalt  }
0x68: {  	_ =	shalt  }
0x69: {  	_ =	shalt  }
0x6a: {  	_ =	shalt  }
0x6b: {  	_ =	shalt  }
0x6c: {  	_ =	shalt  }
0x6d: {  	_ =	shalt  }
0x6e: {  	_ =	shalt  }
0x6f: {  	_ =	shalt  }
0x70: {  	_ =	shalt  }
0x71: {  	_ =	shalt  }
0x72: {  	_ =	shalt  }
0x73: {  	_ =	shalt  }
0x74: {  	_ =	shalt  }
0x75: {  	_ =	shalt  }
0x76: {  	_ =	shalt  }
0x77: {  	_ =	shalt  }
0x78: {  	_ =	shalt  }
0x79: {  	_ =	shalt  }
0x7a: {  	_ =	shalt  }
0x7b: {  	_ =	shalt  }
0x7c: {  	_ =	shalt  }
0x7d: {  	_ =	shalt  }
0x7e: {  	_ =	shalt  }
0x7f: {  	_ =	shalt  }
0x80: {  	_ =	shalt  }
0x81: {  	_ =	shalt  }
0x82: {  	_ =	shalt  }
0x83: {  	_ =	shalt  }
0x84: {  	_ =	shalt  }
0x85: {  	_ =	shalt  }
0x86: {  	_ =	shalt  }
0x87: {  	_ =	shalt  }
.Lfunc_end0:
.L_simem_size_0:
called_computation_lowered:
.L_overlay_start_0:
0x88: {  	s2 =	sld [smem:$0x3FD9]  }
0x89: {  	s3 =	sld [smem:$0x3FFE];
	_ =	sdelay $0x1  }
0x8a: {  	s1 =	srdreg.scid  }
0x8b: {  	s0 =	sand.u32 $0x1, s1  }
0x8c: {  	s16 =	sshll.u32 s0, $0xA;
	s2 =	sadd.s32 s3, s2  }
0x8d: {  	s2 =	sadd.s32 s2, s16  }
0x8e: {  	[smem:$0x3FC2] =	sst s2  }
0x8f: {  	_ = 	snop  }
0x90: {  	(tm) =	ssettm $0x1  }
0x91: {  	s17 =	sld [smem:$0x3FFB];
	_ =	sdelay $0x3  }
0x92: {  	_ =	strace s17  }
0x93: {  	s2 =	sld [smem:$0x3FFC];
	_ =	sdelay $0x3  }
0x94: {  	_ =	strace s2  }
0x95: {  	s2 =	sld [smem:$0x3FFD];
	_ =	sdelay $0x3  }
0x96: {  	_ =	strace s2  }
0x97: {  	_ =	strace $0x8FFFFFFF  }
0x98: {  	s18 =	sld [smem:$0x3FDB];
	_ =	sdelay $0x1  }
0x99: {  	s19 =	simm.s32 $_scs_section_size  }
0x9a: {  	s4 =	simm.s32 $_size__tile_overlayer_lowered;
	s5 =	simm.s32 $_tile_overlayer_lowered  }
0x9b: {  	s22 =	simm.s32 $0x1BFF;
	s21 =	sshll.u32 s5, $0x1;
	s2 =	sadd.s32 s19, s18  }
0x9c: {  	s6 =	simm.s32 $0x0;
	s20 =	sshll.u32 s4, $0x1;
	s4 =	sadd.s32 s21, s2  }
0x9d: {  	[timem:s6], [sflag:s22] =	dma.local [hbm:s4], s20  }
0x9e: {  	_ =	swait.ge [sflag:s22], s20  }
0x9f: {  	s3 =	ssub.s32 $0x0, s20;
	[sflag:s22] =	ssyncset.done $0x0  }
0xa0: {  	[sflag:s22] =	ssyncadd.s32 s3;
	_ =	sdelay $0x1  }
0xa1: {  	s23 =	simm.s32 $0x1B8B  }
0xa2: {  	_ =	swait.ge [sflag:s23], $0x1  }
0xa3: {  	[sflag:s23] =	ssyncset.done $0x0  }
0xa4: {  	s25 =	simm.s32 $0x1B8E;
	s24 =	sld [smem:$0x3FFE];
	[sflag:s23] =	ssyncadd.s32 $0xFFFFFFFF  }
0xa5: {  	s26 =	simm.s32 $execute0_lowered;
	[smem:$0x3FD2] =	sst s25  }
0xa6: {  	s4 =	sshll.u32 s26, $0x1;
	_ =	strace $0x80000046;
	[dreg:$0x1] =	wrdreg $0xFFFFFFFF  }
0xa7: {  	s28 =	simm.s32 $_size_execute0_lowered;
	s2 =	sadd.s32 s2, s4;
	[dreg:$0x0] =	wrdreg $0x0  }
0xa8: {  	s4 =	sshll.u32 s28, $0x1;
	[dreg:$0x2] =	wrdreg s2  }
0xa9: {  	[dreg:$0x3] =	wrdreg s4  }
0xaa: {  	[dreg:$0x4] =	wrdreg $0xC0  }
0xab: {  	_ =	task [dreg:s6], $0x5FFFF  }
0xac: {  	[dreg:$0x1] =	wrdreg $0xFFFFFFFF  }
0xad: {  	[dreg:$0x0] =	wrdreg $0x60  }
0xae: {  	[dreg:$0x2] =	wrdreg s24  }
0xaf: {  	[dreg:$0x3] =	wrdreg $0x9  }
0xb0: {  	_ =	task.clear_ibuf [dreg:s6], $0x4FFFF;
	_ =	strace $0x90000046  }
0xb1: {  	s29 =	simm.s32 $0x9;
	_ =	strace $0x80000048  }
0xb2: {  	_ =	swait.ge [sflag:s29], $0x1  }
0xb3: {  	[sflag:s29] =	ssyncadd.s32 $0xFFFFFFFF  }
0xb4: {  	_ =	strace $0x90000048  }
0xb5: {  	_ =	sfence  }
0xb6: {  	s30 =	sld [smem:$0x0];
	_ =	sdelay $0x2  }
0xb7: {  	s31 =	sshll.u32 s1, $0xD;
	s1 =	sshrl.u32 s1, $0x2  }
0xb8: {  	s3 =	sand.u32 $0x4000, s31;
	s1 =	sadd.s32 s1, s30  }
0xb9: {  	s0 =	sor.u32 s3, s0;
	s1 =	sshll.u32 s1, $0x11  }
0xba: {  	s0 =	sor.u32 s1, s0  }
0xbb: {  	s0 =	sadd.s32 $0x8F2B, s0  }
0xbc: {  	[sflag:s0] =	ssyncadd.remote.s32 $0x1  }
0xbd: {  	_ =	sfence.sel $0xFFFF  }
0xbe: {  	[dreg:$0x0] =	wrdreg $0xFFFFFFFF;
	(pc) =	sbr.abs _section_cstart, $3  }
0xbf: {  	[dreg:$0x1] =	wrdreg $0xFFFFFFFF  }
0xc0: {  	_ =	task.clear_ibuf [dreg:s6], $0x2FFFF;
	_ =	strace $0x9FFFFFFF  }
0xc1: {  	(tm) =	ssettm $0x7FFFFFFF  }
tec
execute0_lowered:
.L_overlay_start_1:
0x0: {  	(tag) =	ssettag $0x1  }
0x1: {  	s1 =	srdreg.scid;
	s0 =	stileid.u32  }
0x2: {  	s23 =	sand.u32 $0x1, s1;
	s31 =	sshll.u32 s0, $0x1  }
0x3: {  	s22 =	sor.u32 s23, s31  }
0x4: {  	s24 =	rddreg [dreg:$0x0];
	s3 =	smul.u32 $0x28, s22  }
0x5: {  	s2 =	simm.s32 $0x0;
	s1 =	rddreg [dreg:$0x1]  }
0x6: {  	[smem:$0x7FF] =	sst s2;
	s7 =	sadd.s32 s3, s24  }
0x7: {  	_ =	strace $0x80000047;
	s3 =	simm.s32 $0x2;
	s4 =	sadd.s32 $0x4400, s7  }
0x8: {  	[tilespmem:s2], [sflag:$0x2] =	stream.linear.gather [hbm4b:s4+s2], $0x140, $0x38;
	[tilespmem:$0x7BC0] =	vst v63  }
0x9: {  	_ =	swait.ge [sflag:s3], $0x140  }
0xa: {  	[sflag:s3] =	ssyncset.done $0x0  }
0xb: {  	s6 =	simm.s32 $0x140;
	s5 =	sadd.s32 $0x3A00, s7;
	[sflag:s3] =	ssyncadd.s32 $0xFFFFFEC0  }
0xc: {  	[tilespmem:s6], [sflag:$0x2] =	stream.linear.gather [hbm4b:s5+s2], $0x140, $0x38;
	[tilespmem:$0x7BC0] =	vst v63  }
0xd: {  	_ =	swait.ge [sflag:s3], $0x140  }
0xe: {  	[sflag:s3] =	ssyncset.done $0x0  }
0xf: {  	s8 =	simm.s32 $0x280;
	s7 =	sadd.s32 $0x3400, s7;
	[sflag:s3] =	ssyncadd.s32 $0xFFFFFEC0  }
0x10: {  	[tilespmem:s8], [sflag:$0x2] =	stream.linear.gather [hbm4b:s7+s2], $0x140, $0x38;
	[tilespmem:$0x7BC0] =	vst v63  }
0x11: {  	_ =	swait.ge [sflag:s3], $0x140  }
0x12: {  	s10 =	simm.s32 $0xA0;
	[sflag:s3] =	ssyncset.done $0x0  }
0x13: {  	s11 =	simm.s32 $0x3C0;
	s9 =	sadd.s32 $0x4A00, s24;
	[sflag:s3] =	ssyncadd.s32 $0xFFFFFEC0  }
0x14: {  	[tilespmem:s11], [sflag:$0x1] =	stream.indirect.gather [hbm4b:s9+s10], $0x20, s2, s10, $0xb8;
	[tilespmem:$0x7BC0] =	vst v63  }
0x15: {  	s12 =	simm.s32 $0x17C0  }
0x16: {  	[tilespmem:s12], [sflag:$0x1] =	stream.indirect.gather [hbm4b:s9+s10], $0x20, s10, s10, $0xb8;
	[tilespmem:$0x7BC0] =	vst v63  }
0x17: {  	s14 =	simm.s32 $0x2BC0;
	s13 =	sadd.s32 $0x202A00, s24  }
0x18: {  	[tilespmem:s14], [sflag:$0x1] =	stream.indirect.gather [hbm4b:s13+s10], $0x20, s6, s10, $0xb8;
	[tilespmem:$0x7BC0] =	vst v63  }
0x19: {  	s15 =	simm.s32 $0x1E0;
	s16 =	simm.s32 $0x3FC0  }
0x1a: {  	[tilespmem:s16], [sflag:$0x1] =	stream.indirect.gather [hbm4b:s13+s10], $0x20, s15, s10, $0xb8;
	[tilespmem:$0x7BC0] =	vst v63  }
0x1b: {  	s18 =	simm.s32 $0x53C0;
	s17 =	sadd.s32 $0x282200, s24  }
0x1c: {  	[tilespmem:s18], [sflag:$0x1] =	stream.indirect.gather [hbm4b:s17+s10], $0x20, s8, s10, $0xb8;
	[tilespmem:$0x7BC0] =	vst v63  }
0x1d: {  	s19 =	simm.s32 $0x320;
	s20 =	simm.s32 $0x67C0;
	s21 =	simm.s32 $0x1  }
0x1e: {  	[tilespmem:s20], [sflag:$0x1] =	stream.indirect.gather [hbm4b:s17+s10], $0x20, s19, s10, $0xb8;
	[tilespmem:$0x7BC0] =	vst v63  }
0x1f: {  	_ =	swait.ge [sflag:s21], $0x1400  }
0x20: {  	[sflag:s21] =	ssyncset.done $0x0  }
0x21: {  	[sflag:s21] =	ssyncadd.s32 $0xFFFFEC00  }
0x22: {  	_ =	swait.ge [sflag:s21], $0x1400  }
0x23: {  	[sflag:s21] =	ssyncset.done $0x0  }
0x24: {  	[sflag:s21] =	ssyncadd.s32 $0xFFFFEC00  }
0x25: {  	_ =	swait.ge [sflag:s21], $0x1400  }
0x26: {  	[sflag:s21] =	ssyncset.done $0x0  }
0x27: {  	[sflag:s21] =	ssyncadd.s32 $0xFFFFEC00  }
0x28: {  	_ =	swait.ge [sflag:s21], $0x1400  }
0x29: {  	[sflag:s21] =	ssyncset.done $0x0  }
0x2a: {  	[sflag:s21] =	ssyncadd.s32 $0xFFFFEC00  }
0x2b: {  	_ =	swait.ge [sflag:s21], $0x1400  }
0x2c: {  	[sflag:s21] =	ssyncset.done $0x0  }
0x2d: {  	s22 =	smul.u32 $0x500, s22;
	[sflag:s21] =	ssyncadd.s32 $0xFFFFEC00  }
0x2e: {  	_ =	swait.ge [sflag:s21], $0x1400  }
0x2f: {  	s24 =	sadd.s32 s22, s24;
	[sflag:s21] =	ssyncset.done $0x0  }
0x30: {  	s25 =	ssub.s32 $0x2, s23;
	s22 =	sadd.s32 $0x2A2000, s24;
	[sflag:s21] =	ssyncadd.s32 $0xFFFFEC00  }
0x31: {  	[hbm4b:s22+s2] =	stream.linear.scatter [tilespmem:s11], [sflag:$0x2], $0x2800, $0x38;
	[tilespmem:$0x7BC0] =	vst v63  }
0x32: {  	s26 =	sshrl.u32 s25, $0x1;
	_ =	swait.ge [sflag:s3], $0x2800  }
0x33: {  	s25 =	ssub.s32 s25, s26;
	[sflag:s3] =	ssyncset.done $0x0  }
0x34: {  	s25 =	smax.u32 s25, $0x1;
	s23 =	sadd.s32 $0x2AC000, s24;
	[sflag:s3] =	ssyncadd.s32 $0xFFFFD800  }
0x35: {  	[hbm4b:s23+s2] =	stream.linear.scatter [tilespmem:s14], [sflag:$0x2], $0x2800, $0x38;
	[tilespmem:$0x7BC0] =	vst v63  }
0x36: {  	p0 =	sne.s32 s25, $0x1;
	_ =	swait.ge [sflag:s3], $0x2800  }
.Ltmp0:
0x37: {  	[sflag:s3] =	ssyncset.done $0x0;
	(pc) =	sbr.rel @!p0 .LBB2_2-.Ltmp0, $4  }
0x38: {  	s24 =	sadd.s32 $0x2B6000, s24;
	[sflag:s3] =	ssyncadd.s32 $0xFFFFD800  }
0x39: {  	[hbm4b:s24+s2] =	stream.linear.scatter [tilespmem:s18], [sflag:$0x2], $0x2800, $0x38;
	[tilespmem:$0x7BC0] =	vst v63  }
0x3a: {  	_ =	swait.ge [sflag:s3], $0x2800  }
0x3b: {  	s25 =	sadd.s32 $0xFFFFFFFF, s25;
	[sflag:s3] =	ssyncset.done $0x0  }
.LBB2_1:
0x3c: {  	p0 =	sne.s32 s25, $0x1;
	s25 =	sadd.s32 $0xFFFFFFFF, s25;
	[sflag:s3] =	ssyncadd.s32 $0xFFFFD800  }
0x3d: {  	[tilespmem:s2], [sflag:$0x2] =	stream.linear.gather [hbm4b:s4+s2], $0x140, $0x38;
	[tilespmem:$0x7BC0] =	vst v63  }
0x3e: {  	_ =	swait.ge [sflag:s3], $0x140  }
0x3f: {  	[sflag:s3] =	ssyncset.done $0x0  }
0x40: {  	[sflag:s3] =	ssyncadd.s32 $0xFFFFFEC0  }
0x41: {  	[tilespmem:s6], [sflag:$0x2] =	stream.linear.gather [hbm4b:s5+s2], $0x140, $0x38;
	[tilespmem:$0x7BC0] =	vst v63  }
0x42: {  	_ =	swait.ge [sflag:s3], $0x140  }
0x43: {  	[sflag:s3] =	ssyncset.done $0x0  }
0x44: {  	[sflag:s3] =	ssyncadd.s32 $0xFFFFFEC0  }
0x45: {  	[tilespmem:s8], [sflag:$0x2] =	stream.linear.gather [hbm4b:s7+s2], $0x140, $0x38;
	[tilespmem:$0x7BC0] =	vst v63  }
0x46: {  	_ =	swait.ge [sflag:s3], $0x140  }
0x47: {  	[sflag:s3] =	ssyncset.done $0x0  }
0x48: {  	[sflag:s3] =	ssyncadd.s32 $0xFFFFFEC0  }
0x49: {  	[tilespmem:s11], [sflag:$0x1] =	stream.indirect.gather [hbm4b:s9+s10], $0x20, s2, s10, $0xb8;
	[tilespmem:$0x7BC0] =	vst v63  }
0x4a: {  	_ = 	snop  }
0x4b: {  	[tilespmem:s12], [sflag:$0x1] =	stream.indirect.gather [hbm4b:s9+s10], $0x20, s10, s10, $0xb8;
	[tilespmem:$0x7BC0] =	vst v63  }
0x4c: {  	_ = 	snop  }
0x4d: {  	[tilespmem:s14], [sflag:$0x1] =	stream.indirect.gather [hbm4b:s13+s10], $0x20, s6, s10, $0xb8;
	[tilespmem:$0x7BC0] =	vst v63  }
0x4e: {  	_ = 	snop  }
0x4f: {  	[tilespmem:s16], [sflag:$0x1] =	stream.indirect.gather [hbm4b:s13+s10], $0x20, s15, s10, $0xb8;
	[tilespmem:$0x7BC0] =	vst v63  }
0x50: {  	_ = 	snop  }
0x51: {  	[tilespmem:s18], [sflag:$0x1] =	stream.indirect.gather [hbm4b:s17+s10], $0x20, s8, s10, $0xb8;
	[tilespmem:$0x7BC0] =	vst v63  }
0x52: {  	_ = 	snop  }
0x53: {  	[tilespmem:s20], [sflag:$0x1] =	stream.indirect.gather [hbm4b:s17+s10], $0x20, s19, s10, $0xb8;
	[tilespmem:$0x7BC0] =	vst v63  }
0x54: {  	_ =	swait.ge [sflag:s21], $0x1400  }
0x55: {  	[sflag:s21] =	ssyncset.done $0x0  }
0x56: {  	[sflag:s21] =	ssyncadd.s32 $0xFFFFEC00  }
0x57: {  	_ =	swait.ge [sflag:s21], $0x1400  }
0x58: {  	[sflag:s21] =	ssyncset.done $0x0  }
0x59: {  	[sflag:s21] =	ssyncadd.s32 $0xFFFFEC00  }
0x5a: {  	_ =	swait.ge [sflag:s21], $0x1400  }
0x5b: {  	[sflag:s21] =	ssyncset.done $0x0  }
0x5c: {  	[sflag:s21] =	ssyncadd.s32 $0xFFFFEC00  }
0x5d: {  	_ =	swait.ge [sflag:s21], $0x1400  }
0x5e: {  	[sflag:s21] =	ssyncset.done $0x0  }
0x5f: {  	[sflag:s21] =	ssyncadd.s32 $0xFFFFEC00  }
0x60: {  	_ =	swait.ge [sflag:s21], $0x1400  }
0x61: {  	[sflag:s21] =	ssyncset.done $0x0  }
0x62: {  	[sflag:s21] =	ssyncadd.s32 $0xFFFFEC00  }
0x63: {  	_ =	swait.ge [sflag:s21], $0x1400  }
0x64: {  	[sflag:s21] =	ssyncset.done $0x0  }
0x65: {  	[sflag:s21] =	ssyncadd.s32 $0xFFFFEC00  }
0x66: {  	[hbm4b:s22+s2] =	stream.linear.scatter [tilespmem:s11], [sflag:$0x2], $0x2800, $0x38;
	[tilespmem:$0x7BC0] =	vst v63  }
0x67: {  	_ =	swait.ge [sflag:s3], $0x2800  }
0x68: {  	[sflag:s3] =	ssyncset.done $0x0  }
0x69: {  	[sflag:s3] =	ssyncadd.s32 $0xFFFFD800  }
0x6a: {  	[hbm4b:s23+s2] =	stream.linear.scatter [tilespmem:s14], [sflag:$0x2], $0x2800, $0x38;
	[tilespmem:$0x7BC0] =	vst v63  }
0x6b: {  	_ =	swait.ge [sflag:s3], $0x2800  }
.Ltmp1:
0x6c: {  	[sflag:s3] =	ssyncset.done $0x0;
	(pc) =	sbr.rel @p0 .LBB2_1-.Ltmp1, $4  }
0x6d: {  	[sflag:s3] =	ssyncadd.s32 $0xFFFFD800  }
0x6e: {  	[hbm4b:s24+s2] =	stream.linear.scatter [tilespmem:s18], [sflag:$0x2], $0x2800, $0x38;
	[tilespmem:$0x7BC0] =	vst v63  }
0x6f: {  	_ =	swait.ge [sflag:s3], $0x2800  }
0x70: {  	[sflag:s3] =	ssyncset.done $0x0  }
.LBB2_2:
0x71: {  	[sflag:s3] =	ssyncadd.s32 $0xFFFFD800  }
0x72: {  	_ =	sfence.sel $0x180000  }
0x73: {  	[bflag:$0x0] =	sbarrier.arrive $0xFFFF  }
0x74: {  	p0 =	sne.s32 s0, $0x0;
	_ =	strace $0x90000047  }
0x75: {  	s0 =	sadd.s32 @!p0 $0x100000, s1;
	[bflag:$0x2] =	sbarrier.arrive $0xFFFF  }
0x76: {  	[sflag:s0] =	ssyncadd.tile.s32 @!p0 $0x1;
	_ =	shalt  }
.Lfunc_end2:
_tile_overlayer_lowered:
.L_overlay_start_2:
0x77: {  	(tag) =	ssettag $0x2  }
0x78: {  	s0 =	rddreg [dreg:$0x0];
	s2 =	stileid.u32  }
0x79: {  	s1 =	rddreg [dreg:$0x1];
	p0 =	sne.s32 s2, $0x0  }
0x7a: {  	s3 =	rddreg [dreg:$0x2];
	[bflag:$0x3] =	sbarrier.arrive $0xFFFF;
	s2 =	simm.s32 @!p0 $0x1C02  }
0x7b: {  	[timem:s3], [sflag:s2] =	dma.local @!p0 [hbm:s0], s1  }
0x7c: {  	s0 =	simm.s32 @!p0 $0x2  }
0x7d: {  	_ =	swait.ge @!p0 [sflag:s0], s1  }
0x7e: {  	s1 =	ssub.s32 @!p0 $0x0, s1;
	[sflag:s0] =	ssyncset.done @!p0 $0x0  }
0x7f: {  	[sflag:s0] =	ssyncadd.s32 @!p0 s1  }
0x80: {  	[bflag:$0x3] =	sbarrier.arrive $0xFFFF  }
0x81: {  	_ =	shalt  }

</sc_bundles>
